<compile_context>
chip_gen: v7x
topology: tpu7x:2x2x1
jax: 0.10.2.dev20260603
libtpu: 0.0.44.dev20260713+nightly
codegen_flags: <defaults>
</compile_context>

<pallas_src>
import functools

import jax
import jax.numpy as jnp
from jax import lax
from jax.experimental import pallas as pl
from jax.experimental.pallas import tpu as pltpu
from jax.experimental.pallas import tpu_sc as plsc

N = 10000
D = 256
C = 128
E = 160000
KNN_K = 16

NP = 10112
CH = 128
EP = 163840
NTILES = 16
ROWS_PT = NP // NTILES
NCD = EP // (2 * NTILES * CH)
DW = 16

_mesh = plsc.VectorSubcoreMesh(core_axis_name="c", subcore_axis_name="s")



def _a_body(x_ref, we_ref, be_ref, wa_ref, ba_ref, hl_ref, g_ref):
    x = x_ref[...].astype(jnp.bfloat16)
    hl_ref[...] = jnp.dot(x, we_ref[...].astype(jnp.bfloat16),
                          preferred_element_type=jnp.float32) + be_ref[...]
    g_ref[...] = jnp.dot(x, wa_ref[...].astype(jnp.bfloat16),
                         preferred_element_type=jnp.float32) + ba_ref[...]


def _tc_a(x, W_emb, b_emb, W_ass, b_ass):
    blk = 400
    return pl.pallas_call(
        _a_body,
        grid=(N // blk,),
        in_specs=[
            pl.BlockSpec((blk, D), lambda i: (i, 0)),
            pl.BlockSpec((D, D), lambda i: (0, 0)),
            pl.BlockSpec((1, D), lambda i: (0, 0)),
            pl.BlockSpec((D, C), lambda i: (0, 0)),
            pl.BlockSpec((1, C), lambda i: (0, 0)),
        ],
        out_specs=[
            pl.BlockSpec((blk, D), lambda i: (i, 0)),
            pl.BlockSpec((blk, C), lambda i: (i, 0)),
        ],
        out_shape=[
            jax.ShapeDtypeStruct((N, D), jnp.float32),
            jax.ShapeDtypeStruct((N, C), jnp.float32),
        ],
    )(x, W_emb, b_emb, W_ass, b_ass)



def _deg_body(dstm, zer, out, dstb, onesb, acc, gsem):
    tid = lax.axis_index("s")
    core = lax.axis_index("c")
    crow = core * (NTILES * NCD) + tid * NCD
    pltpu.sync_copy(dstm.at[pl.ds(crow, NCD)], dstb)
    rows0 = tid * ROWS_PT
    pltpu.sync_copy(zer.at[pl.ds(rows0, ROWS_PT)], acc.at[pl.ds(rows0, ROWS_PT)])
    lane = lax.broadcasted_iota(jnp.int32, (16,), 0)
    pat = jnp.where(lane == 0, jnp.float32(1.0), jnp.float32(0.0))
    for r in range(CH):
        onesb[r] = pat
    plsc.subcore_barrier()

    def body(j, carry):
        pltpu.sync_copy(onesb, acc.at[dstb.at[j]], add=True)
        return carry

    lax.fori_loop(0, NCD, body, 0)
    plsc.subcore_barrier()
    pltpu.sync_copy(acc.at[pl.ds(rows0, ROWS_PT)],
                    out.at[core].at[pl.ds(rows0, ROWS_PT)])


def _sc_deg(dst_mat, zeros_d):
    k = functools.partial(
        pl.kernel,
        mesh=_mesh,
        out_type=[jax.ShapeDtypeStruct((2, NP, DW), jnp.float32)],
        scratch_types=[
            pltpu.VMEM((NCD, CH), jnp.int32),
            pltpu.VMEM((CH, DW), jnp.float32),
            pltpu.VMEM_SHARED((NP, DW), jnp.float32),
            pltpu.SemaphoreType.DMA,
        ],
        compiler_params=pltpu.CompilerParams(use_tc_tiling_on_sc=False,
                                             needs_layout_passes=False),
    )(_deg_body)
    return k(dst_mat, zeros_d)



def _b_body(s_ref, adj_ref, t_ref):
    i = pl.program_id(0)
    st_adj = lax.dot_general(s_ref[...].astype(jnp.bfloat16),
                             adj_ref[...].astype(jnp.bfloat16),
                             (((0,), (0,)), ((), ())),
                             preferred_element_type=jnp.float32)

    @pl.when(i == 0)
    def _():
        t_ref[...] = jnp.zeros_like(t_ref)

    t_ref[...] += st_adj


def _tc_b(s, adj_g):
    blk = 200
    return pl.pallas_call(
        _b_body,
        grid=(N // blk,),
        in_specs=[
            pl.BlockSpec((blk, C), lambda i: (i, 0)),
            pl.BlockSpec((blk, N), lambda i: (i, 0)),
        ],
        out_specs=pl.BlockSpec((C, N), lambda i: (0, 0)),
        out_shape=jax.ShapeDtypeStruct((C, N), jnp.float32),
        compiler_params=pltpu.CompilerParams(
            dimension_semantics=("arbitrary",),
        ),
    )(s, adj_g)



def _c_body(t_ref, s_ref, h_ref, w1_ref, b1_ref, w2_ref, b2_ref,
            e_ref, adjg1_ref, me_ref):
    e = lax.dot_general(s_ref[...].astype(jnp.bfloat16),
                        h_ref[...].astype(jnp.bfloat16),
                        (((0,), (0,)), ((), ())),
                        preferred_element_type=jnp.float32)
    e_ref[...] = e
    adjg1_ref[...] = jnp.dot(t_ref[...].astype(jnp.bfloat16),
                             s_ref[...].astype(jnp.bfloat16),
                             preferred_element_type=jnp.float32)
    me = jnp.dot(e.astype(jnp.bfloat16), w1_ref[...].astype(jnp.bfloat16),
                 preferred_element_type=jnp.float32) + b1_ref[...]
    me = jnp.dot(me.astype(jnp.bfloat16), w2_ref[...].astype(jnp.bfloat16),
                 preferred_element_type=jnp.float32) + b2_ref[...]
    me_ref[...] = me


def _tc_c(t, s, h, mlp_W1, mlp_b1, mlp_W2, mlp_b2):
    return pl.pallas_call(
        _c_body,
        out_shape=[
            jax.ShapeDtypeStruct((C, D), jnp.float32),
            jax.ShapeDtypeStruct((C, C), jnp.float32),
            jax.ShapeDtypeStruct((C, D), jnp.float32),
        ],
    )(t, s, h, mlp_W1, mlp_b1, mlp_W2, mlp_b2)



def _d_body(me_ref, sq_ref, adjf1_ref):
    meb = me_ref[...].astype(jnp.bfloat16)
    cross = lax.dot_general(meb, meb, (((1,), (1,)), ((), ())),
                            preferred_element_type=jnp.float32)
    sq = sq_ref[...]
    d2 = sq.T + sq - 2.0 * cross
    val = -d2
    iota_r = lax.broadcasted_iota(jnp.int32, (C, C), 1)
    adj = jnp.zeros((C, C), jnp.float32)
    for _ in range(KNN_K):
        m = jnp.max(val, axis=1, keepdims=True)
        cand = jnp.where(val == m, iota_r, C)
        amin = jnp.min(cand, axis=1, keepdims=True)
        pick = iota_r == amin
        adj = adj + pick.astype(jnp.float32)
        val = jnp.where(pick, -jnp.inf, val)
    adjf1_ref[...] = (adj + adj.T) * 0.5


def _tc_d(me, sq):
    return pl.pallas_call(
        _d_body,
        out_shape=jax.ShapeDtypeStruct((C, C), jnp.float32),
    )(me, sq)



def kernel(x, adj_g, W_emb, b_emb, W_ass, b_ass, att_W, att_b,
           mlp_W1, mlp_b1, mlp_W2, mlp_b2, edge_index):
    src = edge_index[0]
    dst = edge_index[1]

    hl, g = _tc_a(x, W_emb, b_emb.reshape(1, D), W_ass, b_ass.reshape(1, C))

    pad = EP - E
    dst_p = jnp.concatenate([dst, N + (jnp.arange(pad, dtype=jnp.int32) % 16)])
    dst_mat = dst_p.reshape(EP // CH, CH)
    zeros_d = jnp.zeros((NP, DW), jnp.float32)
    (dacc,) = _sc_deg(dst_mat, zeros_d)
    deg = dacc[0, :N, 0] + dacc[1, :N, 0]

    h = jax.ops.segment_sum(hl[src], dst, num_segments=N) / \
        jnp.maximum(deg, 1.0)[:, None]
    z2 = jnp.concatenate([g[src], g[dst]], axis=1)
    e_att = jax.nn.leaky_relu(z2 @ att_W + att_b)
    m = jax.ops.segment_max(e_att, dst, num_segments=N)
    ex = jnp.exp(e_att - m[dst])
    denom = jax.ops.segment_sum(ex, dst, num_segments=N)
    alpha = ex / jnp.maximum(denom[dst], 1e-38)
    s_pre = jax.ops.segment_sum(alpha * g[src], dst, num_segments=N)
    s = jax.nn.softmax(s_pre, axis=-1)

    t = _tc_b(s, adj_g)
    e, adj_g1, me = _tc_c(t, s, h, mlp_W1, mlp_b1.reshape(1, D),
                          mlp_W2, mlp_b2.reshape(1, D))
    sq = jnp.sum(me * me, axis=1)
    adj_f1 = _tc_d(me, sq.reshape(1, C))
    return (h, e, s, adj_g1, adj_f1)

# --- scband reference (transcript-rebuilt; emitter-appended) ---
"""Pipeline reference for scband-ass-31739808318043 (READ-ONLY COPY).

The authoritative reference and input builder live on the scoring server;
editing this copy changes nothing except your own understanding.
"""

import jax, jax.numpy as jnp
import numpy as np

N = 10000
E = 160000
D = 256
C = 128
K = 16


def setup_inputs(seed: int = 0):
    key = jax.random.key(seed)
    ks = jax.random.split(key, 10)
    x = jax.random.normal(ks[0], (N, D), dtype=jnp.float32)
    adj_g = jax.random.uniform(ks[1], (N, N), dtype=jnp.float32)
    edge_index = jax.random.randint(ks[2], (2, E), 0, N, dtype=jnp.int32)
    W_emb = jax.random.normal(ks[3], (D, D), dtype=jnp.float32) * 0.05
    b_emb = jnp.zeros((D,), jnp.float32)
    W_ass = jax.random.normal(ks[4], (D, C), dtype=jnp.float32) * 0.05
    b_ass = jnp.zeros((C,), jnp.float32)
    att_W = jax.random.normal(ks[5], (2 * C, 1), dtype=jnp.float32) * 0.05
    att_b = jnp.zeros((1,), jnp.float32)
    mlp_W1 = jax.random.normal(ks[6], (D, D), dtype=jnp.float32) * 0.05
    mlp_b1 = jnp.zeros((D,), jnp.float32)
    mlp_W2 = jax.random.normal(ks[7], (D, D), dtype=jnp.float32) * 0.05
    mlp_b2 = jnp.zeros((D,), jnp.float32)
    return {"x": x, "adj_g": adj_g, "W_emb": W_emb, "b_emb": b_emb, "W_ass": W_ass, "b_ass": b_ass, "att_W": att_W, "att_b": att_b, "mlp_W1": mlp_W1, "mlp_b1": mlp_b1, "mlp_W2": mlp_W2, "mlp_b2": mlp_b2, "edge_index": edge_index}


def _knn_adj(z, k):
    # mirrors torch KNN(): x.detach() then sklearn kNN (includes self), then symmetrize
    z = jax.lax.stop_gradient(z)
    sq = jnp.sum(z * z, axis=1)
    d2 = sq[:, None] + sq[None, :] - 2.0 * (z @ z.T)
    _, idx = jax.lax.top_k(-d2, k)
    n = z.shape[0]
    rows = jnp.repeat(jnp.arange(n), k)
    adj = jnp.zeros((n, n), jnp.float32).at[rows, idx.reshape(-1)].set(1.0)
    return (adj + adj.T) / 2.0


def reference(x, adj_g, W_emb, b_emb, W_ass, b_ass, att_W, att_b, mlp_W1, mlp_b1, mlp_W2, mlp_b2, edge_index):
    src = edge_index[0]
    dst = edge_index[1]
    n = x.shape[0]
    # GCN_emb: linear then in-neighbor mean aggregation (activation=None)
    h_lin = x @ W_emb + b_emb
    ones = jnp.ones((src.shape[0],), jnp.float32)
    deg = jax.ops.segment_sum(ones, dst, num_segments=n)
    h = jax.ops.segment_sum(h_lin[src], dst, num_segments=n) / jnp.maximum(deg, 1.0)[:, None]
    # GCN_ass: linear -> edge attention -> per-dst softmax -> weighted sum
    g = x @ W_ass + b_ass
    z2 = jnp.concatenate([g[src], g[dst]], axis=1)
    e_att = jax.nn.leaky_relu(z2 @ att_W + att_b)  # [E,1], slope 0.01
    m = jax.ops.segment_max(e_att, dst, num_segments=n)
    ex = jnp.exp(e_att - m[dst])
    denom = jax.ops.segment_sum(ex, dst, num_segments=n)
    alpha = ex / jnp.maximum(denom[dst], 1e-38)
    s_pre = jax.ops.segment_sum(alpha * g[src], dst, num_segments=n)
    s = jax.nn.softmax(s_pre, axis=-1)
    e = s.T @ h
    adj_g1 = s.T @ adj_g @ s
    # MLP (activation=None; dropout identity at inference)
    me = e @ mlp_W1 + mlp_b1
    me = me @ mlp_W2 + mlp_b2
    adj_f1 = _knn_adj(me, K)
    return (h, e, s, adj_g1, adj_f1)

if __name__ == "__main__":
    import jax
    _d = setup_inputs()
    print(jax.jit(kernel)(*tuple(_d.values())))

</pallas_src>

<mosaic_0001>
#map = affine_map<(d0, d1) -> (0, 0)>
#map1 = affine_map<(d0, d1) -> (0, 0, 0)>
module attributes {stable_mosaic.version = 14 : i64} {
  func.func @_deg_body(%arg0: i32, %arg1: i32, %arg2: memref<1280x128xi32, #tpu.memory_space<hbm>>, %arg3: memref<10112x16xf32, #tpu.memory_space<hbm>>, %arg4: memref<2x10112x16xf32, #tpu.memory_space<hbm>>, %arg5: memref<40x128xi32, #tpu.memory_space<vmem>>, %arg6: memref<128x16xf32, #tpu.memory_space<vmem>>, %arg7: memref<10112x16xf32, #tpu.memory_space<vmem_shared>>, %arg8: memref<!tpu.dma_semaphore, #tpu.memory_space<semaphore_mem>>) attributes {dimension_semantics = [#tpu.dimension_semantics<core_parallel>, #tpu.dimension_semantics<subcore_parallel>], iteration_bounds = array<i64: 2, 16>, scalar_prefetch = 0 : i64, scratch_operands = 4 : i64, tpu.core_type = #tpu.core_type<sc_vector_subcore>, window_params = [{transform_indices = #map}, {transform_indices = #map}, {transform_indices = #map1}]} {
    %mul3A = arith.constant 640 : i32
    %mul3A_0 = arith.muli %arg0, %mul3A : i32
    %mul3A_1 = arith.constant 40 : i32
    %mul3A_2 = arith.muli %arg1, %mul3A_1 : i32
    %add3A = arith.addi %mul3A_0, %mul3A_2 : i32
    "tpu.region"() ({
      %run_scoped3A = tpu.sem_alloc : memref<!tpu.dma_semaphore, #tpu.memory_space<semaphore_mem>>
      %dma_start3A = arith.constant 0 : i32
      %dma_start3A_526 = tpu.memref_slice %arg2[%add3A, %dma_start3A] : memref<1280x128xi32, #tpu.memory_space<hbm>> -> memref<40x128xi32, #tpu.memory_space<hbm>>
      %dma_start3A_527 = arith.constant 0 : i32
      %dma_start3A_528 = tpu.memref_slice %arg2[%add3A, %dma_start3A_527] : memref<1280x128xi32, #tpu.memory_space<hbm>> -> memref<40x128xi32, #tpu.memory_space<hbm>>
      tpu.enqueue_dma source(%dma_start3A_528 : memref<40x128xi32, #tpu.memory_space<hbm>>) target(%arg5 : memref<40x128xi32, #tpu.memory_space<vmem>>) target_semaphore(%run_scoped3A : memref<!tpu.dma_semaphore, #tpu.memory_space<semaphore_mem>>)
      %dma_wait3A = arith.constant 0 : i32
      %dma_wait3A_529 = tpu.memref_slice %arg2[%add3A, %dma_wait3A] : memref<1280x128xi32, #tpu.memory_space<hbm>> -> memref<40x128xi32, #tpu.memory_space<hbm>>
      %dma_wait3A_530 = arith.constant 0 : i32
      %dma_wait3A_531 = tpu.memref_slice %arg2[%add3A, %dma_wait3A_530] : memref<1280x128xi32, #tpu.memory_space<hbm>> -> memref<40x128xi32, #tpu.memory_space<hbm>>
      tpu.wait_dma2 semaphore(%run_scoped3A : memref<!tpu.dma_semaphore, #tpu.memory_space<semaphore_mem>>) src(%dma_wait3A_531 : memref<40x128xi32, #tpu.memory_space<hbm>>) dst(%arg5 : memref<40x128xi32, #tpu.memory_space<vmem>>)
      tpu.yield
    }) : () -> ()
    %mul3A_3 = arith.constant 632 : i32
    %mul3A_4 = arith.muli %arg1, %mul3A_3 : i32
    "tpu.region"() ({
      %run_scoped3A = tpu.sem_alloc : memref<!tpu.dma_semaphore, #tpu.memory_space<semaphore_mem>>
      %dma_start3A = arith.constant 0 : i32
      %dma_start3A_526 = tpu.memref_slice %arg7[%mul3A_4, %dma_start3A] : memref<10112x16xf32, #tpu.memory_space<vmem_shared>> -> memref<632x16xf32, #tpu.memory_space<vmem_shared>>
      %dma_start3A_527 = arith.constant 0 : i32
      %dma_start3A_528 = tpu.memref_slice %arg3[%mul3A_4, %dma_start3A_527] : memref<10112x16xf32, #tpu.memory_space<hbm>> -> memref<632x16xf32, #tpu.memory_space<hbm>>
      tpu.enqueue_dma source(%dma_start3A_528 : memref<632x16xf32, #tpu.memory_space<hbm>>) target(%dma_start3A_526 : memref<632x16xf32, #tpu.memory_space<vmem_shared>>) target_semaphore(%run_scoped3A : memref<!tpu.dma_semaphore, #tpu.memory_space<semaphore_mem>>)
      %dma_wait3A = arith.constant 0 : i32
      %dma_wait3A_529 = tpu.memref_slice %arg7[%mul3A_4, %dma_wait3A] : memref<10112x16xf32, #tpu.memory_space<vmem_shared>> -> memref<632x16xf32, #tpu.memory_space<vmem_shared>>
      %dma_wait3A_530 = arith.constant 0 : i32
      %dma_wait3A_531 = tpu.memref_slice %arg3[%mul3A_4, %dma_wait3A_530] : memref<10112x16xf32, #tpu.memory_space<hbm>> -> memref<632x16xf32, #tpu.memory_space<hbm>>
      tpu.wait_dma2 semaphore(%run_scoped3A : memref<!tpu.dma_semaphore, #tpu.memory_space<semaphore_mem>>) src(%dma_wait3A_531 : memref<632x16xf32, #tpu.memory_space<hbm>>) dst(%dma_wait3A_529 : memref<632x16xf32, #tpu.memory_space<vmem_shared>>)
      tpu.yield
    }) : () -> ()
    %iota3A = tpu.iota {dimensions = array<i32: 0>} : vector<16xi32>
    %eq3A = arith.constant 0 : i32
    %eq3A_5 = vector.broadcast %eq3A : i32 to vector<16xi32>
    %eq3A_6 = arith.cmpi eq, %iota3A, %eq3A_5 : vector<16xi32>
    %jit3A = arith.constant 1.000000e+00 : f32
    %jit3A_7 = arith.constant 0.000000e+00 : f32
    %broadcast_in_dim3A = vector.broadcast %jit3A : f32 to vector<16xf32>
    %broadcast_in_dim3A_8 = vector.broadcast %jit3A_7 : f32 to vector<16xf32>
    %select_n3A = arith.select %eq3A_6, %broadcast_in_dim3A, %broadcast_in_dim3A_8 : vector<16xi1>, vector<16xf32>
    %swap3A = arith.constant 0 : i32
    %swap3A_9 = arith.index_cast %swap3A : i32 to index
    %swap3A_10 = arith.constant 0 : index
    %swap3A_11 = tpu.vector_load %arg6[%swap3A_9, %swap3A_10] {strides = array<i32>} : memref<128x16xf32, #tpu.memory_space<vmem>>, vector<16xf32>,
    tpu.vector_store %arg6[%swap3A_9, %swap3A_10], %select_n3A {strides = array<i32>} : memref<128x16xf32, #tpu.memory_space<vmem>>, vector<16xf32>,
    %swap3A_12 = arith.constant 1 : i32
    %swap3A_13 = arith.index_cast %swap3A_12 : i32 to index
    %swap3A_14 = arith.constant 0 : index
    %swap3A_15 = tpu.vector_load %arg6[%swap3A_13, %swap3A_14] {strides = array<i32>} : memref<128x16xf32, #tpu.memory_space<vmem>>, vector<16xf32>,
    tpu.vector_store %arg6[%swap3A_13, %swap3A_14], %select_n3A {strides = array<i32>} : memref<128x16xf32, #tpu.memory_space<vmem>>, vector<16xf32>,
    %swap3A_16 = arith.constant 2 : i32
    %swap3A_17 = arith.index_cast %swap3A_16 : i32 to index
    %swap3A_18 = arith.constant 0 : index
    %swap3A_19 = tpu.vector_load %arg6[%swap3A_17, %swap3A_18] {strides = array<i32>} : memref<128x16xf32, #tpu.memory_space<vmem>>, vector<16xf32>,
    tpu.vector_store %arg6[%swap3A_17, %swap3A_18], %select_n3A {strides = array<i32>} : memref<128x16xf32, #tpu.memory_space<vmem>>, vector<16xf32>,
    %swap3A_20 = arith.constant 3 : i32
    %swap3A_21 = arith.index_cast %swap3A_20 : i32 to index
    %swap3A_22 = arith.constant 0 : index
    %swap3A_23 = tpu.vector_load %arg6[%swap3A_21, %swap3A_22] {strides = array<i32>} : memref<128x16xf32, #tpu.memory_space<vmem>>, vector<16xf32>,
    tpu.vector_store %arg6[%swap3A_21, %swap3A_22], %select_n3A {strides = array<i32>} : memref<128x16xf32, #tpu.memory_space<vmem>>, vector<16xf32>,
    %swap3A_24 = arith.constant 4 : i32
    %swap3A_25 = arith.index_cast %swap3A_24 : i32 to index
    %swap3A_26 = arith.constant 0 : index
    %swap3A_27 = tpu.vector_load %arg6[%swap3A_25, %swap3A_26] {strides = array<i32>} : memref<128x16xf32, #tpu.memory_space<vmem>>, vector<16xf32>,
    tpu.vector_store %arg6[%swap3A_25, %swap3A_26], %select_n3A {strides = array<i32>} : memref<128x16xf32, #tpu.memory_space<vmem>>, vector<16xf32>,
    %swap3A_28 = arith.constant 5 : i32
    %swap3A_29 = arith.index_cast %swap3A_28 : i32 to index
    %swap3A_30 = arith.constant 0 : index
    %swap3A_31 = tpu.vector_load %arg6[%swap3A_29, %swap3A_30] {strides = array<i32>} : memref<128x16xf32, #tpu.memory_space<vmem>>, vector<16xf32>,
    tpu.vector_store %arg6[%swap3A_29, %swap3A_30], %select_n3A {strides = array<i32>} : memref<128x16xf32, #tpu.memory_space<vmem>>, vector<16xf32>,
    %swap3A_32 = arith.constant 6 : i32
    %swap3A_33 = arith.index_cast %swap3A_32 : i32 to index
    %swap3A_34 = arith.constant 0 : index
    %swap3A_35 = tpu.vector_load %arg6[%swap3A_33, %swap3A_34] {strides = array<i32>} : memref<128x16xf32, #tpu.memory_space<vmem>>, vector<16xf32>,
    tpu.vector_store %arg6[%swap3A_33, %swap3A_34], %select_n3A {strides = array<i32>} : memref<128x16xf32, #tpu.memory_space<vmem>>, vector<16xf32>,
    %swap3A_36 = arith.constant 7 : i32
    %swap3A_37 = arith.index_cast %swap3A_36 : i32 to index
    %swap3A_38 = arith.constant 0 : index
    %swap3A_39 = tpu.vector_load %arg6[%swap3A_37, %swap3A_38] {strides = array<i32>} : memref<128x16xf32, #tpu.memory_space<vmem>>, vector<16xf32>,
    tpu.vector_store %arg6[%swap3A_37, %swap3A_38], %select_n3A {strides = array<i32>} : memref<128x16xf32, #tpu.memory_space<vmem>>, vector<16xf32>,
    %swap3A_40 = arith.constant 8 : i32
    %swap3A_41 = arith.index_cast %swap3A_40 : i32 to index
    %swap3A_42 = arith.constant 0 : index
    %swap3A_43 = tpu.vector_load %arg6[%swap3A_41, %swap3A_42] {strides = array<i32>} : memref<128x16xf32, #tpu.memory_space<vmem>>, vector<16xf32>,
    tpu.vector_store %arg6[%swap3A_41, %swap3A_42], %select_n3A {strides = array<i32>} : memref<128x16xf32, #tpu.memory_space<vmem>>, vector<16xf32>,
    %swap3A_44 = arith.constant 9 : i32
    %swap3A_45 = arith.index_cast %swap3A_44 : i32 to index
    %swap3A_46 = arith.constant 0 : index
    %swap3A_47 = tpu.vector_load %arg6[%swap3A_45, %swap3A_46] {strides = array<i32>} : memref<128x16xf32, #tpu.memory_space<vmem>>, vector<16xf32>,
    tpu.vector_store %arg6[%swap3A_45, %swap3A_46], %select_n3A {strides = array<i32>} : memref<128x16xf32, #tpu.memory_space<vmem>>, vector<16xf32>,
    %swap3A_48 = arith.constant 10 : i32
    %swap3A_49 = arith.index_cast %swap3A_48 : i32 to index
    %swap3A_50 = arith.constant 0 : index
    %swap3A_51 = tpu.vector_load %arg6[%swap3A_49, %swap3A_50] {strides = array<i32>} : memref<128x16xf32, #tpu.memory_space<vmem>>, vector<16xf32>,
    tpu.vector_store %arg6[%swap3A_49, %swap3A_50], %select_n3A {strides = array<i32>} : memref<128x16xf32, #tpu.memory_space<vmem>>, vector<16xf32>,
    %swap3A_52 = arith.constant 11 : i32
    %swap3A_53 = arith.index_cast %swap3A_52 : i32 to index
    %swap3A_54 = arith.constant 0 : index
    %swap3A_55 = tpu.vector_load %arg6[%swap3A_53, %swap3A_54] {strides = array<i32>} : memref<128x16xf32, #tpu.memory_space<vmem>>, vector<16xf32>,
    tpu.vector_store %arg6[%swap3A_53, %swap3A_54], %select_n3A {strides = array<i32>} : memref<128x16xf32, #tpu.memory_space<vmem>>, vector<16xf32>,
    %swap3A_56 = arith.constant 12 : i32
    %swap3A_57 = arith.index_cast %swap3A_56 : i32 to index
    %swap3A_58 = arith.constant 0 : index
    %swap3A_59 = tpu.vector_load %arg6[%swap3A_57, %swap3A_58] {strides = array<i32>} : memref<128x16xf32, #tpu.memory_space<vmem>>, vector<16xf32>,
    tpu.vector_store %arg6[%swap3A_57, %swap3A_58], %select_n3A {strides = array<i32>} : memref<128x16xf32, #tpu.memory_space<vmem>>, vector<16xf32>,
    %swap3A_60 = arith.constant 13 : i32
    %swap3A_61 = arith.index_cast %swap3A_60 : i32 to index
    %swap3A_62 = arith.constant 0 : index
    %swap3A_63 = tpu.vector_load %arg6[%swap3A_61, %swap3A_62] {strides = array<i32>} : memref<128x16xf32, #tpu.memory_space<vmem>>, vector<16xf32>,
    tpu.vector_store %arg6[%swap3A_61, %swap3A_62], %select_n3A {strides = array<i32>} : memref<128x16xf32, #tpu.memory_space<vmem>>, vector<16xf32>,
    %swap3A_64 = arith.constant 14 : i32
    %swap3A_65 = arith.index_cast %swap3A_64 : i32 to index
    %swap3A_66 = arith.constant 0 : index
    %swap3A_67 = tpu.vector_load %arg6[%swap3A_65, %swap3A_66] {strides = array<i32>} : memref<128x16xf32, #tpu.memory_space<vmem>>, vector<16xf32>,
    tpu.vector_store %arg6[%swap3A_65, %swap3A_66], %select_n3A {strides = array<i32>} : memref<128x16xf32, #tpu.memory_space<vmem>>, vector<16xf32>,
    %swap3A_68 = arith.constant 15 : i32
    %swap3A_69 = arith.index_cast %swap3A_68 : i32 to index
    %swap3A_70 = arith.constant 0 : index
    %swap3A_71 = tpu.vector_load %arg6[%swap3A_69, %swap3A_70] {strides = array<i32>} : memref<128x16xf32, #tpu.memory_space<vmem>>, vector<16xf32>,
    tpu.vector_store %arg6[%swap3A_69, %swap3A_70], %select_n3A {strides = array<i32>} : memref<128x16xf32, #tpu.memory_space<vmem>>, vector<16xf32>,
    %swap3A_72 = arith.constant 16 : i32
    %swap3A_73 = arith.index_cast %swap3A_72 : i32 to index
    %swap3A_74 = arith.constant 0 : index
    %swap3A_75 = tpu.vector_load %arg6[%swap3A_73, %swap3A_74] {strides = array<i32>} : memref<128x16xf32, #tpu.memory_space<vmem>>, vector<16xf32>,
    tpu.vector_store %arg6[%swap3A_73, %swap3A_74], %select_n3A {strides = array<i32>} : memref<128x16xf32, #tpu.memory_space<vmem>>, vector<16xf32>,
    %swap3A_76 = arith.constant 17 : i32
    %swap3A_77 = arith.index_cast %swap3A_76 : i32 to index
    %swap3A_78 = arith.constant 0 : index
    %swap3A_79 = tpu.vector_load %arg6[%swap3A_77, %swap3A_78] {strides = array<i32>} : memref<128x16xf32, #tpu.memory_space<vmem>>, vector<16xf32>,
    tpu.vector_store %arg6[%swap3A_77, %swap3A_78], %select_n3A {strides = array<i32>} : memref<128x16xf32, #tpu.memory_space<vmem>>, vector<16xf32>,
    %swap3A_80 = arith.constant 18 : i32
    %swap3A_81 = arith.index_cast %swap3A_80 : i32 to index
    %swap3A_82 = arith.constant 0 : index
    %swap3A_83 = tpu.vector_load %arg6[%swap3A_81, %swap3A_82] {strides = array<i32>} : memref<128x16xf32, #tpu.memory_space<vmem>>, vector<16xf32>,
    tpu.vector_store %arg6[%swap3A_81, %swap3A_82], %select_n3A {strides = array<i32>} : memref<128x16xf32, #tpu.memory_space<vmem>>, vector<16xf32>,
    %swap3A_84 = arith.constant 19 : i32
    %swap3A_85 = arith.index_cast %swap3A_84 : i32 to index
    %swap3A_86 = arith.constant 0 : index
    %swap3A_87 = tpu.vector_load %arg6[%swap3A_85, %swap3A_86] {strides = array<i32>} : memref<128x16xf32, #tpu.memory_space<vmem>>, vector<16xf32>,
    tpu.vector_store %arg6[%swap3A_85, %swap3A_86], %select_n3A {strides = array<i32>} : memref<128x16xf32, #tpu.memory_space<vmem>>, vector<16xf32>,
    %swap3A_88 = arith.constant 20 : i32
    %swap3A_89 = arith.index_cast %swap3A_88 : i32 to index
    %swap3A_90 = arith.constant 0 : index
    %swap3A_91 = tpu.vector_load %arg6[%swap3A_89, %swap3A_90] {strides = array<i32>} : memref<128x16xf32, #tpu.memory_space<vmem>>, vector<16xf32>,
    tpu.vector_store %arg6[%swap3A_89, %swap3A_90], %select_n3A {strides = array<i32>} : memref<128x16xf32, #tpu.memory_space<vmem>>, vector<16xf32>,
    %swap3A_92 = arith.constant 21 : i32
    %swap3A_93 = arith.index_cast %swap3A_92 : i32 to index
    %swap3A_94 = arith.constant 0 : index
    %swap3A_95 = tpu.vector_load %arg6[%swap3A_93, %swap3A_94] {strides = array<i32>} : memref<128x16xf32, #tpu.memory_space<vmem>>, vector<16xf32>,
    tpu.vector_store %arg6[%swap3A_93, %swap3A_94], %select_n3A {strides = array<i32>} : memref<128x16xf32, #tpu.memory_space<vmem>>, vector<16xf32>,
    %swap3A_96 = arith.constant 22 : i32
    %swap3A_97 = arith.index_cast %swap3A_96 : i32 to index
    %swap3A_98 = arith.constant 0 : index
    %swap3A_99 = tpu.vector_load %arg6[%swap3A_97, %swap3A_98] {strides = array<i32>} : memref<128x16xf32, #tpu.memory_space<vmem>>, vector<16xf32>,
    tpu.vector_store %arg6[%swap3A_97, %swap3A_98], %select_n3A {strides = array<i32>} : memref<128x16xf32, #tpu.memory_space<vmem>>, vector<16xf32>,
    %swap3A_100 = arith.constant 23 : i32
    %swap3A_101 = arith.index_cast %swap3A_100 : i32 to index
    %swap3A_102 = arith.constant 0 : index
    %swap3A_103 = tpu.vector_load %arg6[%swap3A_101, %swap3A_102] {strides = array<i32>} : memref<128x16xf32, #tpu.memory_space<vmem>>, vector<16xf32>,
    tpu.vector_store %arg6[%swap3A_101, %swap3A_102], %select_n3A {strides = array<i32>} : memref<128x16xf32, #tpu.memory_space<vmem>>, vector<16xf32>,
    %swap3A_104 = arith.constant 24 : i32
    %swap3A_105 = arith.index_cast %swap3A_104 : i32 to index
    %swap3A_106 = arith.constant 0 : index
    %swap3A_107 = tpu.vector_load %arg6[%swap3A_105, %swap3A_106] {strides = array<i32>} : memref<128x16xf32, #tpu.memory_space<vmem>>, vector<16xf32>,
    tpu.vector_store %arg6[%swap3A_105, %swap3A_106], %select_n3A {strides = array<i32>} : memref<128x16xf32, #tpu.memory_space<vmem>>, vector<16xf32>,
    %swap3A_108 = arith.constant 25 : i32
    %swap3A_109 = arith.index_cast %swap3A_108 : i32 to index
    %swap3A_110 = arith.constant 0 : index
    %swap3A_111 = tpu.vector_load %arg6[%swap3A_109, %swap3A_110] {strides = array<i32>} : memref<128x16xf32, #tpu.memory_space<vmem>>, vector<16xf32>,
    tpu.vector_store %arg6[%swap3A_109, %swap3A_110], %select_n3A {strides = array<i32>} : memref<128x16xf32, #tpu.memory_space<vmem>>, vector<16xf32>,
    %swap3A_112 = arith.constant 26 : i32
    %swap3A_113 = arith.index_cast %swap3A_112 : i32 to index
    %swap3A_114 = arith.constant 0 : index
    %swap3A_115 = tpu.vector_load %arg6[%swap3A_113, %swap3A_114] {strides = array<i32>} : memref<128x16xf32, #tpu.memory_space<vmem>>, vector<16xf32>,
    tpu.vector_store %arg6[%swap3A_113, %swap3A_114], %select_n3A {strides = array<i32>} : memref<128x16xf32, #tpu.memory_space<vmem>>, vector<16xf32>,
    %swap3A_116 = arith.constant 27 : i32
    %swap3A_117 = arith.index_cast %swap3A_116 : i32 to index
    %swap3A_118 = arith.constant 0 : index
    %swap3A_119 = tpu.vector_load %arg6[%swap3A_117, %swap3A_118] {strides = array<i32>} : memref<128x16xf32, #tpu.memory_space<vmem>>, vector<16xf32>,
    tpu.vector_store %arg6[%swap3A_117, %swap3A_118], %select_n3A {strides = array<i32>} : memref<128x16xf32, #tpu.memory_space<vmem>>, vector<16xf32>,
    %swap3A_120 = arith.constant 28 : i32
    %swap3A_121 = arith.index_cast %swap3A_120 : i32 to index
    %swap3A_122 = arith.constant 0 : index
    %swap3A_123 = tpu.vector_load %arg6[%swap3A_121, %swap3A_122] {strides = array<i32>} : memref<128x16xf32, #tpu.memory_space<vmem>>, vector<16xf32>,
    tpu.vector_store %arg6[%swap3A_121, %swap3A_122], %select_n3A {strides = array<i32>} : memref<128x16xf32, #tpu.memory_space<vmem>>, vector<16xf32>,
    %swap3A_124 = arith.constant 29 : i32
    %swap3A_125 = arith.index_cast %swap3A_124 : i32 to index
    %swap3A_126 = arith.constant 0 : index
    %swap3A_127 = tpu.vector_load %arg6[%swap3A_125, %swap3A_126] {strides = array<i32>} : memref<128x16xf32, #tpu.memory_space<vmem>>, vector<16xf32>,
    tpu.vector_store %arg6[%swap3A_125, %swap3A_126], %select_n3A {strides = array<i32>} : memref<128x16xf32, #tpu.memory_space<vmem>>, vector<16xf32>,
    %swap3A_128 = arith.constant 30 : i32
    %swap3A_129 = arith.index_cast %swap3A_128 : i32 to index
    %swap3A_130 = arith.constant 0 : index
    %swap3A_131 = tpu.vector_load %arg6[%swap3A_129, %swap3A_130] {strides = array<i32>} : memref<128x16xf32, #tpu.memory_space<vmem>>, vector<16xf32>,
    tpu.vector_store %arg6[%swap3A_129, %swap3A_130], %select_n3A {strides = array<i32>} : memref<128x16xf32, #tpu.memory_space<vmem>>, vector<16xf32>,
    %swap3A_132 = arith.constant 31 : i32
    %swap3A_133 = arith.index_cast %swap3A_132 : i32 to index
    %swap3A_134 = arith.constant 0 : index
    %swap3A_135 = tpu.vector_load %arg6[%swap3A_133, %swap3A_134] {strides = array<i32>} : memref<128x16xf32, #tpu.memory_space<vmem>>, vector<16xf32>,
    tpu.vector_store %arg6[%swap3A_133, %swap3A_134], %select_n3A {strides = array<i32>} : memref<128x16xf32, #tpu.memory_space<vmem>>, vector<16xf32>,
    %swap3A_136 = arith.constant 32 : i32
    %swap3A_137 = arith.index_cast %swap3A_136 : i32 to index
    %swap3A_138 = arith.constant 0 : index
    %swap3A_139 = tpu.vector_load %arg6[%swap3A_137, %swap3A_138] {strides = array<i32>} : memref<128x16xf32, #tpu.memory_space<vmem>>, vector<16xf32>,
    tpu.vector_store %arg6[%swap3A_137, %swap3A_138], %select_n3A {strides = array<i32>} : memref<128x16xf32, #tpu.memory_space<vmem>>, vector<16xf32>,
    %swap3A_140 = arith.constant 33 : i32
    %swap3A_141 = arith.index_cast %swap3A_140 : i32 to index
    %swap3A_142 = arith.constant 0 : index
    %swap3A_143 = tpu.vector_load %arg6[%swap3A_141, %swap3A_142] {strides = array<i32>} : memref<128x16xf32, #tpu.memory_space<vmem>>, vector<16xf32>,
    tpu.vector_store %arg6[%swap3A_141, %swap3A_142], %select_n3A {strides = array<i32>} : memref<128x16xf32, #tpu.memory_space<vmem>>, vector<16xf32>,
    %swap3A_144 = arith.constant 34 : i32
    %swap3A_145 = arith.index_cast %swap3A_144 : i32 to index
    %swap3A_146 = arith.constant 0 : index
    %swap3A_147 = tpu.vector_load %arg6[%swap3A_145, %swap3A_146] {strides = array<i32>} : memref<128x16xf32, #tpu.memory_space<vmem>>, vector<16xf32>,
    tpu.vector_store %arg6[%swap3A_145, %swap3A_146], %select_n3A {strides = array<i32>} : memref<128x16xf32, #tpu.memory_space<vmem>>, vector<16xf32>,
    %swap3A_148 = arith.constant 35 : i32
    %swap3A_149 = arith.index_cast %swap3A_148 : i32 to index
    %swap3A_150 = arith.constant 0 : index
    %swap3A_151 = tpu.vector_load %arg6[%swap3A_149, %swap3A_150] {strides = array<i32>} : memref<128x16xf32, #tpu.memory_space<vmem>>, vector<16xf32>,
    tpu.vector_store %arg6[%swap3A_149, %swap3A_150], %select_n3A {strides = array<i32>} : memref<128x16xf32, #tpu.memory_space<vmem>>, vector<16xf32>,
    %swap3A_152 = arith.constant 36 : i32
    %swap3A_153 = arith.index_cast %swap3A_152 : i32 to index
    %swap3A_154 = arith.constant 0 : index
    %swap3A_155 = tpu.vector_load %arg6[%swap3A_153, %swap3A_154] {strides = array<i32>} : memref<128x16xf32, #tpu.memory_space<vmem>>, vector<16xf32>,
    tpu.vector_store %arg6[%swap3A_153, %swap3A_154], %select_n3A {strides = array<i32>} : memref<128x16xf32, #tpu.memory_space<vmem>>, vector<16xf32>,
    %swap3A_156 = arith.constant 37 : i32
    %swap3A_157 = arith.index_cast %swap3A_156 : i32 to index
    %swap3A_158 = arith.constant 0 : index
    %swap3A_159 = tpu.vector_load %arg6[%swap3A_157, %swap3A_158] {strides = array<i32>} : memref<128x16xf32, #tpu.memory_space<vmem>>, vector<16xf32>,
    tpu.vector_store %arg6[%swap3A_157, %swap3A_158], %select_n3A {strides = array<i32>} : memref<128x16xf32, #tpu.memory_space<vmem>>, vector<16xf32>,
    %swap3A_160 = arith.constant 38 : i32
    %swap3A_161 = arith.index_cast %swap3A_160 : i32 to index
    %swap3A_162 = arith.constant 0 : index
    %swap3A_163 = tpu.vector_load %arg6[%swap3A_161, %swap3A_162] {strides = array<i32>} : memref<128x16xf32, #tpu.memory_space<vmem>>, vector<16xf32>,
    tpu.vector_store %arg6[%swap3A_161, %swap3A_162], %select_n3A {strides = array<i32>} : memref<128x16xf32, #tpu.memory_space<vmem>>, vector<16xf32>,
    %swap3A_164 = arith.constant 39 : i32
    %swap3A_165 = arith.index_cast %swap3A_164 : i32 to index
    %swap3A_166 = arith.constant 0 : index
    %swap3A_167 = tpu.vector_load %arg6[%swap3A_165, %swap3A_166] {strides = array<i32>} : memref<128x16xf32, #tpu.memory_space<vmem>>, vector<16xf32>,
    tpu.vector_store %arg6[%swap3A_165, %swap3A_166], %select_n3A {strides = array<i32>} : memref<128x16xf32, #tpu.memory_space<vmem>>, vector<16xf32>,
    %swap3A_168 = arith.constant 40 : i32
    %swap3A_169 = arith.index_cast %swap3A_168 : i32 to index
    %swap3A_170 = arith.constant 0 : index
    %swap3A_171 = tpu.vector_load %arg6[%swap3A_169, %swap3A_170] {strides = array<i32>} : memref<128x16xf32, #tpu.memory_space<vmem>>, vector<16xf32>,
    tpu.vector_store %arg6[%swap3A_169, %swap3A_170], %select_n3A {strides = array<i32>} : memref<128x16xf32, #tpu.memory_space<vmem>>, vector<16xf32>,
    %swap3A_172 = arith.constant 41 : i32
    %swap3A_173 = arith.index_cast %swap3A_172 : i32 to index
    %swap3A_174 = arith.constant 0 : index
    %swap3A_175 = tpu.vector_load %arg6[%swap3A_173, %swap3A_174] {strides = array<i32>} : memref<128x16xf32, #tpu.memory_space<vmem>>, vector<16xf32>,
    tpu.vector_store %arg6[%swap3A_173, %swap3A_174], %select_n3A {strides = array<i32>} : memref<128x16xf32, #tpu.memory_space<vmem>>, vector<16xf32>,
    %swap3A_176 = arith.constant 42 : i32
    %swap3A_177 = arith.index_cast %swap3A_176 : i32 to index
    %swap3A_178 = arith.constant 0 : index
    %swap3A_179 = tpu.vector_load %arg6[%swap3A_177, %swap3A_178] {strides = array<i32>} : memref<128x16xf32, #tpu.memory_space<vmem>>, vector<16xf32>,
    tpu.vector_store %arg6[%swap3A_177, %swap3A_178], %select_n3A {strides = array<i32>} : memref<128x16xf32, #tpu.memory_space<vmem>>, vector<16xf32>,
    %swap3A_180 = arith.constant 43 : i32
    %swap3A_181 = arith.index_cast %swap3A_180 : i32 to index
    %swap3A_182 = arith.constant 0 : index
    %swap3A_183 = tpu.vector_load %arg6[%swap3A_181, %swap3A_182] {strides = array<i32>} : memref<128x16xf32, #tpu.memory_space<vmem>>, vector<16xf32>,
    tpu.vector_store %arg6[%swap3A_181, %swap3A_182], %select_n3A {strides = array<i32>} : memref<128x16xf32, #tpu.memory_space<vmem>>, vector<16xf32>,
    %swap3A_184 = arith.constant 44 : i32
    %swap3A_185 = arith.index_cast %swap3A_184 : i32 to index
    %swap3A_186 = arith.constant 0 : index
    %swap3A_187 = tpu.vector_load %arg6[%swap3A_185, %swap3A_186] {strides = array<i32>} : memref<128x16xf32, #tpu.memory_space<vmem>>, vector<16xf32>,
    tpu.vector_store %arg6[%swap3A_185, %swap3A_186], %select_n3A {strides = array<i32>} : memref<128x16xf32, #tpu.memory_space<vmem>>, vector<16xf32>,
    %swap3A_188 = arith.constant 45 : i32
    %swap3A_189 = arith.index_cast %swap3A_188 : i32 to index
    %swap3A_190 = arith.constant 0 : index
    %swap3A_191 = tpu.vector_load %arg6[%swap3A_189, %swap3A_190] {strides = array<i32>} : memref<128x16xf32, #tpu.memory_space<vmem>>, vector<16xf32>,
    tpu.vector_store %arg6[%swap3A_189, %swap3A_190], %select_n3A {strides = array<i32>} : memref<128x16xf32, #tpu.memory_space<vmem>>, vector<16xf32>,
    %swap3A_192 = arith.constant 46 : i32
    %swap3A_193 = arith.index_cast %swap3A_192 : i32 to index
    %swap3A_194 = arith.constant 0 : index
    %swap3A_195 = tpu.vector_load %arg6[%swap3A_193, %swap3A_194] {strides = array<i32>} : memref<128x16xf32, #tpu.memory_space<vmem>>, vector<16xf32>,
    tpu.vector_store %arg6[%swap3A_193, %swap3A_194], %select_n3A {strides = array<i32>} : memref<128x16xf32, #tpu.memory_space<vmem>>, vector<16xf32>,
    %swap3A_196 = arith.constant 47 : i32
    %swap3A_197 = arith.index_cast %swap3A_196 : i32 to index
    %swap3A_198 = arith.constant 0 : index
    %swap3A_199 = tpu.vector_load %arg6[%swap3A_197, %swap3A_198] {strides = array<i32>} : memref<128x16xf32, #tpu.memory_space<vmem>>, vector<16xf32>,
    tpu.vector_store %arg6[%swap3A_197, %swap3A_198], %select_n3A {strides = array<i32>} : memref<128x16xf32, #tpu.memory_space<vmem>>, vector<16xf32>,
    %swap3A_200 = arith.constant 48 : i32
    %swap3A_201 = arith.index_cast %swap3A_200 : i32 to index
    %swap3A_202 = arith.constant 0 : index
    %swap3A_203 = tpu.vector_load %arg6[%swap3A_201, %swap3A_202] {strides = array<i32>} : memref<128x16xf32, #tpu.memory_space<vmem>>, vector<16xf32>,
    tpu.vector_store %arg6[%swap3A_201, %swap3A_202], %select_n3A {strides = array<i32>} : memref<128x16xf32, #tpu.memory_space<vmem>>, vector<16xf32>,
    %swap3A_204 = arith.constant 49 : i32
    %swap3A_205 = arith.index_cast %swap3A_204 : i32 to index
    %swap3A_206 = arith.constant 0 : index
    %swap3A_207 = tpu.vector_load %arg6[%swap3A_205, %swap3A_206] {strides = array<i32>} : memref<128x16xf32, #tpu.memory_space<vmem>>, vector<16xf32>,
    tpu.vector_store %arg6[%swap3A_205, %swap3A_206], %select_n3A {strides = array<i32>} : memref<128x16xf32, #tpu.memory_space<vmem>>, vector<16xf32>,
    %swap3A_208 = arith.constant 50 : i32
    %swap3A_209 = arith.index_cast %swap3A_208 : i32 to index
    %swap3A_210 = arith.constant 0 : index
    %swap3A_211 = tpu.vector_load %arg6[%swap3A_209, %swap3A_210] {strides = array<i32>} : memref<128x16xf32, #tpu.memory_space<vmem>>, vector<16xf32>,
    tpu.vector_store %arg6[%swap3A_209, %swap3A_210], %select_n3A {strides = array<i32>} : memref<128x16xf32, #tpu.memory_space<vmem>>, vector<16xf32>,
    %swap3A_212 = arith.constant 51 : i32
    %swap3A_213 = arith.index_cast %swap3A_212 : i32 to index
    %swap3A_214 = arith.constant 0 : index
    %swap3A_215 = tpu.vector_load %arg6[%swap3A_213, %swap3A_214] {strides = array<i32>} : memref<128x16xf32, #tpu.memory_space<vmem>>, vector<16xf32>,
    tpu.vector_store %arg6[%swap3A_213, %swap3A_214], %select_n3A {strides = array<i32>} : memref<128x16xf32, #tpu.memory_space<vmem>>, vector<16xf32>,
    %swap3A_216 = arith.constant 52 : i32
    %swap3A_217 = arith.index_cast %swap3A_216 : i32 to index
    %swap3A_218 = arith.constant 0 : index
    %swap3A_219 = tpu.vector_load %arg6[%swap3A_217, %swap3A_218] {strides = array<i32>} : memref<128x16xf32, #tpu.memory_space<vmem>>, vector<16xf32>,
    tpu.vector_store %arg6[%swap3A_217, %swap3A_218], %select_n3A {strides = array<i32>} : memref<128x16xf32, #tpu.memory_space<vmem>>, vector<16xf32>,
    %swap3A_220 = arith.constant 53 : i32
    %swap3A_221 = arith.index_cast %swap3A_220 : i32 to index
    %swap3A_222 = arith.constant 0 : index
    %swap3A_223 = tpu.vector_load %arg6[%swap3A_221, %swap3A_222] {strides = array<i32>} : memref<128x16xf32, #tpu.memory_space<vmem>>, vector<16xf32>,
    tpu.vector_store %arg6[%swap3A_221, %swap3A_222], %select_n3A {strides = array<i32>} : memref<128x16xf32, #tpu.memory_space<vmem>>, vector<16xf32>,
    %swap3A_224 = arith.constant 54 : i32
    %swap3A_225 = arith.index_cast %swap3A_224 : i32 to index
    %swap3A_226 = arith.constant 0 : index
    %swap3A_227 = tpu.vector_load %arg6[%swap3A_225, %swap3A_226] {strides = array<i32>} : memref<128x16xf32, #tpu.memory_space<vmem>>, vector<16xf32>,
    tpu.vector_store %arg6[%swap3A_225, %swap3A_226], %select_n3A {strides = array<i32>} : memref<128x16xf32, #tpu.memory_space<vmem>>, vector<16xf32>,
    %swap3A_228 = arith.constant 55 : i32
    %swap3A_229 = arith.index_cast %swap3A_228 : i32 to index
    %swap3A_230 = arith.constant 0 : index
    %swap3A_231 = tpu.vector_load %arg6[%swap3A_229, %swap3A_230] {strides = array<i32>} : memref<128x16xf32, #tpu.memory_space<vmem>>, vector<16xf32>,
    tpu.vector_store %arg6[%swap3A_229, %swap3A_230], %select_n3A {strides = array<i32>} : memref<128x16xf32, #tpu.memory_space<vmem>>, vector<16xf32>,
    %swap3A_232 = arith.constant 56 : i32
    %swap3A_233 = arith.index_cast %swap3A_232 : i32 to index
    %swap3A_234 = arith.constant 0 : index
    %swap3A_235 = tpu.vector_load %arg6[%swap3A_233, %swap3A_234] {strides = array<i32>} : memref<128x16xf32, #tpu.memory_space<vmem>>, vector<16xf32>,
    tpu.vector_store %arg6[%swap3A_233, %swap3A_234], %select_n3A {strides = array<i32>} : memref<128x16xf32, #tpu.memory_space<vmem>>, vector<16xf32>,
    %swap3A_236 = arith.constant 57 : i32
    %swap3A_237 = arith.index_cast %swap3A_236 : i32 to index
    %swap3A_238 = arith.constant 0 : index
    %swap3A_239 = tpu.vector_load %arg6[%swap3A_237, %swap3A_238] {strides = array<i32>} : memref<128x16xf32, #tpu.memory_space<vmem>>, vector<16xf32>,
    tpu.vector_store %arg6[%swap3A_237, %swap3A_238], %select_n3A {strides = array<i32>} : memref<128x16xf32, #tpu.memory_space<vmem>>, vector<16xf32>,
    %swap3A_240 = arith.constant 58 : i32
    %swap3A_241 = arith.index_cast %swap3A_240 : i32 to index
    %swap3A_242 = arith.constant 0 : index
    %swap3A_243 = tpu.vector_load %arg6[%swap3A_241, %swap3A_242] {strides = array<i32>} : memref<128x16xf32, #tpu.memory_space<vmem>>, vector<16xf32>,
    tpu.vector_store %arg6[%swap3A_241, %swap3A_242], %select_n3A {strides = array<i32>} : memref<128x16xf32, #tpu.memory_space<vmem>>, vector<16xf32>,
    %swap3A_244 = arith.constant 59 : i32
    %swap3A_245 = arith.index_cast %swap3A_244 : i32 to index
    %swap3A_246 = arith.constant 0 : index
    %swap3A_247 = tpu.vector_load %arg6[%swap3A_245, %swap3A_246] {strides = array<i32>} : memref<128x16xf32, #tpu.memory_space<vmem>>, vector<16xf32>,
    tpu.vector_store %arg6[%swap3A_245, %swap3A_246], %select_n3A {strides = array<i32>} : memref<128x16xf32, #tpu.memory_space<vmem>>, vector<16xf32>,
    %swap3A_248 = arith.constant 60 : i32
    %swap3A_249 = arith.index_cast %swap3A_248 : i32 to index
    %swap3A_250 = arith.constant 0 : index
    %swap3A_251 = tpu.vector_load %arg6[%swap3A_249, %swap3A_250] {strides = array<i32>} : memref<128x16xf32, #tpu.memory_space<vmem>>, vector<16xf32>,
    tpu.vector_store %arg6[%swap3A_249, %swap3A_250], %select_n3A {strides = array<i32>} : memref<128x16xf32, #tpu.memory_space<vmem>>, vector<16xf32>,
    %swap3A_252 = arith.constant 61 : i32
    %swap3A_253 = arith.index_cast %swap3A_252 : i32 to index
    %swap3A_254 = arith.constant 0 : index
    %swap3A_255 = tpu.vector_load %arg6[%swap3A_253, %swap3A_254] {strides = array<i32>} : memref<128x16xf32, #tpu.memory_space<vmem>>, vector<16xf32>,
    tpu.vector_store %arg6[%swap3A_253, %swap3A_254], %select_n3A {strides = array<i32>} : memref<128x16xf32, #tpu.memory_space<vmem>>, vector<16xf32>,
    %swap3A_256 = arith.constant 62 : i32
    %swap3A_257 = arith.index_cast %swap3A_256 : i32 to index
    %swap3A_258 = arith.constant 0 : index
    %swap3A_259 = tpu.vector_load %arg6[%swap3A_257, %swap3A_258] {strides = array<i32>} : memref<128x16xf32, #tpu.memory_space<vmem>>, vector<16xf32>,
    tpu.vector_store %arg6[%swap3A_257, %swap3A_258], %select_n3A {strides = array<i32>} : memref<128x16xf32, #tpu.memory_space<vmem>>, vector<16xf32>,
    %swap3A_260 = arith.constant 63 : i32
    %swap3A_261 = arith.index_cast %swap3A_260 : i32 to index
    %swap3A_262 = arith.constant 0 : index
    %swap3A_263 = tpu.vector_load %arg6[%swap3A_261, %swap3A_262] {strides = array<i32>} : memref<128x16xf32, #tpu.memory_space<vmem>>, vector<16xf32>,
    tpu.vector_store %arg6[%swap3A_261, %swap3A_262], %select_n3A {strides = array<i32>} : memref<128x16xf32, #tpu.memory_space<vmem>>, vector<16xf32>,
    %swap3A_264 = arith.constant 64 : i32
    %swap3A_265 = arith.index_cast %swap3A_264 : i32 to index
    %swap3A_266 = arith.constant 0 : index
    %swap3A_267 = tpu.vector_load %arg6[%swap3A_265, %swap3A_266] {strides = array<i32>} : memref<128x16xf32, #tpu.memory_space<vmem>>, vector<16xf32>,
    tpu.vector_store %arg6[%swap3A_265, %swap3A_266], %select_n3A {strides = array<i32>} : memref<128x16xf32, #tpu.memory_space<vmem>>, vector<16xf32>,
    %swap3A_268 = arith.constant 65 : i32
    %swap3A_269 = arith.index_cast %swap3A_268 : i32 to index
    %swap3A_270 = arith.constant 0 : index
    %swap3A_271 = tpu.vector_load %arg6[%swap3A_269, %swap3A_270] {strides = array<i32>} : memref<128x16xf32, #tpu.memory_space<vmem>>, vector<16xf32>,
    tpu.vector_store %arg6[%swap3A_269, %swap3A_270], %select_n3A {strides = array<i32>} : memref<128x16xf32, #tpu.memory_space<vmem>>, vector<16xf32>,
    %swap3A_272 = arith.constant 66 : i32
    %swap3A_273 = arith.index_cast %swap3A_272 : i32 to index
    %swap3A_274 = arith.constant 0 : index
    %swap3A_275 = tpu.vector_load %arg6[%swap3A_273, %swap3A_274] {strides = array<i32>} : memref<128x16xf32, #tpu.memory_space<vmem>>, vector<16xf32>,
    tpu.vector_store %arg6[%swap3A_273, %swap3A_274], %select_n3A {strides = array<i32>} : memref<128x16xf32, #tpu.memory_space<vmem>>, vector<16xf32>,
    %swap3A_276 = arith.constant 67 : i32
    %swap3A_277 = arith.index_cast %swap3A_276 : i32 to index
    %swap3A_278 = arith.constant 0 : index
    %swap3A_279 = tpu.vector_load %arg6[%swap3A_277, %swap3A_278] {strides = array<i32>} : memref<128x16xf32, #tpu.memory_space<vmem>>, vector<16xf32>,
    tpu.vector_store %arg6[%swap3A_277, %swap3A_278], %select_n3A {strides = array<i32>} : memref<128x16xf32, #tpu.memory_space<vmem>>, vector<16xf32>,
    %swap3A_280 = arith.constant 68 : i32
    %swap3A_281 = arith.index_cast %swap3A_280 : i32 to index
    %swap3A_282 = arith.constant 0 : index
    %swap3A_283 = tpu.vector_load %arg6[%swap3A_281, %swap3A_282] {strides = array<i32>} : memref<128x16xf32, #tpu.memory_space<vmem>>, vector<16xf32>,
    tpu.vector_store %arg6[%swap3A_281, %swap3A_282], %select_n3A {strides = array<i32>} : memref<128x16xf32, #tpu.memory_space<vmem>>, vector<16xf32>,
    %swap3A_284 = arith.constant 69 : i32
    %swap3A_285 = arith.index_cast %swap3A_284 : i32 to index
    %swap3A_286 = arith.constant 0 : index
    %swap3A_287 = tpu.vector_load %arg6[%swap3A_285, %swap3A_286] {strides = array<i32>} : memref<128x16xf32, #tpu.memory_space<vmem>>, vector<16xf32>,
    tpu.vector_store %arg6[%swap3A_285, %swap3A_286], %select_n3A {strides = array<i32>} : memref<128x16xf32, #tpu.memory_space<vmem>>, vector<16xf32>,
    %swap3A_288 = arith.constant 70 : i32
    %swap3A_289 = arith.index_cast %swap3A_288 : i32 to index
    %swap3A_290 = arith.constant 0 : index
    %swap3A_291 = tpu.vector_load %arg6[%swap3A_289, %swap3A_290] {strides = array<i32>} : memref<128x16xf32, #tpu.memory_space<vmem>>, vector<16xf32>,
    tpu.vector_store %arg6[%swap3A_289, %swap3A_290], %select_n3A {strides = array<i32>} : memref<128x16xf32, #tpu.memory_space<vmem>>, vector<16xf32>,
    %swap3A_292 = arith.constant 71 : i32
    %swap3A_293 = arith.index_cast %swap3A_292 : i32 to index
    %swap3A_294 = arith.constant 0 : index
    %swap3A_295 = tpu.vector_load %arg6[%swap3A_293, %swap3A_294] {strides = array<i32>} : memref<128x16xf32, #tpu.memory_space<vmem>>, vector<16xf32>,
    tpu.vector_store %arg6[%swap3A_293, %swap3A_294], %select_n3A {strides = array<i32>} : memref<128x16xf32, #tpu.memory_space<vmem>>, vector<16xf32>,
    %swap3A_296 = arith.constant 72 : i32
    %swap3A_297 = arith.index_cast %swap3A_296 : i32 to index
    %swap3A_298 = arith.constant 0 : index
    %swap3A_299 = tpu.vector_load %arg6[%swap3A_297, %swap3A_298] {strides = array<i32>} : memref<128x16xf32, #tpu.memory_space<vmem>>, vector<16xf32>,
    tpu.vector_store %arg6[%swap3A_297, %swap3A_298], %select_n3A {strides = array<i32>} : memref<128x16xf32, #tpu.memory_space<vmem>>, vector<16xf32>,
    %swap3A_300 = arith.constant 73 : i32
    %swap3A_301 = arith.index_cast %swap3A_300 : i32 to index
    %swap3A_302 = arith.constant 0 : index
    %swap3A_303 = tpu.vector_load %arg6[%swap3A_301, %swap3A_302] {strides = array<i32>} : memref<128x16xf32, #tpu.memory_space<vmem>>, vector<16xf32>,
    tpu.vector_store %arg6[%swap3A_301, %swap3A_302], %select_n3A {strides = array<i32>} : memref<128x16xf32, #tpu.memory_space<vmem>>, vector<16xf32>,
    %swap3A_304 = arith.constant 74 : i32
    %swap3A_305 = arith.index_cast %swap3A_304 : i32 to index
    %swap3A_306 = arith.constant 0 : index
    %swap3A_307 = tpu.vector_load %arg6[%swap3A_305, %swap3A_306] {strides = array<i32>} : memref<128x16xf32, #tpu.memory_space<vmem>>, vector<16xf32>,
    tpu.vector_store %arg6[%swap3A_305, %swap3A_306], %select_n3A {strides = array<i32>} : memref<128x16xf32, #tpu.memory_space<vmem>>, vector<16xf32>,
    %swap3A_308 = arith.constant 75 : i32
    %swap3A_309 = arith.index_cast %swap3A_308 : i32 to index
    %swap3A_310 = arith.constant 0 : index
    %swap3A_311 = tpu.vector_load %arg6[%swap3A_309, %swap3A_310] {strides = array<i32>} : memref<128x16xf32, #tpu.memory_space<vmem>>, vector<16xf32>,
    tpu.vector_store %arg6[%swap3A_309, %swap3A_310], %select_n3A {strides = array<i32>} : memref<128x16xf32, #tpu.memory_space<vmem>>, vector<16xf32>,
    %swap3A_312 = arith.constant 76 : i32
    %swap3A_313 = arith.index_cast %swap3A_312 : i32 to index
    %swap3A_314 = arith.constant 0 : index
    %swap3A_315 = tpu.vector_load %arg6[%swap3A_313, %swap3A_314] {strides = array<i32>} : memref<128x16xf32, #tpu.memory_space<vmem>>, vector<16xf32>,
    tpu.vector_store %arg6[%swap3A_313, %swap3A_314], %select_n3A {strides = array<i32>} : memref<128x16xf32, #tpu.memory_space<vmem>>, vector<16xf32>,
    %swap3A_316 = arith.constant 77 : i32
    %swap3A_317 = arith.index_cast %swap3A_316 : i32 to index
    %swap3A_318 = arith.constant 0 : index
    %swap3A_319 = tpu.vector_load %arg6[%swap3A_317, %swap3A_318] {strides = array<i32>} : memref<128x16xf32, #tpu.memory_space<vmem>>, vector<16xf32>,
    tpu.vector_store %arg6[%swap3A_317, %swap3A_318], %select_n3A {strides = array<i32>} : memref<128x16xf32, #tpu.memory_space<vmem>>, vector<16xf32>,
    %swap3A_320 = arith.constant 78 : i32
    %swap3A_321 = arith.index_cast %swap3A_320 : i32 to index
    %swap3A_322 = arith.constant 0 : index
    %swap3A_323 = tpu.vector_load %arg6[%swap3A_321, %swap3A_322] {strides = array<i32>} : memref<128x16xf32, #tpu.memory_space<vmem>>, vector<16xf32>,
    tpu.vector_store %arg6[%swap3A_321, %swap3A_322], %select_n3A {strides = array<i32>} : memref<128x16xf32, #tpu.memory_space<vmem>>, vector<16xf32>,
    %swap3A_324 = arith.constant 79 : i32
    %swap3A_325 = arith.index_cast %swap3A_324 : i32 to index
    %swap3A_326 = arith.constant 0 : index
    %swap3A_327 = tpu.vector_load %arg6[%swap3A_325, %swap3A_326] {strides = array<i32>} : memref<128x16xf32, #tpu.memory_space<vmem>>, vector<16xf32>,
    tpu.vector_store %arg6[%swap3A_325, %swap3A_326], %select_n3A {strides = array<i32>} : memref<128x16xf32, #tpu.memory_space<vmem>>, vector<16xf32>,
    %swap3A_328 = arith.constant 80 : i32
    %swap3A_329 = arith.index_cast %swap3A_328 : i32 to index
    %swap3A_330 = arith.constant 0 : index
    %swap3A_331 = tpu.vector_load %arg6[%swap3A_329, %swap3A_330] {strides = array<i32>} : memref<128x16xf32, #tpu.memory_space<vmem>>, vector<16xf32>,
    tpu.vector_store %arg6[%swap3A_329, %swap3A_330], %select_n3A {strides = array<i32>} : memref<128x16xf32, #tpu.memory_space<vmem>>, vector<16xf32>,
    %swap3A_332 = arith.constant 81 : i32
    %swap3A_333 = arith.index_cast %swap3A_332 : i32 to index
    %swap3A_334 = arith.constant 0 : index
    %swap3A_335 = tpu.vector_load %arg6[%swap3A_333, %swap3A_334] {strides = array<i32>} : memref<128x16xf32, #tpu.memory_space<vmem>>, vector<16xf32>,
    tpu.vector_store %arg6[%swap3A_333, %swap3A_334], %select_n3A {strides = array<i32>} : memref<128x16xf32, #tpu.memory_space<vmem>>, vector<16xf32>,
    %swap3A_336 = arith.constant 82 : i32
    %swap3A_337 = arith.index_cast %swap3A_336 : i32 to index
    %swap3A_338 = arith.constant 0 : index
    %swap3A_339 = tpu.vector_load %arg6[%swap3A_337, %swap3A_338] {strides = array<i32>} : memref<128x16xf32, #tpu.memory_space<vmem>>, vector<16xf32>,
    tpu.vector_store %arg6[%swap3A_337, %swap3A_338], %select_n3A {strides = array<i32>} : memref<128x16xf32, #tpu.memory_space<vmem>>, vector<16xf32>,
    %swap3A_340 = arith.constant 83 : i32
    %swap3A_341 = arith.index_cast %swap3A_340 : i32 to index
    %swap3A_342 = arith.constant 0 : index
    %swap3A_343 = tpu.vector_load %arg6[%swap3A_341, %swap3A_342] {strides = array<i32>} : memref<128x16xf32, #tpu.memory_space<vmem>>, vector<16xf32>,
    tpu.vector_store %arg6[%swap3A_341, %swap3A_342], %select_n3A {strides = array<i32>} : memref<128x16xf32, #tpu.memory_space<vmem>>, vector<16xf32>,
    %swap3A_344 = arith.constant 84 : i32
    %swap3A_345 = arith.index_cast %swap3A_344 : i32 to index
    %swap3A_346 = arith.constant 0 : index
    %swap3A_347 = tpu.vector_load %arg6[%swap3A_345, %swap3A_346] {strides = array<i32>} : memref<128x16xf32, #tpu.memory_space<vmem>>, vector<16xf32>,
    tpu.vector_store %arg6[%swap3A_345, %swap3A_346], %select_n3A {strides = array<i32>} : memref<128x16xf32, #tpu.memory_space<vmem>>, vector<16xf32>,
    %swap3A_348 = arith.constant 85 : i32
    %swap3A_349 = arith.index_cast %swap3A_348 : i32 to index
    %swap3A_350 = arith.constant 0 : index
    %swap3A_351 = tpu.vector_load %arg6[%swap3A_349, %swap3A_350] {strides = array<i32>} : memref<128x16xf32, #tpu.memory_space<vmem>>, vector<16xf32>,
    tpu.vector_store %arg6[%swap3A_349, %swap3A_350], %select_n3A {strides = array<i32>} : memref<128x16xf32, #tpu.memory_space<vmem>>, vector<16xf32>,
    %swap3A_352 = arith.constant 86 : i32
    %swap3A_353 = arith.index_cast %swap3A_352 : i32 to index
    %swap3A_354 = arith.constant 0 : index
    %swap3A_355 = tpu.vector_load %arg6[%swap3A_353, %swap3A_354] {strides = array<i32>} : memref<128x16xf32, #tpu.memory_space<vmem>>, vector<16xf32>,
    tpu.vector_store %arg6[%swap3A_353, %swap3A_354], %select_n3A {strides = array<i32>} : memref<128x16xf32, #tpu.memory_space<vmem>>, vector<16xf32>,
    %swap3A_356 = arith.constant 87 : i32
    %swap3A_357 = arith.index_cast %swap3A_356 : i32 to index
    %swap3A_358 = arith.constant 0 : index
    %swap3A_359 = tpu.vector_load %arg6[%swap3A_357, %swap3A_358] {strides = array<i32>} : memref<128x16xf32, #tpu.memory_space<vmem>>, vector<16xf32>,
    tpu.vector_store %arg6[%swap3A_357, %swap3A_358], %select_n3A {strides = array<i32>} : memref<128x16xf32, #tpu.memory_space<vmem>>, vector<16xf32>,
    %swap3A_360 = arith.constant 88 : i32
    %swap3A_361 = arith.index_cast %swap3A_360 : i32 to index
    %swap3A_362 = arith.constant 0 : index
    %swap3A_363 = tpu.vector_load %arg6[%swap3A_361, %swap3A_362] {strides = array<i32>} : memref<128x16xf32, #tpu.memory_space<vmem>>, vector<16xf32>,
    tpu.vector_store %arg6[%swap3A_361, %swap3A_362], %select_n3A {strides = array<i32>} : memref<128x16xf32, #tpu.memory_space<vmem>>, vector<16xf32>,
    %swap3A_364 = arith.constant 89 : i32
    %swap3A_365 = arith.index_cast %swap3A_364 : i32 to index
    %swap3A_366 = arith.constant 0 : index
    %swap3A_367 = tpu.vector_load %arg6[%swap3A_365, %swap3A_366] {strides = array<i32>} : memref<128x16xf32, #tpu.memory_space<vmem>>, vector<16xf32>,
    tpu.vector_store %arg6[%swap3A_365, %swap3A_366], %select_n3A {strides = array<i32>} : memref<128x16xf32, #tpu.memory_space<vmem>>, vector<16xf32>,
    %swap3A_368 = arith.constant 90 : i32
    %swap3A_369 = arith.index_cast %swap3A_368 : i32 to index
    %swap3A_370 = arith.constant 0 : index
    %swap3A_371 = tpu.vector_load %arg6[%swap3A_369, %swap3A_370] {strides = array<i32>} : memref<128x16xf32, #tpu.memory_space<vmem>>, vector<16xf32>,
    tpu.vector_store %arg6[%swap3A_369, %swap3A_370], %select_n3A {strides = array<i32>} : memref<128x16xf32, #tpu.memory_space<vmem>>, vector<16xf32>,
    %swap3A_372 = arith.constant 91 : i32
    %swap3A_373 = arith.index_cast %swap3A_372 : i32 to index
    %swap3A_374 = arith.constant 0 : index
    %swap3A_375 = tpu.vector_load %arg6[%swap3A_373, %swap3A_374] {strides = array<i32>} : memref<128x16xf32, #tpu.memory_space<vmem>>, vector<16xf32>,
    tpu.vector_store %arg6[%swap3A_373, %swap3A_374], %select_n3A {strides = array<i32>} : memref<128x16xf32, #tpu.memory_space<vmem>>, vector<16xf32>,
    %swap3A_376 = arith.constant 92 : i32
    %swap3A_377 = arith.index_cast %swap3A_376 : i32 to index
    %swap3A_378 = arith.constant 0 : index
    %swap3A_379 = tpu.vector_load %arg6[%swap3A_377, %swap3A_378] {strides = array<i32>} : memref<128x16xf32, #tpu.memory_space<vmem>>, vector<16xf32>,
    tpu.vector_store %arg6[%swap3A_377, %swap3A_378], %select_n3A {strides = array<i32>} : memref<128x16xf32, #tpu.memory_space<vmem>>, vector<16xf32>,
    %swap3A_380 = arith.constant 93 : i32
    %swap3A_381 = arith.index_cast %swap3A_380 : i32 to index
    %swap3A_382 = arith.constant 0 : index
    %swap3A_383 = tpu.vector_load %arg6[%swap3A_381, %swap3A_382] {strides = array<i32>} : memref<128x16xf32, #tpu.memory_space<vmem>>, vector<16xf32>,
    tpu.vector_store %arg6[%swap3A_381, %swap3A_382], %select_n3A {strides = array<i32>} : memref<128x16xf32, #tpu.memory_space<vmem>>, vector<16xf32>,
    %swap3A_384 = arith.constant 94 : i32
    %swap3A_385 = arith.index_cast %swap3A_384 : i32 to index
    %swap3A_386 = arith.constant 0 : index
    %swap3A_387 = tpu.vector_load %arg6[%swap3A_385, %swap3A_386] {strides = array<i32>} : memref<128x16xf32, #tpu.memory_space<vmem>>, vector<16xf32>,
    tpu.vector_store %arg6[%swap3A_385, %swap3A_386], %select_n3A {strides = array<i32>} : memref<128x16xf32, #tpu.memory_space<vmem>>, vector<16xf32>,
    %swap3A_388 = arith.constant 95 : i32
    %swap3A_389 = arith.index_cast %swap3A_388 : i32 to index
    %swap3A_390 = arith.constant 0 : index
    %swap3A_391 = tpu.vector_load %arg6[%swap3A_389, %swap3A_390] {strides = array<i32>} : memref<128x16xf32, #tpu.memory_space<vmem>>, vector<16xf32>,
    tpu.vector_store %arg6[%swap3A_389, %swap3A_390], %select_n3A {strides = array<i32>} : memref<128x16xf32, #tpu.memory_space<vmem>>, vector<16xf32>,
    %swap3A_392 = arith.constant 96 : i32
    %swap3A_393 = arith.index_cast %swap3A_392 : i32 to index
    %swap3A_394 = arith.constant 0 : index
    %swap3A_395 = tpu.vector_load %arg6[%swap3A_393, %swap3A_394] {strides = array<i32>} : memref<128x16xf32, #tpu.memory_space<vmem>>, vector<16xf32>,
    tpu.vector_store %arg6[%swap3A_393, %swap3A_394], %select_n3A {strides = array<i32>} : memref<128x16xf32, #tpu.memory_space<vmem>>, vector<16xf32>,
    %swap3A_396 = arith.constant 97 : i32
    %swap3A_397 = arith.index_cast %swap3A_396 : i32 to index
    %swap3A_398 = arith.constant 0 : index
    %swap3A_399 = tpu.vector_load %arg6[%swap3A_397, %swap3A_398] {strides = array<i32>} : memref<128x16xf32, #tpu.memory_space<vmem>>, vector<16xf32>,
    tpu.vector_store %arg6[%swap3A_397, %swap3A_398], %select_n3A {strides = array<i32>} : memref<128x16xf32, #tpu.memory_space<vmem>>, vector<16xf32>,
    %swap3A_400 = arith.constant 98 : i32
    %swap3A_401 = arith.index_cast %swap3A_400 : i32 to index
    %swap3A_402 = arith.constant 0 : index
    %swap3A_403 = tpu.vector_load %arg6[%swap3A_401, %swap3A_402] {strides = array<i32>} : memref<128x16xf32, #tpu.memory_space<vmem>>, vector<16xf32>,
    tpu.vector_store %arg6[%swap3A_401, %swap3A_402], %select_n3A {strides = array<i32>} : memref<128x16xf32, #tpu.memory_space<vmem>>, vector<16xf32>,
    %swap3A_404 = arith.constant 99 : i32
    %swap3A_405 = arith.index_cast %swap3A_404 : i32 to index
    %swap3A_406 = arith.constant 0 : index
    %swap3A_407 = tpu.vector_load %arg6[%swap3A_405, %swap3A_406] {strides = array<i32>} : memref<128x16xf32, #tpu.memory_space<vmem>>, vector<16xf32>,
    tpu.vector_store %arg6[%swap3A_405, %swap3A_406], %select_n3A {strides = array<i32>} : memref<128x16xf32, #tpu.memory_space<vmem>>, vector<16xf32>,
    %swap3A_408 = arith.constant 100 : i32
    %swap3A_409 = arith.index_cast %swap3A_408 : i32 to index
    %swap3A_410 = arith.constant 0 : index
    %swap3A_411 = tpu.vector_load %arg6[%swap3A_409, %swap3A_410] {strides = array<i32>} : memref<128x16xf32, #tpu.memory_space<vmem>>, vector<16xf32>,
    tpu.vector_store %arg6[%swap3A_409, %swap3A_410], %select_n3A {strides = array<i32>} : memref<128x16xf32, #tpu.memory_space<vmem>>, vector<16xf32>,
    %swap3A_412 = arith.constant 101 : i32
    %swap3A_413 = arith.index_cast %swap3A_412 : i32 to index
    %swap3A_414 = arith.constant 0 : index
    %swap3A_415 = tpu.vector_load %arg6[%swap3A_413, %swap3A_414] {strides = array<i32>} : memref<128x16xf32, #tpu.memory_space<vmem>>, vector<16xf32>,
    tpu.vector_store %arg6[%swap3A_413, %swap3A_414], %select_n3A {strides = array<i32>} : memref<128x16xf32, #tpu.memory_space<vmem>>, vector<16xf32>,
    %swap3A_416 = arith.constant 102 : i32
    %swap3A_417 = arith.index_cast %swap3A_416 : i32 to index
    %swap3A_418 = arith.constant 0 : index
    %swap3A_419 = tpu.vector_load %arg6[%swap3A_417, %swap3A_418] {strides = array<i32>} : memref<128x16xf32, #tpu.memory_space<vmem>>, vector<16xf32>,
    tpu.vector_store %arg6[%swap3A_417, %swap3A_418], %select_n3A {strides = array<i32>} : memref<128x16xf32, #tpu.memory_space<vmem>>, vector<16xf32>,
    %swap3A_420 = arith.constant 103 : i32
    %swap3A_421 = arith.index_cast %swap3A_420 : i32 to index
    %swap3A_422 = arith.constant 0 : index
    %swap3A_423 = tpu.vector_load %arg6[%swap3A_421, %swap3A_422] {strides = array<i32>} : memref<128x16xf32, #tpu.memory_space<vmem>>, vector<16xf32>,
    tpu.vector_store %arg6[%swap3A_421, %swap3A_422], %select_n3A {strides = array<i32>} : memref<128x16xf32, #tpu.memory_space<vmem>>, vector<16xf32>,
    %swap3A_424 = arith.constant 104 : i32
    %swap3A_425 = arith.index_cast %swap3A_424 : i32 to index
    %swap3A_426 = arith.constant 0 : index
    %swap3A_427 = tpu.vector_load %arg6[%swap3A_425, %swap3A_426] {strides = array<i32>} : memref<128x16xf32, #tpu.memory_space<vmem>>, vector<16xf32>,
    tpu.vector_store %arg6[%swap3A_425, %swap3A_426], %select_n3A {strides = array<i32>} : memref<128x16xf32, #tpu.memory_space<vmem>>, vector<16xf32>,
    %swap3A_428 = arith.constant 105 : i32
    %swap3A_429 = arith.index_cast %swap3A_428 : i32 to index
    %swap3A_430 = arith.constant 0 : index
    %swap3A_431 = tpu.vector_load %arg6[%swap3A_429, %swap3A_430] {strides = array<i32>} : memref<128x16xf32, #tpu.memory_space<vmem>>, vector<16xf32>,
    tpu.vector_store %arg6[%swap3A_429, %swap3A_430], %select_n3A {strides = array<i32>} : memref<128x16xf32, #tpu.memory_space<vmem>>, vector<16xf32>,
    %swap3A_432 = arith.constant 106 : i32
    %swap3A_433 = arith.index_cast %swap3A_432 : i32 to index
    %swap3A_434 = arith.constant 0 : index
    %swap3A_435 = tpu.vector_load %arg6[%swap3A_433, %swap3A_434] {strides = array<i32>} : memref<128x16xf32, #tpu.memory_space<vmem>>, vector<16xf32>,
    tpu.vector_store %arg6[%swap3A_433, %swap3A_434], %select_n3A {strides = array<i32>} : memref<128x16xf32, #tpu.memory_space<vmem>>, vector<16xf32>,
    %swap3A_436 = arith.constant 107 : i32
    %swap3A_437 = arith.index_cast %swap3A_436 : i32 to index
    %swap3A_438 = arith.constant 0 : index
    %swap3A_439 = tpu.vector_load %arg6[%swap3A_437, %swap3A_438] {strides = array<i32>} : memref<128x16xf32, #tpu.memory_space<vmem>>, vector<16xf32>,
    tpu.vector_store %arg6[%swap3A_437, %swap3A_438], %select_n3A {strides = array<i32>} : memref<128x16xf32, #tpu.memory_space<vmem>>, vector<16xf32>,
    %swap3A_440 = arith.constant 108 : i32
    %swap3A_441 = arith.index_cast %swap3A_440 : i32 to index
    %swap3A_442 = arith.constant 0 : index
    %swap3A_443 = tpu.vector_load %arg6[%swap3A_441, %swap3A_442] {strides = array<i32>} : memref<128x16xf32, #tpu.memory_space<vmem>>, vector<16xf32>,
    tpu.vector_store %arg6[%swap3A_441, %swap3A_442], %select_n3A {strides = array<i32>} : memref<128x16xf32, #tpu.memory_space<vmem>>, vector<16xf32>,
    %swap3A_444 = arith.constant 109 : i32
    %swap3A_445 = arith.index_cast %swap3A_444 : i32 to index
    %swap3A_446 = arith.constant 0 : index
    %swap3A_447 = tpu.vector_load %arg6[%swap3A_445, %swap3A_446] {strides = array<i32>} : memref<128x16xf32, #tpu.memory_space<vmem>>, vector<16xf32>,
    tpu.vector_store %arg6[%swap3A_445, %swap3A_446], %select_n3A {strides = array<i32>} : memref<128x16xf32, #tpu.memory_space<vmem>>, vector<16xf32>,
    %swap3A_448 = arith.constant 110 : i32
    %swap3A_449 = arith.index_cast %swap3A_448 : i32 to index
    %swap3A_450 = arith.constant 0 : index
    %swap3A_451 = tpu.vector_load %arg6[%swap3A_449, %swap3A_450] {strides = array<i32>} : memref<128x16xf32, #tpu.memory_space<vmem>>, vector<16xf32>,
    tpu.vector_store %arg6[%swap3A_449, %swap3A_450], %select_n3A {strides = array<i32>} : memref<128x16xf32, #tpu.memory_space<vmem>>, vector<16xf32>,
    %swap3A_452 = arith.constant 111 : i32
    %swap3A_453 = arith.index_cast %swap3A_452 : i32 to index
    %swap3A_454 = arith.constant 0 : index
    %swap3A_455 = tpu.vector_load %arg6[%swap3A_453, %swap3A_454] {strides = array<i32>} : memref<128x16xf32, #tpu.memory_space<vmem>>, vector<16xf32>,
    tpu.vector_store %arg6[%swap3A_453, %swap3A_454], %select_n3A {strides = array<i32>} : memref<128x16xf32, #tpu.memory_space<vmem>>, vector<16xf32>,
    %swap3A_456 = arith.constant 112 : i32
    %swap3A_457 = arith.index_cast %swap3A_456 : i32 to index
    %swap3A_458 = arith.constant 0 : index
    %swap3A_459 = tpu.vector_load %arg6[%swap3A_457, %swap3A_458] {strides = array<i32>} : memref<128x16xf32, #tpu.memory_space<vmem>>, vector<16xf32>,
    tpu.vector_store %arg6[%swap3A_457, %swap3A_458], %select_n3A {strides = array<i32>} : memref<128x16xf32, #tpu.memory_space<vmem>>, vector<16xf32>,
    %swap3A_460 = arith.constant 113 : i32
    %swap3A_461 = arith.index_cast %swap3A_460 : i32 to index
    %swap3A_462 = arith.constant 0 : index
    %swap3A_463 = tpu.vector_load %arg6[%swap3A_461, %swap3A_462] {strides = array<i32>} : memref<128x16xf32, #tpu.memory_space<vmem>>, vector<16xf32>,
    tpu.vector_store %arg6[%swap3A_461, %swap3A_462], %select_n3A {strides = array<i32>} : memref<128x16xf32, #tpu.memory_space<vmem>>, vector<16xf32>,
    %swap3A_464 = arith.constant 114 : i32
    %swap3A_465 = arith.index_cast %swap3A_464 : i32 to index
    %swap3A_466 = arith.constant 0 : index
    %swap3A_467 = tpu.vector_load %arg6[%swap3A_465, %swap3A_466] {strides = array<i32>} : memref<128x16xf32, #tpu.memory_space<vmem>>, vector<16xf32>,
    tpu.vector_store %arg6[%swap3A_465, %swap3A_466], %select_n3A {strides = array<i32>} : memref<128x16xf32, #tpu.memory_space<vmem>>, vector<16xf32>,
    %swap3A_468 = arith.constant 115 : i32
    %swap3A_469 = arith.index_cast %swap3A_468 : i32 to index
    %swap3A_470 = arith.constant 0 : index
    %swap3A_471 = tpu.vector_load %arg6[%swap3A_469, %swap3A_470] {strides = array<i32>} : memref<128x16xf32, #tpu.memory_space<vmem>>, vector<16xf32>,
    tpu.vector_store %arg6[%swap3A_469, %swap3A_470], %select_n3A {strides = array<i32>} : memref<128x16xf32, #tpu.memory_space<vmem>>, vector<16xf32>,
    %swap3A_472 = arith.constant 116 : i32
    %swap3A_473 = arith.index_cast %swap3A_472 : i32 to index
    %swap3A_474 = arith.constant 0 : index
    %swap3A_475 = tpu.vector_load %arg6[%swap3A_473, %swap3A_474] {strides = array<i32>} : memref<128x16xf32, #tpu.memory_space<vmem>>, vector<16xf32>,
    tpu.vector_store %arg6[%swap3A_473, %swap3A_474], %select_n3A {strides = array<i32>} : memref<128x16xf32, #tpu.memory_space<vmem>>, vector<16xf32>,
    %swap3A_476 = arith.constant 117 : i32
    %swap3A_477 = arith.index_cast %swap3A_476 : i32 to index
    %swap3A_478 = arith.constant 0 : index
    %swap3A_479 = tpu.vector_load %arg6[%swap3A_477, %swap3A_478] {strides = array<i32>} : memref<128x16xf32, #tpu.memory_space<vmem>>, vector<16xf32>,
    tpu.vector_store %arg6[%swap3A_477, %swap3A_478], %select_n3A {strides = array<i32>} : memref<128x16xf32, #tpu.memory_space<vmem>>, vector<16xf32>,
    %swap3A_480 = arith.constant 118 : i32
    %swap3A_481 = arith.index_cast %swap3A_480 : i32 to index
    %swap3A_482 = arith.constant 0 : index
    %swap3A_483 = tpu.vector_load %arg6[%swap3A_481, %swap3A_482] {strides = array<i32>} : memref<128x16xf32, #tpu.memory_space<vmem>>, vector<16xf32>,
    tpu.vector_store %arg6[%swap3A_481, %swap3A_482], %select_n3A {strides = array<i32>} : memref<128x16xf32, #tpu.memory_space<vmem>>, vector<16xf32>,
    %swap3A_484 = arith.constant 119 : i32
    %swap3A_485 = arith.index_cast %swap3A_484 : i32 to index
    %swap3A_486 = arith.constant 0 : index
    %swap3A_487 = tpu.vector_load %arg6[%swap3A_485, %swap3A_486] {strides = array<i32>} : memref<128x16xf32, #tpu.memory_space<vmem>>, vector<16xf32>,
    tpu.vector_store %arg6[%swap3A_485, %swap3A_486], %select_n3A {strides = array<i32>} : memref<128x16xf32, #tpu.memory_space<vmem>>, vector<16xf32>,
    %swap3A_488 = arith.constant 120 : i32
    %swap3A_489 = arith.index_cast %swap3A_488 : i32 to index
    %swap3A_490 = arith.constant 0 : index
    %swap3A_491 = tpu.vector_load %arg6[%swap3A_489, %swap3A_490] {strides = array<i32>} : memref<128x16xf32, #tpu.memory_space<vmem>>, vector<16xf32>,
    tpu.vector_store %arg6[%swap3A_489, %swap3A_490], %select_n3A {strides = array<i32>} : memref<128x16xf32, #tpu.memory_space<vmem>>, vector<16xf32>,
    %swap3A_492 = arith.constant 121 : i32
    %swap3A_493 = arith.index_cast %swap3A_492 : i32 to index
    %swap3A_494 = arith.constant 0 : index
    %swap3A_495 = tpu.vector_load %arg6[%swap3A_493, %swap3A_494] {strides = array<i32>} : memref<128x16xf32, #tpu.memory_space<vmem>>, vector<16xf32>,
    tpu.vector_store %arg6[%swap3A_493, %swap3A_494], %select_n3A {strides = array<i32>} : memref<128x16xf32, #tpu.memory_space<vmem>>, vector<16xf32>,
    %swap3A_496 = arith.constant 122 : i32
    %swap3A_497 = arith.index_cast %swap3A_496 : i32 to index
    %swap3A_498 = arith.constant 0 : index
    %swap3A_499 = tpu.vector_load %arg6[%swap3A_497, %swap3A_498] {strides = array<i32>} : memref<128x16xf32, #tpu.memory_space<vmem>>, vector<16xf32>,
    tpu.vector_store %arg6[%swap3A_497, %swap3A_498], %select_n3A {strides = array<i32>} : memref<128x16xf32, #tpu.memory_space<vmem>>, vector<16xf32>,
    %swap3A_500 = arith.constant 123 : i32
    %swap3A_501 = arith.index_cast %swap3A_500 : i32 to index
    %swap3A_502 = arith.constant 0 : index
    %swap3A_503 = tpu.vector_load %arg6[%swap3A_501, %swap3A_502] {strides = array<i32>} : memref<128x16xf32, #tpu.memory_space<vmem>>, vector<16xf32>,
    tpu.vector_store %arg6[%swap3A_501, %swap3A_502], %select_n3A {strides = array<i32>} : memref<128x16xf32, #tpu.memory_space<vmem>>, vector<16xf32>,
    %swap3A_504 = arith.constant 124 : i32
    %swap3A_505 = arith.index_cast %swap3A_504 : i32 to index
    %swap3A_506 = arith.constant 0 : index
    %swap3A_507 = tpu.vector_load %arg6[%swap3A_505, %swap3A_506] {strides = array<i32>} : memref<128x16xf32, #tpu.memory_space<vmem>>, vector<16xf32>,
    tpu.vector_store %arg6[%swap3A_505, %swap3A_506], %select_n3A {strides = array<i32>} : memref<128x16xf32, #tpu.memory_space<vmem>>, vector<16xf32>,
    %swap3A_508 = arith.constant 125 : i32
    %swap3A_509 = arith.index_cast %swap3A_508 : i32 to index
    %swap3A_510 = arith.constant 0 : index
    %swap3A_511 = tpu.vector_load %arg6[%swap3A_509, %swap3A_510] {strides = array<i32>} : memref<128x16xf32, #tpu.memory_space<vmem>>, vector<16xf32>,
    tpu.vector_store %arg6[%swap3A_509, %swap3A_510], %select_n3A {strides = array<i32>} : memref<128x16xf32, #tpu.memory_space<vmem>>, vector<16xf32>,
    %swap3A_512 = arith.constant 126 : i32
    %swap3A_513 = arith.index_cast %swap3A_512 : i32 to index
    %swap3A_514 = arith.constant 0 : index
    %swap3A_515 = tpu.vector_load %arg6[%swap3A_513, %swap3A_514] {strides = array<i32>} : memref<128x16xf32, #tpu.memory_space<vmem>>, vector<16xf32>,
    tpu.vector_store %arg6[%swap3A_513, %swap3A_514], %select_n3A {strides = array<i32>} : memref<128x16xf32, #tpu.memory_space<vmem>>, vector<16xf32>,
    %swap3A_516 = arith.constant 127 : i32
    %swap3A_517 = arith.index_cast %swap3A_516 : i32 to index
    %swap3A_518 = arith.constant 0 : index
    %swap3A_519 = tpu.vector_load %arg6[%swap3A_517, %swap3A_518] {strides = array<i32>} : memref<128x16xf32, #tpu.memory_space<vmem>>, vector<16xf32>,
    tpu.vector_store %arg6[%swap3A_517, %swap3A_518], %select_n3A {strides = array<i32>} : memref<128x16xf32, #tpu.memory_space<vmem>>, vector<16xf32>,
    %barrier3A = arith.constant 0 : index
    tpu.barrier barrier_id(%barrier3A)
    %scan3A = arith.constant 0 : i32
    %scan3A_520 = arith.constant 0 : i32
    %scan3A_521 = arith.constant 40 : i32
    %scan3A_522 = arith.addi %scan3A_520, %scan3A_521 : i32
    %scan3A_523 = arith.constant 1 : i32
    scf.for %scan3A_526 = %scan3A_520 to %scan3A_522 step %scan3A_523  : i32 {
      "tpu.region"() ({
        %run_scoped3A = tpu.sem_alloc : memref<!tpu.dma_semaphore, #tpu.memory_space<semaphore_mem>>
        %dma_start3A = arith.constant 0 : i32
        %dma_start3A_527 = tpu.memref_slice %arg5[%scan3A_526, %dma_start3A] : memref<40x128xi32, #tpu.memory_space<vmem>> -> memref<1x128xi32, #tpu.memory_space<vmem>>
        %dma_start3A_528 = tpu.memref_squeeze %dma_start3A_527 : memref<1x128xi32, #tpu.memory_space<vmem>> -> memref<128xi32, #tpu.memory_space<vmem>>
        %dma_start3A_529 = arith.constant 0 : i32
        %dma_start3A_530 = arith.constant 0 : i32
        %dma_start3A_531 = tpu.memref_slice %arg7[%dma_start3A_529, %dma_start3A_530] : memref<10112x16xf32, #tpu.memory_space<vmem_shared>> -> memref<10112x16xf32, #tpu.memory_space<vmem_shared>>
        tpu.enqueue_indirect_dma source(%arg6 : memref<128x16xf32, #tpu.memory_space<vmem>>) target(%dma_start3A_531 : memref<10112x16xf32, #tpu.memory_space<vmem_shared>>) offsets(%dma_start3A_528 : memref<128xi32, #tpu.memory_space<vmem>>) semaphore(%run_scoped3A : memref<!tpu.dma_semaphore, #tpu.memory_space<semaphore_mem>>) {add = true}
        %dma_wait3A = arith.constant 0 : i32
        %dma_wait3A_532 = tpu.memref_slice %arg5[%scan3A_526, %dma_wait3A] : memref<40x128xi32, #tpu.memory_space<vmem>> -> memref<1x128xi32, #tpu.memory_space<vmem>>
        %dma_wait3A_533 = tpu.memref_squeeze %dma_wait3A_532 : memref<1x128xi32, #tpu.memory_space<vmem>> -> memref<128xi32, #tpu.memory_space<vmem>>
        %dma_wait3A_534 = arith.constant 0 : i32
        %dma_wait3A_535 = arith.constant 0 : i32
        %dma_wait3A_536 = tpu.memref_slice %arg7[%dma_wait3A_534, %dma_wait3A_535] : memref<10112x16xf32, #tpu.memory_space<vmem_shared>> -> memref<10112x16xf32, #tpu.memory_space<vmem_shared>>
        tpu.wait_indirect_dma semaphore(%run_scoped3A : memref<!tpu.dma_semaphore, #tpu.memory_space<semaphore_mem>>) src(%arg6 : memref<128x16xf32, #tpu.memory_space<vmem>>) dst(%dma_wait3A_536 : memref<10112x16xf32, #tpu.memory_space<vmem_shared>>)
        tpu.yield
      }) : () -> ()
    }
    %scan3A_524 = arith.constant 40 : i32
    %barrier3A_525 = arith.constant 0 : index
    tpu.barrier barrier_id(%barrier3A_525)
    "tpu.region"() ({
      %run_scoped3A = tpu.sem_alloc : memref<!tpu.dma_semaphore, #tpu.memory_space<semaphore_mem>>
      %dma_start3A = arith.constant 0 : i32
      %dma_start3A_526 = arith.constant 0 : i32
      %dma_start3A_527 = tpu.memref_slice %arg4[%arg0, %dma_start3A, %dma_start3A_526] : memref<2x10112x16xf32, #tpu.memory_space<hbm>> -> memref<1x10112x16xf32, #tpu.memory_space<hbm>>
      %dma_start3A_528 = tpu.memref_squeeze %dma_start3A_527 : memref<1x10112x16xf32, #tpu.memory_space<hbm>> -> memref<10112x16xf32, #tpu.memory_space<hbm>>
      %dma_start3A_529 = arith.constant 0 : i32
      %dma_start3A_530 = tpu.memref_slice %dma_start3A_528[%mul3A_4, %dma_start3A_529] : memref<10112x16xf32, #tpu.memory_space<hbm>> -> memref<632x16xf32, #tpu.memory_space<hbm>>
      %dma_start3A_531 = arith.constant 0 : i32
      %dma_start3A_532 = tpu.memref_slice %arg7[%mul3A_4, %dma_start3A_531] : memref<10112x16xf32, #tpu.memory_space<vmem_shared>> -> memref<632x16xf32, #tpu.memory_space<vmem_shared>>
      tpu.enqueue_dma source(%dma_start3A_532 : memref<632x16xf32, #tpu.memory_space<vmem_shared>>) target(%dma_start3A_530 : memref<632x16xf32, #tpu.memory_space<hbm>>) target_semaphore(%run_scoped3A : memref<!tpu.dma_semaphore, #tpu.memory_space<semaphore_mem>>)
      %dma_wait3A = arith.constant 0 : i32
      %dma_wait3A_533 = arith.constant 0 : i32
      %dma_wait3A_534 = tpu.memref_slice %arg4[%arg0, %dma_wait3A, %dma_wait3A_533] : memref<2x10112x16xf32, #tpu.memory_space<hbm>> -> memref<1x10112x16xf32, #tpu.memory_space<hbm>>
      %dma_wait3A_535 = tpu.memref_squeeze %dma_wait3A_534 : memref<1x10112x16xf32, #tpu.memory_space<hbm>> -> memref<10112x16xf32, #tpu.memory_space<hbm>>
      %dma_wait3A_536 = arith.constant 0 : i32
      %dma_wait3A_537 = tpu.memref_slice %dma_wait3A_535[%mul3A_4, %dma_wait3A_536] : memref<10112x16xf32, #tpu.memory_space<hbm>> -> memref<632x16xf32, #tpu.memory_space<hbm>>
      %dma_wait3A_538 = arith.constant 0 : i32
      %dma_wait3A_539 = tpu.memref_slice %arg7[%mul3A_4, %dma_wait3A_538] : memref<10112x16xf32, #tpu.memory_space<vmem_shared>> -> memref<632x16xf32, #tpu.memory_space<vmem_shared>>
      tpu.wait_dma2 semaphore(%run_scoped3A : memref<!tpu.dma_semaphore, #tpu.memory_space<semaphore_mem>>) src(%dma_wait3A_539 : memref<632x16xf32, #tpu.memory_space<vmem_shared>>) dst(%dma_wait3A_537 : memref<632x16xf32, #tpu.memory_space<hbm>>)
      tpu.yield
    }) : () -> ()
    return
  }
}

module attributes {stable_mosaic.version = 14 : i64} {
  func.func @_a_body(%arg0: i32, %arg1: memref<400x256xf32, #tpu.memory_space<vmem>>, %arg2: memref<256x256xf32, #tpu.memory_space<vmem>>, %arg3: memref<1x256xf32, #tpu.memory_space<vmem>>, %arg4: memref<256x128xf32, #tpu.memory_space<vmem>>, %arg5: memref<1x128xf32, #tpu.memory_space<vmem>>, %arg6: memref<400x256xf32, #tpu.memory_space<vmem>>, %arg7: memref<400x128xf32, #tpu.memory_space<vmem>>) attributes {dimension_semantics = [#tpu.dimension_semantics<arbitrary>], iteration_bounds = array<i64: 25>, scalar_prefetch = 0 : i64, scratch_operands = 0 : i64, tpu.core_type = #tpu.core_type<tc>, window_params = [{transform_indices = @transform_0, window_bounds = array<i64: 400, 256>}, {pipeline_mode = #tpu.pipeline_mode<synchronous>, transform_indices = @transform_1, window_bounds = array<i64: 256, 256>}, {pipeline_mode = #tpu.pipeline_mode<synchronous>, transform_indices = @transform_2, window_bounds = array<i64: 1, 256>}, {pipeline_mode = #tpu.pipeline_mode<synchronous>, transform_indices = @transform_3, window_bounds = array<i64: 256, 128>}, {pipeline_mode = #tpu.pipeline_mode<synchronous>, transform_indices = @transform_4, window_bounds = array<i64: 1, 128>}, {transform_indices = @transform_5, window_bounds = array<i64: 400, 256>}, {transform_indices = @transform_6, window_bounds = array<i64: 400, 128>}]} {
    %get3A = arith.constant 0 : index
    %get3A_0 = arith.constant 0 : index
    %get3A_1 = vector.load %arg1[%get3A, %get3A_0] : memref<400x256xf32, #tpu.memory_space<vmem>>, vector<400x256xf32>
    %convert_element_type3A = arith.truncf %get3A_1 : vector<400x256xf32> to vector<400x256xbf16>
    %get3A_2 = arith.constant 0 : index
    %get3A_3 = arith.constant 0 : index
    %get3A_4 = vector.load %arg2[%get3A_2, %get3A_3] : memref<256x256xf32, #tpu.memory_space<vmem>>, vector<256x256xf32>
    %convert_element_type3A_5 = arith.truncf %get3A_4 : vector<256x256xf32> to vector<256x256xbf16>
    %dot_general3A = arith.constant dense<0.000000e+00> : vector<400x256xf32>
    %dot_general3A_6 = tpu.matmul %convert_element_type3A, %convert_element_type3A_5, %dot_general3A {dimension_numbers = #tpu.dot_dimension_numbers<[1], [0], [0], [1], [0, 0, 1, 1], [], []>, transpose_lhs_hint = false} : vector<400x256xbf16>, vector<256x256xbf16>, vector<400x256xf32> -> vector<400x256xf32>
    %get3A_7 = arith.constant 0 : index
    %get3A_8 = arith.constant 0 : index
    %get3A_9 = vector.load %arg3[%get3A_7, %get3A_8] : memref<1x256xf32, #tpu.memory_space<vmem>>, vector<1x256xf32>
    %add3A = vector.broadcast %get3A_9 : vector<1x256xf32> to vector<400x256xf32>
    %add3A_10 = arith.addf %dot_general3A_6, %add3A : vector<400x256xf32>
    %swap3A = arith.constant 0 : index
    %swap3A_11 = arith.constant 0 : index
    %swap3A_12 = vector.load %arg6[%swap3A, %swap3A_11] : memref<400x256xf32, #tpu.memory_space<vmem>>, vector<400x256xf32>
    tpu.vector_store %arg6[%swap3A, %swap3A_11], %add3A_10 {strides = array<i32>} : memref<400x256xf32, #tpu.memory_space<vmem>>, vector<400x256xf32>,
    %get3A_13 = arith.constant 0 : index
    %get3A_14 = arith.constant 0 : index
    %get3A_15 = vector.load %arg4[%get3A_13, %get3A_14] : memref<256x128xf32, #tpu.memory_space<vmem>>, vector<256x128xf32>
    %convert_element_type3A_16 = arith.truncf %get3A_15 : vector<256x128xf32> to vector<256x128xbf16>
    %dot_general3A_17 = arith.constant dense<0.000000e+00> : vector<400x128xf32>
    %dot_general3A_18 = tpu.matmul %convert_element_type3A, %convert_element_type3A_16, %dot_general3A_17 {dimension_numbers = #tpu.dot_dimension_numbers<[1], [0], [0], [1], [0, 0, 1, 1], [], []>, transpose_lhs_hint = false} : vector<400x256xbf16>, vector<256x128xbf16>, vector<400x128xf32> -> vector<400x128xf32>
    %get3A_19 = arith.constant 0 : index
    %get3A_20 = arith.constant 0 : index
    %get3A_21 = vector.load %arg5[%get3A_19, %get3A_20] : memref<1x128xf32, #tpu.memory_space<vmem>>, vector<1x128xf32>
    %add3A_22 = vector.broadcast %get3A_21 : vector<1x128xf32> to vector<400x128xf32>
    %add3A_23 = arith.addf %dot_general3A_18, %add3A_22 : vector<400x128xf32>
    %swap3A_24 = arith.constant 0 : index
    %swap3A_25 = arith.constant 0 : index
    %swap3A_26 = vector.load %arg7[%swap3A_24, %swap3A_25] : memref<400x128xf32, #tpu.memory_space<vmem>>, vector<400x128xf32>
    tpu.vector_store %arg7[%swap3A_24, %swap3A_25], %add3A_23 {strides = array<i32>} : memref<400x128xf32, #tpu.memory_space<vmem>>, vector<400x128xf32>,
    return
  }
  func.func @transform_0(%arg0: i32) -> (i32, i32) {
    %c0_i32 = arith.constant 0 : i32
    %c0_i32_0 = arith.constant 0 : i32
    return %arg0, %c0_i32 : i32, i32
  }
  func.func @transform_1(%arg0: i32) -> (i32, i32) {
    %c0_i32 = arith.constant 0 : i32
    %c0_i32_0 = arith.constant 0 : i32
    %c0_i32_1 = arith.constant 0 : i32
    return %c0_i32, %c0_i32_0 : i32, i32
  }
  func.func @transform_2(%arg0: i32) -> (i32, i32) {
    %c0_i32 = arith.constant 0 : i32
    %c0_i32_0 = arith.constant 0 : i32
    %c0_i32_1 = arith.constant 0 : i32
    return %c0_i32, %c0_i32_0 : i32, i32
  }
  func.func @transform_3(%arg0: i32) -> (i32, i32) {
    %c0_i32 = arith.constant 0 : i32
    %c0_i32_0 = arith.constant 0 : i32
    %c0_i32_1 = arith.constant 0 : i32
    return %c0_i32, %c0_i32_0 : i32, i32
  }
  func.func @transform_4(%arg0: i32) -> (i32, i32) {
    %c0_i32 = arith.constant 0 : i32
    %c0_i32_0 = arith.constant 0 : i32
    %c0_i32_1 = arith.constant 0 : i32
    return %c0_i32, %c0_i32_0 : i32, i32
  }
  func.func @transform_5(%arg0: i32) -> (i32, i32) {
    %c0_i32 = arith.constant 0 : i32
    %c0_i32_0 = arith.constant 0 : i32
    return %arg0, %c0_i32 : i32, i32
  }
  func.func @transform_6(%arg0: i32) -> (i32, i32) {
    %c0_i32 = arith.constant 0 : i32
    %c0_i32_0 = arith.constant 0 : i32
    return %arg0, %c0_i32 : i32, i32
  }
}

module attributes {stable_mosaic.version = 14 : i64} {
  func.func @_b_body(%arg0: i32, %arg1: memref<200x128xf32, #tpu.memory_space<vmem>>, %arg2: memref<200x10000xf32, #tpu.memory_space<vmem>>, %arg3: memref<128x10000xf32, #tpu.memory_space<vmem>>) attributes {dimension_semantics = [#tpu.dimension_semantics<arbitrary>], iteration_bounds = array<i64: 50>, scalar_prefetch = 0 : i64, scratch_operands = 0 : i64, tpu.core_type = #tpu.core_type<tc>, window_params = [{transform_indices = @transform_0, window_bounds = array<i64: 200, 128>}, {transform_indices = @transform_1, window_bounds = array<i64: 200, 10000>}, {pipeline_mode = #tpu.pipeline_mode<synchronous>, transform_indices = @transform_2, window_bounds = array<i64: 128, 10000>}]} {
    %get3A = arith.constant 0 : index
    %get3A_0 = arith.constant 0 : index
    %get3A_1 = vector.load %arg1[%get3A, %get3A_0] : memref<200x128xf32, #tpu.memory_space<vmem>>, vector<200x128xf32>
    %convert_element_type3A = arith.truncf %get3A_1 : vector<200x128xf32> to vector<200x128xbf16>
    %get3A_2 = arith.constant 0 : index
    %get3A_3 = arith.constant 0 : index
    %get3A_4 = vector.load %arg2[%get3A_2, %get3A_3] : memref<200x10000xf32, #tpu.memory_space<vmem>>, vector<200x10000xf32>
    %convert_element_type3A_5 = arith.truncf %get3A_4 : vector<200x10000xf32> to vector<200x10000xbf16>
    %dot_general3A = arith.constant dense<0.000000e+00> : vector<128x10000xf32>
    %dot_general3A_6 = tpu.matmul %convert_element_type3A, %convert_element_type3A_5, %dot_general3A {dimension_numbers = #tpu.dot_dimension_numbers<[0], [0], [1], [1], [0, 1, 1, 1], [], []>, transpose_lhs_hint = false} : vector<200x128xbf16>, vector<200x10000xbf16>, vector<128x10000xf32> -> vector<128x10000xf32>
    %eq3A = arith.constant 0 : i32
    %eq3A_7 = arith.cmpi eq, %arg0, %eq3A : i32
    %convert_element_type3A_8 = arith.extui %eq3A_7 : i1 to i32
    %cond3A = arith.constant 0 : i32
    %cond3A_9 = arith.cmpi ne, %convert_element_type3A_8, %cond3A : i32
    scf.if %cond3A_9 {
      %broadcast_in_dim3A = arith.constant 0.000000e+00 : f32
      %broadcast_in_dim3A_15 = vector.broadcast %broadcast_in_dim3A : f32 to vector<128x10000xf32>
      %swap3A_16 = arith.constant 0 : index
      %swap3A_17 = arith.constant 0 : index
      %swap3A_18 = vector.load %arg3[%swap3A_16, %swap3A_17] : memref<128x10000xf32, #tpu.memory_space<vmem>>, vector<128x10000xf32>
      tpu.vector_store %arg3[%swap3A_16, %swap3A_17], %broadcast_in_dim3A_15 {strides = array<i32>} : memref<128x10000xf32, #tpu.memory_space<vmem>>, vector<128x10000xf32>,
    } else {
    }
    %get3A_10 = arith.constant 0 : index
    %get3A_11 = arith.constant 0 : index
    %get3A_12 = vector.load %arg3[%get3A_10, %get3A_11] : memref<128x10000xf32, #tpu.memory_space<vmem>>, vector<128x10000xf32>
    %add3A = arith.addf %get3A_12, %dot_general3A_6 : vector<128x10000xf32>
    %swap3A = arith.constant 0 : index
    %swap3A_13 = arith.constant 0 : index
    %swap3A_14 = vector.load %arg3[%swap3A, %swap3A_13] : memref<128x10000xf32, #tpu.memory_space<vmem>>, vector<128x10000xf32>
    tpu.vector_store %arg3[%swap3A, %swap3A_13], %add3A {strides = array<i32>} : memref<128x10000xf32, #tpu.memory_space<vmem>>, vector<128x10000xf32>,
    return
  }
  func.func @transform_0(%arg0: i32) -> (i32, i32) {
    %c0_i32 = arith.constant 0 : i32
    %c0_i32_0 = arith.constant 0 : i32
    return %arg0, %c0_i32 : i32, i32
  }
  func.func @transform_1(%arg0: i32) -> (i32, i32) {
    %c0_i32 = arith.constant 0 : i32
    %c0_i32_0 = arith.constant 0 : i32
    return %arg0, %c0_i32 : i32, i32
  }
  func.func @transform_2(%arg0: i32) -> (i32, i32) {
    %c0_i32 = arith.constant 0 : i32
    %c0_i32_0 = arith.constant 0 : i32
    %c0_i32_1 = arith.constant 0 : i32
    return %c0_i32, %c0_i32_0 : i32, i32
  }
}

module attributes {stable_mosaic.version = 14 : i64} {
  func.func @_c_body(%arg0: memref<128x10000xf32, #tpu.memory_space<vmem>>, %arg1: memref<10000x128xf32, #tpu.memory_space<vmem>>, %arg2: memref<10000x256xf32, #tpu.memory_space<vmem>>, %arg3: memref<256x256xf32, #tpu.memory_space<vmem>>, %arg4: memref<1x256xf32, #tpu.memory_space<vmem>>, %arg5: memref<256x256xf32, #tpu.memory_space<vmem>>, %arg6: memref<1x256xf32, #tpu.memory_space<vmem>>, %arg7: memref<128x256xf32, #tpu.memory_space<vmem>>, %arg8: memref<128x128xf32, #tpu.memory_space<vmem>>, %arg9: memref<128x256xf32, #tpu.memory_space<vmem>>) attributes {dimension_semantics = [], scalar_prefetch = 0 : i64, scratch_operands = 0 : i64, tpu.core_type = #tpu.core_type<tc>} {
    %get3A = arith.constant 0 : index
    %get3A_0 = arith.constant 0 : index
    %get3A_1 = vector.load %arg1[%get3A, %get3A_0] : memref<10000x128xf32, #tpu.memory_space<vmem>>, vector<10000x128xf32>
    %convert_element_type3A = arith.truncf %get3A_1 : vector<10000x128xf32> to vector<10000x128xbf16>
    %get3A_2 = arith.constant 0 : index
    %get3A_3 = arith.constant 0 : index
    %get3A_4 = vector.load %arg2[%get3A_2, %get3A_3] : memref<10000x256xf32, #tpu.memory_space<vmem>>, vector<10000x256xf32>
    %convert_element_type3A_5 = arith.truncf %get3A_4 : vector<10000x256xf32> to vector<10000x256xbf16>
    %dot_general3A = arith.constant dense<0.000000e+00> : vector<128x256xf32>
    %dot_general3A_6 = tpu.matmul %convert_element_type3A, %convert_element_type3A_5, %dot_general3A {dimension_numbers = #tpu.dot_dimension_numbers<[0], [0], [1], [1], [0, 1, 1, 1], [], []>, transpose_lhs_hint = false} : vector<10000x128xbf16>, vector<10000x256xbf16>, vector<128x256xf32> -> vector<128x256xf32>
    %swap3A = arith.constant 0 : index
    %swap3A_7 = arith.constant 0 : index
    %swap3A_8 = vector.load %arg7[%swap3A, %swap3A_7] : memref<128x256xf32, #tpu.memory_space<vmem>>, vector<128x256xf32>
    tpu.vector_store %arg7[%swap3A, %swap3A_7], %dot_general3A_6 {strides = array<i32>} : memref<128x256xf32, #tpu.memory_space<vmem>>, vector<128x256xf32>,
    %get3A_9 = arith.constant 0 : index
    %get3A_10 = arith.constant 0 : index
    %get3A_11 = vector.load %arg0[%get3A_9, %get3A_10] : memref<128x10000xf32, #tpu.memory_space<vmem>>, vector<128x10000xf32>
    %convert_element_type3A_12 = arith.truncf %get3A_11 : vector<128x10000xf32> to vector<128x10000xbf16>
    %get3A_13 = arith.constant 0 : index
    %get3A_14 = arith.constant 0 : index
    %get3A_15 = vector.load %arg1[%get3A_13, %get3A_14] : memref<10000x128xf32, #tpu.memory_space<vmem>>, vector<10000x128xf32>
    %convert_element_type3A_16 = arith.truncf %get3A_15 : vector<10000x128xf32> to vector<10000x128xbf16>
    %dot_general3A_17 = arith.constant dense<0.000000e+00> : vector<128x128xf32>
    %dot_general3A_18 = tpu.matmul %convert_element_type3A_12, %convert_element_type3A_16, %dot_general3A_17 {dimension_numbers = #tpu.dot_dimension_numbers<[1], [0], [0], [1], [0, 0, 1, 1], [], []>, transpose_lhs_hint = false} : vector<128x10000xbf16>, vector<10000x128xbf16>, vector<128x128xf32> -> vector<128x128xf32>
    %swap3A_19 = arith.constant 0 : index
    %swap3A_20 = arith.constant 0 : index
    %swap3A_21 = vector.load %arg8[%swap3A_19, %swap3A_20] : memref<128x128xf32, #tpu.memory_space<vmem>>, vector<128x128xf32>
    tpu.vector_store %arg8[%swap3A_19, %swap3A_20], %dot_general3A_18 {strides = array<i32>} : memref<128x128xf32, #tpu.memory_space<vmem>>, vector<128x128xf32>,
    %convert_element_type3A_22 = arith.truncf %dot_general3A_6 : vector<128x256xf32> to vector<128x256xbf16>
    %get3A_23 = arith.constant 0 : index
    %get3A_24 = arith.constant 0 : index
    %get3A_25 = vector.load %arg3[%get3A_23, %get3A_24] : memref<256x256xf32, #tpu.memory_space<vmem>>, vector<256x256xf32>
    %convert_element_type3A_26 = arith.truncf %get3A_25 : vector<256x256xf32> to vector<256x256xbf16>
    %dot_general3A_27 = arith.constant dense<0.000000e+00> : vector<128x256xf32>
    %dot_general3A_28 = tpu.matmul %convert_element_type3A_22, %convert_element_type3A_26, %dot_general3A_27 {dimension_numbers = #tpu.dot_dimension_numbers<[1], [0], [0], [1], [0, 0, 1, 1], [], []>, transpose_lhs_hint = false} : vector<128x256xbf16>, vector<256x256xbf16>, vector<128x256xf32> -> vector<128x256xf32>
    %get3A_29 = arith.constant 0 : index
    %get3A_30 = arith.constant 0 : index
    %get3A_31 = vector.load %arg4[%get3A_29, %get3A_30] : memref<1x256xf32, #tpu.memory_space<vmem>>, vector<1x256xf32>
    %add3A = vector.broadcast %get3A_31 : vector<1x256xf32> to vector<128x256xf32>
    %add3A_32 = arith.addf %dot_general3A_28, %add3A : vector<128x256xf32>
    %convert_element_type3A_33 = arith.truncf %add3A_32 : vector<128x256xf32> to vector<128x256xbf16>
    %get3A_34 = arith.constant 0 : index
    %get3A_35 = arith.constant 0 : index
    %get3A_36 = vector.load %arg5[%get3A_34, %get3A_35] : memref<256x256xf32, #tpu.memory_space<vmem>>, vector<256x256xf32>
    %convert_element_type3A_37 = arith.truncf %get3A_36 : vector<256x256xf32> to vector<256x256xbf16>
    %dot_general3A_38 = arith.constant dense<0.000000e+00> : vector<128x256xf32>
    %dot_general3A_39 = tpu.matmul %convert_element_type3A_33, %convert_element_type3A_37, %dot_general3A_38 {dimension_numbers = #tpu.dot_dimension_numbers<[1], [0], [0], [1], [0, 0, 1, 1], [], []>, transpose_lhs_hint = false} : vector<128x256xbf16>, vector<256x256xbf16>, vector<128x256xf32> -> vector<128x256xf32>
    %get3A_40 = arith.constant 0 : index
    %get3A_41 = arith.constant 0 : index
    %get3A_42 = vector.load %arg6[%get3A_40, %get3A_41] : memref<1x256xf32, #tpu.memory_space<vmem>>, vector<1x256xf32>
    %add3A_43 = vector.broadcast %get3A_42 : vector<1x256xf32> to vector<128x256xf32>
    %add3A_44 = arith.addf %dot_general3A_39, %add3A_43 : vector<128x256xf32>
    %swap3A_45 = arith.constant 0 : index
    %swap3A_46 = arith.constant 0 : index
    %swap3A_47 = vector.load %arg9[%swap3A_45, %swap3A_46] : memref<128x256xf32, #tpu.memory_space<vmem>>, vector<128x256xf32>
    tpu.vector_store %arg9[%swap3A_45, %swap3A_46], %add3A_44 {strides = array<i32>} : memref<128x256xf32, #tpu.memory_space<vmem>>, vector<128x256xf32>,
    return
  }
}

module attributes {stable_mosaic.version = 14 : i64} {
  func.func @_d_body(%arg0: memref<128x256xf32, #tpu.memory_space<vmem>>, %arg1: memref<1x128xf32, #tpu.memory_space<vmem>>, %arg2: memref<128x128xf32, #tpu.memory_space<vmem>>) attributes {dimension_semantics = [], scalar_prefetch = 0 : i64, scratch_operands = 0 : i64, tpu.core_type = #tpu.core_type<tc>} {
    %get3A = arith.constant 0 : index
    %get3A_0 = arith.constant 0 : index
    %get3A_1 = vector.load %arg0[%get3A, %get3A_0] : memref<128x256xf32, #tpu.memory_space<vmem>>, vector<128x256xf32>
    %convert_element_type3A = arith.truncf %get3A_1 : vector<128x256xf32> to vector<128x256xbf16>
    %dot_general3A = arith.constant dense<0.000000e+00> : vector<128x128xf32>
    %dot_general3A_2 = tpu.matmul %convert_element_type3A, %convert_element_type3A, %dot_general3A {dimension_numbers = #tpu.dot_dimension_numbers<[1], [1], [0], [0], [0, 0, 1, 0], [], []>, transpose_lhs_hint = false} : vector<128x256xbf16>, vector<128x256xbf16>, vector<128x128xf32> -> vector<128x128xf32>
    %get3A_3 = arith.constant 0 : index
    %get3A_4 = arith.constant 0 : index
    %get3A_5 = vector.load %arg1[%get3A_3, %get3A_4] : memref<1x128xf32, #tpu.memory_space<vmem>>, vector<1x128xf32>
    %transpose3A = tpu.transpose %get3A_5, [1, 0] : vector<1x128xf32> -> vector<128x1xf32>
    %add3A = vector.broadcast %transpose3A : vector<128x1xf32> to vector<128x128xf32>
    %add3A_6 = vector.broadcast %get3A_5 : vector<1x128xf32> to vector<128x128xf32>
    %add3A_7 = arith.addf %add3A, %add3A_6 : vector<128x128xf32>
    %mul3A = arith.constant 2.000000e+00 : f32
    %mul3A_8 = vector.broadcast %mul3A : f32 to vector<128x128xf32>
    %mul3A_9 = arith.mulf %mul3A_8, %dot_general3A_2 : vector<128x128xf32>
    %sub3A = arith.subf %add3A_7, %mul3A_9 : vector<128x128xf32>
    %neg3A = arith.constant 0.000000e+00 : f32
    %neg3A_10 = vector.broadcast %neg3A : f32 to vector<128x128xf32>
    %neg3A_11 = arith.subf %neg3A_10, %sub3A : vector<128x128xf32>
    %iota3A = tpu.iota {dimensions = array<i32: 1>} : vector<128x128xi32>
    %broadcast_in_dim3A = arith.constant 0.000000e+00 : f32
    %broadcast_in_dim3A_12 = vector.broadcast %broadcast_in_dim3A : f32 to vector<128x128xf32>
    %reduce_max3A = arith.constant dense<0xFF800000> : vector<128xf32>
    %reduce_max3A_13 = vector.multi_reduction <maximumf>, %neg3A_11, %reduce_max3A [1] : vector<128x128xf32> to vector<128xf32>
    %broadcast_in_dim3A_14 = vector.shape_cast %reduce_max3A_13 : vector<128xf32> to vector<128x1xf32>
    %eq3A = vector.broadcast %broadcast_in_dim3A_14 : vector<128x1xf32> to vector<128x128xf32>
    %eq3A_15 = arith.cmpf oeq, %neg3A_11, %eq3A : vector<128x128xf32>
    %jit3A = arith.constant 128 : i32
    %broadcast_in_dim3A_16 = vector.broadcast %jit3A : i32 to vector<128x128xi32>
    %select_n3A = arith.select %eq3A_15, %iota3A, %broadcast_in_dim3A_16 : vector<128x128xi1>, vector<128x128xi32>
    %reduce_min3A = arith.constant dense<2147483647> : vector<128xi32>
    %reduce_min3A_17 = vector.multi_reduction <minsi>, %select_n3A, %reduce_min3A [1] : vector<128x128xi32> to vector<128xi32>
    %broadcast_in_dim3A_18 = vector.shape_cast %reduce_min3A_17 : vector<128xi32> to vector<128x1xi32>
    %eq3A_19 = vector.broadcast %broadcast_in_dim3A_18 : vector<128x1xi32> to vector<128x128xi32>
    %eq3A_20 = arith.cmpi eq, %iota3A, %eq3A_19 : vector<128x128xi32>
    %convert_element_type3A_21 = arith.extui %eq3A_20 : vector<128x128xi1> to vector<128x128xi32>
    %convert_element_type3A_22 = arith.sitofp %convert_element_type3A_21 : vector<128x128xi32> to vector<128x128xf32>
    %add3A_23 = arith.addf %broadcast_in_dim3A_12, %convert_element_type3A_22 : vector<128x128xf32>
    %jit3A_24 = arith.constant 0xFF800000 : f32
    %broadcast_in_dim3A_25 = vector.broadcast %jit3A_24 : f32 to vector<128x128xf32>
    %select_n3A_26 = arith.select %eq3A_20, %broadcast_in_dim3A_25, %neg3A_11 : vector<128x128xi1>, vector<128x128xf32>
    %reduce_max3A_27 = arith.constant dense<0xFF800000> : vector<128xf32>
    %reduce_max3A_28 = vector.multi_reduction <maximumf>, %select_n3A_26, %reduce_max3A_27 [1] : vector<128x128xf32> to vector<128xf32>
    %broadcast_in_dim3A_29 = vector.shape_cast %reduce_max3A_28 : vector<128xf32> to vector<128x1xf32>
    %eq3A_30 = vector.broadcast %broadcast_in_dim3A_29 : vector<128x1xf32> to vector<128x128xf32>
    %eq3A_31 = arith.cmpf oeq, %select_n3A_26, %eq3A_30 : vector<128x128xf32>
    %jit3A_32 = arith.constant 128 : i32
    %broadcast_in_dim3A_33 = vector.broadcast %jit3A_32 : i32 to vector<128x128xi32>
    %select_n3A_34 = arith.select %eq3A_31, %iota3A, %broadcast_in_dim3A_33 : vector<128x128xi1>, vector<128x128xi32>
    %reduce_min3A_35 = arith.constant dense<2147483647> : vector<128xi32>
    %reduce_min3A_36 = vector.multi_reduction <minsi>, %select_n3A_34, %reduce_min3A_35 [1] : vector<128x128xi32> to vector<128xi32>
    %broadcast_in_dim3A_37 = vector.shape_cast %reduce_min3A_36 : vector<128xi32> to vector<128x1xi32>
    %eq3A_38 = vector.broadcast %broadcast_in_dim3A_37 : vector<128x1xi32> to vector<128x128xi32>
    %eq3A_39 = arith.cmpi eq, %iota3A, %eq3A_38 : vector<128x128xi32>
    %convert_element_type3A_40 = arith.extui %eq3A_39 : vector<128x128xi1> to vector<128x128xi32>
    %convert_element_type3A_41 = arith.sitofp %convert_element_type3A_40 : vector<128x128xi32> to vector<128x128xf32>
    %add3A_42 = arith.addf %add3A_23, %convert_element_type3A_41 : vector<128x128xf32>
    %jit3A_43 = arith.constant 0xFF800000 : f32
    %broadcast_in_dim3A_44 = vector.broadcast %jit3A_43 : f32 to vector<128x128xf32>
    %select_n3A_45 = arith.select %eq3A_39, %broadcast_in_dim3A_44, %select_n3A_26 : vector<128x128xi1>, vector<128x128xf32>
    %reduce_max3A_46 = arith.constant dense<0xFF800000> : vector<128xf32>
    %reduce_max3A_47 = vector.multi_reduction <maximumf>, %select_n3A_45, %reduce_max3A_46 [1] : vector<128x128xf32> to vector<128xf32>
    %broadcast_in_dim3A_48 = vector.shape_cast %reduce_max3A_47 : vector<128xf32> to vector<128x1xf32>
    %eq3A_49 = vector.broadcast %broadcast_in_dim3A_48 : vector<128x1xf32> to vector<128x128xf32>
    %eq3A_50 = arith.cmpf oeq, %select_n3A_45, %eq3A_49 : vector<128x128xf32>
    %jit3A_51 = arith.constant 128 : i32
    %broadcast_in_dim3A_52 = vector.broadcast %jit3A_51 : i32 to vector<128x128xi32>
    %select_n3A_53 = arith.select %eq3A_50, %iota3A, %broadcast_in_dim3A_52 : vector<128x128xi1>, vector<128x128xi32>
    %reduce_min3A_54 = arith.constant dense<2147483647> : vector<128xi32>
    %reduce_min3A_55 = vector.multi_reduction <minsi>, %select_n3A_53, %reduce_min3A_54 [1] : vector<128x128xi32> to vector<128xi32>
    %broadcast_in_dim3A_56 = vector.shape_cast %reduce_min3A_55 : vector<128xi32> to vector<128x1xi32>
    %eq3A_57 = vector.broadcast %broadcast_in_dim3A_56 : vector<128x1xi32> to vector<128x128xi32>
    %eq3A_58 = arith.cmpi eq, %iota3A, %eq3A_57 : vector<128x128xi32>
    %convert_element_type3A_59 = arith.extui %eq3A_58 : vector<128x128xi1> to vector<128x128xi32>
    %convert_element_type3A_60 = arith.sitofp %convert_element_type3A_59 : vector<128x128xi32> to vector<128x128xf32>
    %add3A_61 = arith.addf %add3A_42, %convert_element_type3A_60 : vector<128x128xf32>
    %jit3A_62 = arith.constant 0xFF800000 : f32
    %broadcast_in_dim3A_63 = vector.broadcast %jit3A_62 : f32 to vector<128x128xf32>
    %select_n3A_64 = arith.select %eq3A_58, %broadcast_in_dim3A_63, %select_n3A_45 : vector<128x128xi1>, vector<128x128xf32>
    %reduce_max3A_65 = arith.constant dense<0xFF800000> : vector<128xf32>
    %reduce_max3A_66 = vector.multi_reduction <maximumf>, %select_n3A_64, %reduce_max3A_65 [1] : vector<128x128xf32> to vector<128xf32>
    %broadcast_in_dim3A_67 = vector.shape_cast %reduce_max3A_66 : vector<128xf32> to vector<128x1xf32>
    %eq3A_68 = vector.broadcast %broadcast_in_dim3A_67 : vector<128x1xf32> to vector<128x128xf32>
    %eq3A_69 = arith.cmpf oeq, %select_n3A_64, %eq3A_68 : vector<128x128xf32>
    %jit3A_70 = arith.constant 128 : i32
    %broadcast_in_dim3A_71 = vector.broadcast %jit3A_70 : i32 to vector<128x128xi32>
    %select_n3A_72 = arith.select %eq3A_69, %iota3A, %broadcast_in_dim3A_71 : vector<128x128xi1>, vector<128x128xi32>
    %reduce_min3A_73 = arith.constant dense<2147483647> : vector<128xi32>
    %reduce_min3A_74 = vector.multi_reduction <minsi>, %select_n3A_72, %reduce_min3A_73 [1] : vector<128x128xi32> to vector<128xi32>
    %broadcast_in_dim3A_75 = vector.shape_cast %reduce_min3A_74 : vector<128xi32> to vector<128x1xi32>
    %eq3A_76 = vector.broadcast %broadcast_in_dim3A_75 : vector<128x1xi32> to vector<128x128xi32>
    %eq3A_77 = arith.cmpi eq, %iota3A, %eq3A_76 : vector<128x128xi32>
    %convert_element_type3A_78 = arith.extui %eq3A_77 : vector<128x128xi1> to vector<128x128xi32>
    %convert_element_type3A_79 = arith.sitofp %convert_element_type3A_78 : vector<128x128xi32> to vector<128x128xf32>
    %add3A_80 = arith.addf %add3A_61, %convert_element_type3A_79 : vector<128x128xf32>
    %jit3A_81 = arith.constant 0xFF800000 : f32
    %broadcast_in_dim3A_82 = vector.broadcast %jit3A_81 : f32 to vector<128x128xf32>
    %select_n3A_83 = arith.select %eq3A_77, %broadcast_in_dim3A_82, %select_n3A_64 : vector<128x128xi1>, vector<128x128xf32>
    %reduce_max3A_84 = arith.constant dense<0xFF800000> : vector<128xf32>
    %reduce_max3A_85 = vector.multi_reduction <maximumf>, %select_n3A_83, %reduce_max3A_84 [1] : vector<128x128xf32> to vector<128xf32>
    %broadcast_in_dim3A_86 = vector.shape_cast %reduce_max3A_85 : vector<128xf32> to vector<128x1xf32>
    %eq3A_87 = vector.broadcast %broadcast_in_dim3A_86 : vector<128x1xf32> to vector<128x128xf32>
    %eq3A_88 = arith.cmpf oeq, %select_n3A_83, %eq3A_87 : vector<128x128xf32>
    %jit3A_89 = arith.constant 128 : i32
    %broadcast_in_dim3A_90 = vector.broadcast %jit3A_89 : i32 to vector<128x128xi32>
    %select_n3A_91 = arith.select %eq3A_88, %iota3A, %broadcast_in_dim3A_90 : vector<128x128xi1>, vector<128x128xi32>
    %reduce_min3A_92 = arith.constant dense<2147483647> : vector<128xi32>
    %reduce_min3A_93 = vector.multi_reduction <minsi>, %select_n3A_91, %reduce_min3A_92 [1] : vector<128x128xi32> to vector<128xi32>
    %broadcast_in_dim3A_94 = vector.shape_cast %reduce_min3A_93 : vector<128xi32> to vector<128x1xi32>
    %eq3A_95 = vector.broadcast %broadcast_in_dim3A_94 : vector<128x1xi32> to vector<128x128xi32>
    %eq3A_96 = arith.cmpi eq, %iota3A, %eq3A_95 : vector<128x128xi32>
    %convert_element_type3A_97 = arith.extui %eq3A_96 : vector<128x128xi1> to vector<128x128xi32>
    %convert_element_type3A_98 = arith.sitofp %convert_element_type3A_97 : vector<128x128xi32> to vector<128x128xf32>
    %add3A_99 = arith.addf %add3A_80, %convert_element_type3A_98 : vector<128x128xf32>
    %jit3A_100 = arith.constant 0xFF800000 : f32
    %broadcast_in_dim3A_101 = vector.broadcast %jit3A_100 : f32 to vector<128x128xf32>
    %select_n3A_102 = arith.select %eq3A_96, %broadcast_in_dim3A_101, %select_n3A_83 : vector<128x128xi1>, vector<128x128xf32>
    %reduce_max3A_103 = arith.constant dense<0xFF800000> : vector<128xf32>
    %reduce_max3A_104 = vector.multi_reduction <maximumf>, %select_n3A_102, %reduce_max3A_103 [1] : vector<128x128xf32> to vector<128xf32>
    %broadcast_in_dim3A_105 = vector.shape_cast %reduce_max3A_104 : vector<128xf32> to vector<128x1xf32>
    %eq3A_106 = vector.broadcast %broadcast_in_dim3A_105 : vector<128x1xf32> to vector<128x128xf32>
    %eq3A_107 = arith.cmpf oeq, %select_n3A_102, %eq3A_106 : vector<128x128xf32>
    %jit3A_108 = arith.constant 128 : i32
    %broadcast_in_dim3A_109 = vector.broadcast %jit3A_108 : i32 to vector<128x128xi32>
    %select_n3A_110 = arith.select %eq3A_107, %iota3A, %broadcast_in_dim3A_109 : vector<128x128xi1>, vector<128x128xi32>
    %reduce_min3A_111 = arith.constant dense<2147483647> : vector<128xi32>
    %reduce_min3A_112 = vector.multi_reduction <minsi>, %select_n3A_110, %reduce_min3A_111 [1] : vector<128x128xi32> to vector<128xi32>
    %broadcast_in_dim3A_113 = vector.shape_cast %reduce_min3A_112 : vector<128xi32> to vector<128x1xi32>
    %eq3A_114 = vector.broadcast %broadcast_in_dim3A_113 : vector<128x1xi32> to vector<128x128xi32>
    %eq3A_115 = arith.cmpi eq, %iota3A, %eq3A_114 : vector<128x128xi32>
    %convert_element_type3A_116 = arith.extui %eq3A_115 : vector<128x128xi1> to vector<128x128xi32>
    %convert_element_type3A_117 = arith.sitofp %convert_element_type3A_116 : vector<128x128xi32> to vector<128x128xf32>
    %add3A_118 = arith.addf %add3A_99, %convert_element_type3A_117 : vector<128x128xf32>
    %jit3A_119 = arith.constant 0xFF800000 : f32
    %broadcast_in_dim3A_120 = vector.broadcast %jit3A_119 : f32 to vector<128x128xf32>
    %select_n3A_121 = arith.select %eq3A_115, %broadcast_in_dim3A_120, %select_n3A_102 : vector<128x128xi1>, vector<128x128xf32>
    %reduce_max3A_122 = arith.constant dense<0xFF800000> : vector<128xf32>
    %reduce_max3A_123 = vector.multi_reduction <maximumf>, %select_n3A_121, %reduce_max3A_122 [1] : vector<128x128xf32> to vector<128xf32>
    %broadcast_in_dim3A_124 = vector.shape_cast %reduce_max3A_123 : vector<128xf32> to vector<128x1xf32>
    %eq3A_125 = vector.broadcast %broadcast_in_dim3A_124 : vector<128x1xf32> to vector<128x128xf32>
    %eq3A_126 = arith.cmpf oeq, %select_n3A_121, %eq3A_125 : vector<128x128xf32>
    %jit3A_127 = arith.constant 128 : i32
    %broadcast_in_dim3A_128 = vector.broadcast %jit3A_127 : i32 to vector<128x128xi32>
    %select_n3A_129 = arith.select %eq3A_126, %iota3A, %broadcast_in_dim3A_128 : vector<128x128xi1>, vector<128x128xi32>
    %reduce_min3A_130 = arith.constant dense<2147483647> : vector<128xi32>
    %reduce_min3A_131 = vector.multi_reduction <minsi>, %select_n3A_129, %reduce_min3A_130 [1] : vector<128x128xi32> to vector<128xi32>
    %broadcast_in_dim3A_132 = vector.shape_cast %reduce_min3A_131 : vector<128xi32> to vector<128x1xi32>
    %eq3A_133 = vector.broadcast %broadcast_in_dim3A_132 : vector<128x1xi32> to vector<128x128xi32>
    %eq3A_134 = arith.cmpi eq, %iota3A, %eq3A_133 : vector<128x128xi32>
    %convert_element_type3A_135 = arith.extui %eq3A_134 : vector<128x128xi1> to vector<128x128xi32>
    %convert_element_type3A_136 = arith.sitofp %convert_element_type3A_135 : vector<128x128xi32> to vector<128x128xf32>
    %add3A_137 = arith.addf %add3A_118, %convert_element_type3A_136 : vector<128x128xf32>
    %jit3A_138 = arith.constant 0xFF800000 : f32
    %broadcast_in_dim3A_139 = vector.broadcast %jit3A_138 : f32 to vector<128x128xf32>
    %select_n3A_140 = arith.select %eq3A_134, %broadcast_in_dim3A_139, %select_n3A_121 : vector<128x128xi1>, vector<128x128xf32>
    %reduce_max3A_141 = arith.constant dense<0xFF800000> : vector<128xf32>
    %reduce_max3A_142 = vector.multi_reduction <maximumf>, %select_n3A_140, %reduce_max3A_141 [1] : vector<128x128xf32> to vector<128xf32>
    %broadcast_in_dim3A_143 = vector.shape_cast %reduce_max3A_142 : vector<128xf32> to vector<128x1xf32>
    %eq3A_144 = vector.broadcast %broadcast_in_dim3A_143 : vector<128x1xf32> to vector<128x128xf32>
    %eq3A_145 = arith.cmpf oeq, %select_n3A_140, %eq3A_144 : vector<128x128xf32>
    %jit3A_146 = arith.constant 128 : i32
    %broadcast_in_dim3A_147 = vector.broadcast %jit3A_146 : i32 to vector<128x128xi32>
    %select_n3A_148 = arith.select %eq3A_145, %iota3A, %broadcast_in_dim3A_147 : vector<128x128xi1>, vector<128x128xi32>
    %reduce_min3A_149 = arith.constant dense<2147483647> : vector<128xi32>
    %reduce_min3A_150 = vector.multi_reduction <minsi>, %select_n3A_148, %reduce_min3A_149 [1] : vector<128x128xi32> to vector<128xi32>
    %broadcast_in_dim3A_151 = vector.shape_cast %reduce_min3A_150 : vector<128xi32> to vector<128x1xi32>
    %eq3A_152 = vector.broadcast %broadcast_in_dim3A_151 : vector<128x1xi32> to vector<128x128xi32>
    %eq3A_153 = arith.cmpi eq, %iota3A, %eq3A_152 : vector<128x128xi32>
    %convert_element_type3A_154 = arith.extui %eq3A_153 : vector<128x128xi1> to vector<128x128xi32>
    %convert_element_type3A_155 = arith.sitofp %convert_element_type3A_154 : vector<128x128xi32> to vector<128x128xf32>
    %add3A_156 = arith.addf %add3A_137, %convert_element_type3A_155 : vector<128x128xf32>
    %jit3A_157 = arith.constant 0xFF800000 : f32
    %broadcast_in_dim3A_158 = vector.broadcast %jit3A_157 : f32 to vector<128x128xf32>
    %select_n3A_159 = arith.select %eq3A_153, %broadcast_in_dim3A_158, %select_n3A_140 : vector<128x128xi1>, vector<128x128xf32>
    %reduce_max3A_160 = arith.constant dense<0xFF800000> : vector<128xf32>
    %reduce_max3A_161 = vector.multi_reduction <maximumf>, %select_n3A_159, %reduce_max3A_160 [1] : vector<128x128xf32> to vector<128xf32>
    %broadcast_in_dim3A_162 = vector.shape_cast %reduce_max3A_161 : vector<128xf32> to vector<128x1xf32>
    %eq3A_163 = vector.broadcast %broadcast_in_dim3A_162 : vector<128x1xf32> to vector<128x128xf32>
    %eq3A_164 = arith.cmpf oeq, %select_n3A_159, %eq3A_163 : vector<128x128xf32>
    %jit3A_165 = arith.constant 128 : i32
    %broadcast_in_dim3A_166 = vector.broadcast %jit3A_165 : i32 to vector<128x128xi32>
    %select_n3A_167 = arith.select %eq3A_164, %iota3A, %broadcast_in_dim3A_166 : vector<128x128xi1>, vector<128x128xi32>
    %reduce_min3A_168 = arith.constant dense<2147483647> : vector<128xi32>
    %reduce_min3A_169 = vector.multi_reduction <minsi>, %select_n3A_167, %reduce_min3A_168 [1] : vector<128x128xi32> to vector<128xi32>
    %broadcast_in_dim3A_170 = vector.shape_cast %reduce_min3A_169 : vector<128xi32> to vector<128x1xi32>
    %eq3A_171 = vector.broadcast %broadcast_in_dim3A_170 : vector<128x1xi32> to vector<128x128xi32>
    %eq3A_172 = arith.cmpi eq, %iota3A, %eq3A_171 : vector<128x128xi32>
    %convert_element_type3A_173 = arith.extui %eq3A_172 : vector<128x128xi1> to vector<128x128xi32>
    %convert_element_type3A_174 = arith.sitofp %convert_element_type3A_173 : vector<128x128xi32> to vector<128x128xf32>
    %add3A_175 = arith.addf %add3A_156, %convert_element_type3A_174 : vector<128x128xf32>
    %jit3A_176 = arith.constant 0xFF800000 : f32
    %broadcast_in_dim3A_177 = vector.broadcast %jit3A_176 : f32 to vector<128x128xf32>
    %select_n3A_178 = arith.select %eq3A_172, %broadcast_in_dim3A_177, %select_n3A_159 : vector<128x128xi1>, vector<128x128xf32>
    %reduce_max3A_179 = arith.constant dense<0xFF800000> : vector<128xf32>
    %reduce_max3A_180 = vector.multi_reduction <maximumf>, %select_n3A_178, %reduce_max3A_179 [1] : vector<128x128xf32> to vector<128xf32>
    %broadcast_in_dim3A_181 = vector.shape_cast %reduce_max3A_180 : vector<128xf32> to vector<128x1xf32>
    %eq3A_182 = vector.broadcast %broadcast_in_dim3A_181 : vector<128x1xf32> to vector<128x128xf32>
    %eq3A_183 = arith.cmpf oeq, %select_n3A_178, %eq3A_182 : vector<128x128xf32>
    %jit3A_184 = arith.constant 128 : i32
    %broadcast_in_dim3A_185 = vector.broadcast %jit3A_184 : i32 to vector<128x128xi32>
    %select_n3A_186 = arith.select %eq3A_183, %iota3A, %broadcast_in_dim3A_185 : vector<128x128xi1>, vector<128x128xi32>
    %reduce_min3A_187 = arith.constant dense<2147483647> : vector<128xi32>
    %reduce_min3A_188 = vector.multi_reduction <minsi>, %select_n3A_186, %reduce_min3A_187 [1] : vector<128x128xi32> to vector<128xi32>
    %broadcast_in_dim3A_189 = vector.shape_cast %reduce_min3A_188 : vector<128xi32> to vector<128x1xi32>
    %eq3A_190 = vector.broadcast %broadcast_in_dim3A_189 : vector<128x1xi32> to vector<128x128xi32>
    %eq3A_191 = arith.cmpi eq, %iota3A, %eq3A_190 : vector<128x128xi32>
    %convert_element_type3A_192 = arith.extui %eq3A_191 : vector<128x128xi1> to vector<128x128xi32>
    %convert_element_type3A_193 = arith.sitofp %convert_element_type3A_192 : vector<128x128xi32> to vector<128x128xf32>
    %add3A_194 = arith.addf %add3A_175, %convert_element_type3A_193 : vector<128x128xf32>
    %jit3A_195 = arith.constant 0xFF800000 : f32
    %broadcast_in_dim3A_196 = vector.broadcast %jit3A_195 : f32 to vector<128x128xf32>
    %select_n3A_197 = arith.select %eq3A_191, %broadcast_in_dim3A_196, %select_n3A_178 : vector<128x128xi1>, vector<128x128xf32>
    %reduce_max3A_198 = arith.constant dense<0xFF800000> : vector<128xf32>
    %reduce_max3A_199 = vector.multi_reduction <maximumf>, %select_n3A_197, %reduce_max3A_198 [1] : vector<128x128xf32> to vector<128xf32>
    %broadcast_in_dim3A_200 = vector.shape_cast %reduce_max3A_199 : vector<128xf32> to vector<128x1xf32>
    %eq3A_201 = vector.broadcast %broadcast_in_dim3A_200 : vector<128x1xf32> to vector<128x128xf32>
    %eq3A_202 = arith.cmpf oeq, %select_n3A_197, %eq3A_201 : vector<128x128xf32>
    %jit3A_203 = arith.constant 128 : i32
    %broadcast_in_dim3A_204 = vector.broadcast %jit3A_203 : i32 to vector<128x128xi32>
    %select_n3A_205 = arith.select %eq3A_202, %iota3A, %broadcast_in_dim3A_204 : vector<128x128xi1>, vector<128x128xi32>
    %reduce_min3A_206 = arith.constant dense<2147483647> : vector<128xi32>
    %reduce_min3A_207 = vector.multi_reduction <minsi>, %select_n3A_205, %reduce_min3A_206 [1] : vector<128x128xi32> to vector<128xi32>
    %broadcast_in_dim3A_208 = vector.shape_cast %reduce_min3A_207 : vector<128xi32> to vector<128x1xi32>
    %eq3A_209 = vector.broadcast %broadcast_in_dim3A_208 : vector<128x1xi32> to vector<128x128xi32>
    %eq3A_210 = arith.cmpi eq, %iota3A, %eq3A_209 : vector<128x128xi32>
    %convert_element_type3A_211 = arith.extui %eq3A_210 : vector<128x128xi1> to vector<128x128xi32>
    %convert_element_type3A_212 = arith.sitofp %convert_element_type3A_211 : vector<128x128xi32> to vector<128x128xf32>
    %add3A_213 = arith.addf %add3A_194, %convert_element_type3A_212 : vector<128x128xf32>
    %jit3A_214 = arith.constant 0xFF800000 : f32
    %broadcast_in_dim3A_215 = vector.broadcast %jit3A_214 : f32 to vector<128x128xf32>
    %select_n3A_216 = arith.select %eq3A_210, %broadcast_in_dim3A_215, %select_n3A_197 : vector<128x128xi1>, vector<128x128xf32>
    %reduce_max3A_217 = arith.constant dense<0xFF800000> : vector<128xf32>
    %reduce_max3A_218 = vector.multi_reduction <maximumf>, %select_n3A_216, %reduce_max3A_217 [1] : vector<128x128xf32> to vector<128xf32>
    %broadcast_in_dim3A_219 = vector.shape_cast %reduce_max3A_218 : vector<128xf32> to vector<128x1xf32>
    %eq3A_220 = vector.broadcast %broadcast_in_dim3A_219 : vector<128x1xf32> to vector<128x128xf32>
    %eq3A_221 = arith.cmpf oeq, %select_n3A_216, %eq3A_220 : vector<128x128xf32>
    %jit3A_222 = arith.constant 128 : i32
    %broadcast_in_dim3A_223 = vector.broadcast %jit3A_222 : i32 to vector<128x128xi32>
    %select_n3A_224 = arith.select %eq3A_221, %iota3A, %broadcast_in_dim3A_223 : vector<128x128xi1>, vector<128x128xi32>
    %reduce_min3A_225 = arith.constant dense<2147483647> : vector<128xi32>
    %reduce_min3A_226 = vector.multi_reduction <minsi>, %select_n3A_224, %reduce_min3A_225 [1] : vector<128x128xi32> to vector<128xi32>
    %broadcast_in_dim3A_227 = vector.shape_cast %reduce_min3A_226 : vector<128xi32> to vector<128x1xi32>
    %eq3A_228 = vector.broadcast %broadcast_in_dim3A_227 : vector<128x1xi32> to vector<128x128xi32>
    %eq3A_229 = arith.cmpi eq, %iota3A, %eq3A_228 : vector<128x128xi32>
    %convert_element_type3A_230 = arith.extui %eq3A_229 : vector<128x128xi1> to vector<128x128xi32>
    %convert_element_type3A_231 = arith.sitofp %convert_element_type3A_230 : vector<128x128xi32> to vector<128x128xf32>
    %add3A_232 = arith.addf %add3A_213, %convert_element_type3A_231 : vector<128x128xf32>
    %jit3A_233 = arith.constant 0xFF800000 : f32
    %broadcast_in_dim3A_234 = vector.broadcast %jit3A_233 : f32 to vector<128x128xf32>
    %select_n3A_235 = arith.select %eq3A_229, %broadcast_in_dim3A_234, %select_n3A_216 : vector<128x128xi1>, vector<128x128xf32>
    %reduce_max3A_236 = arith.constant dense<0xFF800000> : vector<128xf32>
    %reduce_max3A_237 = vector.multi_reduction <maximumf>, %select_n3A_235, %reduce_max3A_236 [1] : vector<128x128xf32> to vector<128xf32>
    %broadcast_in_dim3A_238 = vector.shape_cast %reduce_max3A_237 : vector<128xf32> to vector<128x1xf32>
    %eq3A_239 = vector.broadcast %broadcast_in_dim3A_238 : vector<128x1xf32> to vector<128x128xf32>
    %eq3A_240 = arith.cmpf oeq, %select_n3A_235, %eq3A_239 : vector<128x128xf32>
    %jit3A_241 = arith.constant 128 : i32
    %broadcast_in_dim3A_242 = vector.broadcast %jit3A_241 : i32 to vector<128x128xi32>
    %select_n3A_243 = arith.select %eq3A_240, %iota3A, %broadcast_in_dim3A_242 : vector<128x128xi1>, vector<128x128xi32>
    %reduce_min3A_244 = arith.constant dense<2147483647> : vector<128xi32>
    %reduce_min3A_245 = vector.multi_reduction <minsi>, %select_n3A_243, %reduce_min3A_244 [1] : vector<128x128xi32> to vector<128xi32>
    %broadcast_in_dim3A_246 = vector.shape_cast %reduce_min3A_245 : vector<128xi32> to vector<128x1xi32>
    %eq3A_247 = vector.broadcast %broadcast_in_dim3A_246 : vector<128x1xi32> to vector<128x128xi32>
    %eq3A_248 = arith.cmpi eq, %iota3A, %eq3A_247 : vector<128x128xi32>
    %convert_element_type3A_249 = arith.extui %eq3A_248 : vector<128x128xi1> to vector<128x128xi32>
    %convert_element_type3A_250 = arith.sitofp %convert_element_type3A_249 : vector<128x128xi32> to vector<128x128xf32>
    %add3A_251 = arith.addf %add3A_232, %convert_element_type3A_250 : vector<128x128xf32>
    %jit3A_252 = arith.constant 0xFF800000 : f32
    %broadcast_in_dim3A_253 = vector.broadcast %jit3A_252 : f32 to vector<128x128xf32>
    %select_n3A_254 = arith.select %eq3A_248, %broadcast_in_dim3A_253, %select_n3A_235 : vector<128x128xi1>, vector<128x128xf32>
    %reduce_max3A_255 = arith.constant dense<0xFF800000> : vector<128xf32>
    %reduce_max3A_256 = vector.multi_reduction <maximumf>, %select_n3A_254, %reduce_max3A_255 [1] : vector<128x128xf32> to vector<128xf32>
    %broadcast_in_dim3A_257 = vector.shape_cast %reduce_max3A_256 : vector<128xf32> to vector<128x1xf32>
    %eq3A_258 = vector.broadcast %broadcast_in_dim3A_257 : vector<128x1xf32> to vector<128x128xf32>
    %eq3A_259 = arith.cmpf oeq, %select_n3A_254, %eq3A_258 : vector<128x128xf32>
    %jit3A_260 = arith.constant 128 : i32
    %broadcast_in_dim3A_261 = vector.broadcast %jit3A_260 : i32 to vector<128x128xi32>
    %select_n3A_262 = arith.select %eq3A_259, %iota3A, %broadcast_in_dim3A_261 : vector<128x128xi1>, vector<128x128xi32>
    %reduce_min3A_263 = arith.constant dense<2147483647> : vector<128xi32>
    %reduce_min3A_264 = vector.multi_reduction <minsi>, %select_n3A_262, %reduce_min3A_263 [1] : vector<128x128xi32> to vector<128xi32>
    %broadcast_in_dim3A_265 = vector.shape_cast %reduce_min3A_264 : vector<128xi32> to vector<128x1xi32>
    %eq3A_266 = vector.broadcast %broadcast_in_dim3A_265 : vector<128x1xi32> to vector<128x128xi32>
    %eq3A_267 = arith.cmpi eq, %iota3A, %eq3A_266 : vector<128x128xi32>
    %convert_element_type3A_268 = arith.extui %eq3A_267 : vector<128x128xi1> to vector<128x128xi32>
    %convert_element_type3A_269 = arith.sitofp %convert_element_type3A_268 : vector<128x128xi32> to vector<128x128xf32>
    %add3A_270 = arith.addf %add3A_251, %convert_element_type3A_269 : vector<128x128xf32>
    %jit3A_271 = arith.constant 0xFF800000 : f32
    %broadcast_in_dim3A_272 = vector.broadcast %jit3A_271 : f32 to vector<128x128xf32>
    %select_n3A_273 = arith.select %eq3A_267, %broadcast_in_dim3A_272, %select_n3A_254 : vector<128x128xi1>, vector<128x128xf32>
    %reduce_max3A_274 = arith.constant dense<0xFF800000> : vector<128xf32>
    %reduce_max3A_275 = vector.multi_reduction <maximumf>, %select_n3A_273, %reduce_max3A_274 [1] : vector<128x128xf32> to vector<128xf32>
    %broadcast_in_dim3A_276 = vector.shape_cast %reduce_max3A_275 : vector<128xf32> to vector<128x1xf32>
    %eq3A_277 = vector.broadcast %broadcast_in_dim3A_276 : vector<128x1xf32> to vector<128x128xf32>
    %eq3A_278 = arith.cmpf oeq, %select_n3A_273, %eq3A_277 : vector<128x128xf32>
    %jit3A_279 = arith.constant 128 : i32
    %broadcast_in_dim3A_280 = vector.broadcast %jit3A_279 : i32 to vector<128x128xi32>
    %select_n3A_281 = arith.select %eq3A_278, %iota3A, %broadcast_in_dim3A_280 : vector<128x128xi1>, vector<128x128xi32>
    %reduce_min3A_282 = arith.constant dense<2147483647> : vector<128xi32>
    %reduce_min3A_283 = vector.multi_reduction <minsi>, %select_n3A_281, %reduce_min3A_282 [1] : vector<128x128xi32> to vector<128xi32>
    %broadcast_in_dim3A_284 = vector.shape_cast %reduce_min3A_283 : vector<128xi32> to vector<128x1xi32>
    %eq3A_285 = vector.broadcast %broadcast_in_dim3A_284 : vector<128x1xi32> to vector<128x128xi32>
    %eq3A_286 = arith.cmpi eq, %iota3A, %eq3A_285 : vector<128x128xi32>
    %convert_element_type3A_287 = arith.extui %eq3A_286 : vector<128x128xi1> to vector<128x128xi32>
    %convert_element_type3A_288 = arith.sitofp %convert_element_type3A_287 : vector<128x128xi32> to vector<128x128xf32>
    %add3A_289 = arith.addf %add3A_270, %convert_element_type3A_288 : vector<128x128xf32>
    %jit3A_290 = arith.constant 0xFF800000 : f32
    %broadcast_in_dim3A_291 = vector.broadcast %jit3A_290 : f32 to vector<128x128xf32>
    %select_n3A_292 = arith.select %eq3A_286, %broadcast_in_dim3A_291, %select_n3A_273 : vector<128x128xi1>, vector<128x128xf32>
    %reduce_max3A_293 = arith.constant dense<0xFF800000> : vector<128xf32>
    %reduce_max3A_294 = vector.multi_reduction <maximumf>, %select_n3A_292, %reduce_max3A_293 [1] : vector<128x128xf32> to vector<128xf32>
    %broadcast_in_dim3A_295 = vector.shape_cast %reduce_max3A_294 : vector<128xf32> to vector<128x1xf32>
    %eq3A_296 = vector.broadcast %broadcast_in_dim3A_295 : vector<128x1xf32> to vector<128x128xf32>
    %eq3A_297 = arith.cmpf oeq, %select_n3A_292, %eq3A_296 : vector<128x128xf32>
    %jit3A_298 = arith.constant 128 : i32
    %broadcast_in_dim3A_299 = vector.broadcast %jit3A_298 : i32 to vector<128x128xi32>
    %select_n3A_300 = arith.select %eq3A_297, %iota3A, %broadcast_in_dim3A_299 : vector<128x128xi1>, vector<128x128xi32>
    %reduce_min3A_301 = arith.constant dense<2147483647> : vector<128xi32>
    %reduce_min3A_302 = vector.multi_reduction <minsi>, %select_n3A_300, %reduce_min3A_301 [1] : vector<128x128xi32> to vector<128xi32>
    %broadcast_in_dim3A_303 = vector.shape_cast %reduce_min3A_302 : vector<128xi32> to vector<128x1xi32>
    %eq3A_304 = vector.broadcast %broadcast_in_dim3A_303 : vector<128x1xi32> to vector<128x128xi32>
    %eq3A_305 = arith.cmpi eq, %iota3A, %eq3A_304 : vector<128x128xi32>
    %convert_element_type3A_306 = arith.extui %eq3A_305 : vector<128x128xi1> to vector<128x128xi32>
    %convert_element_type3A_307 = arith.sitofp %convert_element_type3A_306 : vector<128x128xi32> to vector<128x128xf32>
    %add3A_308 = arith.addf %add3A_289, %convert_element_type3A_307 : vector<128x128xf32>
    %transpose3A_309 = tpu.transpose %add3A_308, [1, 0] : vector<128x128xf32> -> vector<128x128xf32>
    %add3A_310 = arith.addf %add3A_308, %transpose3A_309 : vector<128x128xf32>
    %mul3A_311 = arith.constant 5.000000e-01 : f32
    %mul3A_312 = vector.broadcast %mul3A_311 : f32 to vector<128x128xf32>
    %mul3A_313 = arith.mulf %add3A_310, %mul3A_312 : vector<128x128xf32>
    %swap3A = arith.constant 0 : index
    %swap3A_314 = arith.constant 0 : index
    %swap3A_315 = vector.load %arg2[%swap3A, %swap3A_314] : memref<128x128xf32, #tpu.memory_space<vmem>>, vector<128x128xf32>
    tpu.vector_store %arg2[%swap3A, %swap3A_314], %mul3A_313 {strides = array<i32>} : memref<128x128xf32, #tpu.memory_space<vmem>>, vector<128x128xf32>,
    return
  }
}

</mosaic_0001>

<sc_bundles>
// kernel: kernel.7.cloned.1.call-start
scs
__scs_entry_jumppad:
0x0: {  	(pc) =	sbr.rel $0x88, $3  }
0x1: {  	(tag) =	ssettag $0x0;
	lr =	simm.s32 $0x1  }
0x2: {  	[smem:$0x3F94] =	sst lr;
	_ =	strace $0xD0000000  }
0x3: {  	_ = 	snop  }
0x4: {  	_ = 	snop  }
0x5: {  	_ = 	snop  }
0x6: {  	_ = 	snop  }
0x7: {  	_ = 	snop  }
__scs_overlays_trampoline_lowered:
0x8: {  	[smem:$0x3FA3] =	sst s0  }
0x9: {  	[smem:$0x3FA4] =	sst s1  }
0xa: {  	[smem:$0x3FA5] =	sst s2  }
0xb: {  	[smem:$0x3FA6] =	sst s3  }
0xc: {  	[smem:$0x3FA7] =	sst s4  }
0xd: {  	[smem:$0x3FA8] =	sst s5  }
0xe: {  	[smem:$0x3FA9] =	sst s6  }
0xf: {  	[smem:$0x3FAA] =	sst s7  }
0x10: {  	[smem:$0x3FAB] =	sst s8  }
0x11: {  	[smem:$0x3FAC] =	sst s9;
	s0 =	simm.s32 @!p0 $0x0  }
0x12: {  	s1 =	sld [smem:$0x3F92];
	s0 =	simm.s32 @p0 $0x1  }
0x13: {  	[smem:$0x3FAD] =	sst s0;
	s0 =	simm.s32 @!p1 $0x0  }
0x14: {  	s2 =	sld [smem:$0x3F91];
	s0 =	simm.s32 @p1 $0x1  }
0x15: {  	[smem:$0x3FAE] =	sst s0;
	s0 =	simm.s32 @!p2 $0x0  }
0x16: {  	s3 =	sld [smem:$0x3FDB];
	s0 =	simm.s32 @p2 $0x1  }
0x17: {  	s4 =	simm.s32 $0x1BF5;
	[smem:$0x3FB0] =	sst s0  }
0x18: {  	s0 =	sld [smem:$0x3F93];
	_ =	swait.ge [sflag:s4], $0x0  }
0x19: {  	s7 =	sld [smem:$0x3F94]  }
0x1a: {  	s8 =	sadd.s32 $0xFFFFE003, lr  }
0x1b: {  	s9 =	sadd.s32 $0xFFFFFEF7, lr;
	s5 =	simm.s32 $0xFFFFFFFF;
	p2 =	slt.u32 s8, $0xFFFFF086  }
0x1c: {  	p1 =	slt.u32 s9, $0xF7A;
	s5 =	simm.s32 @!p2 $0x0  }
0x1d: {  	s5 =	simm.s32 @p1 $0x1;
	p0 =	seq.s32 s7, s2  }
0x1e: {  	s7 =	smul.u32 @!p0 $0xF7A, s2;
	p2 =	seq.s32 @!p0 s5, $0x0  }
0x1f: {  	s9 =	smul.u32 $0xF7A, s1;
	s8 =	simm.s32 @!p0 $0x1BF5;
	p2 =	por !p2, p0  }
0x20: {  	[sflag:s8] =	ssyncset.s32 @!p0 $0xFFFFF086;
	s6 =	sadd.s32 @!p0 s3, s7;
	s7 =	simm.s32 @!p0 $0x108  }
0x21: {  	s3 =	sadd.s32 s3, s9;
	s6 =	sadd.s32 @!p0 $0x88, s6;
	s7 =	simm.s32 @p2 $0x1082  }
0x22: {  	[simem:s7], [sflag:s8] =	dma.local @!p0 [hbm:s6], $0xF7A  }
0x23: {  	s9 =	sor.u32 $0xD0000000, s2;
	s6 =	simm.s32 $0x108;
	_ =	swait.ge @!p0 [sflag:s8], $0x0  }
0x24: {  	s3 =	sadd.s32 $0x88, s3;
	s6 =	simm.s32 @!p1 $0x1082;
	[sflag:s4] =	ssyncset.s32 $0xFFFFF086  }
0x25: {  	[simem:s6], [sflag:s4] =	dma.local [hbm:s3], $0xF7A  }
0x26: {  	[smem:$0x3F94] =	sst s1;
	(tag) =	ssettag s2;
	_ =	strace s9  }
0x27: {  	s1 =	sld [smem:$0x3FA4]  }
0x28: {  	s2 =	sld [smem:$0x3FA5]  }
0x29: {  	s4 =	sld [smem:$0x3FA7]  }
0x2a: {  	p0 =	seq.s32 s5, $0x0;
	s5 =	sld [smem:$0x3FA8]  }
0x2b: {  	s6 =	sld [smem:$0x3FA9]  }
0x2c: {  	s7 =	sld [smem:$0x3FAA]  }
0x2d: {  	s3 =	simm.s32 $0x108;
	s8 =	sld [smem:$0x3FAB]  }
0x2e: {  	s3 =	simm.s32 @!p0 $0x1082;
	s9 =	sld [smem:$0x3FAC]  }
0x2f: {  	lr =	sadd.s32 s0, s3;
	s0 =	sld [smem:$0x3FA3]  }
0x30: {  	s3 =	sld [smem:$0x3FA6]  }
0x31: {  	[smem:$0x3FAF] =	sst s10  }
0x32: {  	s10 =	sld [smem:$0x3FAD];
	_ =	sdelay $0x3  }
0x33: {  	p0 =	seq.s32 s10, $0x1;
	s10 =	sld [smem:$0x3FAF];
	_ =	sdelay $0x3  }
0x34: {  	[smem:$0x3FAF] =	sst s10  }
0x35: {  	s10 =	sld [smem:$0x3FAE];
	_ =	sdelay $0x3  }
0x36: {  	p1 =	seq.s32 s10, $0x1;
	s10 =	sld [smem:$0x3FAF];
	_ =	sdelay $0x3  }
0x37: {  	[smem:$0x3FAF] =	sst s10  }
0x38: {  	s10 =	sld [smem:$0x3FB0]  }
0x39: {  	_ = 	snop;
	(pc) =	sbr.ind lr, $3  }
0x3a: {  	_ = 	snop  }
0x3b: {  	_ = 	snop  }
0x3c: {  	p2 =	seq.s32 s10, $0x1;
	s10 =	sld [smem:$0x3FAF]  }
0x3d: {  	_ =	shalt  }
0x3e: {  	_ =	shalt  }
0x3f: {  	_ =	shalt  }
0x40: {  	_ =	shalt  }
0x41: {  	_ =	shalt  }
0x42: {  	_ =	shalt  }
0x43: {  	_ =	shalt  }
0x44: {  	_ =	shalt  }
0x45: {  	_ =	shalt  }
0x46: {  	_ =	shalt  }
0x47: {  	_ =	shalt  }
0x48: {  	_ =	shalt  }
0x49: {  	_ =	shalt  }
0x4a: {  	_ =	shalt  }
0x4b: {  	_ =	shalt  }
0x4c: {  	_ =	shalt  }
0x4d: {  	_ =	shalt  }
0x4e: {  	_ =	shalt  }
0x4f: {  	_ =	shalt  }
0x50: {  	_ =	shalt  }
0x51: {  	_ =	shalt  }
0x52: {  	_ =	shalt  }
0x53: {  	_ =	shalt  }
0x54: {  	_ =	shalt  }
0x55: {  	_ =	shalt  }
0x56: {  	_ =	shalt  }
0x57: {  	_ =	shalt  }
0x58: {  	_ =	shalt  }
0x59: {  	_ =	shalt  }
0x5a: {  	_ =	shalt  }
0x5b: {  	_ =	shalt  }
0x5c: {  	_ =	shalt  }
0x5d: {  	_ =	shalt  }
0x5e: {  	_ =	shalt  }
0x5f: {  	_ =	shalt  }
0x60: {  	_ =	shalt  }
0x61: {  	_ =	shalt  }
0x62: {  	_ =	shalt  }
0x63: {  	_ =	shalt  }
0x64: {  	_ =	shalt  }
0x65: {  	_ =	shalt  }
0x66: {  	_ =	shalt  }
0x67: {  	_ =	shalt  }
0x68: {  	_ =	shalt  }
0x69: {  	_ =	shalt  }
0x6a: {  	_ =	shalt  }
0x6b: {  	_ =	shalt  }
0x6c: {  	_ =	shalt  }
0x6d: {  	_ =	shalt  }
0x6e: {  	_ =	shalt  }
0x6f: {  	_ =	shalt  }
0x70: {  	_ =	shalt  }
0x71: {  	_ =	shalt  }
0x72: {  	_ =	shalt  }
0x73: {  	_ =	shalt  }
0x74: {  	_ =	shalt  }
0x75: {  	_ =	shalt  }
0x76: {  	_ =	shalt  }
0x77: {  	_ =	shalt  }
0x78: {  	_ =	shalt  }
0x79: {  	_ =	shalt  }
0x7a: {  	_ =	shalt  }
0x7b: {  	_ =	shalt  }
0x7c: {  	_ =	shalt  }
0x7d: {  	_ =	shalt  }
0x7e: {  	_ =	shalt  }
0x7f: {  	_ =	shalt  }
0x80: {  	_ =	shalt  }
0x81: {  	_ =	shalt  }
0x82: {  	_ =	shalt  }
0x83: {  	_ =	shalt  }
0x84: {  	_ =	shalt  }
0x85: {  	_ =	shalt  }
0x86: {  	_ =	shalt  }
0x87: {  	_ =	shalt  }
.Lfunc_end0:
.L_simem_size_0:
called_computation.4_lowered:
.L_overlay_start_0:
0x88: {  	s2 =	sld [smem:$0x3FD9]  }
0x89: {  	s3 =	sld [smem:$0x3FFE];
	_ =	sdelay $0x1  }
0x8a: {  	s1 =	srdreg.scid  }
0x8b: {  	s0 =	sand.u32 $0x1, s1  }
0x8c: {  	s17 =	sshll.u32 s0, $0xA;
	s2 =	sadd.s32 s3, s2  }
0x8d: {  	s2 =	sadd.s32 s2, s17  }
0x8e: {  	[smem:$0x3FBB] =	sst s2  }
0x8f: {  	_ = 	snop  }
0x90: {  	(tm) =	ssettm $0x1  }
0x91: {  	s18 =	sld [smem:$0x3FFB];
	_ =	sdelay $0x3  }
0x92: {  	_ =	strace s18  }
0x93: {  	s2 =	sld [smem:$0x3FFC];
	_ =	sdelay $0x3  }
0x94: {  	_ =	strace s2  }
0x95: {  	s2 =	sld [smem:$0x3FFD];
	_ =	sdelay $0x3  }
0x96: {  	_ =	strace s2  }
0x97: {  	_ =	strace $0x8FFFFFFF  }
0x98: {  	s19 =	sld [smem:$0x3FDB];
	_ =	sdelay $0x1  }
0x99: {  	s20 =	simm.s32 $_scs_section_size  }
0x9a: {  	s4 =	simm.s32 $_size__tile_overlayer_lowered;
	s5 =	simm.s32 $_tile_overlayer_lowered  }
0x9b: {  	s6 =	simm.s32 $0x1BFF;
	s21 =	sshll.u32 s5, $0x1;
	s3 =	sadd.s32 s20, s19  }
0x9c: {  	s22 =	simm.s32 $0x0;
	s4 =	sshll.u32 s4, $0x1;
	s5 =	sadd.s32 s21, s3  }
0x9d: {  	[timem:s22], [sflag:s6] =	dma.local [hbm:s5], s4  }
0x9e: {  	_ =	swait.ge [sflag:s6], s4  }
0x9f: {  	s4 =	ssub.s32 $0x0, s4;
	[sflag:s6] =	ssyncset.done $0x0  }
0xa0: {  	[sflag:s6] =	ssyncadd.s32 s4;
	_ =	sdelay $0x1  }
0xa1: {  	s23 =	simm.s32 $0x1B8B  }
0xa2: {  	_ =	swait.ge [sflag:s23], $0x1  }
0xa3: {  	[sflag:s23] =	ssyncset.done $0x0  }
0xa4: {  	[sflag:s23] =	ssyncadd.s32 $0xFFFFFFFF  }
0xa5: {  	s4 =	sld [smem:$0x0]  }
0xa6: {  	s5 =	sand.u32 $0xFFFFFFFE, s1  }
0xa7: {  	p0 =	sne.s32 s1, s5  }
0xa8: {  	s5 =	sshll.u32 @p0 s5, $0xE  }
0xa9: {  	s5 =	sadd.s32 @p0 $0x11B8D, s5;
	s6 =	sshll.u32 @p0 s4, $0x11  }
0xaa: {  	s5 =	sor.u32 @p0 s6, s5  }
0xab: {  	[sflag:s5] =	ssyncadd.remote.s32 @p0 $0x1;
	_ =	sdelay $0x1  }
0xac: {  	s5 =	simm.s32 @p0 $0x1B8D  }
0xad: {  	_ =	swait.eq @p0 [sflag:s5], $0x1  }
0xae: {  	[sflag:s5] =	ssyncadd.s32 @p0 $0xFFFFFFFF  }
0xaf: {  	s6 =	sshll.u32 @!p0 s1, $0xE  }
0xb0: {  	s6 =	sor.u32 @!p0 $0x4000, s6;
	s5 =	simm.s32 @!p0 $0x1B8D  }
0xb1: {  	s4 =	sshll.u32 @!p0 s4, $0x11;
	s6 =	sadd.s32 @!p0 $0x11B8D, s6;
	_ =	swait.eq @!p0 [sflag:s5], $0x1  }
0xb2: {  	s4 =	sor.u32 @!p0 s4, s6;
	[sflag:s5] =	ssyncadd.s32 @!p0 $0xFFFFFFFF  }
0xb3: {  	s25 =	simm.s32 $0x1B8E;
	s24 =	sld [smem:$0x3FFE];
	[sflag:s4] =	ssyncadd.remote.s32 @!p0 $0x1  }
0xb4: {  	s26 =	simm.s32 $execute0_lowered;
	[smem:$0x3FD2] =	sst s25  }
0xb5: {  	s5 =	sshll.u32 s26, $0x1;
	_ =	strace $0x8000004F;
	[dreg:$0x1] =	wrdreg $0xFFFFFFFF  }
0xb6: {  	s28 =	simm.s32 $_size_execute0_lowered;
	s3 =	sadd.s32 s3, s5;
	[dreg:$0x0] =	wrdreg $0x0  }
0xb7: {  	s5 =	sshll.u32 s28, $0x1;
	[dreg:$0x2] =	wrdreg s3  }
0xb8: {  	[dreg:$0x3] =	wrdreg s5  }
0xb9: {  	[dreg:$0x4] =	wrdreg $0xC0  }
0xba: {  	_ =	task [dreg:s22], $0x5FFFF  }
0xbb: {  	[dreg:$0x1] =	wrdreg $0xFFFFFFFF  }
0xbc: {  	[dreg:$0x0] =	wrdreg $0x60  }
0xbd: {  	[dreg:$0x2] =	wrdreg s24  }
0xbe: {  	[dreg:$0x3] =	wrdreg $0x1C000  }
0xbf: {  	[dreg:$0x4] =	wrdreg $0xB  }
0xc0: {  	_ =	task.clear_ibuf [dreg:s22], $0x5FFFF;
	_ =	strace $0x9000004F  }
0xc1: {  	s29 =	simm.s32 $0xB;
	_ =	strace $0x80000051  }
0xc2: {  	_ =	swait.ge [sflag:s29], $0x1  }
0xc3: {  	[sflag:s29] =	ssyncadd.s32 $0xFFFFFFFF  }
0xc4: {  	_ =	strace $0x90000051  }
0xc5: {  	_ =	sfence  }
0xc6: {  	s30 =	sld [smem:$0x0];
	_ =	sdelay $0x2  }
0xc7: {  	s31 =	sshll.u32 s1, $0xD;
	s1 =	sshrl.u32 s1, $0x2  }
0xc8: {  	s4 =	sand.u32 $0x4000, s31;
	s1 =	sadd.s32 s1, s30  }
0xc9: {  	s0 =	sor.u32 s4, s0;
	s1 =	sshll.u32 s1, $0x11  }
0xca: {  	s0 =	sor.u32 s1, s0  }
0xcb: {  	s0 =	sadd.s32 $0x8F2B, s0  }
0xcc: {  	[sflag:s0] =	ssyncadd.remote.s32 $0x1  }
0xcd: {  	_ =	sfence.sel $0xFFFF  }
0xce: {  	[dreg:$0x0] =	wrdreg $0xFFFFFFFF;
	(pc) =	sbr.abs _section_cstart, $3  }
0xcf: {  	[dreg:$0x1] =	wrdreg $0xFFFFFFFF  }
0xd0: {  	_ =	task.clear_ibuf [dreg:s22], $0x2FFFF;
	_ =	strace $0x9FFFFFFF  }
0xd1: {  	(tm) =	ssettm $0x7FFFFFFF  }
tec
execute0_lowered:
.L_overlay_start_1:
0x0: {  	(tag) =	ssettag $0x1  }
0x1: {  	s4 =	rddreg [dreg:$0x0];
	s0 =	srdreg.scid  }
0x2: {  	s2 =	rddreg [dreg:$0x1];
	s1 =	stileid.u32;
	s3 =	simm.s32 $0x0  }
0x3: {  	s5 =	sand.u32 $0x1, s0;
	s0 =	rddreg [dreg:$0x2];
	s7 =	smul.u32 $0x280, s1  }
0x4: {  	[smem:$0x7FF] =	sst s3;
	s8 =	smul.u32 $0x2780, s1  }
0x5: {  	s31 =	sshll.u32 s1, $0x6;
	s6 =	smul.u32 $0x2800, s5;
	_ =	strace $0x80000050  }
0x6: {  	s30 =	smul.u32 $0x4F00, s5;
	s5 =	ssub.s32 $0x2, s5;
	s12 =	sshrl.u32 s8, $0x3  }
0x7: {  	s10 =	sshrl.u32 s5, $0x1;
	s11 =	sadd.s32 s8, s2;
	s8 =	sor.u32 $0x1C01, s31  }
0x8: {  	s6 =	sadd.s32 s7, s6;
	s9 =	sadd.s32 s12, s4;
	s7 =	sadd.s32 s30, s4  }
0x9: {  	s10 =	ssub.s32 s5, s10;
	s6 =	sadd.s32 s6, s4;
	s5 =	sadd.s32 $0x280000, s9  }
0xa: {  	s13 =	sadd.s32 $0x294000, s7;
	s7 =	simm.s32 $0x1;
	s9 =	sshrl.u32 s11, $0x3  }
0xb: {  	v0 =	vimm.f32 $0.0e+00;
	vm0 =	vcmask $0x300;
	s11 =	simm.s32 $0x1400;
	s4 =	sadd.s32 $0x27B000, s6;
	s6 =	smax.u32 s10, $0x1  }
0xc: {  	v0 =	vsel vm0, $0x3F800000, v0;
	s10 =	simm.s32 $0x80;
	s12 =	sadd.s32 s12, s13;
	s13 =	simm.s32 $0x0  }
.LBB2_1:
0xd: {  	[tilespmem:s3], [sflag:$0x1] =	stream.linear.gather [hbm4b:s4+s3], $0x1400, $0x38;
	[tilespmem:$0x4380] =	vst v63  }
0xe: {  	_ =	swait.ge [sflag:s7], $0x1400  }
0xf: {  	[sflag:s7] =	ssyncset.done $0x0  }
0x10: {  	[sflag:s7] =	ssyncadd.s32 $0xFFFFEC00  }
0x11: {  	[spmem:s9], [sflag:s8] =	dma.local [hbm:s5], $0x4F0  }
0x12: {  	_ =	swait.ge [sflag:s7], $0x4F0  }
0x13: {  	[sflag:s7] =	ssyncset.done $0x0  }
0x14: {  	[sflag:s7] =	ssyncadd.s32 $0xFFFFFB10  }
0x15: {  	[tilespmem:$0x1400] =	vst v0  }
0x16: {  	[tilespmem:$0x1410] =	vst v0  }
0x17: {  	[tilespmem:$0x1420] =	vst v0  }
0x18: {  	[tilespmem:$0x1430] =	vst v0  }
0x19: {  	[tilespmem:$0x1440] =	vst v0  }
0x1a: {  	[tilespmem:$0x1450] =	vst v0  }
0x1b: {  	[tilespmem:$0x1460] =	vst v0  }
0x1c: {  	[tilespmem:$0x1470] =	vst v0  }
0x1d: {  	[tilespmem:$0x1480] =	vst v0  }
0x1e: {  	[tilespmem:$0x1490] =	vst v0  }
0x1f: {  	[tilespmem:$0x14A0] =	vst v0  }
0x20: {  	[tilespmem:$0x14B0] =	vst v0  }
0x21: {  	[tilespmem:$0x14C0] =	vst v0  }
0x22: {  	[tilespmem:$0x14D0] =	vst v0  }
0x23: {  	[tilespmem:$0x14E0] =	vst v0  }
0x24: {  	[tilespmem:$0x14F0] =	vst v0  }
0x25: {  	[tilespmem:$0x1500] =	vst v0  }
0x26: {  	[tilespmem:$0x1510] =	vst v0  }
0x27: {  	[tilespmem:$0x1520] =	vst v0  }
0x28: {  	[tilespmem:$0x1530] =	vst v0  }
0x29: {  	[tilespmem:$0x1540] =	vst v0  }
0x2a: {  	[tilespmem:$0x1550] =	vst v0  }
0x2b: {  	[tilespmem:$0x1560] =	vst v0  }
0x2c: {  	[tilespmem:$0x1570] =	vst v0  }
0x2d: {  	[tilespmem:$0x1580] =	vst v0  }
0x2e: {  	[tilespmem:$0x1590] =	vst v0  }
0x2f: {  	[tilespmem:$0x15A0] =	vst v0  }
0x30: {  	[tilespmem:$0x15B0] =	vst v0  }
0x31: {  	[tilespmem:$0x15C0] =	vst v0  }
0x32: {  	[tilespmem:$0x15D0] =	vst v0  }
0x33: {  	[tilespmem:$0x15E0] =	vst v0  }
0x34: {  	[tilespmem:$0x15F0] =	vst v0  }
0x35: {  	[tilespmem:$0x1600] =	vst v0  }
0x36: {  	[tilespmem:$0x1610] =	vst v0  }
0x37: {  	[tilespmem:$0x1620] =	vst v0  }
0x38: {  	[tilespmem:$0x1630] =	vst v0  }
0x39: {  	[tilespmem:$0x1640] =	vst v0  }
0x3a: {  	[tilespmem:$0x1650] =	vst v0  }
0x3b: {  	[tilespmem:$0x1660] =	vst v0  }
0x3c: {  	[tilespmem:$0x1670] =	vst v0  }
0x3d: {  	[tilespmem:$0x1680] =	vst v0  }
0x3e: {  	[tilespmem:$0x1690] =	vst v0  }
0x3f: {  	[tilespmem:$0x16A0] =	vst v0  }
0x40: {  	[tilespmem:$0x16B0] =	vst v0  }
0x41: {  	[tilespmem:$0x16C0] =	vst v0  }
0x42: {  	[tilespmem:$0x16D0] =	vst v0  }
0x43: {  	[tilespmem:$0x16E0] =	vst v0  }
0x44: {  	[tilespmem:$0x16F0] =	vst v0  }
0x45: {  	[tilespmem:$0x1700] =	vst v0  }
0x46: {  	[tilespmem:$0x1710] =	vst v0  }
0x47: {  	[tilespmem:$0x1720] =	vst v0  }
0x48: {  	[tilespmem:$0x1730] =	vst v0  }
0x49: {  	[tilespmem:$0x1740] =	vst v0  }
0x4a: {  	[tilespmem:$0x1750] =	vst v0  }
0x4b: {  	[tilespmem:$0x1760] =	vst v0  }
0x4c: {  	[tilespmem:$0x1770] =	vst v0  }
0x4d: {  	[tilespmem:$0x1780] =	vst v0  }
0x4e: {  	[tilespmem:$0x1790] =	vst v0  }
0x4f: {  	[tilespmem:$0x17A0] =	vst v0  }
0x50: {  	[tilespmem:$0x17B0] =	vst v0  }
0x51: {  	[tilespmem:$0x17C0] =	vst v0  }
0x52: {  	[tilespmem:$0x17D0] =	vst v0  }
0x53: {  	[tilespmem:$0x17E0] =	vst v0  }
0x54: {  	[tilespmem:$0x17F0] =	vst v0  }
0x55: {  	[tilespmem:$0x1800] =	vst v0  }
0x56: {  	[tilespmem:$0x1810] =	vst v0  }
0x57: {  	[tilespmem:$0x1820] =	vst v0  }
0x58: {  	[tilespmem:$0x1830] =	vst v0  }
0x59: {  	[tilespmem:$0x1840] =	vst v0  }
0x5a: {  	[tilespmem:$0x1850] =	vst v0  }
0x5b: {  	[tilespmem:$0x1860] =	vst v0  }
0x5c: {  	[tilespmem:$0x1870] =	vst v0  }
0x5d: {  	[tilespmem:$0x1880] =	vst v0  }
0x5e: {  	[tilespmem:$0x1890] =	vst v0  }
0x5f: {  	[tilespmem:$0x18A0] =	vst v0  }
0x60: {  	[tilespmem:$0x18B0] =	vst v0  }
0x61: {  	[tilespmem:$0x18C0] =	vst v0  }
0x62: {  	[tilespmem:$0x18D0] =	vst v0  }
0x63: {  	[tilespmem:$0x18E0] =	vst v0  }
0x64: {  	[tilespmem:$0x18F0] =	vst v0  }
0x65: {  	[tilespmem:$0x1900] =	vst v0  }
0x66: {  	[tilespmem:$0x1910] =	vst v0  }
0x67: {  	[tilespmem:$0x1920] =	vst v0  }
0x68: {  	[tilespmem:$0x1930] =	vst v0  }
0x69: {  	[tilespmem:$0x1940] =	vst v0  }
0x6a: {  	[tilespmem:$0x1950] =	vst v0  }
0x6b: {  	[tilespmem:$0x1960] =	vst v0  }
0x6c: {  	[tilespmem:$0x1970] =	vst v0  }
0x6d: {  	[tilespmem:$0x1980] =	vst v0  }
0x6e: {  	[tilespmem:$0x1990] =	vst v0  }
0x6f: {  	[tilespmem:$0x19A0] =	vst v0  }
0x70: {  	[tilespmem:$0x19B0] =	vst v0  }
0x71: {  	[tilespmem:$0x19C0] =	vst v0  }
0x72: {  	[tilespmem:$0x19D0] =	vst v0  }
0x73: {  	[tilespmem:$0x19E0] =	vst v0  }
0x74: {  	[tilespmem:$0x19F0] =	vst v0  }
0x75: {  	[tilespmem:$0x1A00] =	vst v0  }
0x76: {  	[tilespmem:$0x1A10] =	vst v0  }
0x77: {  	[tilespmem:$0x1A20] =	vst v0  }
0x78: {  	[tilespmem:$0x1A30] =	vst v0  }
0x79: {  	[tilespmem:$0x1A40] =	vst v0  }
0x7a: {  	[tilespmem:$0x1A50] =	vst v0  }
0x7b: {  	[tilespmem:$0x1A60] =	vst v0  }
0x7c: {  	[tilespmem:$0x1A70] =	vst v0  }
0x7d: {  	[tilespmem:$0x1A80] =	vst v0  }
0x7e: {  	[tilespmem:$0x1A90] =	vst v0  }
0x7f: {  	[tilespmem:$0x1AA0] =	vst v0  }
0x80: {  	[tilespmem:$0x1AB0] =	vst v0  }
0x81: {  	[tilespmem:$0x1AC0] =	vst v0  }
0x82: {  	[tilespmem:$0x1AD0] =	vst v0  }
0x83: {  	[tilespmem:$0x1AE0] =	vst v0  }
0x84: {  	[tilespmem:$0x1AF0] =	vst v0  }
0x85: {  	[tilespmem:$0x1B00] =	vst v0  }
0x86: {  	[tilespmem:$0x1B10] =	vst v0  }
0x87: {  	[tilespmem:$0x1B20] =	vst v0  }
0x88: {  	[tilespmem:$0x1B30] =	vst v0  }
0x89: {  	[tilespmem:$0x1B40] =	vst v0  }
0x8a: {  	[tilespmem:$0x1B50] =	vst v0  }
0x8b: {  	[tilespmem:$0x1B60] =	vst v0  }
0x8c: {  	[tilespmem:$0x1B70] =	vst v0  }
0x8d: {  	[tilespmem:$0x1B80] =	vst v0  }
0x8e: {  	[tilespmem:$0x1B90] =	vst v0  }
0x8f: {  	[tilespmem:$0x1BA0] =	vst v0  }
0x90: {  	[tilespmem:$0x1BB0] =	vst v0  }
0x91: {  	[tilespmem:$0x1BC0] =	vst v0  }
0x92: {  	[tilespmem:$0x1BD0] =	vst v0  }
0x93: {  	[tilespmem:$0x1BE0] =	vst v0  }
0x94: {  	[tilespmem:$0x1BF0] =	vst v0  }
0x95: {  	s14 =	simm.s32 $0x0;
	[bflag:$0x0] =	sbarrier.arrive $0xFFFF  }
0x96: {  	[spmem:s2] =	stream.indirect.scatter.add.f32 [tilespmem:s11], [sflag:$0x1], $0x10, s14, s10, $0xb8;
	[tilespmem:$0x4380] =	vst v63  }
0x97: {  	_ =	swait.ge [sflag:s7], $0x800  }
0x98: {  	s14 =	simm.s32 $0x200;
	[sflag:s7] =	ssyncset.done $0x0  }
.LBB2_2:
0x99: {  	s15 =	sshra.s32 s14, $0x2;
	[sflag:s7] =	ssyncadd.s32 $0xFFFFF800;
	p0 =	sne.s32 s14, $0x4E00  }
0x9a: {  	[spmem:s2] =	stream.indirect.scatter.add.f32 [tilespmem:s11], [sflag:$0x1], $0x10, s15, s10, $0xb8;
	[tilespmem:$0x4380] =	vst v63  }
.Ltmp0:
0x9b: {  	_ = 	snop;
	(pc) =	sbr.rel @p0 .LBB2_2-.Ltmp0, $4  }
0x9c: {  	_ = 	snop  }
0x9d: {  	s14 =	sadd.s32 $0x200, s14  }
0x9e: {  	_ =	swait.ge [sflag:s7], $0x800  }
0x9f: {  	[sflag:s7] =	ssyncset.done $0x0  }
0xa0: {  	s13 =	sadd.s32 $0x1, s13  }
0xa1: {  	[sflag:s7] =	ssyncadd.s32 $0xFFFFF800;
	p0 =	sne.s32 s13, s6  }
.Ltmp1:
0xa2: {  	[bflag:$0x0] =	sbarrier.arrive $0xFFFF;
	(pc) =	sbr.rel @p0 .LBB2_1-.Ltmp1, $4  }
0xa3: {  	[hbm:s12], [sflag:s8] =	dma.local [spmem:s9], $0x4F0  }
0xa4: {  	_ =	swait.ge [sflag:s7], $0x4F0  }
0xa5: {  	[sflag:s7] =	ssyncset.done $0x0  }
0xa6: {  	[sflag:s7] =	ssyncadd.s32 $0xFFFFFB10  }
0xa7: {  	_ =	sfence.sel $0x180000  }
0xa8: {  	[bflag:$0x0] =	sbarrier.arrive $0xFFFF  }
0xa9: {  	p0 =	sne.s32 s1, $0x0;
	_ =	strace $0x90000050  }
0xaa: {  	s0 =	sadd.s32 @!p0 $0x100000, s0;
	[bflag:$0x2] =	sbarrier.arrive $0xFFFF  }
0xab: {  	[sflag:s0] =	ssyncadd.tile.s32 @!p0 $0x1;
	_ =	shalt  }
.Lfunc_end2:
_tile_overlayer_lowered:
.L_overlay_start_2:
0xac: {  	(tag) =	ssettag $0x2  }
0xad: {  	s0 =	rddreg [dreg:$0x0];
	s2 =	stileid.u32  }
0xae: {  	s1 =	rddreg [dreg:$0x1];
	p0 =	sne.s32 s2, $0x0  }
0xaf: {  	s3 =	rddreg [dreg:$0x2];
	[bflag:$0x3] =	sbarrier.arrive $0xFFFF;
	s2 =	simm.s32 @!p0 $0x1C01  }
0xb0: {  	[timem:s3], [sflag:s2] =	dma.local @!p0 [hbm:s0], s1  }
0xb1: {  	s0 =	simm.s32 @!p0 $0x1  }
0xb2: {  	_ =	swait.ge @!p0 [sflag:s0], s1  }
0xb3: {  	s1 =	ssub.s32 @!p0 $0x0, s1;
	[sflag:s0] =	ssyncset.done @!p0 $0x0  }
0xb4: {  	[sflag:s0] =	ssyncadd.s32 @!p0 s1  }
0xb5: {  	[bflag:$0x3] =	sbarrier.arrive $0xFFFF  }
0xb6: {  	_ =	shalt  }

// kernel: scatter_offload_async_start.1
scs
__scs_entry_jumppad:
0x0: {  	(pc) =	sbr.rel $0x88, $3  }
0x1: {  	(tag) =	ssettag $0x0;
	lr =	simm.s32 $0x1  }
0x2: {  	[smem:$0x3F94] =	sst lr;
	_ =	strace $0xD0000000  }
0x3: {  	_ = 	snop  }
0x4: {  	_ = 	snop  }
0x5: {  	_ = 	snop  }
0x6: {  	_ = 	snop  }
0x7: {  	_ = 	snop  }
__scs_overlays_trampoline_lowered:
0x8: {  	[smem:$0x3FA3] =	sst s0  }
0x9: {  	[smem:$0x3FA4] =	sst s1  }
0xa: {  	[smem:$0x3FA5] =	sst s2  }
0xb: {  	[smem:$0x3FA6] =	sst s3  }
0xc: {  	[smem:$0x3FA7] =	sst s4  }
0xd: {  	[smem:$0x3FA8] =	sst s5  }
0xe: {  	[smem:$0x3FA9] =	sst s6  }
0xf: {  	[smem:$0x3FAA] =	sst s7  }
0x10: {  	[smem:$0x3FAB] =	sst s8  }
0x11: {  	[smem:$0x3FAC] =	sst s9;
	s0 =	simm.s32 @!p0 $0x0  }
0x12: {  	s1 =	sld [smem:$0x3F92];
	s0 =	simm.s32 @p0 $0x1  }
0x13: {  	[smem:$0x3FAD] =	sst s0;
	s0 =	simm.s32 @!p1 $0x0  }
0x14: {  	s2 =	sld [smem:$0x3F91];
	s0 =	simm.s32 @p1 $0x1  }
0x15: {  	[smem:$0x3FAE] =	sst s0;
	s0 =	simm.s32 @!p2 $0x0  }
0x16: {  	s3 =	sld [smem:$0x3FDB];
	s0 =	simm.s32 @p2 $0x1  }
0x17: {  	s4 =	simm.s32 $0x1BF5;
	[smem:$0x3FB0] =	sst s0  }
0x18: {  	s0 =	sld [smem:$0x3F93];
	_ =	swait.ge [sflag:s4], $0x0  }
0x19: {  	s7 =	sld [smem:$0x3F94]  }
0x1a: {  	s8 =	sadd.s32 $0xFFFFE003, lr  }
0x1b: {  	s9 =	sadd.s32 $0xFFFFFEF7, lr;
	s5 =	simm.s32 $0xFFFFFFFF;
	p2 =	slt.u32 s8, $0xFFFFF086  }
0x1c: {  	p1 =	slt.u32 s9, $0xF7A;
	s5 =	simm.s32 @!p2 $0x0  }
0x1d: {  	s5 =	simm.s32 @p1 $0x1;
	p0 =	seq.s32 s7, s2  }
0x1e: {  	s7 =	smul.u32 @!p0 $0xF7A, s2;
	p2 =	seq.s32 @!p0 s5, $0x0  }
0x1f: {  	s9 =	smul.u32 $0xF7A, s1;
	s8 =	simm.s32 @!p0 $0x1BF5;
	p2 =	por !p2, p0  }
0x20: {  	[sflag:s8] =	ssyncset.s32 @!p0 $0xFFFFF086;
	s6 =	sadd.s32 @!p0 s3, s7;
	s7 =	simm.s32 @!p0 $0x108  }
0x21: {  	s3 =	sadd.s32 s3, s9;
	s6 =	sadd.s32 @!p0 $0x88, s6;
	s7 =	simm.s32 @p2 $0x1082  }
0x22: {  	[simem:s7], [sflag:s8] =	dma.local @!p0 [hbm:s6], $0xF7A  }
0x23: {  	s9 =	sor.u32 $0xD0000000, s2;
	s6 =	simm.s32 $0x108;
	_ =	swait.ge @!p0 [sflag:s8], $0x0  }
0x24: {  	s3 =	sadd.s32 $0x88, s3;
	s6 =	simm.s32 @!p1 $0x1082;
	[sflag:s4] =	ssyncset.s32 $0xFFFFF086  }
0x25: {  	[simem:s6], [sflag:s4] =	dma.local [hbm:s3], $0xF7A  }
0x26: {  	[smem:$0x3F94] =	sst s1;
	(tag) =	ssettag s2;
	_ =	strace s9  }
0x27: {  	s1 =	sld [smem:$0x3FA4]  }
0x28: {  	s2 =	sld [smem:$0x3FA5]  }
0x29: {  	s4 =	sld [smem:$0x3FA7]  }
0x2a: {  	p0 =	seq.s32 s5, $0x0;
	s5 =	sld [smem:$0x3FA8]  }
0x2b: {  	s6 =	sld [smem:$0x3FA9]  }
0x2c: {  	s7 =	sld [smem:$0x3FAA]  }
0x2d: {  	s3 =	simm.s32 $0x108;
	s8 =	sld [smem:$0x3FAB]  }
0x2e: {  	s3 =	simm.s32 @!p0 $0x1082;
	s9 =	sld [smem:$0x3FAC]  }
0x2f: {  	lr =	sadd.s32 s0, s3;
	s0 =	sld [smem:$0x3FA3]  }
0x30: {  	s3 =	sld [smem:$0x3FA6]  }
0x31: {  	[smem:$0x3FAF] =	sst s10  }
0x32: {  	s10 =	sld [smem:$0x3FAD];
	_ =	sdelay $0x3  }
0x33: {  	p0 =	seq.s32 s10, $0x1;
	s10 =	sld [smem:$0x3FAF];
	_ =	sdelay $0x3  }
0x34: {  	[smem:$0x3FAF] =	sst s10  }
0x35: {  	s10 =	sld [smem:$0x3FAE];
	_ =	sdelay $0x3  }
0x36: {  	p1 =	seq.s32 s10, $0x1;
	s10 =	sld [smem:$0x3FAF];
	_ =	sdelay $0x3  }
0x37: {  	[smem:$0x3FAF] =	sst s10  }
0x38: {  	s10 =	sld [smem:$0x3FB0]  }
0x39: {  	_ = 	snop;
	(pc) =	sbr.ind lr, $3  }
0x3a: {  	_ = 	snop  }
0x3b: {  	_ = 	snop  }
0x3c: {  	p2 =	seq.s32 s10, $0x1;
	s10 =	sld [smem:$0x3FAF]  }
0x3d: {  	_ =	shalt  }
0x3e: {  	_ =	shalt  }
0x3f: {  	_ =	shalt  }
0x40: {  	_ =	shalt  }
0x41: {  	_ =	shalt  }
0x42: {  	_ =	shalt  }
0x43: {  	_ =	shalt  }
0x44: {  	_ =	shalt  }
0x45: {  	_ =	shalt  }
0x46: {  	_ =	shalt  }
0x47: {  	_ =	shalt  }
0x48: {  	_ =	shalt  }
0x49: {  	_ =	shalt  }
0x4a: {  	_ =	shalt  }
0x4b: {  	_ =	shalt  }
0x4c: {  	_ =	shalt  }
0x4d: {  	_ =	shalt  }
0x4e: {  	_ =	shalt  }
0x4f: {  	_ =	shalt  }
0x50: {  	_ =	shalt  }
0x51: {  	_ =	shalt  }
0x52: {  	_ =	shalt  }
0x53: {  	_ =	shalt  }
0x54: {  	_ =	shalt  }
0x55: {  	_ =	shalt  }
0x56: {  	_ =	shalt  }
0x57: {  	_ =	shalt  }
0x58: {  	_ =	shalt  }
0x59: {  	_ =	shalt  }
0x5a: {  	_ =	shalt  }
0x5b: {  	_ =	shalt  }
0x5c: {  	_ =	shalt  }
0x5d: {  	_ =	shalt  }
0x5e: {  	_ =	shalt  }
0x5f: {  	_ =	shalt  }
0x60: {  	_ =	shalt  }
0x61: {  	_ =	shalt  }
0x62: {  	_ =	shalt  }
0x63: {  	_ =	shalt  }
0x64: {  	_ =	shalt  }
0x65: {  	_ =	shalt  }
0x66: {  	_ =	shalt  }
0x67: {  	_ =	shalt  }
0x68: {  	_ =	shalt  }
0x69: {  	_ =	shalt  }
0x6a: {  	_ =	shalt  }
0x6b: {  	_ =	shalt  }
0x6c: {  	_ =	shalt  }
0x6d: {  	_ =	shalt  }
0x6e: {  	_ =	shalt  }
0x6f: {  	_ =	shalt  }
0x70: {  	_ =	shalt  }
0x71: {  	_ =	shalt  }
0x72: {  	_ =	shalt  }
0x73: {  	_ =	shalt  }
0x74: {  	_ =	shalt  }
0x75: {  	_ =	shalt  }
0x76: {  	_ =	shalt  }
0x77: {  	_ =	shalt  }
0x78: {  	_ =	shalt  }
0x79: {  	_ =	shalt  }
0x7a: {  	_ =	shalt  }
0x7b: {  	_ =	shalt  }
0x7c: {  	_ =	shalt  }
0x7d: {  	_ =	shalt  }
0x7e: {  	_ =	shalt  }
0x7f: {  	_ =	shalt  }
0x80: {  	_ =	shalt  }
0x81: {  	_ =	shalt  }
0x82: {  	_ =	shalt  }
0x83: {  	_ =	shalt  }
0x84: {  	_ =	shalt  }
0x85: {  	_ =	shalt  }
0x86: {  	_ =	shalt  }
0x87: {  	_ =	shalt  }
.Lfunc_end0:
.L_simem_size_0:
called_computation.1_lowered:
.L_overlay_start_0:
0x88: {  	s0 =	sld [smem:$0x3FD9]  }
0x89: {  	s1 =	sld [smem:$0x3FFE];
	_ =	sdelay $0x3  }
0x8a: {  	s0 =	sadd.s32 s1, s0  }
0x8b: {  	[smem:$0x3FBB] =	sst s0  }
0x8c: {  	_ = 	snop  }
0x8d: {  	s0 =	sld [smem:$0x3FD0];
	_ =	sdelay $0x2  }
0x8e: {  	s13 =	simm.s32 $0xC;
	s2 =	simm.s32 $0x10  }
0x8f: {  	[smem:s2], [sflag:s13] =	dma.local [hbm:s0], $0x1  }
0x90: {  	_ =	swait.eq [sflag:s13], $0x1  }
0x91: {  	[sflag:s13] =	ssyncset.done $0x0  }
0x92: {  	[sflag:s13] =	ssyncadd.s32 $0xFFFFFFFF  }
0x93: {  	s14 =	sld [smem:$0x14];
	(tm) =	ssettm $0x1  }
0x94: {  	s15 =	sld [smem:$0x3FFB];
	_ =	sdelay $0x3  }
0x95: {  	_ =	strace s15  }
0x96: {  	s1 =	sld [smem:$0x3FFC];
	_ =	sdelay $0x3  }
0x97: {  	_ =	strace s1  }
0x98: {  	s1 =	sld [smem:$0x3FFD];
	_ =	sdelay $0x3  }
0x99: {  	_ =	strace s1  }
0x9a: {  	_ =	strace $0x8FFFFFFF  }
0x9b: {  	s16 =	sld [smem:$0x3FDB];
	_ =	sdelay $0x1  }
0x9c: {  	s17 =	simm.s32 $_scs_section_size  }
0x9d: {  	s3 =	simm.s32 $_size__tile_overlayer_lowered;
	s4 =	simm.s32 $_tile_overlayer_lowered  }
0x9e: {  	s20 =	simm.s32 $0x1BFF;
	s19 =	sshll.u32 s4, $0x1;
	s1 =	sadd.s32 s17, s16  }
0x9f: {  	s5 =	simm.s32 $0x0;
	s18 =	sshll.u32 s3, $0x1;
	s3 =	sadd.s32 s19, s1  }
0xa0: {  	[timem:s5], [sflag:s20] =	dma.local [hbm:s3], s18  }
0xa1: {  	_ =	swait.ge [sflag:s20], s18  }
0xa2: {  	s2 =	ssub.s32 $0x0, s18;
	[sflag:s20] =	ssyncset.done $0x0  }
0xa3: {  	[sflag:s20] =	ssyncadd.s32 s2;
	_ =	sdelay $0x1  }
0xa4: {  	s21 =	simm.s32 $0x1B8B  }
0xa5: {  	_ =	swait.ge [sflag:s21], $0x1  }
0xa6: {  	[sflag:s21] =	ssyncset.done $0x0  }
0xa7: {  	s23 =	simm.s32 $0x1B8E;
	s22 =	sld [smem:$0x3FFE];
	[sflag:s21] =	ssyncadd.s32 $0xFFFFFFFF  }
0xa8: {  	s24 =	simm.s32 $execute0_lowered;
	[smem:$0x3FD2] =	sst s23  }
0xa9: {  	s3 =	sshll.u32 s24, $0x1;
	_ =	strace $0x80000046;
	[dreg:$0x1] =	wrdreg $0xFFFFFFFF  }
0xaa: {  	s25 =	simm.s32 $_size_execute0_lowered;
	s1 =	sadd.s32 s1, s3;
	[dreg:$0x0] =	wrdreg $0x0  }
0xab: {  	s3 =	sshll.u32 s25, $0x1;
	[dreg:$0x2] =	wrdreg s1  }
0xac: {  	[dreg:$0x3] =	wrdreg s3  }
0xad: {  	[dreg:$0x4] =	wrdreg $0xC0  }
0xae: {  	_ =	task [dreg:s5], $0x5FFFF  }
0xaf: {  	[dreg:$0x1] =	wrdreg $0xFFFFFFFF  }
0xb0: {  	[dreg:$0x0] =	wrdreg $0x60  }
0xb1: {  	[dreg:$0x2] =	wrdreg s14  }
0xb2: {  	[dreg:$0x3] =	wrdreg s22  }
0xb3: {  	[dreg:$0x4] =	wrdreg $0x9  }
0xb4: {  	_ =	task.clear_ibuf [dreg:s5], $0x5FFFF;
	_ =	strace $0x90000046  }
0xb5: {  	s26 =	simm.s32 $0x9;
	_ =	strace $0x80000048  }
0xb6: {  	_ =	swait.ge [sflag:s26], $0x1  }
0xb7: {  	[sflag:s26] =	ssyncadd.s32 $0xFFFFFFFF  }
0xb8: {  	_ =	strace $0x90000048  }
0xb9: {  	_ =	sfence  }
0xba: {  	s28 =	sld [smem:$0x0];
	_ =	sdelay $0x1  }
0xbb: {  	s29 =	srdreg.scid  }
0xbc: {  	s30 =	sshll.u32 s29, $0xD;
	s31 =	sshrl.u32 s29, $0x2  }
0xbd: {  	s2 =	sand.u32 $0x4000, s30;
	s1 =	sand.u32 $0x1, s29;
	s0 =	sadd.s32 s31, s28  }
0xbe: {  	s1 =	sor.u32 s2, s1;
	s0 =	sshll.u32 s0, $0x11  }
0xbf: {  	s0 =	sor.u32 s0, s1  }
0xc0: {  	s0 =	sadd.s32 $0x8F2B, s0  }
0xc1: {  	[sflag:s0] =	ssyncadd.remote.s32 $0x1  }
0xc2: {  	_ =	sfence.sel $0xFFFF  }
0xc3: {  	[dreg:$0x0] =	wrdreg $0xFFFFFFFF;
	(pc) =	sbr.abs _section_cstart, $3  }
0xc4: {  	[dreg:$0x1] =	wrdreg $0xFFFFFFFF  }
0xc5: {  	_ =	task.clear_ibuf [dreg:s5], $0x2FFFF;
	_ =	strace $0x9FFFFFFF  }
0xc6: {  	(tm) =	ssettm $0x7FFFFFFF  }
0xc7: {  	_ =	shalt  }
tec
execute0_lowered:
.L_overlay_start_1:
0x0: {  	(tag) =	ssettag $0x1  }
0x1: {  	s1 =	rddreg [dreg:$0x0]  }
0x2: {  	s0 =	rddreg [dreg:$0x1]  }
0x3: {  	s11 =	stileid.u32;
	_ =	strace $0x80000047;
	s2 =	simm.s32 $0x1  }
0x4: {  	v1 =	vimm.s32 $0xFFFFFFFF;
	s3 =	smin.u32 s11, $0x4;
	[sflag:s2] =	ssyncpa.u1 $0x0  }
0x5: {  	s3 =	sadd.s32 s11, s3;
	[tilespmem:$0x10] =	vst v1  }
0x6: {  	s4 =	simm.s32 $0x3E80;
	v0 =	vimm.f32 $-Inf;
	p0 =	slt.u32 s11, $0x4;
	[tilespmem:$0x20] =	vst v1;
	s3 =	smul.u32 $0x1F40, s3  }
0x7: {  	s4 =	simm.s32 @!p0 $0x1F40;
	[tilespmem:$0x30] =	vst v0  }
0x8: {  	[tilespmem:$0x40] =	vst v0;
	s4 =	sadd.s32 s4, s3  }
0x9: {  	[tilespmem:$0x50] =	vst v0;
	s4 =	smin.u32 s4, $0x27100  }
0xa: {  	s7 =	simm.s32 $0x2;
	[tilespmem:$0x60] =	vst v1;
	s6 =	ssub.s32 s4, s3  }
0xb: {  	s8 =	simm.s32 $0x8;
	s30 =	simm.s32 $0x9;
	[tilespmem:$0x70] =	vst v1;
	p0 =	sgt.s32 s6, $0x0  }
0xc: {  	s16 =	simm.s32 $0x0;
	s17 =	simm.s32 $0xF0;
	[tilespmem:$0x80] =	vst v1;
	s6 =	simm.s32 @!p0 $0x0  }
0xd: {  	s18 =	simm.s32 $0xFFFFFFFF;
	s19 =	simm.s32 $0xFFFFC280;
	v1 =	vimm.s32 $0x0;
	[tilespmem:$0xB0] =	vst v0;
	s5 =	smulhi.u32 $0x10624DD3, s6  }
0xe: {  	s20 =	simm.s32 $0xFFFFFFFE;
	s21 =	simm.s32 $0xF;
	s25 =	simm.s32 $0x0;
	[tilespmem:$0x90] =	vst v1  }
0xf: {  	[tilespmem:$0xA0] =	vst v1;
	[sflag:s7] =	ssyncpa.u1 $0x0;
	s7 =	simm.s32 $0x7;
	s9 =	sshrl.u32 s5, $0x9  }
0x10: {  	s24 =	simm.s32 $0x0;
	[sflag:s7] =	ssyncpa.u1 $0x0;
	s10 =	smul.u32 $0x1F40, s9  }
0x11: {  	s14 =	sshllo.u32 s11, $0x1;
	[sflag:s8] =	ssyncpa.u1 $0x0;
	s23 =	smov.u32 s3  }
.Ltmp0:
0x12: {  	[sflag:s30] =	ssyncpa.u1 $0x0;
	p0 =	sne.s32 s6, s10;
	(pc) =	sbr.rel .LBB2_1-.Ltmp0, $4  }
0x13: {  	s5 =	sadd.s32 $0x280000, s0;
	s0 =	sadd.s32 $0x285000, s0;
	s2 =	simm.s32 @!p0 $0x0  }
0x14: {  	[dreg:$0x3] =	wrdreg s0;
	s10 =	sshll.u32 s11, $0x1;
	s9 =	sadd.s32 s2, s9  }
0x15: {  	vm0 =	vmmov $0xffff;
	v2 =	vlaneseq.u32;
	vm1 =	vmxor vm1, vm1;
	s13 =	sor.u32 $0x81, s10;
	s15 =	sor.u32 $0x80, s10;
	s31 =	sadd.s32 $0x1, s9  }
0x16: {  	vm2 =	vmmov $0x1;
	v3 =	vimm.f32 $0.0e+00;
	vm3 =	vcmask $0x3F3C;
	p0 =	por $0x0, $0x0;
	s12 =	sadd.s32 $0x2, s9;
	[dreg:$0x4] =	wrdreg s31  }
.LBB2_9:
0x17: {  	p1 =	slt.u32 s24, $0x3  }
0x18: {  	s0 =	simm.s32 @!p1 $0x2  }
0x19: {  	_ =	swait.ge @!p1 [sflag:s0], $0x1F40  }
0x1a: {  	[sflag:s0] =	ssyncset.done @!p1 $0x0  }
0x1b: {  	[sflag:s0] =	ssyncadd.s32 @!p1 $0xFFFFE0C0;
	s0 =	simm.s32 @!p1 $0x9  }
0x1c: {  	_ =	swait.ge @!p1 [sflag:s0], $0x10  }
0x1d: {  	[sflag:s0] =	ssyncset.done @!p1 $0x0  }
0x1e: {  	[sflag:s0] =	ssyncadd.s32 @!p1 $0xFFFFFFF0;
	p1 =	sne.s32 s24, s12  }
.Ltmp1:
0x1f: {  	s2 =	sadd.s32 $0x1F40, s23;
	(pc) =	sbr.rel @!p1 .LBB2_10-.Ltmp1, $4  }
0x20: {  	s6 =	smov.u32 s3;
	s31 =	sadd.s32 $0x1, s24;
	s17 =	sadd.s32 $0x1F40, s17  }
0x21: {  	s18 =	sadd.s32 $0x1, s18;
	s25 =	smov.u32 s23;
	p2 =	slt.s32 s2, s4  }
0x22: {  	p0 =	por !p0, !p0;
	s19 =	sadd.s32 $0x1F40, s19;
	s6 =	smov.u32 @p2 s2  }
0x23: {  	s20 =	sadd.s32 $0x1, s20;
	s23 =	smov.u32 s6;
	s24 =	smov.u32 s31  }
.LBB2_1:
0x24: {  	p1 =	sge.u32 s24, s9  }
0x25: {  	s0 =	smulhi.u32 @!p1 $0xAAAAAAAB, s24;
	_ =	sdelay $0x1  }
0x26: {  	s0 =	sshrl.u32 @!p1 s0, $0x1  }
0x27: {  	s0 =	smul.u32 @!p1 $0x3, s0;
	_ =	sdelay $0x1  }
0x28: {  	s0 =	ssub.s32 @!p1 s24, s0  }
0x29: {  	s0 =	smul.u32 @!p1 $0x7D00, s0;
	_ =	sdelay $0x1  }
0x2a: {  	s2 =	sshrl.u32 @!p1 s23, $0x3;
	s0 =	sshrl.u32 @!p1 s0, $0x2  }
0x2b: {  	s6 =	sand.u32 @!p1 $0x7, s23;
	s2 =	sadd.s32 @!p1 s5, s2;
	s0 =	sadd.s32 @!p1 $0x100, s0  }
0x2c: {  	[tilespmem:s0], [sflag:$0x7] =	stream.linear.gather @!p1 [hbm4b:s2+s6], $0x1F40, $0x38;
	[tilespmem:$0x11A60] =	vst v63  }
0x2d: {  	s0 =	sadd.s32 $0xFFFFFFFF, s24  }
0x2e: {  	p1 =	sge.u32 s0, s9  }
.Ltmp2:
0x2f: {  	_ = 	snop;
	(pc) =	sbr.rel @p1 .LBB2_5-.Ltmp2, $1  }
0x30: {  	_ =	sdelay $0x3  }
0x31: {  	s2 =	smulhi.u32 $0xAAAAAAAB, s0;
	_ =	sdelay $0x1  }
0x32: {  	s2 =	sshrl.u32 s2, $0x1  }
0x33: {  	s2 =	smul.u32 $0x3, s2;
	_ =	sdelay $0x1  }
0x34: {  	s2 =	ssub.s32 s0, s2  }
0x35: {  	s2 =	smul.u32 $0x7D00, s2  }
0x36: {  	_ =	swait.ge [sflag:s7], $0x1F40  }
0x37: {  	[sflag:s7] =	ssyncset.done $0x0;
	s2 =	sshrl.u32 s2, $0x2  }
0x38: {  	[sflag:s7] =	ssyncadd.s32 $0xFFFFE0C0;
	(ifvalue) =	ssetifvalue $0xFFFFFFFF;
	v4 =	vld.msk [tilespmem:s2+$0x100 ss:$0x1], $0xffff;
	_ =	sdelay $0x2  }
0x39: {  	s29 =	smulhi.u32 $0xAAAAAAAB, s18;
	p1 =	sne.s32 s24, $0x1  }
0x3a: {  	v5 =	vimm.s32 @!p1 $0x0  }
0x3b: {  	s2 =	sshrl.u32 s29, $0x1;
	v5 =	vperm.xlane @!p1 v4, v5  }
0x3c: {  	s6 =	sshll.u32 s24, $0x4;
	s2 =	smul.u32 $0xFFFE8900, s2;
	vm4 =	vlt.u32 v4, $0x2800  }
0x3d: {  	s6 =	sand.u32 $0x10, s6;
	v4 =	vnsel vm4, $0xFFFFFFFE, v4;
	vm4 =	vlt.u32 @!p1 v5, $0x2800  }
0x3e: {  	s2 =	sshra.s32 s2, $0x2;
	[tilespmem:s6+$0x60] =	vst v4;
	v4 =	vnsel @!p1 vm4, $0xFFFFFFFE, v5  }
0x3f: {  	s30 =	sadd.s32 s2, s17;
	[tilespmem:$0x80] =	vst @!p1 v4  }
0x40: {  	v4 =	vld.msk [tilespmem:s30+$0x0 ss:$0x1], $0xffff;
	_ =	sdelay $0x4  }
0x41: {  	(xrf1) =	vunique.msk.u32 $0xffff, v4;
	_ =	sdelay $0xd  }
0x42: {  	v5 =	vimm.s32 $0xFFFFFFFF;
	v6, _, _ =	vpop (xrf1)  }
0x43: {  	vm5 =	vne.s32 v4, v5;
	vm4 =	veq.s32 v6, v2  }
0x44: {  	vm6 =	vlt.u32 v4, $0x2800;
	vm4 =	vmand vm5, vm4  }
0x45: {  	vm4 =	vmand vm6, vm4  }
0x46: {  	v5 =	vnsel vm4, $0xFFFFFFFF, v4  }
0x47: {  	s31 =	sand.u32 $0x1, s0  }
0x48: {  	s26 =	simm.s32 $0x1F40;
	p1 =	seq.s32 s31, $0x1  }
0x49: {  	s26 =	simm.s32 @!p1 $0x0  }
0x4a: {  	s28 =	sadd.s32 $0x7DF0, s26;
	(ifvalue) =	ssetifvalue $0xFFFFFFFF  }
0x4b: {  	v4 =	vperm.xlane v4, v1;
	[tilespmem:s28], [sflag:$0x8] =	stream.indirect_vreg.gather [hbm4b:s1+s16], $0x1, v5, vm0, $0x4038;
	v5 =	vnsel vm6, $0xFFFFFFFE, v5;
	[tilespmem:$0x11A60] =	vst v63  }
0x4c: {  	s0 =	simm.s32 $0x0;
	s2 =	sadd.s32 $0xFFFFFFF0, s30;
	[tilespmem:s30+$0x0] =	vst v5  }
.LBB2_3:
0x4d: {  	v5 =	vld.msk [tilespmem:s2+$0x0 ss:$0x1], $0xffff;
	s0 =	sadd.s32 $0x10, s0;
	v6 =	vmov v4;
	s6 =	smov.u32 s2  }
0x4e: {  	p1 =	slt.u32 s0, $0x1F30;
	_ =	sdelay $0x4  }
0x4f: {  	v4 =	vperm.xlane v5, v1;
	(xrf1) =	vunique.msk.u32 $0xffff, v5;
	_ =	sdelay $0xd  }
0x50: {  	v7, _, _ =	vpop (xrf1)  }
0x51: {  	vm5 =	vne.s32 v5, v6;
	vm4 =	veq.s32 v7, v2  }
0x52: {  	vm6 =	vlt.u32 v5, $0x2800;
	vm4 =	vmand vm5, vm4  }
0x53: {  	vm4 =	vmand vm6, vm4  }
0x54: {  	v5 =	vnsel vm4, $0xFFFFFFFF, v5  }
.Ltmp3:
0x55: {  	v6 =	vnsel vm6, $0xFFFFFFFE, v5;
	(pc) =	sbr.rel @p1 .LBB2_3-.Ltmp3, $3  }
0x56: {  	_ =	sdelay $0x1  }
0x57: {  	s2 =	sadd.s32 $0xFFFFFFF0, s2;
	s28 =	sadd.s32 $0xFFFFFFF0, s28;
	(ifvalue) =	ssetifvalue $0xFFFFFFFF  }
0x58: {  	[tilespmem:s28], [sflag:$0x8] =	stream.indirect_vreg.gather [hbm4b:s1+s16], $0x1, v5, vm0, $0x4038;
	[tilespmem:s6+$0x0] =	vst v6  }
0x59: {  	s0 =	sshrl.u32 s25, $0x3;
	s2 =	rddreg [dreg:$0x3]  }
0x5a: {  	s31 =	sadd.s32 $0x9D40, s26;
	s0 =	sadd.s32 s2, s0  }
0x5b: {  	[tilespmem:s31], [sflag:$0x8] =	stream.linear.gather [hbm:s0], $0x1F40, $0x38;
	[tilespmem:$0x11A60] =	vst v63  }
.LBB2_5:
0x5c: {  	p1 =	slt.u32 s24, $0x2  }
0x5d: {  	p2 =	sge.u32 @!p1 s24, s12  }
0x5e: {  	p1 =	por p1, p2  }
.Ltmp4:
0x5f: {  	_ = 	snop;
	(pc) =	sbr.rel @p1 .LBB2_9-.Ltmp4, $1  }
0x60: {  	_ =	sdelay $0x3  }
0x61: {  	s0 =	sadd.s32 $0xFFFFFFFE, s24  }
0x62: {  	s2 =	smulhi.u32 $0xAAAAAAAB, s0;
	_ =	sdelay $0x1  }
0x63: {  	s2 =	sshrl.u32 s2, $0x1  }
0x64: {  	s2 =	smul.u32 $0x3, s2;
	_ =	sdelay $0x1  }
0x65: {  	_ =	swait.ge [sflag:s8], $0x3E80;
	s0 =	ssub.s32 s0, s2  }
0x66: {  	s6 =	rddreg [dreg:$0x4];
	s0 =	smul.u32 $0x1F40, s0  }
0x67: {  	[sflag:s8] =	ssyncset.done $0x0;
	p1 =	sne.s32 s24, s6  }
0x68: {  	[sflag:s8] =	ssyncadd.s32 $0xFFFFC180;
	s2 =	sadd.s32 @!p1 $0x203F, s0  }
0x69: {  	[spmem:s13] =	stream.linear.scatter @!p1 [tilespmem:s2], [sflag:$0x1], $0x1, $0x38;
	[tilespmem:$0x11A60] =	vst v63  }
0x6a: {  	s2 =	simm.s32 @!p1 $0x1  }
0x6b: {  	_ =	swait.ge @!p1 [sflag:s2], $0x1  }
0x6c: {  	s6 =	sshll.u32 s24, $0x4;
	[sflag:s2] =	ssyncset.done @!p1 $0x0  }
0x6d: {  	s25 =	sand.u32 $0x10, s6;
	[sflag:s2] =	ssyncadd.s32 @!p1 $0xFFFFFFFF  }
0x6e: {  	s2 =	sxor.u32 $0x10, s25;
	v5 =	vld [tilespmem:s25+$0x10]  }
0x6f: {  	v6 =	vld [tilespmem:s2+$0x60]  }
0x70: {  	v4 =	vld [tilespmem:$0x80];
	_ =	sdelay $0x2  }
0x71: {  	(v2sf) =	vpush v5, $0x0  }
0x72: {  	(v2sf) =	vpush v6, $0x0  }
0x73: {  	(v2sf) =	vpush v4, $0x0;
	_ =	sdelay $0xc  }
0x74: {  	s11 =	spop (v2sf)  }
0x75: {  	s22 =	spop (v2sf)  }
0x76: {  	s28 =	spop (v2sf)  }
0x77: {  	p2 =	seq.s32 s11, s22;
	p3 =	seq.s32 s28, s11  }
0x78: {  	p3 =	por p2, p3  }
0x79: {  	s26 =	sand.u32 $0x1, s24;
	v5 =	vpsel p3, $0xFFFFFFFF, v5  }
0x7a: {  	s29 =	smul.u32 $0x1F40, s26;
	[tilespmem:s25+$0x10] =	vst.msk $0x1, v5  }
0x7b: {  	v5 =	vld [tilespmem:$0x30]  }
0x7c: {  	v6 =	vld [tilespmem:s29+$0x9D40]  }
0x7d: {  	v7 =	vld [tilespmem:s25+$0x40];
	_ =	sdelay $0x2  }
0x7e: {  	vm4 =	vmmov vm1  }
0x7f: {  	vm5 =	vmmov vm2;
	s6 =	sshll.u32 s26, $0x4;
	vm4 =	vmmov @p2 vm2;
	v6 =	vmax.f32 v5, v6  }
0x80: {  	s26 =	sor.u32 $0x11A40, s6;
	vm5 =	vmmov @p3 vm1;
	v5 =	vmax.f32 v5, v7;
	[tilespmem:s29+$0x9D40] =	vst.msk vm4, v6  }
0x81: {  	[tilespmem:s26+$0x0] =	vst.msk vm5, v5  }
0x82: {  	v5 =	vld [tilespmem:s29+$0x7DF0];
	_ =	sdelay $0x4  }
0x83: {  	v5 =	vshift.insert v5, v3, s21  }
0x84: {  	s11 =	sor.u32 $0x40, s2  }
0x85: {  	v6 =	vimm.f32 $-Inf;
	[tilespmem:s11+$0x0] =	vst.msk $0x1, v5  }
0x86: {  	[tilespmem:s29+$0x7DFF] =	vst.msk $0x1, v6  }
0x87: {  	v5 =	vld [tilespmem:s0+$0x2030]  }
0x88: {  	s22 =	smulhi.u32 $0xAAAAAAAB, s20;
	_ =	sdelay $0x1  }
0x89: {  	s6 =	simm.s32 $0x1;
	s0 =	sshrl.u32 s22, $0x1  }
0x8a: {  	s6 =	simm.s32 @!p0 $0x0;
	s0 =	smul.u32 $0xFFFE8900, s0  }
0x8b: {  	s6 =	smul.u32 $0x7D00, s6;
	v5 =	vshift.insert v5, v1, s21  }
0x8c: {  	s0 =	sshra.s32 s0, $0x2  }
0x8d: {  	s6 =	sshrl.u32 s6, $0x2;
	s22 =	sadd.s32 s0, s19;
	[tilespmem:s2+$0x10] =	vst.msk $0x1, v5  }
0x8e: {  	s2 =	sadd.s32 $0x9D40, s6;
	v7 =	vld [tilespmem:s22+$0x0]  }
0x8f: {  	v8 =	vld [tilespmem:s2+$0x0];
	_ =	sdelay $0x4  }
0x90: {  	vm4 =	vne.s32 v7, $0xFFFFFFFF;
	v6 =	vmax.f32 v8, v6  }
0x91: {  	(xrf0) =	vmax.seg.scan.f32 vm4, v6  }
0x92: {  	s11 =	sadd.s32 $0x5EC0, s6;
	v8 =	vld [tilespmem:$0xA0]  }
0x93: {  	v9 =	vld [tilespmem:s11+$0x0];
	_ =	sdelay $0x1  }
0x94: {  	v6 =	vperm.xlane v5, v1;
	_ =	sdelay $0x1  }
0x95: {  	vm6 =	veq.s32 v7, v4;
	vm7 =	veq.s32 v7, v6;
	vm5 =	veq.s32 v8, $0x1;
	v8, _, _ =	vpop (xrf0)  }
0x96: {  	vm8 =	vgt.u32 v7, $0xFFFFFFFD;
	vm7 =	vmor vm7, vm6;
	v9 =	vmax.f32 v8, v9  }
0x97: {  	s30 =	sadd.s32 $0xDBC0, s6;
	v10 =	vld [tilespmem:$0x90];
	vm7 =	vmor vm7, vm8;
	v9 =	vsel vm6, v8, v9  }
0x98: {  	[tilespmem:s30+$0x0] =	vst v9;
	v9 =	vsel vm7, $0xFFFFFFFF, v7;
	_ =	sdelay $0x1  }
0x99: {  	vm9 =	vmand vm4, vm3  }
0x9a: {  	s31 =	simm.s32 $0x0;
	s6 =	sadd.s32 $0x10, s11;
	s0 =	sadd.s32 $0x10, s2;
	v11 =	vsel vm9, $0xFF800000, v8  }
0x9b: {  	s2 =	sadd.s32 $0x10, s22;
	s22 =	sadd.s32 $0x10, s30;
	vm4 =	vmor vm5, vm6;
	v7 =	vsel vm6, v8, v10;
	v8 =	vshift.insert v11, v0, s21;
	(ifvalue) =	ssetifvalue $0xFFFFFFFF  }
.LBB2_7:
0x9c: {  	[hbm4b:s1+s16] =	stream.indirect_vreg.scatter [tilespmem:s30], [sflag:$0x2], $0x1, v9, vm0, $0x4038;
	[tilespmem:$0x11A60] =	vst v63  }
0x9d: {  	s31 =	sadd.s32 $0x10, s31;
	s30 =	smov.u32 s22;
	v9 =	vld [tilespmem:s2+$0x0]  }
0x9e: {  	p2 =	slt.u32 s31, $0x1F30;
	v10 =	vld [tilespmem:s0+$0x0];
	_ =	sdelay $0x4  }
0x9f: {  	vm5 =	vne.s32 v9, $0xFFFFFFFF;
	v8 =	vmax.f32 v10, v8  }
0xa0: {  	(xrf0) =	vmax.seg.scan.f32 vm5, v8;
	_ =	sdelay $0x1  }
0xa1: {  	v8 =	vld [tilespmem:s6+$0x0]  }
0xa2: {  	vm6 =	veq.s32 v9, v4;
	vm7 =	veq.s32 v9, v6  }
0xa3: {  	vm8 =	vgt.u32 v9, $0xFFFFFFFD;
	vm4 =	vmor vm4, vm6;
	vm7 =	vmor vm7, vm6  }
0xa4: {  	vm7 =	vmor vm7, vm8  }
.Ltmp5:
0xa5: {  	vm5 =	vmand vm5, vm3;
	v9 =	vsel vm7, $0xFFFFFFFF, v9;
	v10, _, _ =	vpop (xrf0);
	(pc) =	sbr.rel @p2 .LBB2_7-.Ltmp5, $4  }
0xa6: {  	v7 =	vsel vm6, v10, v7;
	v8 =	vmax.f32 v10, v8;
	v11 =	vsel vm5, $0xFF800000, v10  }
0xa7: {  	v10 =	vsel vm6, v10, v8;
	v8 =	vshift.insert v11, v0, s21  }
0xa8: {  	s2 =	sadd.s32 $0x10, s2;
	s0 =	sadd.s32 $0x10, s0;
	[tilespmem:s22+$0x0] =	vst v10  }
0xa9: {  	s6 =	sadd.s32 $0x10, s6;
	s22 =	sadd.s32 $0x10, s22;
	(ifvalue) =	ssetifvalue $0xFFFFFFFF  }
0xaa: {  	_ =	sdelay $0x3  }
0xab: {  	[hbm4b:s1+s16] =	stream.indirect_vreg.scatter [tilespmem:s30], [sflag:$0x2], $0x1, v9, vm0, $0x4038;
	[tilespmem:$0x11A60] =	vst v63  }
0xac: {  	v4 =	vld [tilespmem:s29+$0xFAF0];
	_ =	sdelay $0x4  }
0xad: {  	v4 =	vshift.insert v4, v3, s21  }
0xae: {  	s0 =	simm.s32 $0x30  }
0xaf: {  	[tilespmem:s0+$0x0] =	vst.msk $0x1, v4  }
0xb0: {  	v4 =	vsel vm4, $0x1, v1;
	[tilespmem:$0x90] =	vst v7  }
0xb1: {  	s0 =	sadd.s32 @!p1 $0xFAFF, s29;
	[tilespmem:$0xA0] =	vst v4  }
0xb2: {  	[spmem:s14] =	stream.linear.scatter @!p1 [tilespmem:s0], [sflag:$0x1], $0x1, $0x38;
	[tilespmem:$0x11A60] =	vst v63  }
0xb3: {  	s0 =	simm.s32 @!p1 $0x1  }
0xb4: {  	v4 =	vmctz.xlane @!p1 vm4;
	_ =	swait.ge @!p1 [sflag:s0], $0x1  }
0xb5: {  	(v2sf) =	vpush @!p1 v5, $0x0  }
0xb6: {  	(v2sf) =	vpush @!p1 v4, $0x0;
	_ =	sdelay $0xd  }
0xb7: {  	s2 =	spop @!p1 (v2sf)  }
0xb8: {  	s6 =	spop @!p1 (v2sf)  }
0xb9: {  	p2 =	sne.s32 @!p1 s28, s2;
	p3 =	slt.s32 @!p1 s6, $0xF  }
0xba: {  	[sflag:s0] =	ssyncset.done @!p1 $0x0;
	p2 =	por p2, p1;
	p3 =	por !p3, p1  }
0xbb: {  	[sflag:s0] =	ssyncadd.s32 @!p1 $0xFFFFFFFF;
	v4 =	vimm.s32 @!p2 $0xFFFFFFFF;
	s6 =	simm.s32 @p3 $0xF  }
0xbc: {  	[tilespmem:$0x80] =	vst @!p2 v4;
	s2 =	sadd.s32 @!p1 $0x90, s6  }
0xbd: {  	[spmem:s10] =	stream.linear.scatter @!p1 [tilespmem:s2], [sflag:$0x1], $0x1, $0x38;
	[tilespmem:$0x11A60] =	vst v63  }
0xbe: {  	_ =	swait.ge @!p1 [sflag:s0], $0x1  }
0xbf: {  	[sflag:s0] =	ssyncset.done @!p1 $0x0  }
0xc0: {  	s2 =	simm.s32 @!p1 $0x80;
	[sflag:s0] =	ssyncadd.s32 @!p1 $0xFFFFFFFF  }
0xc1: {  	[spmem:s15] =	stream.linear.scatter @!p1 [tilespmem:s2], [sflag:$0x1], $0x1, $0x38;
	[tilespmem:$0x11A60] =	vst v63  }
0xc2: {  	_ =	swait.ge @!p1 [sflag:s0], $0x1  }
0xc3: {  	[sflag:s0] =	ssyncset.done @!p1 $0x0  }
0xc4: {  	[sflag:s0] =	ssyncadd.s32 @!p1 $0xFFFFFFFF;
	(ifvalue) =	ssetifvalue $0xFFFFFFFF;
	v4 =	vld [tilespmem:s25+$0x10];
	_ =	sdelay $0x3  }
.Ltmp6:
0xc5: {  	_ = 	snop;
	(pc) =	sbr.rel .LBB2_9-.Ltmp6, $3  }
0xc6: {  	_ =	sdelay $0x1  }
0xc7: {  	(ifvalue) =	ssetifvalue $0xFFFFFFFF  }
0xc8: {  	[hbm4b:s1+s16] =	stream.indirect_vreg.scatter [tilespmem:s26], [sflag:$0x9], $0x1, v4, vm0, $0x4038;
	[tilespmem:$0x11A60] =	vst v63  }
.LBB2_10:
0xc9: {  	_ =	sfence.sel $0x180000  }
0xca: {  	s0 =	simm.s32 $0x7;
	[bflag:$0x0] =	sbarrier.arrive $0xFFFF  }
0xcb: {  	s26 =	simm.s32 $0x8;
	[sflag:s0] =	ssyncpa.u1 $0x1  }
0xcc: {  	s28 =	simm.s32 $0x9;
	[sflag:s26] =	ssyncpa.u1 $0x1  }
0xcd: {  	[sflag:s28] =	ssyncpa.u1 $0x1  }
0xce: {  	_ =	sfence.stream.spmem  }
0xcf: {  	s29 =	simm.s32 $0x3;
	[bflag:$0x0] =	sbarrier.arrive $0xFFFF  }
0xd0: {  	s30 =	simm.s32 $0x4;
	[sflag:s29] =	ssyncpa.u1 $0x1  }
0xd1: {  	s31 =	simm.s32 $0x3C;
	s2 =	stileid.u32;
	[sflag:s30] =	ssyncpa.u1 $0x1  }
0xd2: {  	p0 =	sne.s32 s2, $0x0;
	[sflag:s31] =	ssyncpa.u1 $0x1  }
0xd3: {  	s0 =	simm.s32 @p0 $0x1;
	_ =	sfence @p0  }
0xd4: {  	[sflag:s0] =	ssyncpa.u1 @p0 $0x1;
	s0 =	simm.s32 @p0 $0x2  }
0xd5: {  	[sflag:s0] =	ssyncpa.u1 @p0 $0x1  }
0xd6: {  	_ =	strace @p0 $0x90000047  }
0xd7: {  	[bflag:$0x2] =	sbarrier.arrive @p0 $0xFFFF  }
0xd8: {  	_ =	shalt @p0  }
.LBB2_11:
0xd9: {  	_ =	sfence.stream.spmem;
	s0 =	simm.s32 $0x5  }
0xda: {  	s2 =	simm.s32 $0x80;
	s3 =	simm.s32 $0xC0;
	[sflag:s0] =	ssyncpa.u1 $0x0  }
0xdb: {  	[tilespmem:s3], [sflag:$0x5] =	stream.linear.gather [spmem:s2], $0x20, $0x38;
	[tilespmem:$0x11A60] =	vst v63  }
0xdc: {  	s30 =	simm.s32 $0xE0;
	s2 =	simm.s32 $0x0  }
0xdd: {  	[tilespmem:s30], [sflag:$0x5] =	stream.linear.gather [spmem:s2], $0x20, $0x38;
	[tilespmem:$0x11A60] =	vst v63  }
.Ltmp7:
0xde: {  	_ = 	snop;
	(pc) =	sbr.rel .LBB2_12-.Ltmp7, $4  }
0xdf: {  	_ =	swait.ge [sflag:s0], $0x40  }
0xe0: {  	[sflag:s0] =	ssyncset.done $0x0  }
0xe1: {  	s31 =	simm.s32 $0x6;
	[sflag:s0] =	ssyncadd.s32 $0xFFFFFFC0  }
0xe2: {  	s3 =	simm.s32 $0x0;
	[sflag:s31] =	ssyncpa.u1 $0x0  }
.LBB2_17:
0xe3: {  	p0 =	sgt.u32 s4, $0x27FF  }
0xe4: {  	s0 =	sshrl.u32 @!p0 s4, $0x3  }
0xe5: {  	s4 =	sand.u32 @!p0 $0x7, s4;
	s5 =	simm.s32 @!p0 $0xB0;
	s0 =	sadd.s32 @!p0 s1, s0  }
0xe6: {  	[tilespmem:s5], [sflag:$0x6] =	stream.linear.gather @!p0 [hbm4b:s0+s4], $0x1, $0x38;
	[tilespmem:$0x11A60] =	vst v63  }
0xe7: {  	s0 =	simm.s32 @!p0 $0x6  }
0xe8: {  	_ =	swait.ge @!p0 [sflag:s0], $0x1  }
0xe9: {  	[sflag:s0] =	ssyncset.done @!p0 $0x0  }
0xea: {  	[sflag:s0] =	ssyncadd.s32 @!p0 $0xFFFFFFFF  }
0xeb: {  	v1 =	vld.msk @!p0 [tilespmem:$0xB0], $0x1  }
0xec: {  	v2 =	vld.msk @!p0 [tilespmem:s3+$0xE0], $0x1;
	_ =	sdelay $0x4  }
0xed: {  	v1 =	vmax.f32 @!p0 v2, v1  }
0xee: {  	[tilespmem:s3+$0xE0] =	vst.msk @!p0 $0x1, v1  }
0xef: {  	[tilespmem:s2+$0xC0] =	vst.msk $0x1, v0  }
0xf0: {  	v0 =	vld.msk [tilespmem:s3+$0xE0], $0x1;
	_ =	sdelay $0x4  }
0xf1: {  	[tilespmem:s2+$0xE0] =	vst.msk $0x1, v0;
	s2 =	sadd.s32 $0x1, s2  }
.LBB2_19:
0xf2: {  	s3 =	sadd.s32 $0x1, s3  }
0xf3: {  	p0 =	sne.s32 s3, $0x20  }
.Ltmp8:
0xf4: {  	_ = 	snop;
	(pc) =	sbr.rel @!p0 .LBB2_20-.Ltmp8, $1  }
0xf5: {  	_ =	sdelay $0x3  }
.LBB2_12:
0xf6: {  	v0 =	vld.msk [tilespmem:s3+$0xC0], $0x1;
	_ =	sdelay $0x4  }
0xf7: {  	(v2sf) =	vpush v0, $0x0;
	_ =	sdelay $0xe  }
0xf8: {  	s4 =	spop (v2sf)  }
0xf9: {  	p0 =	seq.s32 s4, $0xFFFFFFFF  }
.Ltmp9:
0xfa: {  	_ = 	snop;
	(pc) =	sbr.rel @p0 .LBB2_19-.Ltmp9, $1  }
0xfb: {  	_ =	sdelay $0x3  }
0xfc: {  	p0 =	slt.s32 s2, $0x1  }
.Ltmp10:
0xfd: {  	_ = 	snop;
	(pc) =	sbr.rel @p0 .LBB2_17-.Ltmp10, $1  }
0xfe: {  	_ =	sdelay $0x3  }
0xff: {  	s0 =	simm.s32 $0xC0;
	p0 =	por $0x0, $0x0  }
0x100: {  	v1 =	vld.msk @!p0 [tilespmem:s0+$0x0], $0x1;
	_ =	sdelay $0x4  }
0x101: {  	(v2sf) =	vpush @!p0 v1, $0x0;
	_ =	sdelay $0xd  }
0x102: {  	p2 =	sne.s32 s2, $0x1  }
.Ltmp11:
0x103: {  	s5 =	spop @!p0 (v2sf);
	(pc) =	sbr.rel @!p2 .LBB2_16-.Ltmp11, $4  }
0x104: {  	p1 =	seq.s32 @!p0 s4, s5  }
0x105: {  	s5 =	simm.s32 $0x0;
	p1 =	por !p1, p0  }
0x106: {  	s7 =	simm.s32 $0xFFFFFFFF;
	s5 =	simm.s32 @p1 $0xFFFFFFFF  }
0x107: {  	s6 =	simm.s32 $0x1;
	s5 =	smov.u32 @p0 s7  }
.LBB2_15:
0x108: {  	s7 =	smov.u32 s5;
	p0 =	sne.s32 s5, $0xFFFFFFFF  }
0x109: {  	s0 =	sadd.s32 $0x1, s0;
	s5 =	smov.u32 s6;
	s6 =	sadd.s32 $0x1, s6  }
0x10a: {  	p1 =	sne.s32 s2, s6;
	v1 =	vld.msk @!p0 [tilespmem:s0+$0x0], $0x1;
	_ =	sdelay $0x4  }
0x10b: {  	(v2sf) =	vpush @!p0 v1, $0x0;
	_ =	sdelay $0xe  }
.Ltmp12:
0x10c: {  	s8 =	spop @!p0 (v2sf);
	(pc) =	sbr.rel @p1 .LBB2_15-.Ltmp12, $4  }
0x10d: {  	p2 =	seq.s32 @!p0 s4, s8  }
0x10e: {  	p2 =	por !p2, p0  }
0x10f: {  	s5 =	simm.s32 @p2 $0xFFFFFFFF  }
0x110: {  	s5 =	smov.u32 @p0 s7  }
.LBB2_16:
0x111: {  	p0 =	sne.s32 s5, $0xFFFFFFFF  }
.Ltmp13:
0x112: {  	_ = 	snop;
	(pc) =	sbr.rel @!p0 .LBB2_17-.Ltmp13, $1  }
0x113: {  	_ =	sdelay $0x3  }
0x114: {  	v0 =	vld.msk [tilespmem:s3+$0xE0], $0x1  }
0x115: {  	v1 =	vld.msk [tilespmem:s5+$0xE0], $0x1;
	_ =	sdelay $0x1  }
.Ltmp14:
0x116: {  	_ = 	snop;
	(pc) =	sbr.rel .LBB2_19-.Ltmp14, $3  }
0x117: {  	_ =	sdelay $0x1  }
0x118: {  	v0 =	vmax.f32 v1, v0  }
0x119: {  	[tilespmem:s5+$0xE0] =	vst.msk $0x1, v0  }
.LBB2_20:
0x11a: {  	p0 =	slt.s32 s2, $0x1  }
.Ltmp15:
0x11b: {  	_ = 	snop;
	(pc) =	sbr.rel @p0 .LBB2_24-.Ltmp15, $3  }
0x11c: {  	_ =	sdelay $0x1  }
0x11d: {  	s0 =	simm.s32 $0x6  }
0x11e: {  	s3 =	simm.s32 $0x0;
	[sflag:s0] =	ssyncpa.u1 $0x1  }
0x11f: {  	s0 =	simm.s32 $0xC0  }
0x120: {  	v0 =	vld.msk [tilespmem:s0+$0x0], $0x1;
	_ =	sdelay $0x4  }
0x121: {  	(v2sf) =	vpush v0, $0x0;
	_ =	sdelay $0xe  }
0x122: {  	s2 =	sadd.s32 $0xFFFFFFFF, s2;
	s4 =	spop (v2sf)  }
0x123: {  	p1 =	sne.s32 s2, $0x0;
	p0 =	sgt.u32 s4, $0x27FF  }
.Ltmp16:
0x124: {  	s5 =	sshrl.u32 @!p0 s4, $0x3;
	(pc) =	sbr.rel @!p1 .LBB2_23-.Ltmp16, $4  }
0x125: {  	s0 =	simm.s32 $0xE0;
	s4 =	sand.u32 @!p0 $0x7, s4;
	s5 =	sadd.s32 @!p0 s1, s5  }
0x126: {  	[hbm4b:s5+s4] =	stream.linear.scatter @!p0 [tilespmem:s0], [sflag:$0x5], $0x1, $0x38;
	[tilespmem:$0x11A60] =	vst v63  }
0x127: {  	s5 =	simm.s32 $0x0  }
0x128: {  	s4 =	simm.s32 $0xC1;
	s5 =	simm.s32 @!p0 $0x4  }
.LBB2_22:
0x129: {  	v0 =	vld.msk [tilespmem:s4+$0x0], $0x1;
	s2 =	sadd.s32 $0xFFFFFFFF, s2;
	s3 =	sadd.s32 s3, s5  }
0x12a: {  	p0 =	sne.s32 s2, $0x0;
	_ =	sdelay $0x3  }
0x12b: {  	(v2sf) =	vpush v0, $0x0;
	_ =	sdelay $0xe  }
.Ltmp17:
0x12c: {  	s6 =	spop (v2sf);
	(pc) =	sbr.rel @p0 .LBB2_22-.Ltmp17, $4  }
0x12d: {  	s5 =	simm.s32 $0x0;
	p1 =	sgt.u32 s6, $0x27FF  }
0x12e: {  	s0 =	sadd.s32 $0x1, s0;
	s5 =	simm.s32 @!p1 $0x4;
	s7 =	sshrl.u32 @!p1 s6, $0x3  }
0x12f: {  	s4 =	sadd.s32 $0x1, s4;
	s6 =	sand.u32 @!p1 $0x7, s6;
	s7 =	sadd.s32 @!p1 s1, s7  }
0x130: {  	[hbm4b:s7+s6] =	stream.linear.scatter @!p1 [tilespmem:s0], [sflag:$0x5], $0x1, $0x38;
	[tilespmem:$0x11A60] =	vst v63  }
.LBB2_23:
0x131: {  	s0 =	sadd.s32 s3, s5  }
0x132: {  	s3 =	sshrl.u32 s0, $0x2  }
.LBB2_24:
0x133: {  	s0 =	simm.s32 $0x5  }
0x134: {  	_ =	swait.ge [sflag:s0], s3  }
0x135: {  	s1 =	ssub.s32 $0x0, s3;
	[sflag:s0] =	ssyncset.done $0x0  }
0x136: {  	[sflag:s0] =	ssyncadd.s32 s1  }
0x137: {  	[sflag:s0] =	ssyncpa.u1 $0x1  }
0x138: {  	s29 =	simm.s32 $0x1;
	_ =	sfence  }
0x139: {  	s30 =	simm.s32 $0x2;
	[sflag:s29] =	ssyncpa.u1 $0x1  }
0x13a: {  	[sflag:s30] =	ssyncpa.u1 $0x1  }
0x13b: {  	_ =	strace $0x90000047  }
0x13c: {  	[bflag:$0x2] =	sbarrier.arrive $0xFFFF  }
0x13d: {  	s31 =	rddreg [dreg:$0x2]  }
0x13e: {  	s0 =	sadd.s32 $0x100000, s31  }
0x13f: {  	[sflag:s0] =	ssyncadd.tile.s32 $0x1;
	_ =	shalt  }
.Lfunc_end2:
_tile_overlayer_lowered:
.L_overlay_start_2:
0x140: {  	(tag) =	ssettag $0x2  }
0x141: {  	s0 =	rddreg [dreg:$0x0];
	s2 =	stileid.u32  }
0x142: {  	s1 =	rddreg [dreg:$0x1];
	p0 =	sne.s32 s2, $0x0  }
0x143: {  	s3 =	rddreg [dreg:$0x2];
	[bflag:$0x3] =	sbarrier.arrive $0xFFFF;
	s2 =	simm.s32 @!p0 $0x1C01  }
0x144: {  	[timem:s3], [sflag:s2] =	dma.local @!p0 [hbm:s0], s1  }
0x145: {  	s0 =	simm.s32 @!p0 $0x1  }
0x146: {  	_ =	swait.ge @!p0 [sflag:s0], s1  }
0x147: {  	s1 =	ssub.s32 @!p0 $0x0, s1;
	[sflag:s0] =	ssyncset.done @!p0 $0x0  }
0x148: {  	[sflag:s0] =	ssyncadd.s32 @!p0 s1  }
0x149: {  	[bflag:$0x3] =	sbarrier.arrive $0xFFFF  }
0x14a: {  	_ =	shalt  }

// kernel: scatter_offload_async_start.2
scs
__scs_entry_jumppad:
0x0: {  	(pc) =	sbr.rel $0x88, $3  }
0x1: {  	(tag) =	ssettag $0x0;
	lr =	simm.s32 $0x1  }
0x2: {  	[smem:$0x3F94] =	sst lr;
	_ =	strace $0xD0000000  }
0x3: {  	_ = 	snop  }
0x4: {  	_ = 	snop  }
0x5: {  	_ = 	snop  }
0x6: {  	_ = 	snop  }
0x7: {  	_ = 	snop  }
__scs_overlays_trampoline_lowered:
0x8: {  	[smem:$0x3FA3] =	sst s0  }
0x9: {  	[smem:$0x3FA4] =	sst s1  }
0xa: {  	[smem:$0x3FA5] =	sst s2  }
0xb: {  	[smem:$0x3FA6] =	sst s3  }
0xc: {  	[smem:$0x3FA7] =	sst s4  }
0xd: {  	[smem:$0x3FA8] =	sst s5  }
0xe: {  	[smem:$0x3FA9] =	sst s6  }
0xf: {  	[smem:$0x3FAA] =	sst s7  }
0x10: {  	[smem:$0x3FAB] =	sst s8  }
0x11: {  	[smem:$0x3FAC] =	sst s9;
	s0 =	simm.s32 @!p0 $0x0  }
0x12: {  	s1 =	sld [smem:$0x3F92];
	s0 =	simm.s32 @p0 $0x1  }
0x13: {  	[smem:$0x3FAD] =	sst s0;
	s0 =	simm.s32 @!p1 $0x0  }
0x14: {  	s2 =	sld [smem:$0x3F91];
	s0 =	simm.s32 @p1 $0x1  }
0x15: {  	[smem:$0x3FAE] =	sst s0;
	s0 =	simm.s32 @!p2 $0x0  }
0x16: {  	s3 =	sld [smem:$0x3FDB];
	s0 =	simm.s32 @p2 $0x1  }
0x17: {  	s4 =	simm.s32 $0x1BF5;
	[smem:$0x3FB0] =	sst s0  }
0x18: {  	s0 =	sld [smem:$0x3F93];
	_ =	swait.ge [sflag:s4], $0x0  }
0x19: {  	s7 =	sld [smem:$0x3F94]  }
0x1a: {  	s8 =	sadd.s32 $0xFFFFE003, lr  }
0x1b: {  	s9 =	sadd.s32 $0xFFFFFEF7, lr;
	s5 =	simm.s32 $0xFFFFFFFF;
	p2 =	slt.u32 s8, $0xFFFFF086  }
0x1c: {  	p1 =	slt.u32 s9, $0xF7A;
	s5 =	simm.s32 @!p2 $0x0  }
0x1d: {  	s5 =	simm.s32 @p1 $0x1;
	p0 =	seq.s32 s7, s2  }
0x1e: {  	s7 =	smul.u32 @!p0 $0xF7A, s2;
	p2 =	seq.s32 @!p0 s5, $0x0  }
0x1f: {  	s9 =	smul.u32 $0xF7A, s1;
	s8 =	simm.s32 @!p0 $0x1BF5;
	p2 =	por !p2, p0  }
0x20: {  	[sflag:s8] =	ssyncset.s32 @!p0 $0xFFFFF086;
	s6 =	sadd.s32 @!p0 s3, s7;
	s7 =	simm.s32 @!p0 $0x108  }
0x21: {  	s3 =	sadd.s32 s3, s9;
	s6 =	sadd.s32 @!p0 $0x88, s6;
	s7 =	simm.s32 @p2 $0x1082  }
0x22: {  	[simem:s7], [sflag:s8] =	dma.local @!p0 [hbm:s6], $0xF7A  }
0x23: {  	s9 =	sor.u32 $0xD0000000, s2;
	s6 =	simm.s32 $0x108;
	_ =	swait.ge @!p0 [sflag:s8], $0x0  }
0x24: {  	s3 =	sadd.s32 $0x88, s3;
	s6 =	simm.s32 @!p1 $0x1082;
	[sflag:s4] =	ssyncset.s32 $0xFFFFF086  }
0x25: {  	[simem:s6], [sflag:s4] =	dma.local [hbm:s3], $0xF7A  }
0x26: {  	[smem:$0x3F94] =	sst s1;
	(tag) =	ssettag s2;
	_ =	strace s9  }
0x27: {  	s1 =	sld [smem:$0x3FA4]  }
0x28: {  	s2 =	sld [smem:$0x3FA5]  }
0x29: {  	s4 =	sld [smem:$0x3FA7]  }
0x2a: {  	p0 =	seq.s32 s5, $0x0;
	s5 =	sld [smem:$0x3FA8]  }
0x2b: {  	s6 =	sld [smem:$0x3FA9]  }
0x2c: {  	s7 =	sld [smem:$0x3FAA]  }
0x2d: {  	s3 =	simm.s32 $0x108;
	s8 =	sld [smem:$0x3FAB]  }
0x2e: {  	s3 =	simm.s32 @!p0 $0x1082;
	s9 =	sld [smem:$0x3FAC]  }
0x2f: {  	lr =	sadd.s32 s0, s3;
	s0 =	sld [smem:$0x3FA3]  }
0x30: {  	s3 =	sld [smem:$0x3FA6]  }
0x31: {  	[smem:$0x3FAF] =	sst s10  }
0x32: {  	s10 =	sld [smem:$0x3FAD];
	_ =	sdelay $0x3  }
0x33: {  	p0 =	seq.s32 s10, $0x1;
	s10 =	sld [smem:$0x3FAF];
	_ =	sdelay $0x3  }
0x34: {  	[smem:$0x3FAF] =	sst s10  }
0x35: {  	s10 =	sld [smem:$0x3FAE];
	_ =	sdelay $0x3  }
0x36: {  	p1 =	seq.s32 s10, $0x1;
	s10 =	sld [smem:$0x3FAF];
	_ =	sdelay $0x3  }
0x37: {  	[smem:$0x3FAF] =	sst s10  }
0x38: {  	s10 =	sld [smem:$0x3FB0]  }
0x39: {  	_ = 	snop;
	(pc) =	sbr.ind lr, $3  }
0x3a: {  	_ = 	snop  }
0x3b: {  	_ = 	snop  }
0x3c: {  	p2 =	seq.s32 s10, $0x1;
	s10 =	sld [smem:$0x3FAF]  }
0x3d: {  	_ =	shalt  }
0x3e: {  	_ =	shalt  }
0x3f: {  	_ =	shalt  }
0x40: {  	_ =	shalt  }
0x41: {  	_ =	shalt  }
0x42: {  	_ =	shalt  }
0x43: {  	_ =	shalt  }
0x44: {  	_ =	shalt  }
0x45: {  	_ =	shalt  }
0x46: {  	_ =	shalt  }
0x47: {  	_ =	shalt  }
0x48: {  	_ =	shalt  }
0x49: {  	_ =	shalt  }
0x4a: {  	_ =	shalt  }
0x4b: {  	_ =	shalt  }
0x4c: {  	_ =	shalt  }
0x4d: {  	_ =	shalt  }
0x4e: {  	_ =	shalt  }
0x4f: {  	_ =	shalt  }
0x50: {  	_ =	shalt  }
0x51: {  	_ =	shalt  }
0x52: {  	_ =	shalt  }
0x53: {  	_ =	shalt  }
0x54: {  	_ =	shalt  }
0x55: {  	_ =	shalt  }
0x56: {  	_ =	shalt  }
0x57: {  	_ =	shalt  }
0x58: {  	_ =	shalt  }
0x59: {  	_ =	shalt  }
0x5a: {  	_ =	shalt  }
0x5b: {  	_ =	shalt  }
0x5c: {  	_ =	shalt  }
0x5d: {  	_ =	shalt  }
0x5e: {  	_ =	shalt  }
0x5f: {  	_ =	shalt  }
0x60: {  	_ =	shalt  }
0x61: {  	_ =	shalt  }
0x62: {  	_ =	shalt  }
0x63: {  	_ =	shalt  }
0x64: {  	_ =	shalt  }
0x65: {  	_ =	shalt  }
0x66: {  	_ =	shalt  }
0x67: {  	_ =	shalt  }
0x68: {  	_ =	shalt  }
0x69: {  	_ =	shalt  }
0x6a: {  	_ =	shalt  }
0x6b: {  	_ =	shalt  }
0x6c: {  	_ =	shalt  }
0x6d: {  	_ =	shalt  }
0x6e: {  	_ =	shalt  }
0x6f: {  	_ =	shalt  }
0x70: {  	_ =	shalt  }
0x71: {  	_ =	shalt  }
0x72: {  	_ =	shalt  }
0x73: {  	_ =	shalt  }
0x74: {  	_ =	shalt  }
0x75: {  	_ =	shalt  }
0x76: {  	_ =	shalt  }
0x77: {  	_ =	shalt  }
0x78: {  	_ =	shalt  }
0x79: {  	_ =	shalt  }
0x7a: {  	_ =	shalt  }
0x7b: {  	_ =	shalt  }
0x7c: {  	_ =	shalt  }
0x7d: {  	_ =	shalt  }
0x7e: {  	_ =	shalt  }
0x7f: {  	_ =	shalt  }
0x80: {  	_ =	shalt  }
0x81: {  	_ =	shalt  }
0x82: {  	_ =	shalt  }
0x83: {  	_ =	shalt  }
0x84: {  	_ =	shalt  }
0x85: {  	_ =	shalt  }
0x86: {  	_ =	shalt  }
0x87: {  	_ =	shalt  }
.Lfunc_end0:
.L_simem_size_0:
called_computation.2_lowered:
.L_overlay_start_0:
0x88: {  	s0 =	sld [smem:$0x3FD9]  }
0x89: {  	s1 =	sld [smem:$0x3FFE];
	_ =	sdelay $0x3  }
0x8a: {  	s0 =	sadd.s32 s1, s0  }
0x8b: {  	[smem:$0x3FBB] =	sst s0  }
0x8c: {  	_ = 	snop  }
0x8d: {  	s0 =	sld [smem:$0x3FD0];
	_ =	sdelay $0x2  }
0x8e: {  	s13 =	simm.s32 $0xC;
	s2 =	simm.s32 $0x10  }
0x8f: {  	[smem:s2], [sflag:s13] =	dma.local [hbm:s0], $0x1  }
0x90: {  	_ =	swait.eq [sflag:s13], $0x1  }
0x91: {  	[sflag:s13] =	ssyncset.done $0x0  }
0x92: {  	[sflag:s13] =	ssyncadd.s32 $0xFFFFFFFF  }
0x93: {  	s14 =	sld [smem:$0x14];
	(tm) =	ssettm $0x1  }
0x94: {  	s15 =	sld [smem:$0x3FFB];
	_ =	sdelay $0x3  }
0x95: {  	_ =	strace s15  }
0x96: {  	s1 =	sld [smem:$0x3FFC];
	_ =	sdelay $0x3  }
0x97: {  	_ =	strace s1  }
0x98: {  	s1 =	sld [smem:$0x3FFD];
	_ =	sdelay $0x3  }
0x99: {  	_ =	strace s1  }
0x9a: {  	_ =	strace $0x8FFFFFFF  }
0x9b: {  	s16 =	sld [smem:$0x3FDB];
	_ =	sdelay $0x1  }
0x9c: {  	s17 =	simm.s32 $_scs_section_size  }
0x9d: {  	s3 =	simm.s32 $_size__tile_overlayer_lowered;
	s4 =	simm.s32 $_tile_overlayer_lowered  }
0x9e: {  	s20 =	simm.s32 $0x1BFF;
	s19 =	sshll.u32 s4, $0x1;
	s1 =	sadd.s32 s17, s16  }
0x9f: {  	s5 =	simm.s32 $0x0;
	s18 =	sshll.u32 s3, $0x1;
	s3 =	sadd.s32 s19, s1  }
0xa0: {  	[timem:s5], [sflag:s20] =	dma.local [hbm:s3], s18  }
0xa1: {  	_ =	swait.ge [sflag:s20], s18  }
0xa2: {  	s2 =	ssub.s32 $0x0, s18;
	[sflag:s20] =	ssyncset.done $0x0  }
0xa3: {  	[sflag:s20] =	ssyncadd.s32 s2;
	_ =	sdelay $0x1  }
0xa4: {  	s21 =	simm.s32 $0x1B8B  }
0xa5: {  	_ =	swait.ge [sflag:s21], $0x1  }
0xa6: {  	[sflag:s21] =	ssyncset.done $0x0  }
0xa7: {  	s23 =	simm.s32 $0x1B8E;
	s22 =	sld [smem:$0x3FFE];
	[sflag:s21] =	ssyncadd.s32 $0xFFFFFFFF  }
0xa8: {  	s24 =	simm.s32 $execute0_lowered;
	[smem:$0x3FD2] =	sst s23  }
0xa9: {  	s3 =	sshll.u32 s24, $0x1;
	_ =	strace $0x80000049;
	[dreg:$0x1] =	wrdreg $0xFFFFFFFF  }
0xaa: {  	s25 =	simm.s32 $_size_execute0_lowered;
	s1 =	sadd.s32 s1, s3;
	[dreg:$0x0] =	wrdreg $0x0  }
0xab: {  	s3 =	sshll.u32 s25, $0x1;
	[dreg:$0x2] =	wrdreg s1  }
0xac: {  	[dreg:$0x3] =	wrdreg s3  }
0xad: {  	[dreg:$0x4] =	wrdreg $0xC0  }
0xae: {  	_ =	task [dreg:s5], $0x5FFFF  }
0xaf: {  	[dreg:$0x1] =	wrdreg $0xFFFFFFFF  }
0xb0: {  	[dreg:$0x0] =	wrdreg $0x60  }
0xb1: {  	[dreg:$0x2] =	wrdreg s14  }
0xb2: {  	[dreg:$0x3] =	wrdreg s22  }
0xb3: {  	[dreg:$0x4] =	wrdreg $0x9  }
0xb4: {  	_ =	task.clear_ibuf [dreg:s5], $0x5FFFF;
	_ =	strace $0x90000049  }
0xb5: {  	s26 =	simm.s32 $0x9;
	_ =	strace $0x8000004B  }
0xb6: {  	_ =	swait.ge [sflag:s26], $0x1  }
0xb7: {  	[sflag:s26] =	ssyncadd.s32 $0xFFFFFFFF  }
0xb8: {  	_ =	strace $0x9000004B  }
0xb9: {  	_ =	sfence  }
0xba: {  	s28 =	sld [smem:$0x0];
	_ =	sdelay $0x1  }
0xbb: {  	s29 =	srdreg.scid  }
0xbc: {  	s30 =	sshll.u32 s29, $0xD;
	s31 =	sshrl.u32 s29, $0x2  }
0xbd: {  	s2 =	sand.u32 $0x4000, s30;
	s1 =	sand.u32 $0x1, s29;
	s0 =	sadd.s32 s31, s28  }
0xbe: {  	s1 =	sor.u32 s2, s1;
	s0 =	sshll.u32 s0, $0x11  }
0xbf: {  	s0 =	sor.u32 s0, s1  }
0xc0: {  	s0 =	sadd.s32 $0x8F2B, s0  }
0xc1: {  	[sflag:s0] =	ssyncadd.remote.s32 $0x1  }
0xc2: {  	_ =	sfence.sel $0xFFFF  }
0xc3: {  	[dreg:$0x0] =	wrdreg $0xFFFFFFFF;
	(pc) =	sbr.abs _section_cstart, $3  }
0xc4: {  	[dreg:$0x1] =	wrdreg $0xFFFFFFFF  }
0xc5: {  	_ =	task.clear_ibuf [dreg:s5], $0x2FFFF;
	_ =	strace $0x9FFFFFFF  }
0xc6: {  	(tm) =	ssettm $0x7FFFFFFF  }
0xc7: {  	_ =	shalt  }
tec
execute0_lowered:
.L_overlay_start_1:
0x0: {  	(tag) =	ssettag $0x1  }
0x1: {  	s1 =	rddreg [dreg:$0x0]  }
0x2: {  	s0 =	rddreg [dreg:$0x1];
	s14 =	stileid.u32  }
0x3: {  	_ =	strace $0x8000004A;
	s2 =	simm.s32 $0x1;
	s3 =	smin.u32 s14, $0x4  }
0x4: {  	v1 =	vimm.s32 $0xFFFFFFFF;
	[sflag:s2] =	ssyncpa.u1 $0x0;
	s3 =	sadd.s32 s14, s3  }
0x5: {  	s4 =	simm.s32 $0x3E80;
	p0 =	slt.u32 s14, $0x4;
	[tilespmem:$0x10] =	vst v1;
	s3 =	smul.u32 $0x1F40, s3  }
0x6: {  	v0 =	vimm.f32 $0.0e+00;
	[tilespmem:$0x20] =	vst v1;
	s4 =	simm.s32 @!p0 $0x1F40  }
0x7: {  	[tilespmem:$0x30] =	vst v0;
	s4 =	sadd.s32 s4, s3  }
0x8: {  	[tilespmem:$0x40] =	vst v0;
	s4 =	smin.u32 s4, $0x27100  }
0x9: {  	[tilespmem:$0x50] =	vst v0;
	s9 =	ssub.s32 s4, s3  }
0xa: {  	s7 =	simm.s32 $0x2;
	[tilespmem:$0x60] =	vst v1;
	p0 =	sgt.s32 s9, $0x0  }
0xb: {  	s8 =	simm.s32 $0x8;
	s31 =	simm.s32 $0x9;
	[tilespmem:$0x70] =	vst v1;
	s9 =	simm.s32 @!p0 $0x0  }
0xc: {  	s16 =	simm.s32 $0x0;
	s17 =	simm.s32 $0xF0;
	[tilespmem:$0x80] =	vst v1;
	s5 =	smulhi.u32 $0x10624DD3, s9  }
0xd: {  	s18 =	simm.s32 $0xFFFFFFFF;
	s19 =	simm.s32 $0xFFFFC280;
	s20 =	simm.s32 $0xFFFFFFFE;
	v1 =	vimm.s32 $0x0;
	[tilespmem:$0xB0] =	vst v0  }
0xe: {  	s21 =	simm.s32 $0xF;
	s25 =	simm.s32 $0x0;
	[tilespmem:$0x90] =	vst v1;
	s10 =	sshrl.u32 s5, $0x9  }
0xf: {  	[tilespmem:$0xA0] =	vst v1;
	[sflag:s7] =	ssyncpa.u1 $0x0;
	s7 =	simm.s32 $0x7;
	s11 =	smul.u32 $0x1F40, s10  }
0x10: {  	s24 =	simm.s32 $0x0;
	s6 =	sadd.s32 $0x285000, s0;
	[sflag:s7] =	ssyncpa.u1 $0x0  }
.Ltmp0:
0x11: {  	[sflag:s8] =	ssyncpa.u1 $0x0;
	p0 =	sne.s32 s9, s11;
	(pc) =	sbr.rel .LBB2_1-.Ltmp0, $4  }
0x12: {  	s23 =	smov.u32 s3;
	[sflag:s31] =	ssyncpa.u1 $0x0;
	s2 =	simm.s32 @!p0 $0x0  }
0x13: {  	s5 =	sadd.s32 $0x280000, s0;
	p0 =	por $0x0, $0x0;
	s9 =	sadd.s32 s2, s10  }
0x14: {  	vm0 =	vmmov $0xffff;
	v2 =	vlaneseq.u32;
	s10 =	sshll.u32 s14, $0x1;
	s14 =	sshllo.u32 s14, $0x1;
	s11 =	sadd.s32 $0x1, s9  }
0x15: {  	vm1 =	vmxor vm1, vm1;
	vm2 =	vmmov $0x1;
	vm3 =	vcmask $0x3F3C;
	s12 =	sadd.s32 $0x2, s9;
	s13 =	sor.u32 $0x81, s10;
	s15 =	sor.u32 $0x80, s10  }
.LBB2_9:
0x16: {  	p1 =	slt.u32 s24, $0x3  }
0x17: {  	s0 =	simm.s32 @!p1 $0x2  }
0x18: {  	_ =	swait.ge @!p1 [sflag:s0], $0x1F40  }
0x19: {  	[sflag:s0] =	ssyncset.done @!p1 $0x0  }
0x1a: {  	[sflag:s0] =	ssyncadd.s32 @!p1 $0xFFFFE0C0;
	s0 =	simm.s32 @!p1 $0x9  }
0x1b: {  	_ =	swait.ge @!p1 [sflag:s0], $0x10  }
0x1c: {  	[sflag:s0] =	ssyncset.done @!p1 $0x0  }
0x1d: {  	[sflag:s0] =	ssyncadd.s32 @!p1 $0xFFFFFFF0;
	p1 =	sne.s32 s24, s12  }
.Ltmp1:
0x1e: {  	s2 =	sadd.s32 $0x1F40, s23;
	(pc) =	sbr.rel @!p1 .LBB2_10-.Ltmp1, $4  }
0x1f: {  	s22 =	smov.u32 s3;
	s31 =	sadd.s32 $0x1, s24;
	s17 =	sadd.s32 $0x1F40, s17  }
0x20: {  	s18 =	sadd.s32 $0x1, s18;
	s25 =	smov.u32 s23;
	p2 =	slt.s32 s2, s4  }
0x21: {  	p0 =	por !p0, !p0;
	s19 =	sadd.s32 $0x1F40, s19;
	s22 =	smov.u32 @p2 s2  }
0x22: {  	s20 =	sadd.s32 $0x1, s20;
	s23 =	smov.u32 s22;
	s24 =	smov.u32 s31  }
.LBB2_1:
0x23: {  	p1 =	sge.u32 s24, s9  }
0x24: {  	s0 =	smulhi.u32 @!p1 $0xAAAAAAAB, s24;
	_ =	sdelay $0x1  }
0x25: {  	s0 =	sshrl.u32 @!p1 s0, $0x1  }
0x26: {  	s0 =	smul.u32 @!p1 $0x3, s0;
	_ =	sdelay $0x1  }
0x27: {  	s0 =	ssub.s32 @!p1 s24, s0  }
0x28: {  	s0 =	smul.u32 @!p1 $0x7D00, s0;
	_ =	sdelay $0x1  }
0x29: {  	s2 =	sshrl.u32 @!p1 s23, $0x3;
	s0 =	sshrl.u32 @!p1 s0, $0x2  }
0x2a: {  	s22 =	sand.u32 @!p1 $0x7, s23;
	s2 =	sadd.s32 @!p1 s5, s2;
	s0 =	sadd.s32 @!p1 $0x100, s0  }
0x2b: {  	[tilespmem:s0], [sflag:$0x7] =	stream.linear.gather @!p1 [hbm4b:s2+s22], $0x1F40, $0x38;
	[tilespmem:$0x11A60] =	vst v63  }
0x2c: {  	s0 =	sadd.s32 $0xFFFFFFFF, s24  }
0x2d: {  	p1 =	sge.u32 s0, s9  }
.Ltmp2:
0x2e: {  	_ = 	snop;
	(pc) =	sbr.rel @p1 .LBB2_5-.Ltmp2, $1  }
0x2f: {  	_ =	sdelay $0x3  }
0x30: {  	s2 =	smulhi.u32 $0xAAAAAAAB, s0;
	_ =	sdelay $0x1  }
0x31: {  	s2 =	sshrl.u32 s2, $0x1  }
0x32: {  	s2 =	smul.u32 $0x3, s2;
	_ =	sdelay $0x1  }
0x33: {  	s2 =	ssub.s32 s0, s2  }
0x34: {  	s2 =	smul.u32 $0x7D00, s2  }
0x35: {  	_ =	swait.ge [sflag:s7], $0x1F40  }
0x36: {  	[sflag:s7] =	ssyncset.done $0x0;
	s2 =	sshrl.u32 s2, $0x2  }
0x37: {  	[sflag:s7] =	ssyncadd.s32 $0xFFFFE0C0;
	(ifvalue) =	ssetifvalue $0xFFFFFFFF;
	v3 =	vld.msk [tilespmem:s2+$0x100 ss:$0x1], $0xffff;
	_ =	sdelay $0x2  }
0x38: {  	s30 =	smulhi.u32 $0xAAAAAAAB, s18;
	p1 =	sne.s32 s24, $0x1  }
0x39: {  	v4 =	vimm.s32 @!p1 $0x0  }
0x3a: {  	s2 =	sshrl.u32 s30, $0x1;
	v4 =	vperm.xlane @!p1 v3, v4  }
0x3b: {  	s22 =	sshll.u32 s24, $0x4;
	s2 =	smul.u32 $0xFFFE8900, s2;
	vm4 =	vlt.u32 v3, $0x2800  }
0x3c: {  	s22 =	sand.u32 $0x10, s22;
	v3 =	vnsel vm4, $0xFFFFFFFE, v3;
	vm4 =	vlt.u32 @!p1 v4, $0x2800  }
0x3d: {  	s2 =	sshra.s32 s2, $0x2;
	[tilespmem:s22+$0x60] =	vst v3;
	v3 =	vnsel @!p1 vm4, $0xFFFFFFFE, v4  }
0x3e: {  	s28 =	sadd.s32 s2, s17;
	[tilespmem:$0x80] =	vst @!p1 v3  }
0x3f: {  	v3 =	vld.msk [tilespmem:s28+$0x0 ss:$0x1], $0xffff;
	_ =	sdelay $0x4  }
0x40: {  	(xrf1) =	vunique.msk.u32 $0xffff, v3;
	_ =	sdelay $0xd  }
0x41: {  	v4 =	vimm.s32 $0xFFFFFFFF;
	v5, _, _ =	vpop (xrf1)  }
0x42: {  	vm5 =	vne.s32 v3, v4;
	vm4 =	veq.s32 v5, v2  }
0x43: {  	vm6 =	vlt.u32 v3, $0x2800;
	vm4 =	vmand vm5, vm4  }
0x44: {  	vm4 =	vmand vm6, vm4  }
0x45: {  	v4 =	vnsel vm4, $0xFFFFFFFF, v3  }
0x46: {  	s31 =	sand.u32 $0x1, s0  }
0x47: {  	s0 =	simm.s32 $0x1F40;
	p1 =	seq.s32 s31, $0x1  }
0x48: {  	s0 =	simm.s32 @!p1 $0x0  }
0x49: {  	s26 =	sadd.s32 $0x7DF0, s0;
	(ifvalue) =	ssetifvalue $0xFFFFFFFF  }
0x4a: {  	v3 =	vperm.xlane v3, v1;
	[tilespmem:s26], [sflag:$0x8] =	stream.indirect_vreg.gather [hbm4b:s1+s16], $0x1, v4, vm0, $0x4038;
	v4 =	vnsel vm6, $0xFFFFFFFE, v4;
	[tilespmem:$0x11A60] =	vst v63  }
0x4b: {  	s2 =	simm.s32 $0x0;
	s22 =	sadd.s32 $0xFFFFFFF0, s28;
	[tilespmem:s28+$0x0] =	vst v4  }
.LBB2_3:
0x4c: {  	v4 =	vld.msk [tilespmem:s22+$0x0 ss:$0x1], $0xffff;
	s2 =	sadd.s32 $0x10, s2;
	v5 =	vmov v3;
	s28 =	smov.u32 s22  }
0x4d: {  	p1 =	slt.u32 s2, $0x1F30;
	_ =	sdelay $0x4  }
0x4e: {  	v3 =	vperm.xlane v4, v1;
	(xrf1) =	vunique.msk.u32 $0xffff, v4;
	_ =	sdelay $0xd  }
0x4f: {  	v6, _, _ =	vpop (xrf1)  }
0x50: {  	vm5 =	vne.s32 v4, v5;
	vm4 =	veq.s32 v6, v2  }
0x51: {  	vm6 =	vlt.u32 v4, $0x2800;
	vm4 =	vmand vm5, vm4  }
0x52: {  	vm4 =	vmand vm6, vm4  }
0x53: {  	v4 =	vnsel vm4, $0xFFFFFFFF, v4  }
.Ltmp3:
0x54: {  	v5 =	vnsel vm6, $0xFFFFFFFE, v4;
	(pc) =	sbr.rel @p1 .LBB2_3-.Ltmp3, $3  }
0x55: {  	_ =	sdelay $0x1  }
0x56: {  	s22 =	sadd.s32 $0xFFFFFFF0, s22;
	s26 =	sadd.s32 $0xFFFFFFF0, s26;
	(ifvalue) =	ssetifvalue $0xFFFFFFFF  }
0x57: {  	[tilespmem:s26], [sflag:$0x8] =	stream.indirect_vreg.gather [hbm4b:s1+s16], $0x1, v4, vm0, $0x4038;
	[tilespmem:s28+$0x0] =	vst v5  }
0x58: {  	s2 =	sshrl.u32 s25, $0x3  }
0x59: {  	s0 =	sadd.s32 $0x9D40, s0;
	s2 =	sadd.s32 s6, s2  }
0x5a: {  	[tilespmem:s0], [sflag:$0x8] =	stream.linear.gather [hbm:s2], $0x1F40, $0x38;
	[tilespmem:$0x11A60] =	vst v63  }
.LBB2_5:
0x5b: {  	p1 =	slt.u32 s24, $0x2  }
0x5c: {  	p2 =	sge.u32 @!p1 s24, s12  }
0x5d: {  	p1 =	por p1, p2  }
.Ltmp4:
0x5e: {  	_ = 	snop;
	(pc) =	sbr.rel @p1 .LBB2_9-.Ltmp4, $1  }
0x5f: {  	_ =	sdelay $0x3  }
0x60: {  	s0 =	sadd.s32 $0xFFFFFFFE, s24  }
0x61: {  	s2 =	smulhi.u32 $0xAAAAAAAB, s0;
	_ =	sdelay $0x1  }
0x62: {  	s2 =	sshrl.u32 s2, $0x1  }
0x63: {  	s2 =	smul.u32 $0x3, s2;
	_ =	sdelay $0x1  }
0x64: {  	s0 =	ssub.s32 s0, s2  }
0x65: {  	_ =	swait.ge [sflag:s8], $0x3E80;
	s0 =	smul.u32 $0x1F40, s0  }
0x66: {  	p1 =	sne.s32 s24, s11;
	[sflag:s8] =	ssyncset.done $0x0  }
0x67: {  	[sflag:s8] =	ssyncadd.s32 $0xFFFFC180;
	s2 =	sadd.s32 @!p1 $0x203F, s0  }
0x68: {  	[spmem:s13] =	stream.linear.scatter @!p1 [tilespmem:s2], [sflag:$0x1], $0x1, $0x38;
	[tilespmem:$0x11A60] =	vst v63  }
0x69: {  	s2 =	simm.s32 @!p1 $0x1  }
0x6a: {  	_ =	swait.ge @!p1 [sflag:s2], $0x1  }
0x6b: {  	s22 =	sshll.u32 s24, $0x4;
	[sflag:s2] =	ssyncset.done @!p1 $0x0  }
0x6c: {  	s25 =	sand.u32 $0x10, s22;
	[sflag:s2] =	ssyncadd.s32 @!p1 $0xFFFFFFFF  }
0x6d: {  	s2 =	sxor.u32 $0x10, s25;
	v4 =	vld [tilespmem:s25+$0x10]  }
0x6e: {  	v5 =	vld [tilespmem:s2+$0x60]  }
0x6f: {  	v3 =	vld [tilespmem:$0x80];
	_ =	sdelay $0x2  }
0x70: {  	(v2sf) =	vpush v4, $0x0  }
0x71: {  	(v2sf) =	vpush v5, $0x0  }
0x72: {  	(v2sf) =	vpush v3, $0x0;
	_ =	sdelay $0xc  }
0x73: {  	s22 =	spop (v2sf)  }
0x74: {  	s26 =	spop (v2sf)  }
0x75: {  	s28 =	spop (v2sf)  }
0x76: {  	p2 =	seq.s32 s22, s26;
	p3 =	seq.s32 s28, s22  }
0x77: {  	p3 =	por p2, p3  }
0x78: {  	s26 =	sand.u32 $0x1, s24;
	v4 =	vpsel p3, $0xFFFFFFFF, v4  }
0x79: {  	s29 =	smul.u32 $0x1F40, s26;
	[tilespmem:s25+$0x10] =	vst.msk $0x1, v4  }
0x7a: {  	v4 =	vld [tilespmem:$0x30]  }
0x7b: {  	v5 =	vld [tilespmem:s29+$0x9D40]  }
0x7c: {  	v6 =	vld [tilespmem:s25+$0x40];
	_ =	sdelay $0x3  }
0x7d: {  	vm4 =	vmmov vm1;
	v5 =	vadd.f32 v5, v4  }
0x7e: {  	vm5 =	vmmov vm2;
	vm4 =	vmmov @p2 vm2;
	s22 =	sshll.u32 s26, $0x4;
	v4 =	vadd.f32 v6, v4  }
0x7f: {  	s26 =	sor.u32 $0x11A40, s22;
	vm5 =	vmmov @p3 vm1;
	[tilespmem:s29+$0x9D40] =	vst.msk vm4, v5  }
0x80: {  	[tilespmem:s26+$0x0] =	vst.msk vm5, v4  }
0x81: {  	v4 =	vld [tilespmem:s29+$0x7DF0];
	_ =	sdelay $0x3  }
0x82: {  	v5 =	vimm.f32 $0.0e+00  }
0x83: {  	v4 =	vshift.insert v4, v5, s21  }
0x84: {  	s22 =	sor.u32 $0x40, s2  }
0x85: {  	[tilespmem:s22+$0x0] =	vst.msk $0x1, v4  }
0x86: {  	[tilespmem:s29+$0x7DFF] =	vst.msk $0x1, v5  }
0x87: {  	v4 =	vld [tilespmem:s0+$0x2030];
	_ =	sdelay $0x1  }
0x88: {  	s22 =	smulhi.u32 $0xAAAAAAAB, s20;
	s0 =	simm.s32 $0x1  }
0x89: {  	s0 =	simm.s32 @!p0 $0x0  }
0x8a: {  	s22 =	sshrl.u32 s22, $0x1;
	s0 =	smul.u32 $0x7D00, s0  }
0x8b: {  	s22 =	smul.u32 $0xFFFE8900, s22;
	v4 =	vshift.insert v4, v1, s21  }
0x8c: {  	s0 =	sshrl.u32 s0, $0x2  }
0x8d: {  	s22 =	sshra.s32 s22, $0x2;
	s30 =	sadd.s32 $0x9D40, s0;
	[tilespmem:s2+$0x10] =	vst.msk $0x1, v4  }
0x8e: {  	s22 =	sadd.s32 s22, s19;
	v6 =	vld [tilespmem:s30+$0x0]  }
0x8f: {  	v7 =	vld [tilespmem:s22+$0x0];
	_ =	sdelay $0x3  }
0x90: {  	v5 =	vadd.f32 v6, v5  }
0x91: {  	vm4 =	vne.s32 v7, $0xFFFFFFFF  }
0x92: {  	(xrf2) =	vadd.seg.scan.f32 vm4, v5;
	_ =	sdelay $0x3  }
0x93: {  	s31 =	sadd.s32 $0x5EC0, s0;
	v5 =	vperm.xlane v4, v1  }
0x94: {  	v6 =	vld [tilespmem:s31+$0x0]  }
0x95: {  	vm5 =	veq.s32 v7, v3;
	vm6 =	veq.s32 v7, v5  }
0x96: {  	vm7 =	vgt.u32 v7, $0xFFFFFFFD;
	vm6 =	vmor vm6, vm5  }
0x97: {  	vm6 =	vmor vm6, vm7  }
0x98: {  	v9 =	vld [tilespmem:$0xA0];
	v7 =	vsel vm6, $0xFFFFFFFF, v7  }
0x99: {  	v10 =	vld [tilespmem:$0x90];
	v6 =	vsel vm5, $0x0, v6;
	v8, _, _ =	vpop (xrf2)  }
0x9a: {  	v6 =	vadd.f32 v8, v6  }
0x9b: {  	s0 =	sadd.s32 $0xDBC0, s0  }
0x9c: {  	vm4 =	vmand vm4, vm3;
	[tilespmem:s0+$0x0] =	vst v6;
	(ifvalue) =	ssetifvalue $0xFFFFFFFF  }
0x9d: {  	vm6 =	veq.s32 v9, $0x1;
	[hbm4b:s1+s16] =	stream.indirect_vreg.scatter [tilespmem:s0], [sflag:$0x2], $0x1, v7, vm0, $0x4038;
	v7 =	vsel vm4, $0x0, v8;
	[tilespmem:$0x11A60] =	vst v63  }
0x9e: {  	s2 =	simm.s32 $0x0;
	s22 =	sadd.s32 $0x10, s22;
	vm4 =	vmor vm6, vm5;
	v6 =	vsel vm5, v8, v10;
	v7 =	vshift.insert v7, v0, s21  }
.LBB2_7:
0x9f: {  	v8 =	vld [tilespmem:s22+$0x0];
	s30 =	sadd.s32 $0x10, s30  }
0xa0: {  	s31 =	sadd.s32 $0x10, s31;
	v9 =	vld [tilespmem:s30+$0x0]  }
0xa1: {  	s2 =	sadd.s32 $0x10, s2;
	v10 =	vld [tilespmem:s31+$0x0]  }
0xa2: {  	p2 =	slt.u32 s2, $0x1F30;
	_ =	sdelay $0x2  }
0xa3: {  	v7 =	vadd.f32 v9, v7  }
0xa4: {  	vm5 =	vne.s32 v8, $0xFFFFFFFF  }
0xa5: {  	vm6 =	vmand vm5, vm3;
	(xrf2) =	vadd.seg.scan.f32 vm5, v7;
	_ =	sdelay $0x5  }
0xa6: {  	vm7 =	veq.s32 v8, v5;
	vm5 =	veq.s32 v8, v3  }
0xa7: {  	vm8 =	vgt.u32 v8, $0xFFFFFFFD;
	vm4 =	vmor vm4, vm5;
	vm7 =	vmor vm7, vm5  }
0xa8: {  	vm7 =	vmor vm7, vm8  }
0xa9: {  	v8 =	vsel vm7, $0xFFFFFFFF, v8  }
.Ltmp5:
0xaa: {  	v7 =	vsel vm5, $0x0, v10;
	v9, _, _ =	vpop (xrf2);
	(pc) =	sbr.rel @p2 .LBB2_7-.Ltmp5, $4  }
0xab: {  	v6 =	vsel vm5, v9, v6;
	v10 =	vadd.f32 v9, v7;
	v7 =	vsel vm6, $0x0, v9  }
0xac: {  	s0 =	sadd.s32 $0x10, s0;
	v7 =	vshift.insert v7, v0, s21  }
0xad: {  	s22 =	sadd.s32 $0x10, s22;
	[tilespmem:s0+$0x0] =	vst v10;
	(ifvalue) =	ssetifvalue $0xFFFFFFFF  }
0xae: {  	[hbm4b:s1+s16] =	stream.indirect_vreg.scatter [tilespmem:s0], [sflag:$0x2], $0x1, v8, vm0, $0x4038;
	[tilespmem:$0x11A60] =	vst v63  }
0xaf: {  	v3 =	vld [tilespmem:s29+$0xFAF0];
	_ =	sdelay $0x4  }
0xb0: {  	v3 =	vshift.insert v3, v0, s21  }
0xb1: {  	s0 =	simm.s32 $0x30  }
0xb2: {  	[tilespmem:s0+$0x0] =	vst.msk $0x1, v3  }
0xb3: {  	v3 =	vsel vm4, $0x1, v1;
	[tilespmem:$0x90] =	vst v6  }
0xb4: {  	s0 =	sadd.s32 @!p1 $0xFAFF, s29;
	[tilespmem:$0xA0] =	vst v3  }
0xb5: {  	[spmem:s14] =	stream.linear.scatter @!p1 [tilespmem:s0], [sflag:$0x1], $0x1, $0x38;
	[tilespmem:$0x11A60] =	vst v63  }
0xb6: {  	s0 =	simm.s32 @!p1 $0x1  }
0xb7: {  	v3 =	vmctz.xlane @!p1 vm4;
	_ =	swait.ge @!p1 [sflag:s0], $0x1  }
0xb8: {  	(v2sf) =	vpush @!p1 v4, $0x0  }
0xb9: {  	(v2sf) =	vpush @!p1 v3, $0x0;
	_ =	sdelay $0xd  }
0xba: {  	s2 =	spop @!p1 (v2sf)  }
0xbb: {  	s22 =	spop @!p1 (v2sf)  }
0xbc: {  	p2 =	sne.s32 @!p1 s28, s2;
	p3 =	slt.s32 @!p1 s22, $0xF  }
0xbd: {  	[sflag:s0] =	ssyncset.done @!p1 $0x0;
	p2 =	por p2, p1;
	p3 =	por !p3, p1  }
0xbe: {  	[sflag:s0] =	ssyncadd.s32 @!p1 $0xFFFFFFFF;
	v3 =	vimm.s32 @!p2 $0xFFFFFFFF;
	s22 =	simm.s32 @p3 $0xF  }
0xbf: {  	[tilespmem:$0x80] =	vst @!p2 v3;
	s2 =	sadd.s32 @!p1 $0x90, s22  }
0xc0: {  	[spmem:s10] =	stream.linear.scatter @!p1 [tilespmem:s2], [sflag:$0x1], $0x1, $0x38;
	[tilespmem:$0x11A60] =	vst v63  }
0xc1: {  	_ =	swait.ge @!p1 [sflag:s0], $0x1  }
0xc2: {  	[sflag:s0] =	ssyncset.done @!p1 $0x0  }
0xc3: {  	s2 =	simm.s32 @!p1 $0x80;
	[sflag:s0] =	ssyncadd.s32 @!p1 $0xFFFFFFFF  }
0xc4: {  	[spmem:s15] =	stream.linear.scatter @!p1 [tilespmem:s2], [sflag:$0x1], $0x1, $0x38;
	[tilespmem:$0x11A60] =	vst v63  }
0xc5: {  	_ =	swait.ge @!p1 [sflag:s0], $0x1  }
0xc6: {  	[sflag:s0] =	ssyncset.done @!p1 $0x0  }
0xc7: {  	[sflag:s0] =	ssyncadd.s32 @!p1 $0xFFFFFFFF;
	(ifvalue) =	ssetifvalue $0xFFFFFFFF;
	v3 =	vld [tilespmem:s25+$0x10];
	_ =	sdelay $0x3  }
.Ltmp6:
0xc8: {  	_ = 	snop;
	(pc) =	sbr.rel .LBB2_9-.Ltmp6, $3  }
0xc9: {  	_ =	sdelay $0x1  }
0xca: {  	(ifvalue) =	ssetifvalue $0xFFFFFFFF  }
0xcb: {  	[hbm4b:s1+s16] =	stream.indirect_vreg.scatter [tilespmem:s26], [sflag:$0x9], $0x1, v3, vm0, $0x4038;
	[tilespmem:$0x11A60] =	vst v63  }
.LBB2_10:
0xcc: {  	_ =	sfence.sel $0x180000  }
0xcd: {  	s0 =	simm.s32 $0x7;
	[bflag:$0x0] =	sbarrier.arrive $0xFFFF  }
0xce: {  	s26 =	simm.s32 $0x8;
	[sflag:s0] =	ssyncpa.u1 $0x1  }
0xcf: {  	s28 =	simm.s32 $0x9;
	[sflag:s26] =	ssyncpa.u1 $0x1  }
0xd0: {  	[sflag:s28] =	ssyncpa.u1 $0x1  }
0xd1: {  	_ =	sfence.stream.spmem  }
0xd2: {  	s29 =	simm.s32 $0x3;
	[bflag:$0x0] =	sbarrier.arrive $0xFFFF  }
0xd3: {  	s30 =	simm.s32 $0x4;
	[sflag:s29] =	ssyncpa.u1 $0x1  }
0xd4: {  	s31 =	simm.s32 $0x3C;
	s2 =	stileid.u32;
	[sflag:s30] =	ssyncpa.u1 $0x1  }
0xd5: {  	p0 =	sne.s32 s2, $0x0;
	[sflag:s31] =	ssyncpa.u1 $0x1  }
0xd6: {  	s0 =	simm.s32 @p0 $0x1;
	_ =	sfence @p0  }
0xd7: {  	[sflag:s0] =	ssyncpa.u1 @p0 $0x1;
	s0 =	simm.s32 @p0 $0x2  }
0xd8: {  	[sflag:s0] =	ssyncpa.u1 @p0 $0x1  }
0xd9: {  	_ =	strace @p0 $0x9000004A  }
0xda: {  	[bflag:$0x2] =	sbarrier.arrive @p0 $0xFFFF  }
0xdb: {  	_ =	shalt @p0  }
.LBB2_11:
0xdc: {  	_ =	sfence.stream.spmem;
	s0 =	simm.s32 $0x5  }
0xdd: {  	s2 =	simm.s32 $0x80;
	s3 =	simm.s32 $0xC0;
	[sflag:s0] =	ssyncpa.u1 $0x0  }
0xde: {  	[tilespmem:s3], [sflag:$0x5] =	stream.linear.gather [spmem:s2], $0x20, $0x38;
	[tilespmem:$0x11A60] =	vst v63  }
0xdf: {  	s2 =	simm.s32 $0x0;
	s3 =	simm.s32 $0xE0  }
0xe0: {  	[tilespmem:s3], [sflag:$0x5] =	stream.linear.gather [spmem:s2], $0x20, $0x38;
	[tilespmem:$0x11A60] =	vst v63  }
.Ltmp7:
0xe1: {  	_ = 	snop;
	(pc) =	sbr.rel .LBB2_12-.Ltmp7, $4  }
0xe2: {  	_ =	swait.ge [sflag:s0], $0x40  }
0xe3: {  	[sflag:s0] =	ssyncset.done $0x0  }
0xe4: {  	s31 =	simm.s32 $0x6;
	[sflag:s0] =	ssyncadd.s32 $0xFFFFFFC0  }
0xe5: {  	s4 =	simm.s32 $0x0;
	[sflag:s31] =	ssyncpa.u1 $0x0  }
.LBB2_17:
0xe6: {  	p0 =	sgt.u32 s5, $0x27FF  }
0xe7: {  	s0 =	sshrl.u32 @!p0 s5, $0x3  }
0xe8: {  	s5 =	sand.u32 @!p0 $0x7, s5;
	s6 =	simm.s32 @!p0 $0xB0;
	s0 =	sadd.s32 @!p0 s1, s0  }
0xe9: {  	[tilespmem:s6], [sflag:$0x6] =	stream.linear.gather @!p0 [hbm4b:s0+s5], $0x1, $0x38;
	[tilespmem:$0x11A60] =	vst v63  }
0xea: {  	s0 =	simm.s32 @!p0 $0x6  }
0xeb: {  	_ =	swait.ge @!p0 [sflag:s0], $0x1  }
0xec: {  	[sflag:s0] =	ssyncset.done @!p0 $0x0  }
0xed: {  	[sflag:s0] =	ssyncadd.s32 @!p0 $0xFFFFFFFF  }
0xee: {  	v2 =	vmov @!p0 s4;
	v1 =	vld.msk @!p0 [tilespmem:$0xB0], $0x1;
	_ =	sdelay $0x3  }
0xef: {  	s0 =	simm.s32 @!p0 $0xE0  }
0xf0: {  	[tilespmem:v2+s0+$0x0], v1 =	vst.idx.ret.add.f32.msk @!p0 $0x1, v1  }
0xf1: {  	[tilespmem:s2+$0xC0] =	vst.msk $0x1, v0  }
0xf2: {  	v0 =	vld.msk [tilespmem:s4+$0xE0], $0x1;
	_ =	sdelay $0x4  }
0xf3: {  	[tilespmem:s2+$0xE0] =	vst.msk $0x1, v0;
	s2 =	sadd.s32 $0x1, s2  }
.LBB2_19:
0xf4: {  	s4 =	sadd.s32 $0x1, s4  }
0xf5: {  	p0 =	sne.s32 s4, $0x20  }
.Ltmp8:
0xf6: {  	_ = 	snop;
	(pc) =	sbr.rel @!p0 .LBB2_20-.Ltmp8, $1  }
0xf7: {  	_ =	sdelay $0x3  }
.LBB2_12:
0xf8: {  	v0 =	vld.msk [tilespmem:s4+$0xC0], $0x1;
	_ =	sdelay $0x4  }
0xf9: {  	(v2sf) =	vpush v0, $0x0;
	_ =	sdelay $0xe  }
0xfa: {  	s5 =	spop (v2sf)  }
0xfb: {  	p0 =	seq.s32 s5, $0xFFFFFFFF  }
.Ltmp9:
0xfc: {  	_ = 	snop;
	(pc) =	sbr.rel @p0 .LBB2_19-.Ltmp9, $1  }
0xfd: {  	_ =	sdelay $0x3  }
0xfe: {  	p0 =	slt.s32 s2, $0x1  }
.Ltmp10:
0xff: {  	_ = 	snop;
	(pc) =	sbr.rel @p0 .LBB2_17-.Ltmp10, $1  }
0x100: {  	_ =	sdelay $0x3  }
0x101: {  	s0 =	simm.s32 $0xC0;
	p0 =	por $0x0, $0x0  }
0x102: {  	v1 =	vld.msk @!p0 [tilespmem:s0+$0x0], $0x1;
	_ =	sdelay $0x4  }
0x103: {  	(v2sf) =	vpush @!p0 v1, $0x0;
	_ =	sdelay $0xd  }
0x104: {  	p2 =	sne.s32 s2, $0x1  }
.Ltmp11:
0x105: {  	s6 =	spop @!p0 (v2sf);
	(pc) =	sbr.rel @!p2 .LBB2_16-.Ltmp11, $4  }
0x106: {  	p1 =	seq.s32 @!p0 s5, s6  }
0x107: {  	s6 =	simm.s32 $0x0;
	p1 =	por !p1, p0  }
0x108: {  	s8 =	simm.s32 $0xFFFFFFFF;
	s6 =	simm.s32 @p1 $0xFFFFFFFF  }
0x109: {  	s7 =	simm.s32 $0x1;
	s6 =	smov.u32 @p0 s8  }
.LBB2_15:
0x10a: {  	s8 =	smov.u32 s6;
	p0 =	sne.s32 s6, $0xFFFFFFFF  }
0x10b: {  	s0 =	sadd.s32 $0x1, s0;
	s6 =	smov.u32 s7;
	s7 =	sadd.s32 $0x1, s7  }
0x10c: {  	p1 =	sne.s32 s2, s7;
	v1 =	vld.msk @!p0 [tilespmem:s0+$0x0], $0x1;
	_ =	sdelay $0x4  }
0x10d: {  	(v2sf) =	vpush @!p0 v1, $0x0;
	_ =	sdelay $0xe  }
.Ltmp12:
0x10e: {  	s9 =	spop @!p0 (v2sf);
	(pc) =	sbr.rel @p1 .LBB2_15-.Ltmp12, $4  }
0x10f: {  	p2 =	seq.s32 @!p0 s5, s9  }
0x110: {  	p2 =	por !p2, p0  }
0x111: {  	s6 =	simm.s32 @p2 $0xFFFFFFFF  }
0x112: {  	s6 =	smov.u32 @p0 s8  }
.LBB2_16:
0x113: {  	p0 =	sne.s32 s6, $0xFFFFFFFF  }
.Ltmp13:
0x114: {  	_ = 	snop;
	(pc) =	sbr.rel @!p0 .LBB2_17-.Ltmp13, $1  }
0x115: {  	_ =	sdelay $0x3  }
0x116: {  	v0 =	vld.msk [tilespmem:s4+$0xE0], $0x1;
	v1 =	vmov s6  }
.Ltmp14:
0x117: {  	_ = 	snop;
	(pc) =	sbr.rel .LBB2_19-.Ltmp14, $2  }
0x118: {  	_ =	sdelay $0x2  }
0x119: {  	[tilespmem:v1+s3+$0x0], v0 =	vst.idx.ret.add.f32.msk $0x1, v0  }
.LBB2_20:
0x11a: {  	p0 =	slt.s32 s2, $0x1  }
.Ltmp15:
0x11b: {  	_ = 	snop;
	(pc) =	sbr.rel @p0 .LBB2_24-.Ltmp15, $3  }
0x11c: {  	_ =	sdelay $0x1  }
0x11d: {  	s0 =	simm.s32 $0x6  }
0x11e: {  	s3 =	simm.s32 $0x0;
	[sflag:s0] =	ssyncpa.u1 $0x1  }
0x11f: {  	s0 =	simm.s32 $0xC0  }
0x120: {  	v0 =	vld.msk [tilespmem:s0+$0x0], $0x1;
	_ =	sdelay $0x4  }
0x121: {  	(v2sf) =	vpush v0, $0x0;
	_ =	sdelay $0xe  }
0x122: {  	s2 =	sadd.s32 $0xFFFFFFFF, s2;
	s4 =	spop (v2sf)  }
0x123: {  	p1 =	sne.s32 s2, $0x0;
	p0 =	sgt.u32 s4, $0x27FF  }
.Ltmp16:
0x124: {  	s5 =	sshrl.u32 @!p0 s4, $0x3;
	(pc) =	sbr.rel @!p1 .LBB2_23-.Ltmp16, $4  }
0x125: {  	s0 =	simm.s32 $0xE0;
	s4 =	sand.u32 @!p0 $0x7, s4;
	s5 =	sadd.s32 @!p0 s1, s5  }
0x126: {  	[hbm4b:s5+s4] =	stream.linear.scatter @!p0 [tilespmem:s0], [sflag:$0x5], $0x1, $0x38;
	[tilespmem:$0x11A60] =	vst v63  }
0x127: {  	s5 =	simm.s32 $0x0  }
0x128: {  	s4 =	simm.s32 $0xC1;
	s5 =	simm.s32 @!p0 $0x4  }
.LBB2_22:
0x129: {  	v0 =	vld.msk [tilespmem:s4+$0x0], $0x1;
	s2 =	sadd.s32 $0xFFFFFFFF, s2;
	s3 =	sadd.s32 s3, s5  }
0x12a: {  	p0 =	sne.s32 s2, $0x0;
	_ =	sdelay $0x3  }
0x12b: {  	(v2sf) =	vpush v0, $0x0;
	_ =	sdelay $0xe  }
.Ltmp17:
0x12c: {  	s6 =	spop (v2sf);
	(pc) =	sbr.rel @p0 .LBB2_22-.Ltmp17, $4  }
0x12d: {  	s5 =	simm.s32 $0x0;
	p1 =	sgt.u32 s6, $0x27FF  }
0x12e: {  	s0 =	sadd.s32 $0x1, s0;
	s5 =	simm.s32 @!p1 $0x4;
	s7 =	sshrl.u32 @!p1 s6, $0x3  }
0x12f: {  	s4 =	sadd.s32 $0x1, s4;
	s6 =	sand.u32 @!p1 $0x7, s6;
	s7 =	sadd.s32 @!p1 s1, s7  }
0x130: {  	[hbm4b:s7+s6] =	stream.linear.scatter @!p1 [tilespmem:s0], [sflag:$0x5], $0x1, $0x38;
	[tilespmem:$0x11A60] =	vst v63  }
.LBB2_23:
0x131: {  	s0 =	sadd.s32 s3, s5  }
0x132: {  	s3 =	sshrl.u32 s0, $0x2  }
.LBB2_24:
0x133: {  	s0 =	simm.s32 $0x5  }
0x134: {  	_ =	swait.ge [sflag:s0], s3  }
0x135: {  	s1 =	ssub.s32 $0x0, s3;
	[sflag:s0] =	ssyncset.done $0x0  }
0x136: {  	[sflag:s0] =	ssyncadd.s32 s1  }
0x137: {  	[sflag:s0] =	ssyncpa.u1 $0x1  }
0x138: {  	s29 =	simm.s32 $0x1;
	_ =	sfence  }
0x139: {  	s30 =	simm.s32 $0x2;
	[sflag:s29] =	ssyncpa.u1 $0x1  }
0x13a: {  	[sflag:s30] =	ssyncpa.u1 $0x1  }
0x13b: {  	_ =	strace $0x9000004A  }
0x13c: {  	[bflag:$0x2] =	sbarrier.arrive $0xFFFF  }
0x13d: {  	s31 =	rddreg [dreg:$0x2]  }
0x13e: {  	s0 =	sadd.s32 $0x100000, s31  }
0x13f: {  	[sflag:s0] =	ssyncadd.tile.s32 $0x1;
	_ =	shalt  }
.Lfunc_end2:
_tile_overlayer_lowered:
.L_overlay_start_2:
0x140: {  	(tag) =	ssettag $0x2  }
0x141: {  	s0 =	rddreg [dreg:$0x0];
	s2 =	stileid.u32  }
0x142: {  	s1 =	rddreg [dreg:$0x1];
	p0 =	sne.s32 s2, $0x0  }
0x143: {  	s3 =	rddreg [dreg:$0x2];
	[bflag:$0x3] =	sbarrier.arrive $0xFFFF;
	s2 =	simm.s32 @!p0 $0x1C01  }
0x144: {  	[timem:s3], [sflag:s2] =	dma.local @!p0 [hbm:s0], s1  }
0x145: {  	s0 =	simm.s32 @!p0 $0x1  }
0x146: {  	_ =	swait.ge @!p0 [sflag:s0], s1  }
0x147: {  	s1 =	ssub.s32 @!p0 $0x0, s1;
	[sflag:s0] =	ssyncset.done @!p0 $0x0  }
0x148: {  	[sflag:s0] =	ssyncadd.s32 @!p0 s1  }
0x149: {  	[bflag:$0x3] =	sbarrier.arrive $0xFFFF  }
0x14a: {  	_ =	shalt  }

// kernel: scatter_offload_async_start.3
scs
__scs_entry_jumppad:
0x0: {  	(pc) =	sbr.rel $0x88, $3  }
0x1: {  	(tag) =	ssettag $0x0;
	lr =	simm.s32 $0x1  }
0x2: {  	[smem:$0x3F94] =	sst lr;
	_ =	strace $0xD0000000  }
0x3: {  	_ = 	snop  }
0x4: {  	_ = 	snop  }
0x5: {  	_ = 	snop  }
0x6: {  	_ = 	snop  }
0x7: {  	_ = 	snop  }
__scs_overlays_trampoline_lowered:
0x8: {  	[smem:$0x3FA3] =	sst s0  }
0x9: {  	[smem:$0x3FA4] =	sst s1  }
0xa: {  	[smem:$0x3FA5] =	sst s2  }
0xb: {  	[smem:$0x3FA6] =	sst s3  }
0xc: {  	[smem:$0x3FA7] =	sst s4  }
0xd: {  	[smem:$0x3FA8] =	sst s5  }
0xe: {  	[smem:$0x3FA9] =	sst s6  }
0xf: {  	[smem:$0x3FAA] =	sst s7  }
0x10: {  	[smem:$0x3FAB] =	sst s8  }
0x11: {  	[smem:$0x3FAC] =	sst s9;
	s0 =	simm.s32 @!p0 $0x0  }
0x12: {  	s1 =	sld [smem:$0x3F92];
	s0 =	simm.s32 @p0 $0x1  }
0x13: {  	[smem:$0x3FAD] =	sst s0;
	s0 =	simm.s32 @!p1 $0x0  }
0x14: {  	s2 =	sld [smem:$0x3F91];
	s0 =	simm.s32 @p1 $0x1  }
0x15: {  	[smem:$0x3FAE] =	sst s0;
	s0 =	simm.s32 @!p2 $0x0  }
0x16: {  	s3 =	sld [smem:$0x3FDB];
	s0 =	simm.s32 @p2 $0x1  }
0x17: {  	s4 =	simm.s32 $0x1BF5;
	[smem:$0x3FB0] =	sst s0  }
0x18: {  	s0 =	sld [smem:$0x3F93];
	_ =	swait.ge [sflag:s4], $0x0  }
0x19: {  	s7 =	sld [smem:$0x3F94]  }
0x1a: {  	s8 =	sadd.s32 $0xFFFFE003, lr  }
0x1b: {  	s9 =	sadd.s32 $0xFFFFFEF7, lr;
	s5 =	simm.s32 $0xFFFFFFFF;
	p2 =	slt.u32 s8, $0xFFFFF086  }
0x1c: {  	p1 =	slt.u32 s9, $0xF7A;
	s5 =	simm.s32 @!p2 $0x0  }
0x1d: {  	s5 =	simm.s32 @p1 $0x1;
	p0 =	seq.s32 s7, s2  }
0x1e: {  	s7 =	smul.u32 @!p0 $0xF7A, s2;
	p2 =	seq.s32 @!p0 s5, $0x0  }
0x1f: {  	s9 =	smul.u32 $0xF7A, s1;
	s8 =	simm.s32 @!p0 $0x1BF5;
	p2 =	por !p2, p0  }
0x20: {  	[sflag:s8] =	ssyncset.s32 @!p0 $0xFFFFF086;
	s6 =	sadd.s32 @!p0 s3, s7;
	s7 =	simm.s32 @!p0 $0x108  }
0x21: {  	s3 =	sadd.s32 s3, s9;
	s6 =	sadd.s32 @!p0 $0x88, s6;
	s7 =	simm.s32 @p2 $0x1082  }
0x22: {  	[simem:s7], [sflag:s8] =	dma.local @!p0 [hbm:s6], $0xF7A  }
0x23: {  	s9 =	sor.u32 $0xD0000000, s2;
	s6 =	simm.s32 $0x108;
	_ =	swait.ge @!p0 [sflag:s8], $0x0  }
0x24: {  	s3 =	sadd.s32 $0x88, s3;
	s6 =	simm.s32 @!p1 $0x1082;
	[sflag:s4] =	ssyncset.s32 $0xFFFFF086  }
0x25: {  	[simem:s6], [sflag:s4] =	dma.local [hbm:s3], $0xF7A  }
0x26: {  	[smem:$0x3F94] =	sst s1;
	(tag) =	ssettag s2;
	_ =	strace s9  }
0x27: {  	s1 =	sld [smem:$0x3FA4]  }
0x28: {  	s2 =	sld [smem:$0x3FA5]  }
0x29: {  	s4 =	sld [smem:$0x3FA7]  }
0x2a: {  	p0 =	seq.s32 s5, $0x0;
	s5 =	sld [smem:$0x3FA8]  }
0x2b: {  	s6 =	sld [smem:$0x3FA9]  }
0x2c: {  	s7 =	sld [smem:$0x3FAA]  }
0x2d: {  	s3 =	simm.s32 $0x108;
	s8 =	sld [smem:$0x3FAB]  }
0x2e: {  	s3 =	simm.s32 @!p0 $0x1082;
	s9 =	sld [smem:$0x3FAC]  }
0x2f: {  	lr =	sadd.s32 s0, s3;
	s0 =	sld [smem:$0x3FA3]  }
0x30: {  	s3 =	sld [smem:$0x3FA6]  }
0x31: {  	[smem:$0x3FAF] =	sst s10  }
0x32: {  	s10 =	sld [smem:$0x3FAD];
	_ =	sdelay $0x3  }
0x33: {  	p0 =	seq.s32 s10, $0x1;
	s10 =	sld [smem:$0x3FAF];
	_ =	sdelay $0x3  }
0x34: {  	[smem:$0x3FAF] =	sst s10  }
0x35: {  	s10 =	sld [smem:$0x3FAE];
	_ =	sdelay $0x3  }
0x36: {  	p1 =	seq.s32 s10, $0x1;
	s10 =	sld [smem:$0x3FAF];
	_ =	sdelay $0x3  }
0x37: {  	[smem:$0x3FAF] =	sst s10  }
0x38: {  	s10 =	sld [smem:$0x3FB0]  }
0x39: {  	_ = 	snop;
	(pc) =	sbr.ind lr, $3  }
0x3a: {  	_ = 	snop  }
0x3b: {  	_ = 	snop  }
0x3c: {  	p2 =	seq.s32 s10, $0x1;
	s10 =	sld [smem:$0x3FAF]  }
0x3d: {  	_ =	shalt  }
0x3e: {  	_ =	shalt  }
0x3f: {  	_ =	shalt  }
0x40: {  	_ =	shalt  }
0x41: {  	_ =	shalt  }
0x42: {  	_ =	shalt  }
0x43: {  	_ =	shalt  }
0x44: {  	_ =	shalt  }
0x45: {  	_ =	shalt  }
0x46: {  	_ =	shalt  }
0x47: {  	_ =	shalt  }
0x48: {  	_ =	shalt  }
0x49: {  	_ =	shalt  }
0x4a: {  	_ =	shalt  }
0x4b: {  	_ =	shalt  }
0x4c: {  	_ =	shalt  }
0x4d: {  	_ =	shalt  }
0x4e: {  	_ =	shalt  }
0x4f: {  	_ =	shalt  }
0x50: {  	_ =	shalt  }
0x51: {  	_ =	shalt  }
0x52: {  	_ =	shalt  }
0x53: {  	_ =	shalt  }
0x54: {  	_ =	shalt  }
0x55: {  	_ =	shalt  }
0x56: {  	_ =	shalt  }
0x57: {  	_ =	shalt  }
0x58: {  	_ =	shalt  }
0x59: {  	_ =	shalt  }
0x5a: {  	_ =	shalt  }
0x5b: {  	_ =	shalt  }
0x5c: {  	_ =	shalt  }
0x5d: {  	_ =	shalt  }
0x5e: {  	_ =	shalt  }
0x5f: {  	_ =	shalt  }
0x60: {  	_ =	shalt  }
0x61: {  	_ =	shalt  }
0x62: {  	_ =	shalt  }
0x63: {  	_ =	shalt  }
0x64: {  	_ =	shalt  }
0x65: {  	_ =	shalt  }
0x66: {  	_ =	shalt  }
0x67: {  	_ =	shalt  }
0x68: {  	_ =	shalt  }
0x69: {  	_ =	shalt  }
0x6a: {  	_ =	shalt  }
0x6b: {  	_ =	shalt  }
0x6c: {  	_ =	shalt  }
0x6d: {  	_ =	shalt  }
0x6e: {  	_ =	shalt  }
0x6f: {  	_ =	shalt  }
0x70: {  	_ =	shalt  }
0x71: {  	_ =	shalt  }
0x72: {  	_ =	shalt  }
0x73: {  	_ =	shalt  }
0x74: {  	_ =	shalt  }
0x75: {  	_ =	shalt  }
0x76: {  	_ =	shalt  }
0x77: {  	_ =	shalt  }
0x78: {  	_ =	shalt  }
0x79: {  	_ =	shalt  }
0x7a: {  	_ =	shalt  }
0x7b: {  	_ =	shalt  }
0x7c: {  	_ =	shalt  }
0x7d: {  	_ =	shalt  }
0x7e: {  	_ =	shalt  }
0x7f: {  	_ =	shalt  }
0x80: {  	_ =	shalt  }
0x81: {  	_ =	shalt  }
0x82: {  	_ =	shalt  }
0x83: {  	_ =	shalt  }
0x84: {  	_ =	shalt  }
0x85: {  	_ =	shalt  }
0x86: {  	_ =	shalt  }
0x87: {  	_ =	shalt  }
.Lfunc_end0:
.L_simem_size_0:
called_computation.3_lowered:
.L_overlay_start_0:
0x88: {  	s2 =	sld [smem:$0x3FD9]  }
0x89: {  	s3 =	sld [smem:$0x3FFE];
	_ =	sdelay $0x1  }
0x8a: {  	s1 =	srdreg.scid  }
0x8b: {  	s0 =	sand.u32 $0x1, s1  }
0x8c: {  	s13 =	sshll.u32 s0, $0xA;
	s2 =	sadd.s32 s3, s2  }
0x8d: {  	s2 =	sadd.s32 s2, s13  }
0x8e: {  	[smem:$0x3FBB] =	sst s2  }
0x8f: {  	_ = 	snop  }
0x90: {  	s2 =	sld [smem:$0x3FD0];
	_ =	sdelay $0x2  }
0x91: {  	s14 =	simm.s32 $0xC;
	s4 =	simm.s32 $0x10  }
0x92: {  	[smem:s4], [sflag:s14] =	dma.local [hbm:s2], $0x1  }
0x93: {  	_ =	swait.eq [sflag:s14], $0x1  }
0x94: {  	[sflag:s14] =	ssyncset.done $0x0  }
0x95: {  	[sflag:s14] =	ssyncadd.s32 $0xFFFFFFFF  }
0x96: {  	s15 =	sld [smem:$0x12];
	(tm) =	ssettm $0x1  }
0x97: {  	s16 =	sld [smem:$0x3FFB];
	_ =	sdelay $0x3  }
0x98: {  	_ =	strace s16  }
0x99: {  	s3 =	sld [smem:$0x3FFC];
	_ =	sdelay $0x3  }
0x9a: {  	_ =	strace s3  }
0x9b: {  	s3 =	sld [smem:$0x3FFD];
	_ =	sdelay $0x3  }
0x9c: {  	_ =	strace s3  }
0x9d: {  	_ =	strace $0x8FFFFFFF  }
0x9e: {  	s17 =	sld [smem:$0x3FDB];
	_ =	sdelay $0x1  }
0x9f: {  	s18 =	simm.s32 $_scs_section_size  }
0xa0: {  	s5 =	simm.s32 $_size__tile_overlayer_lowered;
	s6 =	simm.s32 $_tile_overlayer_lowered  }
0xa1: {  	s21 =	simm.s32 $0x1BFF;
	s20 =	sshll.u32 s6, $0x1;
	s3 =	sadd.s32 s18, s17  }
0xa2: {  	s7 =	simm.s32 $0x0;
	s19 =	sshll.u32 s5, $0x1;
	s5 =	sadd.s32 s20, s3  }
0xa3: {  	[timem:s7], [sflag:s21] =	dma.local [hbm:s5], s19  }
0xa4: {  	_ =	swait.ge [sflag:s21], s19  }
0xa5: {  	s4 =	ssub.s32 $0x0, s19;
	[sflag:s21] =	ssyncset.done $0x0  }
0xa6: {  	[sflag:s21] =	ssyncadd.s32 s4;
	_ =	sdelay $0x1  }
0xa7: {  	s22 =	simm.s32 $0x1B8B  }
0xa8: {  	_ =	swait.ge [sflag:s22], $0x1  }
0xa9: {  	[sflag:s22] =	ssyncset.done $0x0  }
0xaa: {  	s23 =	sld [smem:$0x3FFE];
	[sflag:s22] =	ssyncadd.s32 $0xFFFFFFFF  }
0xab: {  	s25 =	simm.s32 $0x1B8E;
	s24 =	sld [smem:$0x0]  }
0xac: {  	s26 =	simm.s32 $execute0_lowered;
	[smem:$0x3FD2] =	sst s25  }
0xad: {  	s6 =	sshll.u32 s26, $0x1;
	_ =	strace $0x8000004C;
	[dreg:$0x1] =	wrdreg $0xFFFFFFFF  }
0xae: {  	s28 =	simm.s32 $_size_execute0_lowered;
	s3 =	sadd.s32 s3, s6;
	[dreg:$0x0] =	wrdreg $0x0  }
0xaf: {  	s6 =	sshll.u32 s28, $0x1;
	[dreg:$0x2] =	wrdreg s3  }
0xb0: {  	[dreg:$0x3] =	wrdreg s6  }
0xb1: {  	[dreg:$0x4] =	wrdreg $0xC0  }
0xb2: {  	_ =	task [dreg:s7], $0x5FFFF  }
0xb3: {  	[dreg:$0x1] =	wrdreg $0xFFFFFFFF  }
0xb4: {  	[dreg:$0x0] =	wrdreg $0x60  }
0xb5: {  	[dreg:$0x2] =	wrdreg s15  }
0xb6: {  	[dreg:$0x3] =	wrdreg s23  }
0xb7: {  	[dreg:$0x4] =	wrdreg s1  }
0xb8: {  	[dreg:$0x5] =	wrdreg s24  }
0xb9: {  	[dreg:$0x6] =	wrdreg $0xA  }
0xba: {  	_ =	task.clear_ibuf [dreg:s7], $0x7FFFF;
	_ =	strace $0x9000004C  }
0xbb: {  	s29 =	simm.s32 $0xA;
	_ =	strace $0x8000004E  }
0xbc: {  	_ =	swait.ge [sflag:s29], $0x1  }
0xbd: {  	[sflag:s29] =	ssyncadd.s32 $0xFFFFFFFF  }
0xbe: {  	_ =	strace $0x9000004E  }
0xbf: {  	_ =	sfence  }
0xc0: {  	s30 =	sld [smem:$0x0];
	_ =	sdelay $0x2  }
0xc1: {  	s31 =	sshll.u32 s1, $0xD;
	s1 =	sshrl.u32 s1, $0x2  }
0xc2: {  	s3 =	sand.u32 $0x4000, s31;
	s1 =	sadd.s32 s1, s30  }
0xc3: {  	s0 =	sor.u32 s3, s0;
	s1 =	sshll.u32 s1, $0x11  }
0xc4: {  	s0 =	sor.u32 s1, s0  }
0xc5: {  	s0 =	sadd.s32 $0x8F2B, s0  }
0xc6: {  	[sflag:s0] =	ssyncadd.remote.s32 $0x1  }
0xc7: {  	_ =	sfence.sel $0xFFFF  }
0xc8: {  	[dreg:$0x0] =	wrdreg $0xFFFFFFFF;
	(pc) =	sbr.abs _section_cstart, $3  }
0xc9: {  	[dreg:$0x1] =	wrdreg $0xFFFFFFFF  }
0xca: {  	_ =	task.clear_ibuf [dreg:s7], $0x2FFFF;
	_ =	strace $0x9FFFFFFF  }
0xcb: {  	(tm) =	ssettm $0x7FFFFFFF  }
tec
execute0_lowered:
.L_overlay_start_1:
0x0: {  	(tag) =	ssettag $0x1  }
0x1: {  	s1 =	rddreg [dreg:$0x0]  }
0x2: {  	s2 =	rddreg [dreg:$0x1]  }
0x3: {  	s3 =	rddreg [dreg:$0x2];
	_ =	strace $0x8000004D;
	s0 =	simm.s32 $0x1  }
0x4: {  	v0 =	vimm.s32 $0x0;
	[sflag:s0] =	ssyncpa.u1 $0x0;
	s0 =	simm.s32 $0x108  }
0x5: {  	[tilespmem:s0+$0x70] =	vst v0  }
0x6: {  	[tilespmem:s0+$0x60] =	vst v0  }
0x7: {  	[tilespmem:s0+$0x50] =	vst v0  }
0x8: {  	[tilespmem:s0+$0x40] =	vst v0  }
0x9: {  	[tilespmem:s0+$0x30] =	vst v0  }
0xa: {  	s15 =	sadd.s32 $0x28A000, s2;
	s6 =	sadd.s32 $0xA000, s2;
	[tilespmem:s0+$0x20] =	vst v0  }
0xb: {  	s14 =	sadd.s32 $0x28F000, s2;
	s5 =	sand.u32 $0x1, s3;
	s3 =	simm.s32 $0x40;
	[tilespmem:s0+$0x10] =	vst v0  }
.LBB2_1:
0xc: {  	s3 =	sadd.s32 $0x40, s3;
	[tilespmem:s0+$0x0] =	vst v0;
	s0 =	sadd.s32 $0x80, s0  }
0xd: {  	p0 =	slt.u32 s3, $0x3C40;
	[tilespmem:s0+$0x70] =	vst v0  }
0xe: {  	[tilespmem:s0+$0x60] =	vst v0  }
.Ltmp0:
0xf: {  	[tilespmem:s0+$0x50] =	vst v0;
	(pc) =	sbr.rel @p0 .LBB2_1-.Ltmp0, $4  }
0x10: {  	[tilespmem:s0+$0x40] =	vst v0  }
0x11: {  	[tilespmem:s0+$0x30] =	vst v0  }
0x12: {  	[tilespmem:s0+$0x20] =	vst v0  }
0x13: {  	[tilespmem:s0+$0x10] =	vst v0  }
0x14: {  	s9 =	stileid.u32  }
0x15: {  	s2 =	smul.u32 $0x14, s9  }
0x16: {  	s3 =	smin.u32 s9, $0xE  }
0x17: {  	s2 =	sadd.s32 s3, s2  }
0x18: {  	p0 =	slt.u32 s9, $0xE;
	s7 =	smul.u32 $0xF0, s2;
	s2 =	simm.s32 $0x13B0  }
0x19: {  	s2 =	simm.s32 @!p0 $0x12C0  }
0x1a: {  	s2 =	sadd.s32 s2, s7  }
0x1b: {  	s8 =	smin.u32 s2, $0x13880  }
0x1c: {  	s2 =	ssub.s32 s8, s7  }
0x1d: {  	p0 =	sgt.s32 s2, $0x0  }
0x1e: {  	s29 =	simm.s32 $0x2;
	s10 =	simm.s32 $0x9;
	s2 =	simm.s32 @!p0 $0x0  }
0x1f: {  	s4 =	simm.s32 $0xA;
	s11 =	simm.s32 $0xB;
	s28 =	smulhi.u32 $0x88888889, s2  }
0x20: {  	[dreg:$0x5] =	wrdreg s5;
	s31 =	smul.u32 $0x2710, s5;
	s12 =	simm.s32 $0x1  }
0x21: {  	s22 =	simm.s32 $0x0;
	s18 =	simm.s32 $0xC;
	s30 =	sshrl.u32 s28, $0x7  }
0x22: {  	s20 =	simm.s32 $0x0;
	s21 =	simm.s32 $0x0;
	s3 =	smul.u32 $0xF0, s30  }
.Ltmp1:
0x23: {  	[tilespmem:s0+$0x0] =	vst v0;
	v0 =	vimm.s32 $0xFFFFFFFF;
	[sflag:s29] =	ssyncpa.u1 $0x0;
	s16 =	sshll.u32 s9, $0x8;
	(pc) =	sbr.rel .LBB2_3-.Ltmp1, $4  }
0x24: {  	[tilespmem:$0xF208] =	vst v0;
	[sflag:s10] =	ssyncpa.u1 $0x0;
	p0 =	sne.s32 s2, s3;
	s2 =	simm.s32 $0x1  }
0x25: {  	s14 =	sadd.s32 s31, s14;
	[sflag:s4] =	ssyncpa.u1 $0x0;
	s2 =	simm.s32 @!p0 $0x0  }
0x26: {  	s15 =	sadd.s32 s31, s15;
	[sflag:s11] =	ssyncpa.u1 $0x0;
	s13 =	sadd.s32 s2, s30  }
0x27: {  	v0 =	vlaneseq.u32;
	s19 =	smov.u32 s7;
	p0 =	por $0x0, $0x0;
	s17 =	sadd.s32 $0x1, s13  }
.LBB2_18:
0x28: {  	s0 =	sshrl.u32 s31, $0x2  }
.LBB2_20:
0x29: {  	_ =	swait.ge [sflag:s18], s0  }
0x2a: {  	s31 =	ssub.s32 $0x0, s0;
	v1 =	vmov s24;
	vm0 =	veq.s32 v0, $0x0;
	[sflag:s18] =	ssyncset.done $0x0  }
0x2b: {  	vm15 =	veq.s32 v0, $0x2;
	v1 =	vsel vm0, s30, v1;
	[sflag:s18] =	ssyncadd.s32 s31  }
0x2c: {  	v1 =	vsel vm15, s22, v1;
	[sflag:s18] =	ssyncpa.u1 $0x1  }
0x2d: {  	[tilespmem:$0xF208] =	vst v1  }
.LBB2_21:
0x2e: {  	s0 =	sadd.s32 $0xF0, s19  }
0x2f: {  	s2 =	smov.u32 s7;
	p1 =	slt.s32 s0, s8  }
0x30: {  	s2 =	smov.u32 @p1 s0;
	p1 =	sne.s32 s21, s17  }
.Ltmp2:
0x31: {  	_ = 	snop;
	(pc) =	sbr.rel @!p1 .LBB2_22-.Ltmp2, $3  }
0x32: {  	_ =	sdelay $0x1  }
0x33: {  	s22 =	smov.u32 s20;
	s31 =	sadd.s32 $0x1, s21;
	s20 =	smov.u32 s19  }
0x34: {  	p0 =	por !p0, !p0;
	s21 =	smov.u32 s31;
	s19 =	smov.u32 s2  }
.LBB2_3:
0x35: {  	p1 =	sge.u32 s21, s13  }
0x36: {  	s0 =	smulhi.u32 @!p1 $0xAAAAAAAB, s21  }
0x37: {  	s2 =	smov.u32 s19;
	p2 =	sgt.s32 @!p1 s19, $0x13790  }
0x38: {  	s3 =	sshra.s32 @!p1 s19, $0x1F;
	p2 =	por !p2, p1;
	s0 =	sshrl.u32 @!p1 s0, $0x1  }
0x39: {  	s3 =	sand.u32 @!p1 s3, s19;
	s2 =	simm.s32 @p2 $0x13790;
	s0 =	smul.u32 @!p1 $0x3, s0  }
0x3a: {  	s2 =	ssub.s32 @!p1 s2, s3  }
0x3b: {  	s2 =	sadd.s32 @!p1 $0xFFFEC870, s2;
	s0 =	ssub.s32 @!p1 s21, s0  }
0x3c: {  	s3 =	sshll.u32 @!p1 s2, $0x2;
	p2 =	sgt.s32 @!p1 s2, $0xEF;
	s0 =	smul.u32 @!p1 $0x3C0, s0  }
0x3d: {  	s4 =	sand.u32 @!p1 $0x7, s19;
	s2 =	ssub.s32 @!p1 $0x3C0, s3;
	p2 =	por !p2, p1  }
0x3e: {  	s3 =	sshrl.u32 @!p1 s19, $0x3;
	s2 =	sshrl.u32 @!p1 s2, $0x2;
	s0 =	sshrl.u32 @!p1 s0, $0x2  }
0x3f: {  	s3 =	sadd.s32 @!p1 s3, s14;
	s2 =	simm.s32 @!p2 $0x0;
	s0 =	sadd.s32 @!p1 $0x10248, s0  }
0x40: {  	[tilespmem:s0], [sflag:$0xA] =	stream.linear.gather @!p1 [hbm4b:s3+s4], s2, $0x38;
	[tilespmem:$0x1F6F8] =	vst v63  }
0x41: {  	s0 =	sadd.s32 $0xFFFFFFFF, s21  }
0x42: {  	p1 =	sge.u32 s0, s13  }
0x43: {  	p2 =	sgt.s32 @!p1 s20, $0x13790  }
0x44: {  	s2 =	smov.u32 s20;
	s3 =	sshra.s32 @!p1 s20, $0x1F;
	p2 =	por !p2, p1  }
0x45: {  	s3 =	sand.u32 @!p1 s3, s20;
	s2 =	simm.s32 @p2 $0x13790  }
0x46: {  	s2 =	ssub.s32 @!p1 s2, s3  }
0x47: {  	s2 =	sadd.s32 @!p1 $0xFFFEC870, s2  }
0x48: {  	s4 =	sand.u32 @!p1 $0x1, s0;
	s3 =	sshll.u32 @!p1 s2, $0x2  }
0x49: {  	p2 =	sgt.s32 @!p1 s2, $0xEF;
	s2 =	ssub.s32 @!p1 $0x3C0, s3;
	s3 =	smulhi.u32 @!p1 $0xAAAAAAAB, s0  }
0x4a: {  	s23 =	smul.u32 @!p1 $0x3C0, s4;
	p2 =	por !p2, p1;
	s2 =	sshrl.u32 @!p1 s2, $0x2  }
0x4b: {  	s5 =	simm.s32 @!p1 $0xA;
	s2 =	simm.s32 @!p2 $0x0;
	s3 =	sshrl.u32 @!p1 s3, $0x1  }
0x4c: {  	s23 =	sshrl.u32 @!p1 s23, $0x2;
	_ =	swait.ge @!p1 [sflag:s5], s2;
	s3 =	smul.u32 @!p1 $0x3, s3  }
0x4d: {  	s23 =	sadd.s32 @!p1 $0x10518, s23;
	s24 =	ssub.s32 @!p1 $0x0, s2;
	[sflag:s5] =	ssyncset.done @!p1 $0x0  }
0x4e: {  	[sflag:s5] =	ssyncadd.s32 @!p1 s24;
	s5 =	sshrl.u32 @!p1 s20, $0x3;
	s0 =	ssub.s32 @!p1 s0, s3  }
0x4f: {  	s24 =	sand.u32 @!p1 $0x7, s20;
	s5 =	sadd.s32 @!p1 s5, s15;
	s0 =	smul.u32 @!p1 $0x3C0, s0  }
0x50: {  	[tilespmem:s23], [sflag:$0xB] =	stream.linear.gather @!p1 [hbm4b:s5+s24], s2, $0x38;
	[tilespmem:$0x1F6F8] =	vst v63  }
0x51: {  	s3 =	ssub.s32 @!p1 $0x13880, s20;
	s2 =	smul.u32 @!p1 $0x1E000, s4  }
0x52: {  	p2 =	slt.s32 @!p1 s3, $0xF0  }
0x53: {  	p2 =	por !p2, p1;
	s0 =	sshrl.u32 @!p1 s0, $0x2;
	s2 =	sshrl.u32 @!p1 s2, $0x2  }
0x54: {  	s3 =	simm.s32 @p2 $0xF0;
	s0 =	sadd.s32 @!p1 $0x10248, s0;
	s2 =	sor.u32 @!p1 $0x106F8, s2  }
0x55: {  	[tilespmem:s2], [sflag:$0x9] =	stream.indirect.gather @!p1 [hbm4b:s6+s3], $0x80, s0, s3, $0xb8;
	[tilespmem:$0x1F6F8] =	vst v63  }
0x56: {  	p1 =	slt.u32 s21, $0x2  }
.Ltmp3:
0x57: {  	_ = 	snop;
	(pc) =	sbr.rel @p1 .LBB2_21-.Ltmp3, $1  }
0x58: {  	_ =	sdelay $0x3  }
0x59: {  	p1 =	sgt.s32 s22, $0x13790  }
0x5a: {  	s0 =	smov.u32 s22;
	s2 =	sshra.s32 s22, $0x1F;
	s3 =	ssub.s32 $0x13880, s22  }
0x5b: {  	s0 =	simm.s32 @!p1 $0x13790;
	s2 =	sand.u32 s2, s22;
	p1 =	slt.s32 s3, $0xF0  }
0x5c: {  	s0 =	ssub.s32 s0, s2;
	s3 =	simm.s32 @!p1 $0xF0  }
0x5d: {  	s0 =	sadd.s32 $0xFFFEC870, s0;
	s25 =	sshll.u32 s3, $0x7  }
0x5e: {  	s26 =	sshll.u32 s0, $0x2;
	s2 =	sand.u32 $0x3FFFFF80, s25  }
0x5f: {  	p1 =	sgt.s32 s0, $0xEF;
	s29 =	ssub.s32 $0x3C0, s26;
	_ =	swait.ge [sflag:s10], s2  }
0x60: {  	s2 =	ssub.s32 $0x0, s2;
	[sflag:s10] =	ssyncset.done $0x0;
	s0 =	sshrl.u32 s29, $0x2  }
0x61: {  	[sflag:s10] =	ssyncadd.s32 s2;
	s0 =	simm.s32 @p1 $0x0  }
0x62: {  	_ =	swait.ge [sflag:s11], s0  }
0x63: {  	s0 =	ssub.s32 $0x0, s0;
	[sflag:s11] =	ssyncset.done $0x0  }
0x64: {  	[sflag:s11] =	ssyncadd.s32 s0  }
0x65: {  	v1 =	vld [tilespmem:$0xF208];
	_ =	sdelay $0x4  }
0x66: {  	(v2sf) =	vpush v1, $0x0  }
0x67: {  	(v2sf) =	vpush v1, $0x1  }
0x68: {  	(v2sf) =	vpush v1, $0x2;
	_ =	sdelay $0x3  }
0x69: {  	s0 =	sadd.s32 $0xF0, s22  }
0x6a: {  	s2 =	ssub.s32 $0x27100, s22;
	p1 =	slt.s32 s8, s0  }
0x6b: {  	s0 =	smov.u32 @p1 s8;
	p1 =	sgt.s32 s2, $0x0  }
0x6c: {  	s26 =	ssub.s32 s0, s22;
	s2 =	simm.s32 @!p1 $0x0  }
0x6d: {  	p1 =	slt.s32 s2, s26  }
0x6e: {  	s26 =	smov.u32 @p1 s2  }
0x6f: {  	s25 =	simm.s32 $0x1;
	p1 =	slt.s32 s26, $0x1  }
.Ltmp4:
0x70: {  	s25 =	simm.s32 @!p0 $0x0;
	(pc) =	sbr.rel @p1 .LBB2_8-.Ltmp4, $4  }
0x71: {  	s31 =	smul.u32 $0x3C0, s25  }
0x72: {  	s28 =	spop (v2sf)  }
0x73: {  	s0 =	sshrl.u32 s31, $0x2;
	s30 =	spop (v2sf)  }
0x74: {  	s23 =	sadd.s32 $0x10518, s0;
	s22 =	spop (v2sf)  }
0x75: {  	s0 =	smin.u32 s26, $0x10  }
0x76: {  	v1 =	vmov s0  }
0x77: {  	p2 =	sgt.s32 s26, $0x10;
	vm1 =	vgt.u32 v1, v0  }
.Ltmp5:
0x78: {  	_ = 	snop;
	(pc) =	sbr.rel @!p2 .LBB2_7-.Ltmp5, $2  }
0x79: {  	_ =	sdelay $0x2  }
0x7a: {  	s4 =	simm.s32 $0x10;
	s24 =	sadd.s32 $0xFFFFFFF0, s26;
	s0 =	smov.u32 s23;
	vm0 =	vmmov vm1  }
.LBB2_6:
0x7b: {  	s2 =	smin.u32 s24, $0x10;
	s4 =	sadd.s32 $0x10, s4;
	v1 =	vld.msk [tilespmem:s0+$0x0 ss:$0x1], vm1  }
0x7c: {  	v2 =	vmov s2;
	p2 =	slt.s32 s4, s26  }
0x7d: {  	vm1 =	vgt.u32 v2, v0  }
.Ltmp6:
0x7e: {  	(pc) =	sbr.rel @p2 .LBB2_6-.Ltmp6, $3  }
0x7f: {  	_ =	sdelay $0x1  }
0x80: {  	v1 =	vshll.u32 v1, $0x4  }
0x81: {  	s24 =	sadd.s32 $0xFFFFFFF0, s24;
	[tilespmem:s0+$0x0] =	vst.msk vm0, v1;
	s0 =	sadd.s32 $0x10, s0;
	vm0 =	vmmov vm1  }
.LBB2_7:
0x82: {  	_ =	sdelay $0x4  }
0x83: {  	v1 =	vld.msk [tilespmem:s0+$0x0 ss:$0x1], vm1;
	_ =	sdelay $0x4  }
0x84: {  	v1 =	vshll.u32 v1, $0x4  }
0x85: {  	[tilespmem:s0+$0x0] =	vst.msk vm0, v1  }
.LBB2_8:
0x86: {  	s0 =	sand.u32 $0x1, s21  }
0x87: {  	s0 =	smul.u32 $0xF0, s0  }
0x88: {  	p2 =	sne.s32 s30, $0xFFFFFFFF  }
0x89: {  	v1 =	vld.msk @!p2 [tilespmem:s0+$0x10518], $0x1;
	_ =	sdelay $0x4  }
0x8a: {  	(v2sf) =	vpush @!p2 v1, $0x0;
	_ =	sdelay $0xc  }
.Ltmp7:
0x8b: {  	_ = 	snop;
	(pc) =	sbr.rel @p1 .LBB2_19-.Ltmp7, $4  }
0x8c: {  	_ = 	snop  }
0x8d: {  	s29 =	spop @!p2 (v2sf)  }
0x8e: {  	s22 =	simm.s32 @!p2 $0x0;
	s24 =	smov.u32 s29  }
0x8f: {  	[sflag:s18] =	ssyncpa.u1 $0x0;
	s29 =	smov.u32 @p2 s28;
	s24 =	smov.u32 @p2 s30  }
0x90: {  	v1 =	vld.msk [tilespmem:s23+$0x0], $0x1;
	_ =	sdelay $0x4  }
0x91: {  	(v2sf) =	vpush v1, $0x0;
	_ =	sdelay $0xe  }
0x92: {  	s2 =	smul.u32 $0x1E000, s25;
	s0 =	spop (v2sf)  }
0x93: {  	s26 =	ssub.s32 $0x0, s26;
	p1 =	seq.s32 s29, s0  }
0x94: {  	s30 =	sadd.s32 $0x1, s26;
	s2 =	sshrl.u32 s2, $0x2;
	p2 =	sgt.s32 @!p1 s29, $0x0  }
0x95: {  	s25 =	sor.u32 $0x10738, s2;
	s2 =	smov.u32 s29;
	p2 =	por !p2, p1  }
0x96: {  	s2 =	simm.s32 @p2 $0x0;
	p2 =	seq.s32 s30, $0x0  }
.Ltmp8:
0x97: {  	_ = 	snop;
	(pc) =	sbr.rel @p2 .LBB2_11-.Ltmp8, $4  }
0x98: {  	_ = 	snop  }
0x99: {  	s28 =	simm.s32 $0x0;
	s31 =	sadd.s32 $0x1, s23;
	s2 =	smin.u32 @!p1 s2, $0x270F0  }
0x9a: {  	s4 =	simm.s32 @!p1 $0x1;
	s5 =	simm.s32 @!p1 $0x7988;
	s3 =	sand.u32 @!p1 $0x3FFF8, s2  }
0x9b: {  	s4 =	smov.u32 @p1 s28;
	s2 =	sand.u32 @!p1 $0x7, s2;
	s3 =	sadd.s32 @!p1 s1, s3  }
.LBB2_10:
0x9c: {  	s9 =	smov.u32 s4  }
0x9d: {  	[tilespmem:s5], [sflag:$0x2] =	stream.linear.gather @!p1 [hbm4b:s3+s2], $0x80, $0x38;
	[tilespmem:$0x1F6F8] =	vst v63  }
0x9e: {  	s30 =	sadd.s32 $0x1, s30;
	s2 =	smov.u32 s0;
	v1 =	vld.msk [tilespmem:s31+$0x0], $0x1  }
0x9f: {  	p2 =	seq.s32 s30, $0x0;
	_ =	sdelay $0x3  }
0xa0: {  	(v2sf) =	vpush v1, $0x0;
	_ =	sdelay $0xe  }
0xa1: {  	s0 =	spop (v2sf)  }
0xa2: {  	p1 =	seq.s32 s2, s0  }
0xa3: {  	p3 =	sgt.s32 @!p1 s2, $0x0;
	s3 =	sshll.u32 @!p1 s4, $0x9;
	s4 =	sadd.s32 @!p1 $0x1, s4  }
.Ltmp9:
0xa4: {  	p3 =	por !p3, p1;
	s3 =	sshra.s32 @!p1 s3, $0x2;
	(pc) =	sbr.rel @!p2 .LBB2_10-.Ltmp9, $4  }
0xa5: {  	s4 =	smov.u32 @p1 s9;
	s2 =	simm.s32 @p3 $0x0;
	s5 =	sadd.s32 @!p1 $0x7988, s3  }
0xa6: {  	s2 =	smin.u32 @!p1 s2, $0x270F0  }
0xa7: {  	s3 =	sand.u32 @!p1 $0x3FFF8, s2;
	s2 =	sand.u32 @!p1 $0x7, s2  }
0xa8: {  	s31 =	sadd.s32 $0x1, s31;
	s3 =	sadd.s32 @!p1 s1, s3  }
.LBB2_11:
0xa9: {  	[tilespmem:s5], [sflag:$0x2] =	stream.linear.gather @!p1 [hbm4b:s3+s2], $0x80, $0x38;
	[tilespmem:$0x1F6F8] =	vst v63  }
.Ltmp10:
0xaa: {  	s0 =	sshll.u32 s4, $0x7;
	(pc) =	sbr.rel .LBB2_12-.Ltmp10, $4  }
0xab: {  	s30 =	simm.s32 $0x2;
	s0 =	sand.u32 $0x3FFFFF80, s0  }
0xac: {  	_ =	swait.ge [sflag:s30], s0  }
0xad: {  	s0 =	ssub.s32 $0x0, s0;
	[sflag:s30] =	ssyncset.done $0x0  }
0xae: {  	s31 =	simm.s32 $0x0;
	[sflag:s30] =	ssyncadd.s32 s0  }
.LBB2_13:
0xaf: {  	v1 =	vld [tilespmem:s25+$0xFFFFFFC0];
	_ =	sdelay $0x3  }
0xb0: {  	s0 =	sshra.s32 s0, $0x2  }
0xb1: {  	[tilespmem:s0+$0x108] =	vst.add.f32.msk $0xffff, v1  }
0xb2: {  	v1 =	vld [tilespmem:s25+$0xFFFFFFD0];
	_ =	sdelay $0x4  }
0xb3: {  	[tilespmem:s0+$0x118] =	vst.add.f32.msk $0xffff, v1  }
0xb4: {  	v1 =	vld [tilespmem:s25+$0xFFFFFFE0];
	_ =	sdelay $0x4  }
0xb5: {  	[tilespmem:s0+$0x128] =	vst.add.f32.msk $0xffff, v1  }
0xb6: {  	v1 =	vld [tilespmem:s25+$0xFFFFFFF0];
	_ =	sdelay $0x4  }
0xb7: {  	[tilespmem:s0+$0x138] =	vst.add.f32.msk $0xffff, v1  }
0xb8: {  	v1 =	vld [tilespmem:s25+$0x0];
	_ =	sdelay $0x4  }
0xb9: {  	[tilespmem:s0+$0x148] =	vst.add.f32.msk $0xffff, v1  }
0xba: {  	v1 =	vld [tilespmem:s25+$0x10];
	_ =	sdelay $0x4  }
0xbb: {  	[tilespmem:s0+$0x158] =	vst.add.f32.msk $0xffff, v1  }
0xbc: {  	v1 =	vld [tilespmem:s25+$0x20];
	_ =	sdelay $0x4  }
0xbd: {  	[tilespmem:s0+$0x168] =	vst.add.f32.msk $0xffff, v1  }
0xbe: {  	v1 =	vld [tilespmem:s25+$0x30];
	_ =	sdelay $0x4  }
0xbf: {  	[tilespmem:s0+$0x178] =	vst.add.f32.msk $0xffff, v1  }
.LBB2_17:
0xc0: {  	s26 =	sadd.s32 $0x1, s26  }
0xc1: {  	p1 =	seq.s32 s26, $0x0  }
.Ltmp11:
0xc2: {  	_ = 	snop;
	(pc) =	sbr.rel @p1 .LBB2_18-.Ltmp11, $2  }
0xc3: {  	_ =	sdelay $0x2  }
0xc4: {  	s23 =	sadd.s32 $0x1, s23;
	s25 =	sadd.s32 $0x80, s25;
	s29 =	smov.u32 s30  }
.LBB2_12:
0xc5: {  	v1 =	vld.msk [tilespmem:s23+$0x0], $0x1;
	_ =	sdelay $0x4  }
0xc6: {  	(v2sf) =	vpush v1, $0x0;
	_ =	sdelay $0xe  }
0xc7: {  	s30 =	spop (v2sf)  }
0xc8: {  	p1 =	sne.s32 s29, s30  }
.Ltmp12:
0xc9: {  	_ = 	snop;
	(pc) =	sbr.rel @!p1 .LBB2_13-.Ltmp12, $2  }
0xca: {  	_ =	sdelay $0x2  }
0xcb: {  	s0 =	sshll.u32 s22, $0x9  }
0xcc: {  	p1 =	seq.s32 s29, s24  }
.Ltmp13:
0xcd: {  	_ = 	snop;
	(pc) =	sbr.rel @!p1 .LBB2_15-.Ltmp13, $1  }
0xce: {  	_ =	sdelay $0x3  }
0xcf: {  	s0 =	sshra.s32 s0, $0x2  }
.Ltmp14:
0xd0: {  	s0 =	sadd.s32 $0x108, s0;
	(pc) =	sbr.rel .LBB2_16-.Ltmp14, $4  }
0xd1: {  	[spmem:s16] =	stream.linear.scatter [tilespmem:s0], [sflag:$0x1], $0x80, $0x38;
	[tilespmem:$0x1F6F8] =	vst v63  }
0xd2: {  	_ =	swait.ge [sflag:s12], $0x80  }
0xd3: {  	[sflag:s12] =	ssyncset.done $0x0  }
0xd4: {  	[sflag:s12] =	ssyncadd.s32 $0xFFFFFF80  }
.LBB2_15:
0xd5: {  	s2 =	sshll.u32 s28, $0x9  }
0xd6: {  	s2 =	sshra.s32 s2, $0x2  }
0xd7: {  	v1 =	vld [tilespmem:s2+$0x7988];
	_ =	sdelay $0x3  }
0xd8: {  	s0 =	sshra.s32 s0, $0x2  }
0xd9: {  	[tilespmem:s0+$0x108] =	vst.add.f32.msk $0xffff, v1  }
0xda: {  	v1 =	vld [tilespmem:s2+$0x7998];
	_ =	sdelay $0x4  }
0xdb: {  	[tilespmem:s0+$0x118] =	vst.add.f32.msk $0xffff, v1  }
0xdc: {  	v1 =	vld [tilespmem:s2+$0x79A8];
	_ =	sdelay $0x4  }
0xdd: {  	[tilespmem:s0+$0x128] =	vst.add.f32.msk $0xffff, v1  }
0xde: {  	v1 =	vld [tilespmem:s2+$0x79B8];
	_ =	sdelay $0x4  }
0xdf: {  	[tilespmem:s0+$0x138] =	vst.add.f32.msk $0xffff, v1  }
0xe0: {  	v1 =	vld [tilespmem:s2+$0x79C8];
	_ =	sdelay $0x4  }
0xe1: {  	[tilespmem:s0+$0x148] =	vst.add.f32.msk $0xffff, v1  }
0xe2: {  	v1 =	vld [tilespmem:s2+$0x79D8];
	_ =	sdelay $0x4  }
0xe3: {  	[tilespmem:s0+$0x158] =	vst.add.f32.msk $0xffff, v1  }
0xe4: {  	v1 =	vld [tilespmem:s2+$0x79E8];
	_ =	sdelay $0x4  }
0xe5: {  	[tilespmem:s0+$0x168] =	vst.add.f32.msk $0xffff, v1  }
0xe6: {  	v1 =	vld [tilespmem:s2+$0x79F8];
	_ =	sdelay $0x2  }
0xe7: {  	p1 =	sgt.u32 s29, $0x270F0  }
0xe8: {  	s2 =	sand.u32 @!p1 $0x3FFF8, s29  }
0xe9: {  	s3 =	sadd.s32 $0x108, s0;
	[tilespmem:s0+$0x178] =	vst.add.f32.msk $0xffff, v1;
	s0 =	sadd.s32 @!p1 s1, s2;
	s2 =	sand.u32 @!p1 $0x7, s29  }
0xea: {  	[hbm4b:s0+s2] =	stream.linear.scatter @!p1 [tilespmem:s3], [sflag:$0xC], $0x80, $0x38;
	[tilespmem:$0x1F6F8] =	vst v63  }
0xeb: {  	s0 =	simm.s32 $0x0  }
0xec: {  	s0 =	simm.s32 @!p1 $0x200  }
0xed: {  	s31 =	sadd.s32 s0, s31  }
.LBB2_16:
0xee: {  	s0 =	sadd.s32 $0x1, s22  }
0xef: {  	s2 =	smulhi.u32 $0x88888889, s0;
	_ =	sdelay $0x1  }
0xf0: {  	v1 =	vld [tilespmem:s25+$0xFFFFFFC0];
	s2 =	sshrl.u32 s2, $0x7  }
0xf1: {  	s2 =	smul.u32 $0xF0, s2;
	_ =	sdelay $0x1  }
0xf2: {  	s22 =	ssub.s32 s0, s2  }
0xf3: {  	s0 =	sshll.u32 s22, $0x7  }
0xf4: {  	[tilespmem:s0+$0x108] =	vst v1  }
0xf5: {  	v1 =	vld [tilespmem:s25+$0xFFFFFFD0];
	_ =	sdelay $0x4  }
0xf6: {  	[tilespmem:s0+$0x118] =	vst v1  }
0xf7: {  	v1 =	vld [tilespmem:s25+$0xFFFFFFE0];
	_ =	sdelay $0x4  }
0xf8: {  	[tilespmem:s0+$0x128] =	vst v1  }
0xf9: {  	v1 =	vld [tilespmem:s25+$0xFFFFFFF0];
	_ =	sdelay $0x4  }
0xfa: {  	[tilespmem:s0+$0x138] =	vst v1  }
0xfb: {  	v1 =	vld [tilespmem:s25+$0x0];
	_ =	sdelay $0x4  }
0xfc: {  	[tilespmem:s0+$0x148] =	vst v1  }
0xfd: {  	v1 =	vld [tilespmem:s25+$0x10];
	_ =	sdelay $0x4  }
0xfe: {  	[tilespmem:s0+$0x158] =	vst v1  }
0xff: {  	v1 =	vld [tilespmem:s25+$0x20];
	_ =	sdelay $0x4  }
0x100: {  	[tilespmem:s0+$0x168] =	vst v1  }
0x101: {  	v1 =	vld [tilespmem:s25+$0x30]  }
.Ltmp15:
0x102: {  	_ = 	snop;
	(pc) =	sbr.rel .LBB2_17-.Ltmp15, $2  }
0x103: {  	_ =	sdelay $0x2  }
0x104: {  	s28 =	sadd.s32 $0x1, s28;
	[tilespmem:s0+$0x178] =	vst v1  }
.LBB2_19:
.Ltmp16:
0x105: {  	(pc) =	sbr.rel .LBB2_20-.Ltmp16, $4  }
0x106: {  	_ = 	snop  }
0x107: {  	s0 =	simm.s32 $0x2  }
0x108: {  	_ =	swait.ge [sflag:s0], $0x0  }
0x109: {  	s30 =	smov.u32 s29;
	[sflag:s0] =	ssyncset.done $0x0;
	s0 =	simm.s32 $0x0  }
.LBB2_22:
0x10a: {  	_ =	sfence.sel $0x180000  }
0x10b: {  	s0 =	simm.s32 $0x9;
	[bflag:$0x0] =	sbarrier.arrive $0xFFFF  }
0x10c: {  	s24 =	simm.s32 $0xA;
	[sflag:s0] =	ssyncpa.u1 $0x1  }
0x10d: {  	s25 =	simm.s32 $0xB;
	[sflag:s24] =	ssyncpa.u1 $0x1  }
0x10e: {  	s26 =	simm.s32 $0x2;
	[sflag:s25] =	ssyncpa.u1 $0x1  }
0x10f: {  	[sflag:s26] =	ssyncpa.u1 $0x1  }
0x110: {  	v0 =	vld [tilespmem:$0xF208];
	_ =	sdelay $0x4  }
0x111: {  	(v2sf) =	vpush v0, $0x0  }
0x112: {  	(v2sf) =	vpush v0, $0x1;
	_ =	sdelay $0x1  }
0x113: {  	(v2sf) =	vpush v0, $0x2;
	_ =	sdelay $0xb  }
0x114: {  	s0 =	spop (v2sf)  }
0x115: {  	s2 =	spop (v2sf)  }
0x116: {  	s3 =	smov.u32 s0;
	p0 =	sne.s32 s0, s2  }
0x117: {  	s4 =	spop (v2sf);
	s3 =	simm.s32 @!p0 $0xFFFFFFFF  }
0x118: {  	v2 =	vimm.s32 $0x1;
	v3 =	vlaneseq.u32;
	p0 =	seq.s32 s4, $0xFFFFFFFF;
	v1 =	vmov s3  }
0x119: {  	s16 =	stileid.u32;
	v0 =	vperm.xlane v0, v2;
	p1 =	sne.s32 @!p0 s0, s2;
	v1 =	vperm.xlane v1, v3  }
0x11a: {  	vm0 =	vcmask $0x3F04;
	s6 =	simm.s32 $0xF208;
	s0 =	simm.s32 @!p0 $0x1;
	p1 =	por !p1, p0  }
0x11b: {  	s3 =	sshll.u32 s16, $0x1;
	s2 =	sshll.u32 @!p0 s4, $0x9;
	s0 =	simm.s32 @p1 $0x0;
	v0 =	vsel vm0, v1, v0  }
0x11c: {  	s5 =	sor.u32 $0x1000, s3;
	s2 =	sshra.s32 @!p0 s2, $0x2;
	s0 =	sor.u32 @!p0 s0, s3;
	[tilespmem:$0xF208] =	vst v0  }
0x11d: {  	[spmem:s5] =	stream.linear.scatter [tilespmem:s6], [sflag:$0x1], $0x2, $0x38;
	[tilespmem:$0x1F6F8] =	vst v63  }
0x11e: {  	s2 =	sadd.s32 @!p0 $0x108, s2;
	s0 =	sshll.u32 @!p0 s0, $0x7  }
0x11f: {  	[spmem:s0] =	stream.linear.scatter @!p0 [tilespmem:s2], [sflag:$0x1], $0x80, $0x38;
	[tilespmem:$0x1F6F8] =	vst v63  }
0x120: {  	s0 =	simm.s32 @!p0 $0x82  }
0x121: {  	s28 =	simm.s32 $0x1;
	s0 =	simm.s32 @p0 $0x2  }
0x122: {  	_ =	swait.ge [sflag:s28], s0  }
0x123: {  	s0 =	ssub.s32 $0x0, s0;
	[sflag:s28] =	ssyncset.done $0x0  }
0x124: {  	p0 =	sne.s32 s16, $0x0;
	[sflag:s28] =	ssyncadd.s32 s0  }
.Ltmp17:
0x125: {  	_ =	sfence.stream.spmem;
	(pc) =	sbr.rel @p0 .LBB2_39-.Ltmp17, $4  }
0x126: {  	s29 =	simm.s32 $0x3;
	[bflag:$0x0] =	sbarrier.arrive $0xFFFF  }
0x127: {  	s30 =	simm.s32 $0x4;
	[sflag:s29] =	ssyncpa.u1 $0x1  }
0x128: {  	s31 =	simm.s32 $0x3C;
	[sflag:s30] =	ssyncpa.u1 $0x1  }
0x129: {  	s15 =	rddreg [dreg:$0x5];
	[sflag:s31] =	ssyncpa.u1 $0x1  }
0x12a: {  	_ =	sfence.stream.spmem;
	s0 =	simm.s32 $0x5  }
0x12b: {  	s2 =	simm.s32 $0x1000;
	s3 =	simm.s32 $0xF218;
	[sflag:s0] =	ssyncpa.u1 $0x0  }
0x12c: {  	[tilespmem:s3], [sflag:$0x5] =	stream.linear.gather [spmem:s2], $0x20, $0x38;
	[tilespmem:$0x1F6F8] =	vst v63  }
0x12d: {  	s26 =	simm.s32 $0x0;
	s28 =	simm.s32 $0xF238  }
0x12e: {  	[tilespmem:s28], [sflag:$0x5] =	stream.linear.gather [spmem:s26], $0x1000, $0x38;
	[tilespmem:$0x1F6F8] =	vst v63  }
0x12f: {  	_ =	swait.ge [sflag:s0], $0x1020  }
0x130: {  	[sflag:s0] =	ssyncset.done $0x0  }
0x131: {  	s29 =	simm.s32 $0x0;
	[sflag:s0] =	ssyncadd.s32 $0xFFFFEFE0  }
0x132: {  	v0 =	vld.msk [tilespmem:s29+$0xF218], $0x1;
	_ =	sdelay $0x1  }
0x133: {  	s30 =	simm.s32 $0x1  }
0x134: {  	v1 =	vld.msk [tilespmem:s30+$0xF218], $0x1;
	_ =	sdelay $0x1  }
0x135: {  	(v2sf) =	vpush v0, $0x0;
	_ =	sdelay $0x2  }
0x136: {  	(v2sf) =	vpush v1, $0x0;
	_ =	sdelay $0x2  }
0x137: {  	s31 =	simm.s32 $0x2  }
0x138: {  	v0 =	vld.msk [tilespmem:s31+$0xF218], $0x1;
	_ =	sdelay $0x2  }
0x139: {  	s4 =	simm.s32 $0xFFFFFFFF;
	s5 =	simm.s32 $0xFFFFFFFF;
	s0 =	simm.s32 $0xC  }
.LBB2_24:
0x13a: {  	s2 =	smov.u32 s5;
	s3 =	smov.u32 s4  }
0x13b: {  	s4 =	sshra.s32 s0, $0x2;
	p1 =	sne.s32 s0, $0x7C;
	s0 =	sadd.s32 $0x4, s0;
	(v2sf) =	vpush v0, $0x0  }
0x13c: {  	v0 =	vld.msk [tilespmem:s4+$0xF218], $0x1  }
.Ltmp18:
0x13d: {  	(pc) =	sbr.rel @p1 .LBB2_24-.Ltmp18, $4  }
0x13e: {  	s5 =	spop (v2sf)  }
0x13f: {  	p2 =	sne.s32 s3, $0xFFFFFFFF;
	s4 =	smov.u32 s5  }
0x140: {  	p3 =	seq.s32 s5, $0xFFFFFFFF;
	s4 =	smov.u32 @p2 s3  }
0x141: {  	s5 =	smov.u32 @p3 s2;
	s4 =	smov.u32 @p3 s3  }
0x142: {  	(v2sf) =	vpush v0, $0x0;
	_ =	sdelay $0x8  }
0x143: {  	s0 =	spop (v2sf)  }
0x144: {  	p1 =	sne.s32 s4, $0xFFFFFFFF;
	s2 =	smov.u32 s0  }
0x145: {  	s9 =	simm.s32 $0x6;
	p2 =	seq.s32 s0, $0xFFFFFFFF;
	s2 =	smov.u32 @p1 s4  }
0x146: {  	s6 =	simm.s32 $0x0;
	s2 =	smov.u32 @p2 s4;
	s3 =	spop (v2sf)  }
0x147: {  	s0 =	smov.u32 @p2 s5;
	p1 =	sne.s32 s2, $0xFFFFFFFF;
	s4 =	smov.u32 s3  }
.Ltmp19:
0x148: {  	p2 =	seq.s32 s3, $0xFFFFFFFF;
	s4 =	smov.u32 @p1 s2;
	(pc) =	sbr.rel .LBB2_26-.Ltmp19, $4  }
0x149: {  	s10 =	simm.s32 $0xF188;
	s4 =	smov.u32 @p2 s2;
	s7 =	spop (v2sf)  }
0x14a: {  	s11 =	simm.s32 $0x0;
	p1 =	sne.s32 s4, $0xFFFFFFFF;
	s8 =	smov.u32 s7  }
0x14b: {  	s3 =	smov.u32 @p2 s0;
	p2 =	seq.s32 s7, $0xFFFFFFFF;
	s8 =	smov.u32 @p1 s4  }
0x14c: {  	[sflag:s9] =	ssyncpa.u1 $0x0;
	s7 =	smov.u32 @p2 s3;
	s8 =	smov.u32 @p2 s4  }
.LBB2_32:
0x14d: {  	p1 =	sgt.u32 s12, $0x270F0  }
0x14e: {  	p2 =	seq.s32 @!p1 s12, s8  }
0x14f: {  	p1 =	por p1, p2  }
0x150: {  	p2 =	sne.s32 @!p1 s12, s7  }
0x151: {  	p1 =	por p1, !p2  }
0x152: {  	s0 =	sshll.u32 @p1 s11, $0x9  }
0x153: {  	s0 =	sand.u32 @!p1 $0x3FFF8, s12  }
0x154: {  	s2 =	sand.u32 @!p1 $0x7, s12;
	s0 =	sadd.s32 @!p1 s1, s0  }
0x155: {  	[tilespmem:s10], [sflag:$0x6] =	stream.linear.gather @!p1 [hbm4b:s0+s2], $0x80, $0x38;
	[tilespmem:$0x1F6F8] =	vst v63  }
0x156: {  	_ =	swait.ge @!p1 [sflag:s9], $0x80  }
0x157: {  	[sflag:s9] =	ssyncset.done @!p1 $0x0  }
0x158: {  	[sflag:s9] =	ssyncadd.s32 @!p1 $0xFFFFFF80  }
0x159: {  	v1 =	vld @!p1 [tilespmem:$0xF188];
	_ =	sdelay $0x2  }
0x15a: {  	s0 =	sshll.u32 @!p1 s11, $0x9  }
0x15b: {  	s2 =	sshrl.u32 @!p1 s0, $0x2  }
0x15c: {  	[tilespmem:s2+$0xF238] =	vst.add.f32.msk @!p1 $0xffff, v1  }
0x15d: {  	v1 =	vld @!p1 [tilespmem:$0xF198];
	_ =	sdelay $0x4  }
0x15e: {  	[tilespmem:s2+$0xF248] =	vst.add.f32.msk @!p1 $0xffff, v1  }
0x15f: {  	v1 =	vld @!p1 [tilespmem:$0xF1A8];
	_ =	sdelay $0x4  }
0x160: {  	[tilespmem:s2+$0xF258] =	vst.add.f32.msk @!p1 $0xffff, v1  }
0x161: {  	v1 =	vld @!p1 [tilespmem:$0xF1B8];
	_ =	sdelay $0x4  }
0x162: {  	[tilespmem:s2+$0xF268] =	vst.add.f32.msk @!p1 $0xffff, v1  }
0x163: {  	v1 =	vld @!p1 [tilespmem:$0xF1C8];
	_ =	sdelay $0x4  }
0x164: {  	[tilespmem:s2+$0xF278] =	vst.add.f32.msk @!p1 $0xffff, v1  }
0x165: {  	v1 =	vld @!p1 [tilespmem:$0xF1D8];
	_ =	sdelay $0x4  }
0x166: {  	[tilespmem:s2+$0xF288] =	vst.add.f32.msk @!p1 $0xffff, v1  }
0x167: {  	v1 =	vld @!p1 [tilespmem:$0xF1E8];
	_ =	sdelay $0x4  }
0x168: {  	[tilespmem:s2+$0xF298] =	vst.add.f32.msk @!p1 $0xffff, v1  }
0x169: {  	v1 =	vld @!p1 [tilespmem:$0xF1F8];
	_ =	sdelay $0x4  }
0x16a: {  	[tilespmem:s2+$0xF2A8] =	vst.add.f32.msk @!p1 $0xffff, v1  }
0x16b: {  	s0 =	sshrl.u32 s0, $0x2;
	[tilespmem:s6+$0xF218] =	vst.msk $0x1, v0  }
0x16c: {  	v0 =	vld [tilespmem:s0+$0xF238];
	_ =	sdelay $0x2  }
0x16d: {  	s31 =	sshll.u32 s6, $0x9  }
0x16e: {  	s2 =	sshra.s32 s31, $0x2  }
0x16f: {  	[tilespmem:s2+$0xF238] =	vst v0  }
0x170: {  	v0 =	vld [tilespmem:s0+$0xF248];
	_ =	sdelay $0x4  }
0x171: {  	[tilespmem:s2+$0xF248] =	vst v0  }
0x172: {  	v0 =	vld [tilespmem:s0+$0xF258];
	_ =	sdelay $0x4  }
0x173: {  	[tilespmem:s2+$0xF258] =	vst v0  }
0x174: {  	v0 =	vld [tilespmem:s0+$0xF268];
	_ =	sdelay $0x4  }
0x175: {  	[tilespmem:s2+$0xF268] =	vst v0  }
0x176: {  	v0 =	vld [tilespmem:s0+$0xF278];
	_ =	sdelay $0x4  }
0x177: {  	[tilespmem:s2+$0xF278] =	vst v0  }
0x178: {  	v0 =	vld [tilespmem:s0+$0xF288];
	_ =	sdelay $0x4  }
0x179: {  	[tilespmem:s2+$0xF288] =	vst v0  }
0x17a: {  	v0 =	vld [tilespmem:s0+$0xF298];
	_ =	sdelay $0x4  }
0x17b: {  	[tilespmem:s2+$0xF298] =	vst v0  }
0x17c: {  	v0 =	vld [tilespmem:s0+$0xF2A8];
	_ =	sdelay $0x4  }
0x17d: {  	s6 =	sadd.s32 $0x1, s6;
	[tilespmem:s2+$0xF2A8] =	vst v0  }
.LBB2_33:
0x17e: {  	s11 =	sadd.s32 $0x1, s11  }
0x17f: {  	p1 =	sne.s32 s11, $0x20  }
.Ltmp20:
0x180: {  	_ = 	snop;
	(pc) =	sbr.rel @!p1 .LBB2_34-.Ltmp20, $1  }
0x181: {  	_ =	sdelay $0x3  }
.LBB2_26:
0x182: {  	v0 =	vld.msk [tilespmem:s11+$0xF218], $0x1;
	_ =	sdelay $0x4  }
0x183: {  	(v2sf) =	vpush v0, $0x0;
	_ =	sdelay $0xe  }
0x184: {  	s12 =	spop (v2sf)  }
0x185: {  	p1 =	seq.s32 s12, $0xFFFFFFFF  }
.Ltmp21:
0x186: {  	_ = 	snop;
	(pc) =	sbr.rel @p1 .LBB2_33-.Ltmp21, $1  }
0x187: {  	_ =	sdelay $0x3  }
0x188: {  	p1 =	slt.s32 s6, $0x1  }
.Ltmp22:
0x189: {  	_ = 	snop;
	(pc) =	sbr.rel @p1 .LBB2_32-.Ltmp22, $1  }
0x18a: {  	_ =	sdelay $0x3  }
0x18b: {  	s13 =	simm.s32 $0xF218;
	p1 =	por $0x0, $0x0  }
0x18c: {  	v1 =	vld.msk @!p1 [tilespmem:s13+$0x0], $0x1;
	_ =	sdelay $0x4  }
0x18d: {  	(v2sf) =	vpush @!p1 v1, $0x0;
	_ =	sdelay $0xd  }
0x18e: {  	p3 =	sne.s32 s6, $0x1  }
.Ltmp23:
0x18f: {  	s0 =	spop @!p1 (v2sf);
	(pc) =	sbr.rel @!p3 .LBB2_30-.Ltmp23, $4  }
0x190: {  	p2 =	seq.s32 @!p1 s12, s0  }
0x191: {  	s14 =	simm.s32 $0x0;
	p2 =	por !p2, p1  }
0x192: {  	s2 =	simm.s32 $0xFFFFFFFF;
	s14 =	simm.s32 @p2 $0xFFFFFFFF  }
0x193: {  	s0 =	simm.s32 $0x1;
	s14 =	smov.u32 @p1 s2  }
.LBB2_29:
0x194: {  	s2 =	smov.u32 s14;
	p1 =	sne.s32 s14, $0xFFFFFFFF  }
0x195: {  	s13 =	sadd.s32 $0x1, s13;
	s14 =	smov.u32 s0;
	s0 =	sadd.s32 $0x1, s0  }
0x196: {  	p2 =	sne.s32 s6, s0;
	v1 =	vld.msk @!p1 [tilespmem:s13+$0x0], $0x1;
	_ =	sdelay $0x4  }
0x197: {  	(v2sf) =	vpush @!p1 v1, $0x0;
	_ =	sdelay $0xe  }
.Ltmp24:
0x198: {  	s3 =	spop @!p1 (v2sf);
	(pc) =	sbr.rel @p2 .LBB2_29-.Ltmp24, $4  }
0x199: {  	p3 =	seq.s32 @!p1 s12, s3  }
0x19a: {  	p3 =	por !p3, p1  }
0x19b: {  	s14 =	simm.s32 @p3 $0xFFFFFFFF  }
0x19c: {  	s14 =	smov.u32 @p1 s2  }
.LBB2_30:
0x19d: {  	p1 =	seq.s32 s14, $0xFFFFFFFF  }
.Ltmp25:
0x19e: {  	_ = 	snop;
	(pc) =	sbr.rel @p1 .LBB2_32-.Ltmp25, $1  }
0x19f: {  	_ =	sdelay $0x3  }
0x1a0: {  	s0 =	sshll.u32 s11, $0x7  }
0x1a1: {  	s0 =	sand.u32 $0x3FFFFF80, s0  }
0x1a2: {  	v0 =	vld [tilespmem:s0+$0xF238];
	_ =	sdelay $0x2  }
0x1a3: {  	s2 =	sshll.u32 s14, $0x9  }
0x1a4: {  	s2 =	sshra.s32 s2, $0x2  }
0x1a5: {  	[tilespmem:s2+$0xF238] =	vst.add.f32.msk $0xffff, v0  }
0x1a6: {  	v0 =	vld [tilespmem:s0+$0xF248];
	_ =	sdelay $0x4  }
0x1a7: {  	[tilespmem:s2+$0xF248] =	vst.add.f32.msk $0xffff, v0  }
0x1a8: {  	v0 =	vld [tilespmem:s0+$0xF258];
	_ =	sdelay $0x4  }
0x1a9: {  	[tilespmem:s2+$0xF258] =	vst.add.f32.msk $0xffff, v0  }
0x1aa: {  	v0 =	vld [tilespmem:s0+$0xF268];
	_ =	sdelay $0x4  }
0x1ab: {  	[tilespmem:s2+$0xF268] =	vst.add.f32.msk $0xffff, v0  }
0x1ac: {  	v0 =	vld [tilespmem:s0+$0xF278];
	_ =	sdelay $0x4  }
0x1ad: {  	[tilespmem:s2+$0xF278] =	vst.add.f32.msk $0xffff, v0  }
0x1ae: {  	v0 =	vld [tilespmem:s0+$0xF288];
	_ =	sdelay $0x4  }
0x1af: {  	[tilespmem:s2+$0xF288] =	vst.add.f32.msk $0xffff, v0  }
0x1b0: {  	v0 =	vld [tilespmem:s0+$0xF298];
	_ =	sdelay $0x4  }
0x1b1: {  	[tilespmem:s2+$0xF298] =	vst.add.f32.msk $0xffff, v0  }
0x1b2: {  	v0 =	vld [tilespmem:s0+$0xF2A8]  }
.Ltmp26:
0x1b3: {  	_ = 	snop;
	(pc) =	sbr.rel .LBB2_33-.Ltmp26, $2  }
0x1b4: {  	_ =	sdelay $0x2  }
0x1b5: {  	[tilespmem:s2+$0xF2A8] =	vst.add.f32.msk $0xffff, v0  }
.LBB2_34:
0x1b6: {  	s0 =	simm.s32 $0x6;
	p1 =	seq.s32 s6, $0x0  }
0x1b7: {  	[sflag:s0] =	ssyncpa.u1 $0x1;
	v0 =	vimm.s32 @p1 $0xFFFFFFFF  }
0x1b8: {  	s9 =	sadd.s32 $0xFFFFFFFF, s6;
	[tilespmem:$0x10238] =	vst @p1 v0  }
0x1b9: {  	v0 =	vld.msk @!p1 [tilespmem:s9+$0xF218], $0x1;
	_ =	sdelay $0x1  }
0x1ba: {  	v1 =	vld.msk @!p1 [tilespmem:$0xF218], $0x1;
	_ =	sdelay $0x2  }
0x1bb: {  	p2 =	seq.s32 @!p1 s9, $0x0;
	v0 =	vbroadcast @!p1 v0, $0x0  }
0x1bc: {  	vm0 =	vmmov @!p1 $0x1;
	p2 =	por !p2, p1  }
0x1bd: {  	v1 =	vnsel @!p1 vm0, $0xFFFFFFFF, v1;
	vm0 =	vcmask @!p1 $0x308;
	v0 =	vpsel !p2, $0xFFFFFFFF, v0  }
0x1be: {  	p2 =	sne.s32 @!p1 s8, s7;
	v0 =	vsel @!p1 vm0, v1, v0  }
0x1bf: {  	s0 =	simm.s32 @!p1 $0xF238;
	s2 =	simm.s32 @!p1 $0x0;
	p3 =	por !p2, p1;
	[tilespmem:$0x10238] =	vst @!p1 v0  }
0x1c0: {  	[spmem:s2] =	stream.linear.scatter @!p1 [tilespmem:s0], [sflag:$0x1], $0x80, $0x38;
	[tilespmem:$0x1F6F8] =	vst v63  }
0x1c1: {  	s0 =	sshll.u32 @!p3 s9, $0x9  }
0x1c2: {  	s0 =	sshra.s32 @!p3 s0, $0x2  }
0x1c3: {  	s2 =	simm.s32 @!p3 $0x80;
	s0 =	sadd.s32 @!p3 $0xF238, s0  }
0x1c4: {  	[spmem:s2] =	stream.linear.scatter @!p3 [tilespmem:s0], [sflag:$0x1], $0x80, $0x38;
	[tilespmem:$0x1F6F8] =	vst v63  }
0x1c5: {  	s0 =	simm.s32 @!p3 $0x1  }
0x1c6: {  	_ =	swait.ge @!p3 [sflag:s0], $0x100  }
0x1c7: {  	p1 =	por p2, p1;
	[sflag:s0] =	ssyncset.done @!p3 $0x0  }
0x1c8: {  	[sflag:s0] =	ssyncadd.s32 @!p3 $0xFFFFFF00;
	s0 =	simm.s32 @!p1 $0x1  }
0x1c9: {  	_ =	swait.ge @!p1 [sflag:s0], $0x80  }
0x1ca: {  	s29 =	simm.s32 $0x10238;
	[sflag:s0] =	ssyncset.done @!p1 $0x0  }
0x1cb: {  	s30 =	simm.s32 $0x1000;
	s31 =	simm.s32 $0x1;
	[sflag:s0] =	ssyncadd.s32 @!p1 $0xFFFFFF80  }
0x1cc: {  	[spmem:s30] =	stream.linear.scatter [tilespmem:s29], [sflag:$0x1], $0x10, $0x38;
	[tilespmem:$0x1F6F8] =	vst v63  }
0x1cd: {  	_ =	swait.ge [sflag:s31], $0x10  }
0x1ce: {  	[sflag:s31] =	ssyncset.done $0x0  }
0x1cf: {  	p1 =	seq.s32 s15, $0x0;
	s8 =	rddreg [dreg:$0x2];
	[sflag:s31] =	ssyncadd.s32 $0xFFFFFFF0  }
0x1d0: {  	s2 =	sshll.u32 @p1 s8, $0xE;
	s7 =	rddreg [dreg:$0x3]  }
0x1d1: {  	s0 =	sadd.s32 @p1 $0x15C3C, s2;
	s2 =	sshll.u32 @p1 s7, $0x11  }
0x1d2: {  	_ =	sfence.stream.spmem;
	s0 =	sor.u32 @p1 s2, s0  }
0x1d3: {  	[sflag:s0] =	ssyncadd.remote.s32 @p1 $0x1;
	s0 =	simm.s32 @p1 $0x4  }
0x1d4: {  	s3 =	simm.s32 @!p1 $0x3C;
	s2 =	sand.u32 $0xFFFFFFFE, s8;
	_ =	swait.ge @p1 [sflag:s0], $0x22  }
0x1d5: {  	s4 =	simm.s32 @!p1 $0x0;
	s2 =	sadd.s32 @!p1 $0x4, s2;
	[sflag:s0] =	ssyncset.done @p1 $0x0  }
0x1d6: {  	s5 =	simm.s32 @!p1 $0x100;
	[sflag:s0] =	ssyncadd.s32 @p1 $0xFFFFFFDE;
	s0 =	sshll.u32 @!p1 s2, $0x1A  }
0x1d7: {  	s2 =	sshll.u32 @!p1 s2, $0xD;
	s0 =	sor.u32 @!p1 s0, s7;
	_ =	swait.eq @!p1 [sflag:s3], $0x1  }
0x1d8: {  	s2 =	sor.u32 @!p1 $0x1C04, s2;
	s3 =	simm.s32 @!p1 $0x1C03;
	s0 =	sor.u32 @!p1 $0x80004000, s0  }
0x1d9: {  	[spmem:s5], [sflag:s2] =	dma.general @!p1 [spmem:s4], [sflag:s3], length:$0x20, [dreg:$0x0], stride_count:$0x0, ici_dest:s0, dma_misc:DstOpCode:WRITE  }
0x1da: {  	p2 =	slt.s32 s9, $0x2;
	s4 =	simm.s32 @!p1 $0x200;
	s5 =	simm.s32 @!p1 $0x202  }
0x1db: {  	[spmem:s5], [sflag:s2] =	dma.general @!p1 [spmem:s4], [sflag:s3], length:$0x2, [dreg:$0x0], stride_count:$0x0, ici_dest:s0, dma_misc:DstOpCode:WRITE  }
.Ltmp27:
0x1dc: {  	s0 =	simm.s32 @!p1 $0x3;
	(pc) =	sbr.rel @p2 .LBB2_38-.Ltmp27, $4  }
0x1dd: {  	s2 =	sshll.u32 @!p1 s8, $0xE;
	_ =	swait.ge @!p1 [sflag:s0], $0x22  }
0x1de: {  	s3 =	sshll.u32 @!p1 s7, $0x11;
	s2 =	sadd.s32 @!p1 $0x11C3C, s2;
	[sflag:s0] =	ssyncset.done @!p1 $0x0  }
0x1df: {  	[sflag:s0] =	ssyncadd.s32 @!p1 $0xFFFFFFDE;
	s0 =	sor.u32 @!p1 s3, s2  }
0x1e0: {  	[sflag:s0] =	ssyncadd.remote.s32 @!p1 $0xFFFFFFFF;
	s0 =	simm.s32 $0x0  }
0x1e1: {  	s0 =	simm.s32 $0xF219  }
0x1e2: {  	v0 =	vld.msk [tilespmem:s0+$0x0], $0x1;
	_ =	sdelay $0x4  }
0x1e3: {  	(v2sf) =	vpush v0, $0x0;
	_ =	sdelay $0xb  }
0x1e4: {  	s31 =	sadd.s32 $0xFFFFFFFE, s6  }
0x1e5: {  	s0 =	sadd.s32 $0xFFFFFFFF, s31  }
0x1e6: {  	p2 =	sne.s32 s0, $0x0  }
.Ltmp28:
0x1e7: {  	s2 =	spop (v2sf);
	(pc) =	sbr.rel @!p2 .LBB2_37-.Ltmp28, $4  }
0x1e8: {  	s4 =	simm.s32 $0xF2B8;
	s7 =	simm.s32 $0x0;
	p1 =	sgt.u32 s2, $0x270F0  }
0x1e9: {  	s5 =	simm.s32 $0x0;
	s6 =	simm.s32 $0xF21A;
	s3 =	sand.u32 @!p1 $0x3FFF8, s2  }
0x1ea: {  	s2 =	sand.u32 @!p1 $0x7, s2;
	s7 =	simm.s32 @!p1 $0x200;
	s3 =	sadd.s32 @!p1 s1, s3  }
0x1eb: {  	[hbm4b:s3+s2] =	stream.linear.scatter @!p1 [tilespmem:s4], [sflag:$0x5], $0x80, $0x38;
	[tilespmem:$0x1F6F8] =	vst v63  }
.LBB2_36:
0x1ec: {  	v0 =	vld.msk [tilespmem:s6+$0x0], $0x1;
	s0 =	sadd.s32 $0xFFFFFFFF, s0;
	s5 =	sadd.s32 s5, s7  }
0x1ed: {  	p1 =	sne.s32 s0, $0x0;
	_ =	sdelay $0x3  }
0x1ee: {  	(v2sf) =	vpush v0, $0x0;
	_ =	sdelay $0xe  }
.Ltmp29:
0x1ef: {  	s2 =	spop (v2sf);
	(pc) =	sbr.rel @p1 .LBB2_36-.Ltmp29, $4  }
0x1f0: {  	s7 =	simm.s32 $0x0;
	p2 =	sgt.u32 s2, $0x270F0  }
0x1f1: {  	s4 =	sadd.s32 $0x80, s4;
	s7 =	simm.s32 @!p2 $0x200;
	s3 =	sand.u32 @!p2 $0x3FFF8, s2  }
0x1f2: {  	s6 =	sadd.s32 $0x1, s6;
	s2 =	sand.u32 @!p2 $0x7, s2;
	s3 =	sadd.s32 @!p2 s1, s3  }
0x1f3: {  	[hbm4b:s3+s2] =	stream.linear.scatter @!p2 [tilespmem:s4], [sflag:$0x5], $0x80, $0x38;
	[tilespmem:$0x1F6F8] =	vst v63  }
.LBB2_37:
0x1f4: {  	s0 =	sadd.s32 s5, s7  }
0x1f5: {  	s0 =	sshrl.u32 s0, $0x2  }
.LBB2_38:
0x1f6: {  	s2 =	simm.s32 $0x5  }
0x1f7: {  	_ =	swait.ge [sflag:s2], s0  }
0x1f8: {  	s31 =	ssub.s32 $0x0, s0;
	[sflag:s2] =	ssyncset.done $0x0  }
0x1f9: {  	[sflag:s2] =	ssyncadd.s32 s31  }
0x1fa: {  	[sflag:s2] =	ssyncpa.u1 $0x1  }
.LBB2_39:
0x1fb: {  	s0 =	sor.u32 s15, s16  }
0x1fc: {  	p1 =	sne.s32 s0, $0x0  }
.Ltmp30:
0x1fd: {  	_ = 	snop;
	(pc) =	sbr.rel @p1 .LBB2_54-.Ltmp30, $3  }
0x1fe: {  	_ =	sdelay $0x1  }
0x1ff: {  	[bflag:$0x0] =	sbarrier.arrive $0xFFFF  }
0x200: {  	_ =	sfence  }
0x201: {  	s0 =	simm.s32 $0x7  }
0x202: {  	s2 =	simm.s32 $0x1000;
	s3 =	simm.s32 $0xF218;
	[sflag:s0] =	ssyncpa.u1 $0x0  }
0x203: {  	[tilespmem:s3], [sflag:$0x7] =	stream.linear.gather [spmem:s2], $0x20, $0x38;
	[tilespmem:$0x1F6F8] =	vst v63  }
0x204: {  	s30 =	simm.s32 $0xF238;
	s2 =	simm.s32 $0x0  }
0x205: {  	[tilespmem:s30], [sflag:$0x7] =	stream.linear.gather [spmem:s2], $0x1000, $0x38;
	[tilespmem:$0x1F6F8] =	vst v63  }
.Ltmp31:
0x206: {  	_ = 	snop;
	(pc) =	sbr.rel .LBB2_41-.Ltmp31, $4  }
0x207: {  	_ =	swait.ge [sflag:s0], $0x1020  }
0x208: {  	[sflag:s0] =	ssyncset.done $0x0  }
0x209: {  	s31 =	simm.s32 $0x8;
	[sflag:s0] =	ssyncadd.s32 $0xFFFFEFE0  }
0x20a: {  	s3 =	simm.s32 $0x0;
	[sflag:s31] =	ssyncpa.u1 $0x0  }
.LBB2_47:
0x20b: {  	p1 =	slt.u32 s4, $0x270F1  }
0x20c: {  	s0 =	sand.u32 @p1 $0x3FFF8, s4  }
0x20d: {  	s4 =	sand.u32 @p1 $0x7, s4;
	s5 =	simm.s32 @p1 $0xF188;
	s0 =	sadd.s32 @p1 s1, s0  }
0x20e: {  	[tilespmem:s5], [sflag:$0x8] =	stream.linear.gather @p1 [hbm4b:s0+s4], $0x80, $0x38;
	[tilespmem:$0x1F6F8] =	vst v63  }
0x20f: {  	s0 =	simm.s32 @p1 $0x8  }
0x210: {  	_ =	swait.ge @p1 [sflag:s0], $0x80  }
0x211: {  	[sflag:s0] =	ssyncset.done @p1 $0x0  }
0x212: {  	[sflag:s0] =	ssyncadd.s32 @p1 $0xFFFFFF80  }
0x213: {  	v1 =	vld @p1 [tilespmem:$0xF188];
	_ =	sdelay $0x2  }
0x214: {  	s0 =	sshll.u32 @p1 s3, $0x9  }
0x215: {  	s4 =	sshrl.u32 @p1 s0, $0x2  }
0x216: {  	[tilespmem:s4+$0xF238] =	vst.add.f32.msk @p1 $0xffff, v1  }
0x217: {  	v1 =	vld @p1 [tilespmem:$0xF198];
	_ =	sdelay $0x4  }
0x218: {  	[tilespmem:s4+$0xF248] =	vst.add.f32.msk @p1 $0xffff, v1  }
0x219: {  	v1 =	vld @p1 [tilespmem:$0xF1A8];
	_ =	sdelay $0x4  }
0x21a: {  	[tilespmem:s4+$0xF258] =	vst.add.f32.msk @p1 $0xffff, v1  }
0x21b: {  	v1 =	vld @p1 [tilespmem:$0xF1B8];
	_ =	sdelay $0x4  }
0x21c: {  	[tilespmem:s4+$0xF268] =	vst.add.f32.msk @p1 $0xffff, v1  }
0x21d: {  	v1 =	vld @p1 [tilespmem:$0xF1C8];
	_ =	sdelay $0x4  }
0x21e: {  	[tilespmem:s4+$0xF278] =	vst.add.f32.msk @p1 $0xffff, v1  }
0x21f: {  	v1 =	vld @p1 [tilespmem:$0xF1D8];
	_ =	sdelay $0x4  }
0x220: {  	[tilespmem:s4+$0xF288] =	vst.add.f32.msk @p1 $0xffff, v1  }
0x221: {  	v1 =	vld @p1 [tilespmem:$0xF1E8];
	_ =	sdelay $0x4  }
0x222: {  	[tilespmem:s4+$0xF298] =	vst.add.f32.msk @p1 $0xffff, v1  }
0x223: {  	v1 =	vld @p1 [tilespmem:$0xF1F8];
	_ =	sdelay $0x3  }
0x224: {  	s5 =	sshll.u32 @!p1 s3, $0x9  }
0x225: {  	s5 =	smov.u32 @p1 s0;
	[tilespmem:s4+$0xF2A8] =	vst.add.f32.msk @p1 $0xffff, v1  }
0x226: {  	s0 =	sshrl.u32 s5, $0x2;
	[tilespmem:s2+$0xF218] =	vst.msk $0x1, v0  }
0x227: {  	v0 =	vld [tilespmem:s0+$0xF238];
	_ =	sdelay $0x2  }
0x228: {  	s31 =	sshll.u32 s2, $0x9  }
0x229: {  	s4 =	sshra.s32 s31, $0x2  }
0x22a: {  	[tilespmem:s4+$0xF238] =	vst v0  }
0x22b: {  	v0 =	vld [tilespmem:s0+$0xF248];
	_ =	sdelay $0x4  }
0x22c: {  	[tilespmem:s4+$0xF248] =	vst v0  }
0x22d: {  	v0 =	vld [tilespmem:s0+$0xF258];
	_ =	sdelay $0x4  }
0x22e: {  	[tilespmem:s4+$0xF258] =	vst v0  }
0x22f: {  	v0 =	vld [tilespmem:s0+$0xF268];
	_ =	sdelay $0x4  }
0x230: {  	[tilespmem:s4+$0xF268] =	vst v0  }
0x231: {  	v0 =	vld [tilespmem:s0+$0xF278];
	_ =	sdelay $0x4  }
0x232: {  	[tilespmem:s4+$0xF278] =	vst v0  }
0x233: {  	v0 =	vld [tilespmem:s0+$0xF288];
	_ =	sdelay $0x4  }
0x234: {  	[tilespmem:s4+$0xF288] =	vst v0  }
0x235: {  	v0 =	vld [tilespmem:s0+$0xF298];
	_ =	sdelay $0x4  }
0x236: {  	[tilespmem:s4+$0xF298] =	vst v0  }
0x237: {  	v0 =	vld [tilespmem:s0+$0xF2A8];
	_ =	sdelay $0x4  }
0x238: {  	s2 =	sadd.s32 $0x1, s2;
	[tilespmem:s4+$0xF2A8] =	vst v0  }
.LBB2_48:
0x239: {  	s3 =	sadd.s32 $0x1, s3  }
0x23a: {  	p1 =	sne.s32 s3, $0x20  }
.Ltmp32:
0x23b: {  	_ = 	snop;
	(pc) =	sbr.rel @!p1 .LBB2_49-.Ltmp32, $1  }
0x23c: {  	_ =	sdelay $0x3  }
.LBB2_41:
0x23d: {  	v0 =	vld.msk [tilespmem:s3+$0xF218], $0x1;
	_ =	sdelay $0x4  }
0x23e: {  	(v2sf) =	vpush v0, $0x0;
	_ =	sdelay $0xe  }
0x23f: {  	s4 =	spop (v2sf)  }
0x240: {  	p1 =	seq.s32 s4, $0xFFFFFFFF  }
.Ltmp33:
0x241: {  	_ = 	snop;
	(pc) =	sbr.rel @p1 .LBB2_48-.Ltmp33, $1  }
0x242: {  	_ =	sdelay $0x3  }
0x243: {  	p1 =	slt.s32 s2, $0x1  }
.Ltmp34:
0x244: {  	_ = 	snop;
	(pc) =	sbr.rel @p1 .LBB2_47-.Ltmp34, $1  }
0x245: {  	_ =	sdelay $0x3  }
0x246: {  	s5 =	simm.s32 $0xF218;
	p1 =	por $0x0, $0x0  }
0x247: {  	v1 =	vld.msk @!p1 [tilespmem:s5+$0x0], $0x1;
	_ =	sdelay $0x4  }
0x248: {  	(v2sf) =	vpush @!p1 v1, $0x0;
	_ =	sdelay $0xd  }
0x249: {  	p3 =	sne.s32 s2, $0x1  }
.Ltmp35:
0x24a: {  	s0 =	spop @!p1 (v2sf);
	(pc) =	sbr.rel @!p3 .LBB2_45-.Ltmp35, $4  }
0x24b: {  	p2 =	seq.s32 @!p1 s4, s0  }
0x24c: {  	s6 =	simm.s32 $0x0;
	p2 =	por !p2, p1  }
0x24d: {  	s7 =	simm.s32 $0xFFFFFFFF;
	s6 =	simm.s32 @p2 $0xFFFFFFFF  }
0x24e: {  	s0 =	simm.s32 $0x1;
	s6 =	smov.u32 @p1 s7  }
.LBB2_44:
0x24f: {  	s7 =	smov.u32 s6;
	p1 =	sne.s32 s6, $0xFFFFFFFF  }
0x250: {  	s5 =	sadd.s32 $0x1, s5;
	s6 =	smov.u32 s0;
	s0 =	sadd.s32 $0x1, s0  }
0x251: {  	p2 =	sne.s32 s2, s0;
	v1 =	vld.msk @!p1 [tilespmem:s5+$0x0], $0x1;
	_ =	sdelay $0x4  }
0x252: {  	(v2sf) =	vpush @!p1 v1, $0x0;
	_ =	sdelay $0xe  }
.Ltmp36:
0x253: {  	s8 =	spop @!p1 (v2sf);
	(pc) =	sbr.rel @p2 .LBB2_44-.Ltmp36, $4  }
0x254: {  	p3 =	seq.s32 @!p1 s4, s8  }
0x255: {  	p3 =	por !p3, p1  }
0x256: {  	s6 =	simm.s32 @p3 $0xFFFFFFFF  }
0x257: {  	s6 =	smov.u32 @p1 s7  }
.LBB2_45:
0x258: {  	p1 =	seq.s32 s6, $0xFFFFFFFF  }
.Ltmp37:
0x259: {  	_ = 	snop;
	(pc) =	sbr.rel @p1 .LBB2_47-.Ltmp37, $1  }
0x25a: {  	_ =	sdelay $0x3  }
0x25b: {  	s0 =	sshll.u32 s3, $0x7  }
0x25c: {  	s0 =	sand.u32 $0x3FFFFF80, s0  }
0x25d: {  	v0 =	vld [tilespmem:s0+$0xF238];
	_ =	sdelay $0x2  }
0x25e: {  	s4 =	sshll.u32 s6, $0x9  }
0x25f: {  	s4 =	sshra.s32 s4, $0x2  }
0x260: {  	[tilespmem:s4+$0xF238] =	vst.add.f32.msk $0xffff, v0  }
0x261: {  	v0 =	vld [tilespmem:s0+$0xF248];
	_ =	sdelay $0x4  }
0x262: {  	[tilespmem:s4+$0xF248] =	vst.add.f32.msk $0xffff, v0  }
0x263: {  	v0 =	vld [tilespmem:s0+$0xF258];
	_ =	sdelay $0x4  }
0x264: {  	[tilespmem:s4+$0xF258] =	vst.add.f32.msk $0xffff, v0  }
0x265: {  	v0 =	vld [tilespmem:s0+$0xF268];
	_ =	sdelay $0x4  }
0x266: {  	[tilespmem:s4+$0xF268] =	vst.add.f32.msk $0xffff, v0  }
0x267: {  	v0 =	vld [tilespmem:s0+$0xF278];
	_ =	sdelay $0x4  }
0x268: {  	[tilespmem:s4+$0xF278] =	vst.add.f32.msk $0xffff, v0  }
0x269: {  	v0 =	vld [tilespmem:s0+$0xF288];
	_ =	sdelay $0x4  }
0x26a: {  	[tilespmem:s4+$0xF288] =	vst.add.f32.msk $0xffff, v0  }
0x26b: {  	v0 =	vld [tilespmem:s0+$0xF298];
	_ =	sdelay $0x4  }
0x26c: {  	[tilespmem:s4+$0xF298] =	vst.add.f32.msk $0xffff, v0  }
0x26d: {  	v0 =	vld [tilespmem:s0+$0xF2A8]  }
.Ltmp38:
0x26e: {  	_ = 	snop;
	(pc) =	sbr.rel .LBB2_48-.Ltmp38, $2  }
0x26f: {  	_ =	sdelay $0x2  }
0x270: {  	[tilespmem:s4+$0xF2A8] =	vst.add.f32.msk $0xffff, v0  }
.LBB2_49:
0x271: {  	p1 =	slt.s32 s2, $0x1  }
.Ltmp39:
0x272: {  	_ = 	snop;
	(pc) =	sbr.rel @p1 .LBB2_53-.Ltmp39, $3  }
0x273: {  	_ =	sdelay $0x1  }
0x274: {  	s0 =	simm.s32 $0x8  }
0x275: {  	s3 =	simm.s32 $0x0;
	[sflag:s0] =	ssyncpa.u1 $0x1  }
0x276: {  	s0 =	simm.s32 $0xF218  }
0x277: {  	v0 =	vld.msk [tilespmem:s0+$0x0], $0x1;
	_ =	sdelay $0x4  }
0x278: {  	(v2sf) =	vpush v0, $0x0;
	_ =	sdelay $0xe  }
0x279: {  	s0 =	sadd.s32 $0xFFFFFFFF, s2;
	s5 =	spop (v2sf)  }
0x27a: {  	p2 =	sne.s32 s0, $0x0;
	p1 =	sgt.u32 s5, $0x270F0  }
.Ltmp40:
0x27b: {  	s6 =	sand.u32 @!p1 $0x3FFF8, s5;
	(pc) =	sbr.rel @!p2 .LBB2_52-.Ltmp40, $4  }
0x27c: {  	s4 =	simm.s32 $0xF238;
	s5 =	sand.u32 @!p1 $0x7, s5;
	s2 =	sadd.s32 @!p1 s1, s6  }
0x27d: {  	[hbm4b:s2+s5] =	stream.linear.scatter @!p1 [tilespmem:s4], [sflag:$0x7], $0x80, $0x38;
	[tilespmem:$0x1F6F8] =	vst v63  }
0x27e: {  	s5 =	simm.s32 $0x0  }
0x27f: {  	s2 =	simm.s32 $0xF219;
	s5 =	simm.s32 @!p1 $0x200  }
.LBB2_51:
0x280: {  	v0 =	vld.msk [tilespmem:s2+$0x0], $0x1;
	s0 =	sadd.s32 $0xFFFFFFFF, s0;
	s3 =	sadd.s32 s3, s5  }
0x281: {  	p1 =	sne.s32 s0, $0x0;
	_ =	sdelay $0x3  }
0x282: {  	(v2sf) =	vpush v0, $0x0;
	_ =	sdelay $0xe  }
.Ltmp41:
0x283: {  	s6 =	spop (v2sf);
	(pc) =	sbr.rel @p1 .LBB2_51-.Ltmp41, $4  }
0x284: {  	s5 =	simm.s32 $0x0;
	p2 =	sgt.u32 s6, $0x270F0  }
0x285: {  	s4 =	sadd.s32 $0x80, s4;
	s5 =	simm.s32 @!p2 $0x200;
	s7 =	sand.u32 @!p2 $0x3FFF8, s6  }
0x286: {  	s2 =	sadd.s32 $0x1, s2;
	s6 =	sand.u32 @!p2 $0x7, s6;
	s7 =	sadd.s32 @!p2 s1, s7  }
0x287: {  	[hbm4b:s7+s6] =	stream.linear.scatter @!p2 [tilespmem:s4], [sflag:$0x7], $0x80, $0x38;
	[tilespmem:$0x1F6F8] =	vst v63  }
.LBB2_52:
0x288: {  	s0 =	sadd.s32 s3, s5  }
0x289: {  	s3 =	sshrl.u32 s0, $0x2  }
.LBB2_53:
0x28a: {  	s0 =	simm.s32 $0x7  }
0x28b: {  	_ =	swait.ge [sflag:s0], s3  }
0x28c: {  	s1 =	ssub.s32 $0x0, s3;
	[sflag:s0] =	ssyncset.done $0x0  }
0x28d: {  	[sflag:s0] =	ssyncadd.s32 s1  }
0x28e: {  	[sflag:s0] =	ssyncpa.u1 $0x1  }
.LBB2_54:
0x28f: {  	_ =	sfence;
	s0 =	simm.s32 $0x1  }
0x290: {  	[sflag:s0] =	ssyncpa.u1 $0x1  }
0x291: {  	_ =	strace $0x9000004D  }
0x292: {  	[bflag:$0x2] =	sbarrier.arrive $0xFFFF  }
0x293: {  	s0 =	rddreg [dreg:$0x4]  }
0x294: {  	s0 =	sadd.s32 @!p0 $0x100000, s0  }
0x295: {  	[sflag:s0] =	ssyncadd.tile.s32 @!p0 $0x1;
	_ =	shalt  }
.Lfunc_end2:
_tile_overlayer_lowered:
.L_overlay_start_2:
0x296: {  	(tag) =	ssettag $0x2  }
0x297: {  	s0 =	rddreg [dreg:$0x0];
	s2 =	stileid.u32  }
0x298: {  	s1 =	rddreg [dreg:$0x1];
	p0 =	sne.s32 s2, $0x0  }
0x299: {  	s3 =	rddreg [dreg:$0x2];
	[bflag:$0x3] =	sbarrier.arrive $0xFFFF;
	s2 =	simm.s32 @!p0 $0x1C01  }
0x29a: {  	[timem:s3], [sflag:s2] =	dma.local @!p0 [hbm:s0], s1  }
0x29b: {  	s0 =	simm.s32 @!p0 $0x1  }
0x29c: {  	_ =	swait.ge @!p0 [sflag:s0], s1  }
0x29d: {  	s1 =	ssub.s32 @!p0 $0x0, s1;
	[sflag:s0] =	ssyncset.done @!p0 $0x0  }
0x29e: {  	[sflag:s0] =	ssyncadd.s32 @!p0 s1  }
0x29f: {  	[bflag:$0x3] =	sbarrier.arrive $0xFFFF  }
0x2a0: {  	_ =	shalt  }

// kernel: scatter_offload_async_start
scs
__scs_entry_jumppad:
0x0: {  	(pc) =	sbr.rel $0x88, $3  }
0x1: {  	(tag) =	ssettag $0x0;
	lr =	simm.s32 $0x1  }
0x2: {  	[smem:$0x3F94] =	sst lr;
	_ =	strace $0xD0000000  }
0x3: {  	_ = 	snop  }
0x4: {  	_ = 	snop  }
0x5: {  	_ = 	snop  }
0x6: {  	_ = 	snop  }
0x7: {  	_ = 	snop  }
__scs_overlays_trampoline_lowered:
0x8: {  	[smem:$0x3FA3] =	sst s0  }
0x9: {  	[smem:$0x3FA4] =	sst s1  }
0xa: {  	[smem:$0x3FA5] =	sst s2  }
0xb: {  	[smem:$0x3FA6] =	sst s3  }
0xc: {  	[smem:$0x3FA7] =	sst s4  }
0xd: {  	[smem:$0x3FA8] =	sst s5  }
0xe: {  	[smem:$0x3FA9] =	sst s6  }
0xf: {  	[smem:$0x3FAA] =	sst s7  }
0x10: {  	[smem:$0x3FAB] =	sst s8  }
0x11: {  	[smem:$0x3FAC] =	sst s9;
	s0 =	simm.s32 @!p0 $0x0  }
0x12: {  	s1 =	sld [smem:$0x3F92];
	s0 =	simm.s32 @p0 $0x1  }
0x13: {  	[smem:$0x3FAD] =	sst s0;
	s0 =	simm.s32 @!p1 $0x0  }
0x14: {  	s2 =	sld [smem:$0x3F91];
	s0 =	simm.s32 @p1 $0x1  }
0x15: {  	[smem:$0x3FAE] =	sst s0;
	s0 =	simm.s32 @!p2 $0x0  }
0x16: {  	s3 =	sld [smem:$0x3FDB];
	s0 =	simm.s32 @p2 $0x1  }
0x17: {  	s4 =	simm.s32 $0x1BF5;
	[smem:$0x3FB0] =	sst s0  }
0x18: {  	s0 =	sld [smem:$0x3F93];
	_ =	swait.ge [sflag:s4], $0x0  }
0x19: {  	s7 =	sld [smem:$0x3F94]  }
0x1a: {  	s8 =	sadd.s32 $0xFFFFE003, lr  }
0x1b: {  	s9 =	sadd.s32 $0xFFFFFEF7, lr;
	s5 =	simm.s32 $0xFFFFFFFF;
	p2 =	slt.u32 s8, $0xFFFFF086  }
0x1c: {  	p1 =	slt.u32 s9, $0xF7A;
	s5 =	simm.s32 @!p2 $0x0  }
0x1d: {  	s5 =	simm.s32 @p1 $0x1;
	p0 =	seq.s32 s7, s2  }
0x1e: {  	s7 =	smul.u32 @!p0 $0xF7A, s2;
	p2 =	seq.s32 @!p0 s5, $0x0  }
0x1f: {  	s9 =	smul.u32 $0xF7A, s1;
	s8 =	simm.s32 @!p0 $0x1BF5;
	p2 =	por !p2, p0  }
0x20: {  	[sflag:s8] =	ssyncset.s32 @!p0 $0xFFFFF086;
	s6 =	sadd.s32 @!p0 s3, s7;
	s7 =	simm.s32 @!p0 $0x108  }
0x21: {  	s3 =	sadd.s32 s3, s9;
	s6 =	sadd.s32 @!p0 $0x88, s6;
	s7 =	simm.s32 @p2 $0x1082  }
0x22: {  	[simem:s7], [sflag:s8] =	dma.local @!p0 [hbm:s6], $0xF7A  }
0x23: {  	s9 =	sor.u32 $0xD0000000, s2;
	s6 =	simm.s32 $0x108;
	_ =	swait.ge @!p0 [sflag:s8], $0x0  }
0x24: {  	s3 =	sadd.s32 $0x88, s3;
	s6 =	simm.s32 @!p1 $0x1082;
	[sflag:s4] =	ssyncset.s32 $0xFFFFF086  }
0x25: {  	[simem:s6], [sflag:s4] =	dma.local [hbm:s3], $0xF7A  }
0x26: {  	[smem:$0x3F94] =	sst s1;
	(tag) =	ssettag s2;
	_ =	strace s9  }
0x27: {  	s1 =	sld [smem:$0x3FA4]  }
0x28: {  	s2 =	sld [smem:$0x3FA5]  }
0x29: {  	s4 =	sld [smem:$0x3FA7]  }
0x2a: {  	p0 =	seq.s32 s5, $0x0;
	s5 =	sld [smem:$0x3FA8]  }
0x2b: {  	s6 =	sld [smem:$0x3FA9]  }
0x2c: {  	s7 =	sld [smem:$0x3FAA]  }
0x2d: {  	s3 =	simm.s32 $0x108;
	s8 =	sld [smem:$0x3FAB]  }
0x2e: {  	s3 =	simm.s32 @!p0 $0x1082;
	s9 =	sld [smem:$0x3FAC]  }
0x2f: {  	lr =	sadd.s32 s0, s3;
	s0 =	sld [smem:$0x3FA3]  }
0x30: {  	s3 =	sld [smem:$0x3FA6]  }
0x31: {  	[smem:$0x3FAF] =	sst s10  }
0x32: {  	s10 =	sld [smem:$0x3FAD];
	_ =	sdelay $0x3  }
0x33: {  	p0 =	seq.s32 s10, $0x1;
	s10 =	sld [smem:$0x3FAF];
	_ =	sdelay $0x3  }
0x34: {  	[smem:$0x3FAF] =	sst s10  }
0x35: {  	s10 =	sld [smem:$0x3FAE];
	_ =	sdelay $0x3  }
0x36: {  	p1 =	seq.s32 s10, $0x1;
	s10 =	sld [smem:$0x3FAF];
	_ =	sdelay $0x3  }
0x37: {  	[smem:$0x3FAF] =	sst s10  }
0x38: {  	s10 =	sld [smem:$0x3FB0]  }
0x39: {  	_ = 	snop;
	(pc) =	sbr.ind lr, $3  }
0x3a: {  	_ = 	snop  }
0x3b: {  	_ = 	snop  }
0x3c: {  	p2 =	seq.s32 s10, $0x1;
	s10 =	sld [smem:$0x3FAF]  }
0x3d: {  	_ =	shalt  }
0x3e: {  	_ =	shalt  }
0x3f: {  	_ =	shalt  }
0x40: {  	_ =	shalt  }
0x41: {  	_ =	shalt  }
0x42: {  	_ =	shalt  }
0x43: {  	_ =	shalt  }
0x44: {  	_ =	shalt  }
0x45: {  	_ =	shalt  }
0x46: {  	_ =	shalt  }
0x47: {  	_ =	shalt  }
0x48: {  	_ =	shalt  }
0x49: {  	_ =	shalt  }
0x4a: {  	_ =	shalt  }
0x4b: {  	_ =	shalt  }
0x4c: {  	_ =	shalt  }
0x4d: {  	_ =	shalt  }
0x4e: {  	_ =	shalt  }
0x4f: {  	_ =	shalt  }
0x50: {  	_ =	shalt  }
0x51: {  	_ =	shalt  }
0x52: {  	_ =	shalt  }
0x53: {  	_ =	shalt  }
0x54: {  	_ =	shalt  }
0x55: {  	_ =	shalt  }
0x56: {  	_ =	shalt  }
0x57: {  	_ =	shalt  }
0x58: {  	_ =	shalt  }
0x59: {  	_ =	shalt  }
0x5a: {  	_ =	shalt  }
0x5b: {  	_ =	shalt  }
0x5c: {  	_ =	shalt  }
0x5d: {  	_ =	shalt  }
0x5e: {  	_ =	shalt  }
0x5f: {  	_ =	shalt  }
0x60: {  	_ =	shalt  }
0x61: {  	_ =	shalt  }
0x62: {  	_ =	shalt  }
0x63: {  	_ =	shalt  }
0x64: {  	_ =	shalt  }
0x65: {  	_ =	shalt  }
0x66: {  	_ =	shalt  }
0x67: {  	_ =	shalt  }
0x68: {  	_ =	shalt  }
0x69: {  	_ =	shalt  }
0x6a: {  	_ =	shalt  }
0x6b: {  	_ =	shalt  }
0x6c: {  	_ =	shalt  }
0x6d: {  	_ =	shalt  }
0x6e: {  	_ =	shalt  }
0x6f: {  	_ =	shalt  }
0x70: {  	_ =	shalt  }
0x71: {  	_ =	shalt  }
0x72: {  	_ =	shalt  }
0x73: {  	_ =	shalt  }
0x74: {  	_ =	shalt  }
0x75: {  	_ =	shalt  }
0x76: {  	_ =	shalt  }
0x77: {  	_ =	shalt  }
0x78: {  	_ =	shalt  }
0x79: {  	_ =	shalt  }
0x7a: {  	_ =	shalt  }
0x7b: {  	_ =	shalt  }
0x7c: {  	_ =	shalt  }
0x7d: {  	_ =	shalt  }
0x7e: {  	_ =	shalt  }
0x7f: {  	_ =	shalt  }
0x80: {  	_ =	shalt  }
0x81: {  	_ =	shalt  }
0x82: {  	_ =	shalt  }
0x83: {  	_ =	shalt  }
0x84: {  	_ =	shalt  }
0x85: {  	_ =	shalt  }
0x86: {  	_ =	shalt  }
0x87: {  	_ =	shalt  }
.Lfunc_end0:
.L_simem_size_0:
called_computation_lowered:
.L_overlay_start_0:
0x88: {  	s2 =	sld [smem:$0x3FD9]  }
0x89: {  	s3 =	sld [smem:$0x3FFE];
	_ =	sdelay $0x1  }
0x8a: {  	s1 =	srdreg.scid  }
0x8b: {  	s0 =	sand.u32 $0x1, s1  }
0x8c: {  	s15 =	sshll.u32 s0, $0xA;
	s2 =	sadd.s32 s3, s2  }
0x8d: {  	s2 =	sadd.s32 s2, s15  }
0x8e: {  	[smem:$0x3FBB] =	sst s2  }
0x8f: {  	_ = 	snop  }
0x90: {  	s2 =	sld [smem:$0x3FD0];
	_ =	sdelay $0x2  }
0x91: {  	s16 =	simm.s32 $0xC;
	s4 =	simm.s32 $0x10  }
0x92: {  	[smem:s4], [sflag:s16] =	dma.local [hbm:s2], $0x1  }
0x93: {  	_ =	swait.eq [sflag:s16], $0x1  }
0x94: {  	[sflag:s16] =	ssyncset.done $0x0  }
0x95: {  	[sflag:s16] =	ssyncadd.s32 $0xFFFFFFFF  }
0x96: {  	s17 =	sld [smem:$0x10];
	(tm) =	ssettm $0x1  }
0x97: {  	s18 =	sld [smem:$0x3FFB];
	_ =	sdelay $0x3  }
0x98: {  	_ =	strace s18  }
0x99: {  	s2 =	sld [smem:$0x3FFC];
	_ =	sdelay $0x3  }
0x9a: {  	_ =	strace s2  }
0x9b: {  	s2 =	sld [smem:$0x3FFD];
	_ =	sdelay $0x3  }
0x9c: {  	_ =	strace s2  }
0x9d: {  	_ =	strace $0x8FFFFFFF  }
0x9e: {  	s19 =	sld [smem:$0x3FDB];
	_ =	sdelay $0x1  }
0x9f: {  	s20 =	simm.s32 $_scs_section_size  }
0xa0: {  	s5 =	simm.s32 $_size__tile_overlayer_lowered;
	s6 =	simm.s32 $_tile_overlayer_lowered  }
0xa1: {  	s7 =	simm.s32 $0x1BFF;
	s21 =	sshll.u32 s6, $0x1;
	s4 =	sadd.s32 s20, s19  }
0xa2: {  	s22 =	simm.s32 $0x0;
	s5 =	sshll.u32 s5, $0x1;
	s6 =	sadd.s32 s21, s4  }
0xa3: {  	[timem:s22], [sflag:s7] =	dma.local [hbm:s6], s5  }
0xa4: {  	_ =	swait.ge [sflag:s7], s5  }
0xa5: {  	s5 =	ssub.s32 $0x0, s5;
	[sflag:s7] =	ssyncset.done $0x0  }
0xa6: {  	[sflag:s7] =	ssyncadd.s32 s5;
	_ =	sdelay $0x1  }
0xa7: {  	s23 =	simm.s32 $0x1B8B  }
0xa8: {  	_ =	swait.ge [sflag:s23], $0x1  }
0xa9: {  	[sflag:s23] =	ssyncset.done $0x0  }
0xaa: {  	[sflag:s23] =	ssyncadd.s32 $0xFFFFFFFF  }
0xab: {  	s5 =	sld [smem:$0x0]  }
0xac: {  	s6 =	sand.u32 $0xFFFFFFFE, s1  }
0xad: {  	p0 =	sne.s32 s1, s6  }
0xae: {  	s6 =	sshll.u32 @p0 s6, $0xE  }
0xaf: {  	s6 =	sadd.s32 @p0 $0x11B8D, s6;
	s7 =	sshll.u32 @p0 s5, $0x11  }
0xb0: {  	s6 =	sor.u32 @p0 s7, s6  }
0xb1: {  	[sflag:s6] =	ssyncadd.remote.s32 @p0 $0x1;
	_ =	sdelay $0x1  }
0xb2: {  	s6 =	simm.s32 @p0 $0x1B8D  }
0xb3: {  	_ =	swait.eq @p0 [sflag:s6], $0x1  }
0xb4: {  	[sflag:s6] =	ssyncadd.s32 @p0 $0xFFFFFFFF  }
0xb5: {  	s7 =	sshll.u32 @!p0 s1, $0xE  }
0xb6: {  	s7 =	sor.u32 @!p0 $0x4000, s7;
	s6 =	simm.s32 @!p0 $0x1B8D  }
0xb7: {  	s8 =	sshll.u32 @!p0 s5, $0x11;
	s7 =	sadd.s32 @!p0 $0x11B8D, s7;
	_ =	swait.eq @!p0 [sflag:s6], $0x1  }
0xb8: {  	[sflag:s6] =	ssyncadd.s32 @!p0 $0xFFFFFFFF;
	s6 =	sor.u32 @!p0 s8, s7  }
0xb9: {  	s25 =	simm.s32 $0x1B8E;
	s24 =	sld [smem:$0x3FFE];
	[sflag:s6] =	ssyncadd.remote.s32 @!p0 $0x1  }
0xba: {  	s26 =	simm.s32 $execute0_lowered;
	[smem:$0x3FD2] =	sst s25  }
0xbb: {  	s7 =	sshll.u32 s26, $0x1;
	_ =	strace $0x80000052;
	[dreg:$0x1] =	wrdreg $0xFFFFFFFF  }
0xbc: {  	s28 =	simm.s32 $_size_execute0_lowered;
	s4 =	sadd.s32 s4, s7;
	[dreg:$0x0] =	wrdreg $0x0  }
0xbd: {  	s7 =	sshll.u32 s28, $0x1;
	[dreg:$0x2] =	wrdreg s4  }
0xbe: {  	[dreg:$0x3] =	wrdreg s7  }
0xbf: {  	[dreg:$0x4] =	wrdreg $0xC0  }
0xc0: {  	_ =	task [dreg:s22], $0x5FFFF  }
0xc1: {  	[dreg:$0x1] =	wrdreg $0xFFFFFFFF  }
0xc2: {  	[dreg:$0x0] =	wrdreg $0x60  }
0xc3: {  	[dreg:$0x2] =	wrdreg s17  }
0xc4: {  	[dreg:$0x3] =	wrdreg s24  }
0xc5: {  	[dreg:$0x4] =	wrdreg s1  }
0xc6: {  	[dreg:$0x5] =	wrdreg s5  }
0xc7: {  	[dreg:$0x6] =	wrdreg $0x9  }
0xc8: {  	_ =	task.clear_ibuf [dreg:s22], $0x7FFFF;
	_ =	strace $0x90000052  }
0xc9: {  	s29 =	simm.s32 $0x9;
	_ =	strace $0x80000054  }
0xca: {  	_ =	swait.ge [sflag:s29], $0x1  }
0xcb: {  	[sflag:s29] =	ssyncadd.s32 $0xFFFFFFFF  }
0xcc: {  	_ =	strace $0x90000054  }
0xcd: {  	_ =	sfence  }
0xce: {  	s30 =	sld [smem:$0x0];
	_ =	sdelay $0x2  }
0xcf: {  	s31 =	sshll.u32 s1, $0xD;
	s1 =	sshrl.u32 s1, $0x2  }
0xd0: {  	s4 =	sand.u32 $0x4000, s31;
	s1 =	sadd.s32 s1, s30  }
0xd1: {  	s0 =	sor.u32 s4, s0;
	s1 =	sshll.u32 s1, $0x11  }
0xd2: {  	s0 =	sor.u32 s1, s0  }
0xd3: {  	s0 =	sadd.s32 $0x8F2B, s0  }
0xd4: {  	[sflag:s0] =	ssyncadd.remote.s32 $0x1  }
0xd5: {  	_ =	sfence.sel $0xFFFF  }
0xd6: {  	[dreg:$0x0] =	wrdreg $0xFFFFFFFF;
	(pc) =	sbr.abs _section_cstart, $3  }
0xd7: {  	[dreg:$0x1] =	wrdreg $0xFFFFFFFF  }
0xd8: {  	_ =	task.clear_ibuf [dreg:s22], $0x2FFFF;
	_ =	strace $0x9FFFFFFF  }
0xd9: {  	(tm) =	ssettm $0x7FFFFFFF  }
tec
execute0_lowered:
.L_overlay_start_1:
0x0: {  	(tag) =	ssettag $0x1  }
0x1: {  	s1 =	rddreg [dreg:$0x0]  }
0x2: {  	s2 =	rddreg [dreg:$0x1]  }
0x3: {  	s3 =	rddreg [dreg:$0x2];
	_ =	strace $0x80000053;
	s0 =	simm.s32 $0x1  }
0x4: {  	s5 =	simm.s32 $0x208;
	v0 =	vimm.s32 $0x0;
	[sflag:s0] =	ssyncpa.u1 $0x0  }
0x5: {  	[tilespmem:s5+$0x70] =	vst v0  }
0x6: {  	[tilespmem:s5+$0x60] =	vst v0  }
0x7: {  	[tilespmem:s5+$0x50] =	vst v0  }
0x8: {  	[tilespmem:s5+$0x40] =	vst v0  }
0x9: {  	[tilespmem:s5+$0x30] =	vst v0  }
0xa: {  	s0 =	sadd.s32 $0x28A000, s2;
	s6 =	sadd.s32 $0x29DE00, s2;
	[tilespmem:s5+$0x20] =	vst v0  }
0xb: {  	s4 =	sadd.s32 $0x28F000, s2;
	s10 =	sand.u32 $0x1, s3;
	s2 =	simm.s32 $0x40;
	[tilespmem:s5+$0x10] =	vst v0  }
.LBB2_1:
0xc: {  	s2 =	sadd.s32 $0x40, s2;
	[tilespmem:s5+$0x0] =	vst v0;
	s5 =	sadd.s32 $0x80, s5  }
0xd: {  	p0 =	slt.u32 s2, $0x3880;
	[tilespmem:s5+$0x70] =	vst v0  }
0xe: {  	[tilespmem:s5+$0x60] =	vst v0  }
.Ltmp0:
0xf: {  	[tilespmem:s5+$0x50] =	vst v0;
	(pc) =	sbr.rel @p0 .LBB2_1-.Ltmp0, $4  }
0x10: {  	[tilespmem:s5+$0x40] =	vst v0  }
0x11: {  	[tilespmem:s5+$0x30] =	vst v0  }
0x12: {  	[tilespmem:s5+$0x20] =	vst v0  }
0x13: {  	[tilespmem:s5+$0x10] =	vst v0  }
0x14: {  	s11 =	stileid.u32  }
0x15: {  	s2 =	smul.u32 $0x2C, s11  }
0x16: {  	s3 =	smin.u32 s11, $0xB  }
0x17: {  	s2 =	sadd.s32 s3, s2  }
0x18: {  	p0 =	slt.u32 s11, $0xB;
	s20 =	smul.u32 $0x70, s2;
	s2 =	simm.s32 $0x13B0  }
0x19: {  	s2 =	simm.s32 @!p0 $0x1340  }
0x1a: {  	s2 =	sadd.s32 s2, s20  }
0x1b: {  	s8 =	smin.u32 s2, $0x13880  }
0x1c: {  	s26 =	simm.s32 $0x2;
	s2 =	ssub.s32 s8, s20  }
0x1d: {  	s9 =	simm.s32 $0x9;
	s29 =	simm.s32 $0xA;
	p0 =	sgt.s32 s2, $0x0  }
0x1e: {  	s30 =	simm.s32 $0xB;
	s31 =	smul.u32 $0x2710, s10;
	s2 =	simm.s32 @!p0 $0x0  }
0x1f: {  	[dreg:$0x5] =	wrdreg s10;
	s12 =	simm.s32 $0x1;
	s25 =	smulhi.u32 $0x92492493, s2  }
0x20: {  	s24 =	simm.s32 $0x0;
	p1 =	por $0x0, $0x0;
	s18 =	simm.s32 $0x80  }
0x21: {  	s19 =	simm.s32 $0x400;
	s17 =	simm.s32 $0xC;
	s3 =	sshrl.u32 s25, $0x6  }
0x22: {  	s21 =	simm.s32 $0x0;
	s23 =	simm.s32 $0x0;
	s28 =	smul.u32 $0x70, s3  }
.Ltmp1:
0x23: {  	[tilespmem:s5+$0x0] =	vst v0;
	v0 =	vimm.s32 $0xFFFFFFFF;
	[sflag:s26] =	ssyncpa.u1 $0x0;
	s16 =	sshll.u32 s11, $0x9;
	(pc) =	sbr.rel .LBB2_3-.Ltmp1, $4  }
0x24: {  	[tilespmem:$0xE408] =	vst v0;
	[sflag:s9] =	ssyncpa.u1 $0x0;
	p0 =	sne.s32 s2, s28;
	s2 =	simm.s32 $0x1  }
0x25: {  	s14 =	sadd.s32 s31, s4;
	[sflag:s29] =	ssyncpa.u1 $0x0;
	s2 =	simm.s32 @!p0 $0x0  }
0x26: {  	s15 =	sadd.s32 s31, s0;
	[sflag:s30] =	ssyncpa.u1 $0x0;
	s13 =	sadd.s32 s2, s3  }
0x27: {  	v0 =	vlaneseq.u32;
	s22 =	smov.u32 s20;
	p0 =	por $0x1, $0x1;
	s11 =	sadd.s32 $0x1, s13  }
.LBB2_24:
0x28: {  	s2 =	sshrl.u32 s4, $0x2  }
.LBB2_26:
0x29: {  	_ =	swait.ge [sflag:s17], s2  }
0x2a: {  	s31 =	ssub.s32 $0x0, s2;
	v1 =	vmov s26;
	vm0 =	veq.s32 v0, $0x0;
	[sflag:s17] =	ssyncset.done $0x0  }
0x2b: {  	vm15 =	veq.s32 v0, $0x2;
	v1 =	vsel vm0, s0, v1;
	[sflag:s17] =	ssyncadd.s32 s31  }
0x2c: {  	v1 =	vsel vm15, s24, v1;
	[sflag:s17] =	ssyncpa.u1 $0x1  }
0x2d: {  	[tilespmem:$0xE408] =	vst v1  }
.LBB2_27:
0x2e: {  	s0 =	sadd.s32 $0x70, s22  }
0x2f: {  	s2 =	smov.u32 s20;
	p2 =	slt.s32 s0, s8  }
0x30: {  	s2 =	smov.u32 @p2 s0;
	p2 =	sne.s32 s23, s11  }
.Ltmp2:
0x31: {  	_ = 	snop;
	(pc) =	sbr.rel @!p2 .LBB2_28-.Ltmp2, $4  }
0x32: {  	_ = 	snop  }
0x33: {  	s24 =	smov.u32 s21  }
0x34: {  	s31 =	sadd.s32 $0x1, s23;
	s21 =	smov.u32 s22;
	p0 =	por !p0, !p0  }
0x35: {  	p1 =	por !p1, !p1;
	s23 =	smov.u32 s31;
	s22 =	smov.u32 s2  }
.LBB2_3:
0x36: {  	p2 =	sge.u32 s23, s13  }
0x37: {  	s0 =	smulhi.u32 @!p2 $0xAAAAAAAB, s23  }
0x38: {  	s2 =	smov.u32 s22;
	p3 =	sgt.s32 @!p2 s22, $0x13810  }
0x39: {  	s3 =	sshra.s32 @!p2 s22, $0x1F;
	p3 =	por !p3, p2;
	s0 =	sshrl.u32 @!p2 s0, $0x1  }
0x3a: {  	s3 =	sand.u32 @!p2 s3, s22;
	s2 =	simm.s32 @p3 $0x13810;
	s0 =	smul.u32 @!p2 $0x3, s0  }
0x3b: {  	s2 =	ssub.s32 @!p2 s2, s3  }
0x3c: {  	s2 =	sadd.s32 @!p2 $0xFFFEC7F0, s2;
	s0 =	ssub.s32 @!p2 s23, s0  }
0x3d: {  	s3 =	sshll.u32 @!p2 s2, $0x2;
	p3 =	sgt.s32 @!p2 s2, $0x6F;
	s0 =	smul.u32 @!p2 $0x1C0, s0  }
0x3e: {  	s4 =	sand.u32 @!p2 $0x7, s22;
	s2 =	ssub.s32 @!p2 $0x1C0, s3;
	p3 =	por !p3, p2  }
0x3f: {  	s3 =	sshrl.u32 @!p2 s22, $0x3;
	s2 =	sshrl.u32 @!p2 s2, $0x2;
	s0 =	sshrl.u32 @!p2 s0, $0x2  }
0x40: {  	s3 =	sadd.s32 @!p2 s3, s14;
	s2 =	simm.s32 @!p3 $0x0;
	s0 =	sadd.s32 @!p2 $0x10448, s0  }
0x41: {  	[tilespmem:s0], [sflag:$0xA] =	stream.linear.gather @!p2 [hbm4b:s3+s4], s2, $0x38;
	[tilespmem:$0x1E678] =	vst v63  }
0x42: {  	s2 =	sadd.s32 $0xFFFFFFFF, s23  }
0x43: {  	p2 =	sge.u32 s2, s13  }
0x44: {  	p3 =	sgt.s32 @!p2 s21, $0x13810  }
0x45: {  	s0 =	smov.u32 s21;
	s3 =	sshra.s32 @!p2 s21, $0x1F;
	p3 =	por !p3, p2  }
0x46: {  	s3 =	sand.u32 @!p2 s3, s21;
	s0 =	simm.s32 @p3 $0x13810  }
0x47: {  	s0 =	ssub.s32 @!p2 s0, s3  }
0x48: {  	s0 =	sadd.s32 @!p2 $0xFFFEC7F0, s0  }
0x49: {  	s3 =	sshll.u32 @!p2 s0, $0x2  }
0x4a: {  	p3 =	sgt.s32 @!p2 s0, $0x6F;
	s0 =	ssub.s32 @!p2 $0x1C0, s3  }
0x4b: {  	p3 =	por !p3, p2;
	s0 =	sshrl.u32 @!p2 s0, $0x2  }
0x4c: {  	s4 =	simm.s32 @!p2 $0xA;
	s3 =	sand.u32 @!p2 $0x1, s2;
	s0 =	simm.s32 @!p3 $0x0  }
0x4d: {  	s3 =	smul.u32 @!p2 $0x1C0, s3;
	_ =	swait.ge @!p2 [sflag:s4], s0  }
0x4e: {  	s5 =	ssub.s32 @!p2 $0x0, s0;
	[sflag:s4] =	ssyncset.done @!p2 $0x0  }
0x4f: {  	s3 =	sshrl.u32 @!p2 s3, $0x2;
	[sflag:s4] =	ssyncadd.s32 @!p2 s5;
	s4 =	sshrl.u32 @!p2 s21, $0x3  }
0x50: {  	s3 =	sadd.s32 @!p2 $0x10598, s3;
	s5 =	sand.u32 @!p2 $0x7, s21;
	s4 =	sadd.s32 @!p2 s4, s15  }
0x51: {  	[tilespmem:s3], [sflag:$0xB] =	stream.linear.gather @!p2 [hbm4b:s4+s5], s0, $0x38;
	[tilespmem:$0x1E678] =	vst v63  }
0x52: {  	s0 =	ssub.s32 @!p2 $0x13880, s21  }
0x53: {  	p3 =	slt.s32 @!p2 s0, $0x1  }
0x54: {  	p3 =	por p2, p3  }
.Ltmp3:
0x55: {  	_ = 	snop;
	(pc) =	sbr.rel @p3 .LBB2_9-.Ltmp3, $1  }
0x56: {  	_ =	sdelay $0x3  }
0x57: {  	s3 =	smulhi.u32 $0xAAAAAAAB, s2;
	_ =	sdelay $0x1  }
0x58: {  	s3 =	sshrl.u32 s3, $0x1  }
0x59: {  	s3 =	smul.u32 $0x3, s3;
	_ =	sdelay $0x1  }
0x5a: {  	s30 =	ssub.s32 s2, s3  }
0x5b: {  	s4 =	simm.s32 $0x1;
	s2 =	smul.u32 $0x1C0, s30  }
.Ltmp4:
0x5c: {  	s4 =	simm.s32 @!p0 $0x0;
	(pc) =	sbr.rel .LBB2_6-.Ltmp4, $4  }
0x5d: {  	s31 =	smul.u32 $0x1C000, s4  }
0x5e: {  	p3 =	slt.s32 @!p2 s0, $0x70;
	s2 =	sshrl.u32 s2, $0x2  }
0x5f: {  	p2 =	por !p3, p2;
	s3 =	sshrl.u32 s31, $0x2;
	s5 =	sadd.s32 $0x10448, s2  }
0x60: {  	s0 =	simm.s32 @p2 $0x70;
	s4 =	sor.u32 $0x10678, s3;
	s2 =	simm.s32 $0x0;
	v1 =	vmov s5  }
.LBB2_5:
0x61: {  	p2 =	sge.s32 s2, s0  }
.Ltmp5:
0x62: {  	_ = 	snop;
	(pc) =	sbr.rel @p2 .LBB2_9-.Ltmp5, $2  }
0x63: {  	_ =	sdelay $0x2  }
0x64: {  	s4 =	sadd.s32 $0x1000, s4  }
.LBB2_6:
0x65: {  	p2 =	sle.s32 s0, s2  }
.Ltmp6:
0x66: {  	_ = 	snop;
	(pc) =	sbr.rel @p2 .LBB2_5-.Ltmp6, $2  }
0x67: {  	_ =	sdelay $0x2  }
0x68: {  	s5 =	smov.u32 s2;
	s2 =	sadd.s32 $0x10, s2  }
0x69: {  	s3 =	ssub.s32 s0, s5  }
0x6a: {  	p2 =	slt.s32 s3, $0x10  }
0x6b: {  	s3 =	simm.s32 @!p2 $0x10  }
0x6c: {  	v2 =	vmov s3  }
0x6d: {  	vm0 =	vgt.s32 v2, v0;
	_ =	sdelay $0x5  }
0x6e: {  	v2 =	vld.idx.msk [tilespmem:v1+s5+$0x0 ss:$0x1], vm0;
	_ =	sdelay $0x2  }
0x6f: {  	p2 =	slt.s32 s2, s0;
	s3 =	smov.u32 s0  }
0x70: {  	s9 =	smov.u32 s4;
	s25 =	simm.s32 $0x0;
	s3 =	smov.u32 @p2 s2  }
.LBB2_8:
0x71: {  	(v2sf) =	vpush v2, s25;
	_ =	sdelay $0xe  }
0x72: {  	s25 =	sadd.s32 $0x1, s25;
	s10 =	spop (v2sf)  }
0x73: {  	s31 =	sadd.s32 s25, s5;
	s26 =	sshll.u32 s10, $0x8;
	s10 =	sshll.u32 s10, $0x7  }
0x74: {  	p2 =	slt.s32 s31, s3;
	s26 =	sand.u32 $0xFFFFF800, s26;
	s10 =	sand.u32 $0x380, s10  }
.Ltmp7:
0x75: {  	s10 =	sor.u32 s10, s26;
	(pc) =	sbr.rel @p2 .LBB2_8-.Ltmp7, $4  }
0x76: {  	s10 =	sshrl.u32 s10, $0x3  }
0x77: {  	s10 =	sadd.s32 s6, s10  }
0x78: {  	[tilespmem:s9], [sflag:$0x9] =	stream.strided.gather [hbm4b:s10+s18], $0x100, s19, s18, $0x38;
	[tilespmem:$0x1E678] =	vst v63  }
0x79: {  	s9 =	sadd.s32 $0x100, s9  }
.Ltmp8:
0x7a: {  	_ = 	snop;
	(pc) =	sbr.rel .LBB2_5-.Ltmp8, $1  }
0x7b: {  	_ =	sdelay $0x3  }
.LBB2_9:
0x7c: {  	p2 =	slt.u32 s23, $0x2  }
.Ltmp9:
0x7d: {  	_ = 	snop;
	(pc) =	sbr.rel @p2 .LBB2_27-.Ltmp9, $1  }
0x7e: {  	_ =	sdelay $0x3  }
0x7f: {  	p2 =	sgt.s32 s24, $0x13810  }
0x80: {  	s0 =	smov.u32 s24;
	s2 =	sshra.s32 s24, $0x1F;
	s3 =	ssub.s32 $0x13880, s24  }
0x81: {  	s0 =	simm.s32 @!p2 $0x13810;
	s2 =	sand.u32 s2, s24;
	p2 =	slt.s32 s3, $0x70  }
0x82: {  	s0 =	ssub.s32 s0, s2;
	s3 =	simm.s32 @!p2 $0x70  }
0x83: {  	s0 =	sadd.s32 $0xFFFEC7F0, s0;
	s9 =	sshll.u32 s3, $0x8  }
0x84: {  	s26 =	simm.s32 $0x9;
	s10 =	sshll.u32 s0, $0x2;
	s2 =	sand.u32 $0x3FFFFF00, s9  }
0x85: {  	p2 =	sgt.s32 s0, $0x6F;
	s25 =	ssub.s32 $0x1C0, s10;
	_ =	swait.ge [sflag:s26], s2  }
0x86: {  	s2 =	ssub.s32 $0x0, s2;
	[sflag:s26] =	ssyncset.done $0x0;
	s0 =	sshrl.u32 s25, $0x2  }
0x87: {  	s29 =	simm.s32 $0xB;
	[sflag:s26] =	ssyncadd.s32 s2;
	s0 =	simm.s32 @p2 $0x0  }
0x88: {  	_ =	swait.ge [sflag:s29], s0  }
0x89: {  	s0 =	ssub.s32 $0x0, s0;
	[sflag:s29] =	ssyncset.done $0x0  }
0x8a: {  	[sflag:s29] =	ssyncadd.s32 s0  }
0x8b: {  	v1 =	vld [tilespmem:$0xE408];
	_ =	sdelay $0x4  }
0x8c: {  	(v2sf) =	vpush v1, $0x0  }
0x8d: {  	(v2sf) =	vpush v1, $0x1  }
0x8e: {  	(v2sf) =	vpush v1, $0x2;
	_ =	sdelay $0x3  }
0x8f: {  	s0 =	sadd.s32 $0x70, s24  }
0x90: {  	s2 =	ssub.s32 $0x27100, s24;
	p2 =	slt.s32 s8, s0  }
0x91: {  	s0 =	smov.u32 @p2 s8;
	p2 =	sgt.s32 s2, $0x0  }
0x92: {  	s0 =	ssub.s32 s0, s24;
	s2 =	simm.s32 @!p2 $0x0  }
0x93: {  	p2 =	slt.s32 s2, s0  }
0x94: {  	s0 =	smov.u32 @p2 s2  }
0x95: {  	s4 =	simm.s32 $0x1;
	p2 =	slt.s32 s0, $0x1  }
.Ltmp10:
0x96: {  	s4 =	simm.s32 @!p1 $0x0;
	(pc) =	sbr.rel @p2 .LBB2_14-.Ltmp10, $4  }
0x97: {  	s30 =	smul.u32 $0x1C0, s4  }
0x98: {  	s5 =	spop (v2sf)  }
0x99: {  	s31 =	sshrl.u32 s30, $0x2;
	s28 =	spop (v2sf)  }
0x9a: {  	s25 =	sadd.s32 $0x10598, s31;
	s24 =	spop (v2sf)  }
0x9b: {  	s2 =	smin.u32 s0, $0x10  }
0x9c: {  	v1 =	vmov s2  }
0x9d: {  	vm1 =	vgt.u32 v1, v0  }
0x9e: {  	p3 =	sgt.s32 s0, $0x10  }
.Ltmp11:
0x9f: {  	_ = 	snop;
	(pc) =	sbr.rel @!p3 .LBB2_13-.Ltmp11, $2  }
0xa0: {  	_ =	sdelay $0x2  }
0xa1: {  	s26 =	simm.s32 $0x10;
	s29 =	sadd.s32 $0xFFFFFFF0, s0;
	s2 =	smov.u32 s25;
	vm0 =	vmmov vm1;
	v1 =	vld.msk [tilespmem:s25+$0x0 ss:$0x1], vm1  }
.LBB2_12:
0xa2: {  	s3 =	smin.u32 s29, $0x10;
	s26 =	sadd.s32 $0x10, s26  }
0xa3: {  	v2 =	vmov s3;
	p3 =	slt.s32 s26, s0  }
0xa4: {  	vm1 =	vgt.u32 v2, v0;
	_ =	sdelay $0x1  }
0xa5: {  	v2 =	vshll.u32 v1, $0x5;
	v1 =	vshll.u32 v1, $0x4  }
.Ltmp12:
0xa6: {  	v2 =	vand.u32 $0xFFFFFF00, v2;
	v1 =	vand.u32 $0x70, v1;
	(pc) =	sbr.rel @p3 .LBB2_12-.Ltmp12, $4  }
0xa7: {  	v1 =	vor.u32 v1, v2  }
0xa8: {  	[tilespmem:s2+$0x0] =	vst.msk vm0, v1;
	s2 =	sadd.s32 $0x10, s2;
	vm0 =	vmmov vm1  }
0xa9: {  	v1 =	vld.msk [tilespmem:s2+$0x0 ss:$0x1], vm1  }
0xaa: {  	s29 =	sadd.s32 $0xFFFFFFF0, s29  }
.LBB2_13:
0xab: {  	_ =	sdelay $0x3  }
0xac: {  	v2 =	vshll.u32 v1, $0x5;
	v1 =	vshll.u32 v1, $0x4  }
0xad: {  	v2 =	vand.u32 $0xFFFFFF00, v2;
	v1 =	vand.u32 $0x70, v1  }
0xae: {  	v1 =	vor.u32 v1, v2  }
0xaf: {  	[tilespmem:s2+$0x0] =	vst.msk vm0, v1  }
.LBB2_14:
0xb0: {  	s2 =	sand.u32 $0x1, s23  }
0xb1: {  	s2 =	smul.u32 $0x70, s2  }
0xb2: {  	p3 =	sne.s32 s28, $0xFFFFFFFF  }
0xb3: {  	v1 =	vld.msk @!p3 [tilespmem:s2+$0x10598], $0x1;
	_ =	sdelay $0x4  }
0xb4: {  	(v2sf) =	vpush @!p3 v1, $0x0;
	_ =	sdelay $0xc  }
.Ltmp13:
0xb5: {  	_ = 	snop;
	(pc) =	sbr.rel @p2 .LBB2_25-.Ltmp13, $4  }
0xb6: {  	_ = 	snop  }
0xb7: {  	s31 =	spop @!p3 (v2sf)  }
0xb8: {  	s24 =	simm.s32 @!p3 $0x0;
	s26 =	smov.u32 s31  }
0xb9: {  	[sflag:s17] =	ssyncpa.u1 $0x0;
	s31 =	smov.u32 @p3 s5;
	s26 =	smov.u32 @p3 s28  }
0xba: {  	v1 =	vld.msk [tilespmem:s25+$0x0], $0x1;
	_ =	sdelay $0x4  }
0xbb: {  	(v2sf) =	vpush v1, $0x0;
	_ =	sdelay $0xe  }
0xbc: {  	s7 =	smov.u32 s11;
	s5 =	spop (v2sf)  }
0xbd: {  	s17 =	smov.u32 s15;
	s2 =	smul.u32 $0x1C000, s4;
	p2 =	seq.s32 s31, s5  }
0xbe: {  	s3 =	smov.u32 s31;
	s29 =	ssub.s32 $0x0, s0;
	p3 =	sgt.s32 @!p2 s31, $0x0  }
0xbf: {  	s30 =	simm.s32 $0x0;
	s2 =	sshrl.u32 s2, $0x2;
	p3 =	por !p3, p2  }
0xc0: {  	s0 =	sadd.s32 $0x1, s29;
	s28 =	sor.u32 $0x106F8, s2;
	s3 =	simm.s32 @p3 $0x0  }
0xc1: {  	s2 =	simm.s32 @!p2 $0x1;
	p3 =	seq.s32 s0, $0x0;
	s3 =	smin.u32 @!p2 s3, $0x4E170  }
.Ltmp14:
0xc2: {  	s4 =	simm.s32 @!p2 $0x7308;
	s9 =	sand.u32 @!p2 $0x7FFF8, s3;
	(pc) =	sbr.rel @p3 .LBB2_17-.Ltmp14, $4  }
0xc3: {  	s10 =	sadd.s32 @!p2 $0x80, s3;
	s11 =	sadd.s32 @!p2 s1, s9;
	s9 =	sand.u32 @!p2 $0x7, s3  }
0xc4: {  	[tilespmem:s4], [sflag:$0x2] =	stream.linear.gather @!p2 [hbm4b:s11+s9], $0x80, $0x38;
	[tilespmem:$0x1E678] =	vst v63  }
0xc5: {  	s15 =	smov.u32 s14;
	s2 =	smov.u32 @p2 s30;
	s4 =	sand.u32 @!p2 $0xFFFF8, s10  }
0xc6: {  	s3 =	simm.s32 @!p2 $0x7388;
	s10 =	sadd.s32 @!p2 s1, s4;
	s4 =	sadd.s32 $0x1, s25  }
.LBB2_16:
0xc7: {  	s11 =	smov.u32 s2  }
0xc8: {  	[tilespmem:s3], [sflag:$0x2] =	stream.linear.gather @!p2 [hbm4b:s10+s9], $0x80, $0x38;
	[tilespmem:$0x1E678] =	vst v63  }
0xc9: {  	s0 =	sadd.s32 $0x1, s0;
	s9 =	smov.u32 s5;
	v1 =	vld.msk [tilespmem:s4+$0x0], $0x1  }
0xca: {  	p3 =	seq.s32 s0, $0x0;
	_ =	sdelay $0x3  }
0xcb: {  	(v2sf) =	vpush v1, $0x0;
	_ =	sdelay $0xe  }
0xcc: {  	s5 =	spop (v2sf)  }
0xcd: {  	p2 =	seq.s32 s9, s5  }
0xce: {  	p4 =	sgt.s32 @!p2 s9, $0x0;
	s3 =	sshll.u32 @!p2 s2, $0xA;
	s2 =	sadd.s32 @!p2 $0x1, s2  }
0xcf: {  	p4 =	por !p4, p2;
	s3 =	sshra.s32 @!p2 s3, $0x2;
	s2 =	smov.u32 @p2 s11  }
0xd0: {  	s9 =	simm.s32 @p4 $0x0;
	s10 =	sadd.s32 @!p2 $0x7308, s3;
	s3 =	sadd.s32 @!p2 $0x7388, s3  }
.Ltmp15:
0xd1: {  	s9 =	smin.u32 @!p2 s9, $0x4E170;
	(pc) =	sbr.rel @!p3 .LBB2_16-.Ltmp15, $4  }
0xd2: {  	s11 =	sand.u32 @!p2 $0x7FFF8, s9;
	s14 =	sadd.s32 @!p2 $0x80, s9  }
0xd3: {  	s9 =	sand.u32 @!p2 $0x7, s9;
	s11 =	sadd.s32 @!p2 s1, s11;
	s14 =	sand.u32 @!p2 $0xFFFF8, s14  }
0xd4: {  	[tilespmem:s10], [sflag:$0x2] =	stream.linear.gather @!p2 [hbm4b:s11+s9], $0x80, $0x38;
	[tilespmem:$0x1E678] =	vst v63  }
0xd5: {  	s4 =	sadd.s32 $0x1, s4;
	s10 =	sadd.s32 @!p2 s1, s14  }
.LBB2_17:
0xd6: {  	[tilespmem:s3], [sflag:$0x2] =	stream.linear.gather @!p2 [hbm4b:s10+s9], $0x80, $0x38;
	[tilespmem:$0x1E678] =	vst v63  }
0xd7: {  	s0 =	sshll.u32 s2, $0x8  }
.Ltmp16:
0xd8: {  	s14 =	simm.s32 $0x2;
	s0 =	sand.u32 $0x3FFFFF00, s0;
	(pc) =	sbr.rel .LBB2_18-.Ltmp16, $4  }
0xd9: {  	_ =	swait.ge [sflag:s14], s0  }
0xda: {  	s0 =	ssub.s32 $0x0, s0;
	[sflag:s14] =	ssyncset.done $0x0  }
0xdb: {  	s4 =	simm.s32 $0x0;
	s11 =	smov.u32 s7;
	[sflag:s14] =	ssyncadd.s32 s0  }
0xdc: {  	s14 =	smov.u32 s15;
	s15 =	smov.u32 s17;
	s17 =	simm.s32 $0xC  }
.LBB2_19:
0xdd: {  	v1 =	vld [tilespmem:s28+$0xFFFFFF80];
	_ =	sdelay $0x4  }
0xde: {  	[tilespmem:s5+$0x208] =	vst.add.f32.msk $0xffff, v1  }
0xdf: {  	v1 =	vld [tilespmem:s28+$0xFFFFFF90];
	_ =	sdelay $0x4  }
0xe0: {  	[tilespmem:s5+$0x218] =	vst.add.f32.msk $0xffff, v1  }
0xe1: {  	v1 =	vld [tilespmem:s28+$0xFFFFFFA0];
	_ =	sdelay $0x4  }
0xe2: {  	[tilespmem:s5+$0x228] =	vst.add.f32.msk $0xffff, v1  }
0xe3: {  	v1 =	vld [tilespmem:s28+$0xFFFFFFB0];
	_ =	sdelay $0x4  }
0xe4: {  	[tilespmem:s5+$0x238] =	vst.add.f32.msk $0xffff, v1  }
0xe5: {  	v1 =	vld [tilespmem:s28+$0xFFFFFFC0];
	_ =	sdelay $0x4  }
0xe6: {  	[tilespmem:s5+$0x248] =	vst.add.f32.msk $0xffff, v1  }
0xe7: {  	v1 =	vld [tilespmem:s28+$0xFFFFFFD0];
	_ =	sdelay $0x4  }
0xe8: {  	[tilespmem:s5+$0x258] =	vst.add.f32.msk $0xffff, v1  }
0xe9: {  	v1 =	vld [tilespmem:s28+$0xFFFFFFE0];
	_ =	sdelay $0x4  }
0xea: {  	[tilespmem:s5+$0x268] =	vst.add.f32.msk $0xffff, v1  }
0xeb: {  	v1 =	vld [tilespmem:s28+$0xFFFFFFF0];
	_ =	sdelay $0x4  }
0xec: {  	[tilespmem:s5+$0x278] =	vst.add.f32.msk $0xffff, v1  }
0xed: {  	v1 =	vld [tilespmem:s28+$0x0];
	_ =	sdelay $0x4  }
0xee: {  	[tilespmem:s5+$0x288] =	vst.add.f32.msk $0xffff, v1  }
0xef: {  	v1 =	vld [tilespmem:s28+$0x10];
	_ =	sdelay $0x4  }
0xf0: {  	[tilespmem:s5+$0x298] =	vst.add.f32.msk $0xffff, v1  }
0xf1: {  	v1 =	vld [tilespmem:s28+$0x20];
	_ =	sdelay $0x4  }
0xf2: {  	[tilespmem:s5+$0x2A8] =	vst.add.f32.msk $0xffff, v1  }
0xf3: {  	v1 =	vld [tilespmem:s28+$0x30];
	_ =	sdelay $0x4  }
0xf4: {  	[tilespmem:s5+$0x2B8] =	vst.add.f32.msk $0xffff, v1  }
0xf5: {  	v1 =	vld [tilespmem:s28+$0x40];
	_ =	sdelay $0x4  }
0xf6: {  	[tilespmem:s5+$0x2C8] =	vst.add.f32.msk $0xffff, v1  }
0xf7: {  	v1 =	vld [tilespmem:s28+$0x50];
	_ =	sdelay $0x4  }
0xf8: {  	[tilespmem:s5+$0x2D8] =	vst.add.f32.msk $0xffff, v1  }
0xf9: {  	v1 =	vld [tilespmem:s28+$0x60];
	_ =	sdelay $0x4  }
0xfa: {  	[tilespmem:s5+$0x2E8] =	vst.add.f32.msk $0xffff, v1  }
0xfb: {  	v1 =	vld [tilespmem:s28+$0x70];
	_ =	sdelay $0x4  }
0xfc: {  	[tilespmem:s5+$0x2F8] =	vst.add.f32.msk $0xffff, v1  }
.LBB2_23:
0xfd: {  	s29 =	sadd.s32 $0x1, s29  }
0xfe: {  	p2 =	seq.s32 s29, $0x0  }
.Ltmp17:
0xff: {  	_ = 	snop;
	(pc) =	sbr.rel @p2 .LBB2_24-.Ltmp17, $2  }
0x100: {  	_ =	sdelay $0x2  }
0x101: {  	s25 =	sadd.s32 $0x1, s25;
	s28 =	sadd.s32 $0x100, s28;
	s31 =	smov.u32 s0  }
.LBB2_18:
0x102: {  	v1 =	vld.msk [tilespmem:s25+$0x0], $0x1;
	_ =	sdelay $0x4  }
0x103: {  	(v2sf) =	vpush v1, $0x0;
	_ =	sdelay $0xe  }
0x104: {  	s0 =	spop (v2sf)  }
0x105: {  	p2 =	sne.s32 s31, s0  }
.Ltmp18:
0x106: {  	_ = 	snop;
	(pc) =	sbr.rel @!p2 .LBB2_19-.Ltmp18, $3  }
0x107: {  	_ =	sdelay $0x1  }
0x108: {  	s2 =	sshll.u32 s24, $0xA  }
0x109: {  	s5 =	sshra.s32 s2, $0x2  }
0x10a: {  	p2 =	seq.s32 s31, s26  }
.Ltmp19:
0x10b: {  	_ = 	snop;
	(pc) =	sbr.rel @!p2 .LBB2_21-.Ltmp19, $1  }
0x10c: {  	_ =	sdelay $0x3  }
.Ltmp20:
0x10d: {  	s2 =	sadd.s32 $0x208, s5;
	(pc) =	sbr.rel .LBB2_22-.Ltmp20, $4  }
0x10e: {  	[spmem:s16] =	stream.linear.scatter [tilespmem:s2], [sflag:$0x1], $0x100, $0x38;
	[tilespmem:$0x1E678] =	vst v63  }
0x10f: {  	_ =	swait.ge [sflag:s12], $0x100  }
0x110: {  	[sflag:s12] =	ssyncset.done $0x0  }
0x111: {  	[sflag:s12] =	ssyncadd.s32 $0xFFFFFF00  }
.LBB2_21:
0x112: {  	s2 =	sshll.u32 s30, $0xA  }
0x113: {  	s2 =	sshra.s32 s2, $0x2  }
0x114: {  	v1 =	vld [tilespmem:s2+$0x7308];
	_ =	sdelay $0x4  }
0x115: {  	[tilespmem:s5+$0x208] =	vst.add.f32.msk $0xffff, v1  }
0x116: {  	v1 =	vld [tilespmem:s2+$0x7318];
	_ =	sdelay $0x4  }
0x117: {  	[tilespmem:s5+$0x218] =	vst.add.f32.msk $0xffff, v1  }
0x118: {  	v1 =	vld [tilespmem:s2+$0x7328];
	_ =	sdelay $0x4  }
0x119: {  	[tilespmem:s5+$0x228] =	vst.add.f32.msk $0xffff, v1  }
0x11a: {  	v1 =	vld [tilespmem:s2+$0x7338];
	_ =	sdelay $0x4  }
0x11b: {  	[tilespmem:s5+$0x238] =	vst.add.f32.msk $0xffff, v1  }
0x11c: {  	v1 =	vld [tilespmem:s2+$0x7348];
	_ =	sdelay $0x4  }
0x11d: {  	[tilespmem:s5+$0x248] =	vst.add.f32.msk $0xffff, v1  }
0x11e: {  	v1 =	vld [tilespmem:s2+$0x7358];
	_ =	sdelay $0x4  }
0x11f: {  	[tilespmem:s5+$0x258] =	vst.add.f32.msk $0xffff, v1  }
0x120: {  	v1 =	vld [tilespmem:s2+$0x7368];
	_ =	sdelay $0x4  }
0x121: {  	[tilespmem:s5+$0x268] =	vst.add.f32.msk $0xffff, v1  }
0x122: {  	v1 =	vld [tilespmem:s2+$0x7378];
	_ =	sdelay $0x4  }
0x123: {  	[tilespmem:s5+$0x278] =	vst.add.f32.msk $0xffff, v1  }
0x124: {  	v1 =	vld [tilespmem:s2+$0x7388];
	_ =	sdelay $0x4  }
0x125: {  	[tilespmem:s5+$0x288] =	vst.add.f32.msk $0xffff, v1  }
0x126: {  	v1 =	vld [tilespmem:s2+$0x7398];
	_ =	sdelay $0x4  }
0x127: {  	[tilespmem:s5+$0x298] =	vst.add.f32.msk $0xffff, v1  }
0x128: {  	v1 =	vld [tilespmem:s2+$0x73A8];
	_ =	sdelay $0x4  }
0x129: {  	[tilespmem:s5+$0x2A8] =	vst.add.f32.msk $0xffff, v1  }
0x12a: {  	v1 =	vld [tilespmem:s2+$0x73B8];
	_ =	sdelay $0x4  }
0x12b: {  	[tilespmem:s5+$0x2B8] =	vst.add.f32.msk $0xffff, v1  }
0x12c: {  	v1 =	vld [tilespmem:s2+$0x73C8];
	_ =	sdelay $0x4  }
0x12d: {  	[tilespmem:s5+$0x2C8] =	vst.add.f32.msk $0xffff, v1  }
0x12e: {  	v1 =	vld [tilespmem:s2+$0x73D8];
	_ =	sdelay $0x4  }
0x12f: {  	[tilespmem:s5+$0x2D8] =	vst.add.f32.msk $0xffff, v1  }
0x130: {  	v1 =	vld [tilespmem:s2+$0x73E8];
	_ =	sdelay $0x4  }
0x131: {  	[tilespmem:s5+$0x2E8] =	vst.add.f32.msk $0xffff, v1  }
0x132: {  	v1 =	vld [tilespmem:s2+$0x73F8];
	_ =	sdelay $0x2  }
0x133: {  	p2 =	sgt.u32 s31, $0x4E170  }
0x134: {  	s2 =	sand.u32 @!p2 $0x7FFF8, s31  }
0x135: {  	s3 =	sadd.s32 $0x208, s5;
	s9 =	sand.u32 @!p2 $0x7, s31;
	s2 =	sadd.s32 @!p2 s1, s2;
	[tilespmem:s5+$0x2F8] =	vst.add.f32.msk $0xffff, v1  }
0x136: {  	[hbm4b:s2+s9] =	stream.linear.scatter @!p2 [tilespmem:s3], [sflag:$0xC], $0x80, $0x38;
	[tilespmem:$0x1E678] =	vst v63  }
0x137: {  	s2 =	sadd.s32 @!p2 $0x80, s31  }
0x138: {  	s2 =	sand.u32 @!p2 $0xFFFF8, s2  }
0x139: {  	s3 =	sadd.s32 $0x288, s5;
	s2 =	sadd.s32 @!p2 s1, s2  }
0x13a: {  	[hbm4b:s2+s9] =	stream.linear.scatter @!p2 [tilespmem:s3], [sflag:$0xC], $0x80, $0x38;
	[tilespmem:$0x1E678] =	vst v63  }
0x13b: {  	s2 =	simm.s32 $0x0  }
0x13c: {  	s2 =	simm.s32 @!p2 $0x400  }
0x13d: {  	s4 =	sadd.s32 s2, s4  }
.LBB2_22:
0x13e: {  	s2 =	sadd.s32 $0x1, s24  }
0x13f: {  	s3 =	sshrl.u32 s2, $0x4  }
0x140: {  	s3 =	smulhi.u32 $0x24924925, s3  }
0x141: {  	v1 =	vld [tilespmem:s28+$0xFFFFFF80]  }
0x142: {  	s3 =	smul.u32 $0x70, s3;
	_ =	sdelay $0x1  }
0x143: {  	s24 =	ssub.s32 s2, s3  }
0x144: {  	s2 =	sshll.u32 s24, $0x8  }
0x145: {  	[tilespmem:s2+$0x208] =	vst v1  }
0x146: {  	v1 =	vld [tilespmem:s28+$0xFFFFFF90];
	_ =	sdelay $0x4  }
0x147: {  	[tilespmem:s2+$0x218] =	vst v1  }
0x148: {  	v1 =	vld [tilespmem:s28+$0xFFFFFFA0];
	_ =	sdelay $0x4  }
0x149: {  	[tilespmem:s2+$0x228] =	vst v1  }
0x14a: {  	v1 =	vld [tilespmem:s28+$0xFFFFFFB0];
	_ =	sdelay $0x4  }
0x14b: {  	[tilespmem:s2+$0x238] =	vst v1  }
0x14c: {  	v1 =	vld [tilespmem:s28+$0xFFFFFFC0];
	_ =	sdelay $0x4  }
0x14d: {  	[tilespmem:s2+$0x248] =	vst v1  }
0x14e: {  	v1 =	vld [tilespmem:s28+$0xFFFFFFD0];
	_ =	sdelay $0x4  }
0x14f: {  	[tilespmem:s2+$0x258] =	vst v1  }
0x150: {  	v1 =	vld [tilespmem:s28+$0xFFFFFFE0];
	_ =	sdelay $0x4  }
0x151: {  	[tilespmem:s2+$0x268] =	vst v1  }
0x152: {  	v1 =	vld [tilespmem:s28+$0xFFFFFFF0];
	_ =	sdelay $0x4  }
0x153: {  	[tilespmem:s2+$0x278] =	vst v1  }
0x154: {  	v1 =	vld [tilespmem:s28+$0x0];
	_ =	sdelay $0x4  }
0x155: {  	[tilespmem:s2+$0x288] =	vst v1  }
0x156: {  	v1 =	vld [tilespmem:s28+$0x10];
	_ =	sdelay $0x4  }
0x157: {  	[tilespmem:s2+$0x298] =	vst v1  }
0x158: {  	v1 =	vld [tilespmem:s28+$0x20];
	_ =	sdelay $0x4  }
0x159: {  	[tilespmem:s2+$0x2A8] =	vst v1  }
0x15a: {  	v1 =	vld [tilespmem:s28+$0x30];
	_ =	sdelay $0x4  }
0x15b: {  	[tilespmem:s2+$0x2B8] =	vst v1  }
0x15c: {  	v1 =	vld [tilespmem:s28+$0x40];
	_ =	sdelay $0x4  }
0x15d: {  	[tilespmem:s2+$0x2C8] =	vst v1  }
0x15e: {  	v1 =	vld [tilespmem:s28+$0x50];
	_ =	sdelay $0x4  }
0x15f: {  	[tilespmem:s2+$0x2D8] =	vst v1  }
0x160: {  	v1 =	vld [tilespmem:s28+$0x60];
	_ =	sdelay $0x4  }
0x161: {  	[tilespmem:s2+$0x2E8] =	vst v1  }
0x162: {  	v1 =	vld [tilespmem:s28+$0x70]  }
.Ltmp21:
0x163: {  	_ = 	snop;
	(pc) =	sbr.rel .LBB2_23-.Ltmp21, $2  }
0x164: {  	_ =	sdelay $0x2  }
0x165: {  	s30 =	sadd.s32 $0x1, s30;
	[tilespmem:s2+$0x2F8] =	vst v1  }
.LBB2_25:
.Ltmp22:
0x166: {  	(pc) =	sbr.rel .LBB2_26-.Ltmp22, $4  }
0x167: {  	_ = 	snop  }
0x168: {  	s0 =	simm.s32 $0x2  }
0x169: {  	_ =	swait.ge [sflag:s0], $0x0  }
0x16a: {  	s2 =	simm.s32 $0x0;
	[sflag:s0] =	ssyncset.done $0x0;
	s0 =	smov.u32 s31  }
.LBB2_28:
0x16b: {  	_ =	sfence.sel $0x180000  }
0x16c: {  	s0 =	simm.s32 $0x9;
	[bflag:$0x0] =	sbarrier.arrive $0xFFFF  }
0x16d: {  	s24 =	simm.s32 $0xA;
	[sflag:s0] =	ssyncpa.u1 $0x1  }
0x16e: {  	s25 =	simm.s32 $0xB;
	[sflag:s24] =	ssyncpa.u1 $0x1  }
0x16f: {  	s26 =	simm.s32 $0x2;
	[sflag:s25] =	ssyncpa.u1 $0x1  }
0x170: {  	[sflag:s26] =	ssyncpa.u1 $0x1  }
0x171: {  	v0 =	vld [tilespmem:$0xE408];
	_ =	sdelay $0x4  }
0x172: {  	(v2sf) =	vpush v0, $0x0  }
0x173: {  	(v2sf) =	vpush v0, $0x1;
	_ =	sdelay $0x1  }
0x174: {  	(v2sf) =	vpush v0, $0x2;
	_ =	sdelay $0xb  }
0x175: {  	s0 =	spop (v2sf)  }
0x176: {  	s2 =	spop (v2sf)  }
0x177: {  	s3 =	smov.u32 s0;
	p0 =	sne.s32 s0, s2  }
0x178: {  	s4 =	spop (v2sf);
	s3 =	simm.s32 @!p0 $0xFFFFFFFF  }
0x179: {  	v2 =	vimm.s32 $0x1;
	v3 =	vlaneseq.u32;
	p0 =	seq.s32 s4, $0xFFFFFFFF;
	v1 =	vmov s3  }
0x17a: {  	s15 =	stileid.u32;
	v0 =	vperm.xlane v0, v2;
	p1 =	sne.s32 @!p0 s0, s2;
	v1 =	vperm.xlane v1, v3  }
0x17b: {  	vm0 =	vcmask $0x3F04;
	s6 =	simm.s32 $0xE408;
	s0 =	simm.s32 @!p0 $0x1;
	p1 =	por !p1, p0  }
0x17c: {  	s3 =	sshll.u32 s15, $0x1;
	s2 =	sshll.u32 @!p0 s4, $0xA;
	s0 =	simm.s32 @p1 $0x0;
	v0 =	vsel vm0, v1, v0  }
0x17d: {  	s5 =	sor.u32 $0x2000, s3;
	s2 =	sshra.s32 @!p0 s2, $0x2;
	s0 =	sor.u32 @!p0 s0, s3;
	[tilespmem:$0xE408] =	vst v0  }
0x17e: {  	[spmem:s5] =	stream.linear.scatter [tilespmem:s6], [sflag:$0x1], $0x2, $0x38;
	[tilespmem:$0x1E678] =	vst v63  }
0x17f: {  	s2 =	sadd.s32 @!p0 $0x208, s2;
	s0 =	sshll.u32 @!p0 s0, $0x8  }
0x180: {  	[spmem:s0] =	stream.linear.scatter @!p0 [tilespmem:s2], [sflag:$0x1], $0x100, $0x38;
	[tilespmem:$0x1E678] =	vst v63  }
0x181: {  	s0 =	simm.s32 @!p0 $0x102  }
0x182: {  	s28 =	simm.s32 $0x1;
	s0 =	simm.s32 @p0 $0x2  }
0x183: {  	_ =	swait.ge [sflag:s28], s0  }
0x184: {  	s0 =	ssub.s32 $0x0, s0;
	[sflag:s28] =	ssyncset.done $0x0  }
0x185: {  	p0 =	sne.s32 s15, $0x0;
	[sflag:s28] =	ssyncadd.s32 s0  }
.Ltmp23:
0x186: {  	_ =	sfence.stream.spmem;
	(pc) =	sbr.rel @p0 .LBB2_45-.Ltmp23, $4  }
0x187: {  	s29 =	simm.s32 $0x3;
	[bflag:$0x0] =	sbarrier.arrive $0xFFFF  }
0x188: {  	s30 =	simm.s32 $0x4;
	[sflag:s29] =	ssyncpa.u1 $0x1  }
0x189: {  	s31 =	simm.s32 $0x3C;
	[sflag:s30] =	ssyncpa.u1 $0x1  }
0x18a: {  	s14 =	rddreg [dreg:$0x5];
	[sflag:s31] =	ssyncpa.u1 $0x1  }
0x18b: {  	_ =	sfence.stream.spmem;
	s0 =	simm.s32 $0x5  }
0x18c: {  	s2 =	simm.s32 $0x2000;
	s3 =	simm.s32 $0xE418;
	[sflag:s0] =	ssyncpa.u1 $0x0  }
0x18d: {  	[tilespmem:s3], [sflag:$0x5] =	stream.linear.gather [spmem:s2], $0x20, $0x38;
	[tilespmem:$0x1E678] =	vst v63  }
0x18e: {  	s26 =	simm.s32 $0x0;
	s28 =	simm.s32 $0xE438  }
0x18f: {  	[tilespmem:s28], [sflag:$0x5] =	stream.linear.gather [spmem:s26], $0x2000, $0x38;
	[tilespmem:$0x1E678] =	vst v63  }
0x190: {  	_ =	swait.ge [sflag:s0], $0x2020  }
0x191: {  	[sflag:s0] =	ssyncset.done $0x0  }
0x192: {  	s29 =	simm.s32 $0x0;
	[sflag:s0] =	ssyncadd.s32 $0xFFFFDFE0  }
0x193: {  	v0 =	vld.msk [tilespmem:s29+$0xE418], $0x1;
	_ =	sdelay $0x1  }
0x194: {  	s30 =	simm.s32 $0x1  }
0x195: {  	v1 =	vld.msk [tilespmem:s30+$0xE418], $0x1;
	_ =	sdelay $0x1  }
0x196: {  	(v2sf) =	vpush v0, $0x0;
	_ =	sdelay $0x2  }
0x197: {  	(v2sf) =	vpush v1, $0x0;
	_ =	sdelay $0x2  }
0x198: {  	s31 =	simm.s32 $0x2  }
0x199: {  	v0 =	vld.msk [tilespmem:s31+$0xE418], $0x1;
	_ =	sdelay $0x2  }
0x19a: {  	s2 =	simm.s32 $0xFFFFFFFF;
	s3 =	simm.s32 $0xFFFFFFFF;
	s0 =	simm.s32 $0xC  }
.LBB2_30:
0x19b: {  	s4 =	smov.u32 s3;
	s5 =	smov.u32 s2  }
0x19c: {  	s2 =	sshra.s32 s0, $0x2;
	p1 =	sne.s32 s0, $0x7C;
	s0 =	sadd.s32 $0x4, s0;
	(v2sf) =	vpush v0, $0x0  }
0x19d: {  	v0 =	vld.msk [tilespmem:s2+$0xE418], $0x1  }
.Ltmp24:
0x19e: {  	(pc) =	sbr.rel @p1 .LBB2_30-.Ltmp24, $4  }
0x19f: {  	s3 =	spop (v2sf)  }
0x1a0: {  	p2 =	sne.s32 s5, $0xFFFFFFFF;
	s2 =	smov.u32 s3  }
0x1a1: {  	p3 =	seq.s32 s3, $0xFFFFFFFF;
	s2 =	smov.u32 @p2 s5  }
0x1a2: {  	s3 =	smov.u32 @p3 s4;
	s2 =	smov.u32 @p3 s5  }
0x1a3: {  	(v2sf) =	vpush v0, $0x0;
	_ =	sdelay $0x8  }
0x1a4: {  	s0 =	spop (v2sf)  }
0x1a5: {  	p1 =	sne.s32 s2, $0xFFFFFFFF;
	s9 =	simm.s32 $0x6;
	s4 =	smov.u32 s0  }
0x1a6: {  	s6 =	simm.s32 $0x0;
	p2 =	seq.s32 s0, $0xFFFFFFFF;
	s4 =	smov.u32 @p1 s2  }
0x1a7: {  	s10 =	simm.s32 $0xE308;
	s4 =	smov.u32 @p2 s2;
	s2 =	spop (v2sf)  }
0x1a8: {  	s0 =	smov.u32 @p2 s3;
	p1 =	sne.s32 s4, $0xFFFFFFFF;
	s5 =	smov.u32 s2  }
.Ltmp25:
0x1a9: {  	p2 =	seq.s32 s2, $0xFFFFFFFF;
	s5 =	smov.u32 @p1 s4;
	(pc) =	sbr.rel .LBB2_32-.Ltmp25, $4  }
0x1aa: {  	s11 =	simm.s32 $0xE388;
	s5 =	smov.u32 @p2 s4;
	s7 =	spop (v2sf)  }
0x1ab: {  	s12 =	simm.s32 $0x0;
	p1 =	sne.s32 s5, $0xFFFFFFFF;
	s8 =	smov.u32 s7  }
0x1ac: {  	s2 =	smov.u32 @p2 s0;
	p2 =	seq.s32 s7, $0xFFFFFFFF;
	s8 =	smov.u32 @p1 s5  }
0x1ad: {  	[sflag:s9] =	ssyncpa.u1 $0x0;
	s7 =	smov.u32 @p2 s2;
	s8 =	smov.u32 @p2 s5  }
.LBB2_38:
0x1ae: {  	p1 =	sgt.u32 s0, $0x4E170  }
0x1af: {  	p2 =	seq.s32 @!p1 s0, s8  }
0x1b0: {  	p1 =	por p1, p2  }
0x1b1: {  	p2 =	sne.s32 @!p1 s0, s7  }
0x1b2: {  	p1 =	por p1, !p2  }
0x1b3: {  	s0 =	sshll.u32 @p1 s12, $0xA  }
0x1b4: {  	s2 =	sand.u32 @!p1 $0x7FFF8, s0;
	s3 =	sand.u32 @!p1 $0x7, s0;
	s0 =	sadd.s32 @!p1 $0x80, s0  }
0x1b5: {  	s2 =	sadd.s32 @!p1 s1, s2;
	s0 =	sand.u32 @!p1 $0xFFFF8, s0  }
0x1b6: {  	[tilespmem:s10], [sflag:$0x6] =	stream.linear.gather @!p1 [hbm4b:s2+s3], $0x80, $0x38;
	[tilespmem:$0x1E678] =	vst v63  }
0x1b7: {  	s0 =	sadd.s32 @!p1 s1, s0  }
0x1b8: {  	[tilespmem:s11], [sflag:$0x6] =	stream.linear.gather @!p1 [hbm4b:s0+s3], $0x80, $0x38;
	[tilespmem:$0x1E678] =	vst v63  }
0x1b9: {  	_ =	swait.ge @!p1 [sflag:s9], $0x100  }
0x1ba: {  	[sflag:s9] =	ssyncset.done @!p1 $0x0  }
0x1bb: {  	[sflag:s9] =	ssyncadd.s32 @!p1 $0xFFFFFF00  }
0x1bc: {  	v1 =	vld @!p1 [tilespmem:$0xE308];
	_ =	sdelay $0x2  }
0x1bd: {  	s0 =	sshll.u32 @!p1 s12, $0xA  }
0x1be: {  	s2 =	sshrl.u32 @!p1 s0, $0x2  }
0x1bf: {  	[tilespmem:s2+$0xE438] =	vst.add.f32.msk @!p1 $0xffff, v1  }
0x1c0: {  	v1 =	vld @!p1 [tilespmem:$0xE318];
	_ =	sdelay $0x4  }
0x1c1: {  	[tilespmem:s2+$0xE448] =	vst.add.f32.msk @!p1 $0xffff, v1  }
0x1c2: {  	v1 =	vld @!p1 [tilespmem:$0xE328];
	_ =	sdelay $0x4  }
0x1c3: {  	[tilespmem:s2+$0xE458] =	vst.add.f32.msk @!p1 $0xffff, v1  }
0x1c4: {  	v1 =	vld @!p1 [tilespmem:$0xE338];
	_ =	sdelay $0x4  }
0x1c5: {  	[tilespmem:s2+$0xE468] =	vst.add.f32.msk @!p1 $0xffff, v1  }
0x1c6: {  	v1 =	vld @!p1 [tilespmem:$0xE348];
	_ =	sdelay $0x4  }
0x1c7: {  	[tilespmem:s2+$0xE478] =	vst.add.f32.msk @!p1 $0xffff, v1  }
0x1c8: {  	v1 =	vld @!p1 [tilespmem:$0xE358];
	_ =	sdelay $0x4  }
0x1c9: {  	[tilespmem:s2+$0xE488] =	vst.add.f32.msk @!p1 $0xffff, v1  }
0x1ca: {  	v1 =	vld @!p1 [tilespmem:$0xE368];
	_ =	sdelay $0x4  }
0x1cb: {  	[tilespmem:s2+$0xE498] =	vst.add.f32.msk @!p1 $0xffff, v1  }
0x1cc: {  	v1 =	vld @!p1 [tilespmem:$0xE378];
	_ =	sdelay $0x4  }
0x1cd: {  	[tilespmem:s2+$0xE4A8] =	vst.add.f32.msk @!p1 $0xffff, v1  }
0x1ce: {  	v1 =	vld @!p1 [tilespmem:$0xE388];
	_ =	sdelay $0x4  }
0x1cf: {  	[tilespmem:s2+$0xE4B8] =	vst.add.f32.msk @!p1 $0xffff, v1  }
0x1d0: {  	v1 =	vld @!p1 [tilespmem:$0xE398];
	_ =	sdelay $0x4  }
0x1d1: {  	[tilespmem:s2+$0xE4C8] =	vst.add.f32.msk @!p1 $0xffff, v1  }
0x1d2: {  	v1 =	vld @!p1 [tilespmem:$0xE3A8];
	_ =	sdelay $0x4  }
0x1d3: {  	[tilespmem:s2+$0xE4D8] =	vst.add.f32.msk @!p1 $0xffff, v1  }
0x1d4: {  	v1 =	vld @!p1 [tilespmem:$0xE3B8];
	_ =	sdelay $0x4  }
0x1d5: {  	[tilespmem:s2+$0xE4E8] =	vst.add.f32.msk @!p1 $0xffff, v1  }
0x1d6: {  	v1 =	vld @!p1 [tilespmem:$0xE3C8];
	_ =	sdelay $0x4  }
0x1d7: {  	[tilespmem:s2+$0xE4F8] =	vst.add.f32.msk @!p1 $0xffff, v1  }
0x1d8: {  	v1 =	vld @!p1 [tilespmem:$0xE3D8];
	_ =	sdelay $0x4  }
0x1d9: {  	[tilespmem:s2+$0xE508] =	vst.add.f32.msk @!p1 $0xffff, v1  }
0x1da: {  	v1 =	vld @!p1 [tilespmem:$0xE3E8];
	_ =	sdelay $0x4  }
0x1db: {  	[tilespmem:s2+$0xE518] =	vst.add.f32.msk @!p1 $0xffff, v1  }
0x1dc: {  	v1 =	vld @!p1 [tilespmem:$0xE3F8];
	_ =	sdelay $0x4  }
0x1dd: {  	[tilespmem:s2+$0xE528] =	vst.add.f32.msk @!p1 $0xffff, v1  }
0x1de: {  	s0 =	sshrl.u32 s0, $0x2;
	[tilespmem:s6+$0xE418] =	vst.msk $0x1, v0  }
0x1df: {  	v0 =	vld [tilespmem:s0+$0xE438];
	_ =	sdelay $0x2  }
0x1e0: {  	s31 =	sshll.u32 s6, $0xA  }
0x1e1: {  	s2 =	sshra.s32 s31, $0x2  }
0x1e2: {  	[tilespmem:s2+$0xE438] =	vst v0  }
0x1e3: {  	v0 =	vld [tilespmem:s0+$0xE448];
	_ =	sdelay $0x4  }
0x1e4: {  	[tilespmem:s2+$0xE448] =	vst v0  }
0x1e5: {  	v0 =	vld [tilespmem:s0+$0xE458];
	_ =	sdelay $0x4  }
0x1e6: {  	[tilespmem:s2+$0xE458] =	vst v0  }
0x1e7: {  	v0 =	vld [tilespmem:s0+$0xE468];
	_ =	sdelay $0x4  }
0x1e8: {  	[tilespmem:s2+$0xE468] =	vst v0  }
0x1e9: {  	v0 =	vld [tilespmem:s0+$0xE478];
	_ =	sdelay $0x4  }
0x1ea: {  	[tilespmem:s2+$0xE478] =	vst v0  }
0x1eb: {  	v0 =	vld [tilespmem:s0+$0xE488];
	_ =	sdelay $0x4  }
0x1ec: {  	[tilespmem:s2+$0xE488] =	vst v0  }
0x1ed: {  	v0 =	vld [tilespmem:s0+$0xE498];
	_ =	sdelay $0x4  }
0x1ee: {  	[tilespmem:s2+$0xE498] =	vst v0  }
0x1ef: {  	v0 =	vld [tilespmem:s0+$0xE4A8];
	_ =	sdelay $0x4  }
0x1f0: {  	[tilespmem:s2+$0xE4A8] =	vst v0  }
0x1f1: {  	v0 =	vld [tilespmem:s0+$0xE4B8];
	_ =	sdelay $0x4  }
0x1f2: {  	[tilespmem:s2+$0xE4B8] =	vst v0  }
0x1f3: {  	v0 =	vld [tilespmem:s0+$0xE4C8];
	_ =	sdelay $0x4  }
0x1f4: {  	[tilespmem:s2+$0xE4C8] =	vst v0  }
0x1f5: {  	v0 =	vld [tilespmem:s0+$0xE4D8];
	_ =	sdelay $0x4  }
0x1f6: {  	[tilespmem:s2+$0xE4D8] =	vst v0  }
0x1f7: {  	v0 =	vld [tilespmem:s0+$0xE4E8];
	_ =	sdelay $0x4  }
0x1f8: {  	[tilespmem:s2+$0xE4E8] =	vst v0  }
0x1f9: {  	v0 =	vld [tilespmem:s0+$0xE4F8];
	_ =	sdelay $0x4  }
0x1fa: {  	[tilespmem:s2+$0xE4F8] =	vst v0  }
0x1fb: {  	v0 =	vld [tilespmem:s0+$0xE508];
	_ =	sdelay $0x4  }
0x1fc: {  	[tilespmem:s2+$0xE508] =	vst v0  }
0x1fd: {  	v0 =	vld [tilespmem:s0+$0xE518];
	_ =	sdelay $0x4  }
0x1fe: {  	[tilespmem:s2+$0xE518] =	vst v0  }
0x1ff: {  	v0 =	vld [tilespmem:s0+$0xE528];
	_ =	sdelay $0x4  }
0x200: {  	s6 =	sadd.s32 $0x1, s6;
	[tilespmem:s2+$0xE528] =	vst v0  }
.LBB2_39:
0x201: {  	s12 =	sadd.s32 $0x1, s12  }
0x202: {  	p1 =	sne.s32 s12, $0x20  }
.Ltmp26:
0x203: {  	_ = 	snop;
	(pc) =	sbr.rel @!p1 .LBB2_40-.Ltmp26, $1  }
0x204: {  	_ =	sdelay $0x3  }
.LBB2_32:
0x205: {  	v0 =	vld.msk [tilespmem:s12+$0xE418], $0x1;
	_ =	sdelay $0x4  }
0x206: {  	(v2sf) =	vpush v0, $0x0;
	_ =	sdelay $0xe  }
0x207: {  	s0 =	spop (v2sf)  }
0x208: {  	p1 =	seq.s32 s0, $0xFFFFFFFF  }
.Ltmp27:
0x209: {  	_ = 	snop;
	(pc) =	sbr.rel @p1 .LBB2_39-.Ltmp27, $1  }
0x20a: {  	_ =	sdelay $0x3  }
0x20b: {  	p1 =	slt.s32 s6, $0x1  }
.Ltmp28:
0x20c: {  	_ = 	snop;
	(pc) =	sbr.rel @p1 .LBB2_38-.Ltmp28, $1  }
0x20d: {  	_ =	sdelay $0x3  }
0x20e: {  	s4 =	simm.s32 $0xE418;
	p1 =	por $0x0, $0x0  }
0x20f: {  	v1 =	vld.msk @!p1 [tilespmem:s4+$0x0], $0x1;
	_ =	sdelay $0x4  }
0x210: {  	(v2sf) =	vpush @!p1 v1, $0x0;
	_ =	sdelay $0xd  }
0x211: {  	p3 =	sne.s32 s6, $0x1  }
.Ltmp29:
0x212: {  	s2 =	spop @!p1 (v2sf);
	(pc) =	sbr.rel @!p3 .LBB2_36-.Ltmp29, $4  }
0x213: {  	p2 =	seq.s32 @!p1 s0, s2  }
0x214: {  	s5 =	simm.s32 $0x0;
	p2 =	por !p2, p1  }
0x215: {  	s2 =	simm.s32 $0xFFFFFFFF;
	s5 =	simm.s32 @p2 $0xFFFFFFFF  }
0x216: {  	s13 =	simm.s32 $0x1;
	s5 =	smov.u32 @p1 s2  }
.LBB2_35:
0x217: {  	s2 =	smov.u32 s5;
	p1 =	sne.s32 s5, $0xFFFFFFFF  }
0x218: {  	s4 =	sadd.s32 $0x1, s4;
	s5 =	smov.u32 s13;
	s13 =	sadd.s32 $0x1, s13  }
0x219: {  	p2 =	sne.s32 s6, s13;
	v1 =	vld.msk @!p1 [tilespmem:s4+$0x0], $0x1;
	_ =	sdelay $0x4  }
0x21a: {  	(v2sf) =	vpush @!p1 v1, $0x0;
	_ =	sdelay $0xe  }
.Ltmp30:
0x21b: {  	s3 =	spop @!p1 (v2sf);
	(pc) =	sbr.rel @p2 .LBB2_35-.Ltmp30, $4  }
0x21c: {  	p3 =	seq.s32 @!p1 s0, s3  }
0x21d: {  	p3 =	por !p3, p1  }
0x21e: {  	s5 =	simm.s32 @p3 $0xFFFFFFFF  }
0x21f: {  	s5 =	smov.u32 @p1 s2  }
.LBB2_36:
0x220: {  	p1 =	seq.s32 s5, $0xFFFFFFFF  }
.Ltmp31:
0x221: {  	_ = 	snop;
	(pc) =	sbr.rel @p1 .LBB2_38-.Ltmp31, $1  }
0x222: {  	_ =	sdelay $0x3  }
0x223: {  	s0 =	sshll.u32 s12, $0x8  }
0x224: {  	s0 =	sand.u32 $0x3FFFFF00, s0  }
0x225: {  	v0 =	vld [tilespmem:s0+$0xE438];
	_ =	sdelay $0x2  }
0x226: {  	s2 =	sshll.u32 s5, $0xA  }
0x227: {  	s2 =	sshra.s32 s2, $0x2  }
0x228: {  	[tilespmem:s2+$0xE438] =	vst.add.f32.msk $0xffff, v0  }
0x229: {  	v0 =	vld [tilespmem:s0+$0xE448];
	_ =	sdelay $0x4  }
0x22a: {  	[tilespmem:s2+$0xE448] =	vst.add.f32.msk $0xffff, v0  }
0x22b: {  	v0 =	vld [tilespmem:s0+$0xE458];
	_ =	sdelay $0x4  }
0x22c: {  	[tilespmem:s2+$0xE458] =	vst.add.f32.msk $0xffff, v0  }
0x22d: {  	v0 =	vld [tilespmem:s0+$0xE468];
	_ =	sdelay $0x4  }
0x22e: {  	[tilespmem:s2+$0xE468] =	vst.add.f32.msk $0xffff, v0  }
0x22f: {  	v0 =	vld [tilespmem:s0+$0xE478];
	_ =	sdelay $0x4  }
0x230: {  	[tilespmem:s2+$0xE478] =	vst.add.f32.msk $0xffff, v0  }
0x231: {  	v0 =	vld [tilespmem:s0+$0xE488];
	_ =	sdelay $0x4  }
0x232: {  	[tilespmem:s2+$0xE488] =	vst.add.f32.msk $0xffff, v0  }
0x233: {  	v0 =	vld [tilespmem:s0+$0xE498];
	_ =	sdelay $0x4  }
0x234: {  	[tilespmem:s2+$0xE498] =	vst.add.f32.msk $0xffff, v0  }
0x235: {  	v0 =	vld [tilespmem:s0+$0xE4A8];
	_ =	sdelay $0x4  }
0x236: {  	[tilespmem:s2+$0xE4A8] =	vst.add.f32.msk $0xffff, v0  }
0x237: {  	v0 =	vld [tilespmem:s0+$0xE4B8];
	_ =	sdelay $0x4  }
0x238: {  	[tilespmem:s2+$0xE4B8] =	vst.add.f32.msk $0xffff, v0  }
0x239: {  	v0 =	vld [tilespmem:s0+$0xE4C8];
	_ =	sdelay $0x4  }
0x23a: {  	[tilespmem:s2+$0xE4C8] =	vst.add.f32.msk $0xffff, v0  }
0x23b: {  	v0 =	vld [tilespmem:s0+$0xE4D8];
	_ =	sdelay $0x4  }
0x23c: {  	[tilespmem:s2+$0xE4D8] =	vst.add.f32.msk $0xffff, v0  }
0x23d: {  	v0 =	vld [tilespmem:s0+$0xE4E8];
	_ =	sdelay $0x4  }
0x23e: {  	[tilespmem:s2+$0xE4E8] =	vst.add.f32.msk $0xffff, v0  }
0x23f: {  	v0 =	vld [tilespmem:s0+$0xE4F8];
	_ =	sdelay $0x4  }
0x240: {  	[tilespmem:s2+$0xE4F8] =	vst.add.f32.msk $0xffff, v0  }
0x241: {  	v0 =	vld [tilespmem:s0+$0xE508];
	_ =	sdelay $0x4  }
0x242: {  	[tilespmem:s2+$0xE508] =	vst.add.f32.msk $0xffff, v0  }
0x243: {  	v0 =	vld [tilespmem:s0+$0xE518];
	_ =	sdelay $0x4  }
0x244: {  	[tilespmem:s2+$0xE518] =	vst.add.f32.msk $0xffff, v0  }
0x245: {  	v0 =	vld [tilespmem:s0+$0xE528]  }
.Ltmp32:
0x246: {  	_ = 	snop;
	(pc) =	sbr.rel .LBB2_39-.Ltmp32, $2  }
0x247: {  	_ =	sdelay $0x2  }
0x248: {  	[tilespmem:s2+$0xE528] =	vst.add.f32.msk $0xffff, v0  }
.LBB2_40:
0x249: {  	s0 =	simm.s32 $0x6;
	p1 =	seq.s32 s6, $0x0  }
0x24a: {  	[sflag:s0] =	ssyncpa.u1 $0x1;
	v0 =	vimm.s32 @p1 $0xFFFFFFFF  }
0x24b: {  	s0 =	sadd.s32 $0xFFFFFFFF, s6;
	[tilespmem:$0x10438] =	vst @p1 v0  }
0x24c: {  	v0 =	vld.msk @!p1 [tilespmem:s0+$0xE418], $0x1;
	_ =	sdelay $0x1  }
0x24d: {  	v1 =	vld.msk @!p1 [tilespmem:$0xE418], $0x1;
	_ =	sdelay $0x2  }
0x24e: {  	p2 =	seq.s32 @!p1 s0, $0x0;
	v0 =	vbroadcast @!p1 v0, $0x0  }
0x24f: {  	vm0 =	vmmov @!p1 $0x1;
	p2 =	por !p2, p1  }
0x250: {  	v1 =	vnsel @!p1 vm0, $0xFFFFFFFF, v1;
	vm0 =	vcmask @!p1 $0x308;
	v0 =	vpsel !p2, $0xFFFFFFFF, v0  }
0x251: {  	p2 =	sne.s32 @!p1 s8, s7;
	v0 =	vsel @!p1 vm0, v1, v0  }
0x252: {  	s2 =	simm.s32 @!p1 $0xE438;
	s3 =	simm.s32 @!p1 $0x0;
	p3 =	por !p2, p1;
	[tilespmem:$0x10438] =	vst @!p1 v0  }
0x253: {  	[spmem:s3] =	stream.linear.scatter @!p1 [tilespmem:s2], [sflag:$0x1], $0x100, $0x38;
	[tilespmem:$0x1E678] =	vst v63  }
0x254: {  	s2 =	sshll.u32 @!p3 s0, $0xA  }
0x255: {  	s2 =	sshra.s32 @!p3 s2, $0x2  }
0x256: {  	s3 =	simm.s32 @!p3 $0x100;
	s2 =	sadd.s32 @!p3 $0xE438, s2  }
0x257: {  	[spmem:s3] =	stream.linear.scatter @!p3 [tilespmem:s2], [sflag:$0x1], $0x100, $0x38;
	[tilespmem:$0x1E678] =	vst v63  }
0x258: {  	s2 =	simm.s32 @!p3 $0x1  }
0x259: {  	_ =	swait.ge @!p3 [sflag:s2], $0x200  }
0x25a: {  	p1 =	por p2, p1;
	[sflag:s2] =	ssyncset.done @!p3 $0x0  }
0x25b: {  	[sflag:s2] =	ssyncadd.s32 @!p3 $0xFFFFFE00;
	s2 =	simm.s32 @!p1 $0x1  }
0x25c: {  	_ =	swait.ge @!p1 [sflag:s2], $0x100  }
0x25d: {  	s29 =	simm.s32 $0x10438;
	[sflag:s2] =	ssyncset.done @!p1 $0x0  }
0x25e: {  	s30 =	simm.s32 $0x2000;
	s31 =	simm.s32 $0x1;
	[sflag:s2] =	ssyncadd.s32 @!p1 $0xFFFFFF00  }
0x25f: {  	[spmem:s30] =	stream.linear.scatter [tilespmem:s29], [sflag:$0x1], $0x10, $0x38;
	[tilespmem:$0x1E678] =	vst v63  }
0x260: {  	_ =	swait.ge [sflag:s31], $0x10  }
0x261: {  	[sflag:s31] =	ssyncset.done $0x0  }
0x262: {  	p1 =	seq.s32 s14, $0x0;
	s9 =	rddreg [dreg:$0x2];
	[sflag:s31] =	ssyncadd.s32 $0xFFFFFFF0  }
0x263: {  	s3 =	sshll.u32 @p1 s9, $0xE;
	s8 =	rddreg [dreg:$0x3]  }
0x264: {  	s2 =	sadd.s32 @p1 $0x15C3C, s3;
	s3 =	sshll.u32 @p1 s8, $0x11  }
0x265: {  	_ =	sfence.stream.spmem;
	s2 =	sor.u32 @p1 s3, s2  }
0x266: {  	[sflag:s2] =	ssyncadd.remote.s32 @p1 $0x1;
	s2 =	simm.s32 @p1 $0x4  }
0x267: {  	s4 =	simm.s32 @!p1 $0x3C;
	s3 =	sand.u32 $0xFFFFFFFE, s9;
	_ =	swait.ge @p1 [sflag:s2], $0x42  }
0x268: {  	s5 =	simm.s32 @!p1 $0x0;
	s3 =	sadd.s32 @!p1 $0x4, s3;
	[sflag:s2] =	ssyncset.done @p1 $0x0  }
0x269: {  	s7 =	simm.s32 @!p1 $0x200;
	[sflag:s2] =	ssyncadd.s32 @p1 $0xFFFFFFBE;
	s2 =	sshll.u32 @!p1 s3, $0x1A  }
0x26a: {  	s3 =	sshll.u32 @!p1 s3, $0xD;
	s2 =	sor.u32 @!p1 s2, s8;
	_ =	swait.eq @!p1 [sflag:s4], $0x1  }
0x26b: {  	s3 =	sor.u32 @!p1 $0x1C04, s3;
	s4 =	simm.s32 @!p1 $0x1C03;
	s2 =	sor.u32 @!p1 $0x80004000, s2  }
0x26c: {  	[spmem:s7], [sflag:s3] =	dma.general @!p1 [spmem:s5], [sflag:s4], length:$0x40, [dreg:$0x0], stride_count:$0x0, ici_dest:s2, dma_misc:DstOpCode:WRITE  }
0x26d: {  	p2 =	slt.s32 s0, $0x2;
	s5 =	simm.s32 @!p1 $0x400;
	s7 =	simm.s32 @!p1 $0x402  }
0x26e: {  	[spmem:s7], [sflag:s3] =	dma.general @!p1 [spmem:s5], [sflag:s4], length:$0x2, [dreg:$0x0], stride_count:$0x0, ici_dest:s2, dma_misc:DstOpCode:WRITE  }
.Ltmp33:
0x26f: {  	s2 =	simm.s32 @!p1 $0x3;
	(pc) =	sbr.rel @p2 .LBB2_44-.Ltmp33, $4  }
0x270: {  	s3 =	sshll.u32 @!p1 s9, $0xE;
	_ =	swait.ge @!p1 [sflag:s2], $0x42  }
0x271: {  	s4 =	sshll.u32 @!p1 s8, $0x11;
	s3 =	sadd.s32 @!p1 $0x11C3C, s3;
	[sflag:s2] =	ssyncset.done @!p1 $0x0  }
0x272: {  	[sflag:s2] =	ssyncadd.s32 @!p1 $0xFFFFFFBE;
	s2 =	sor.u32 @!p1 s4, s3  }
0x273: {  	s0 =	simm.s32 $0x0;
	[sflag:s2] =	ssyncadd.remote.s32 @!p1 $0xFFFFFFFF  }
0x274: {  	s0 =	simm.s32 $0xE419  }
0x275: {  	v0 =	vld.msk [tilespmem:s0+$0x0], $0x1;
	_ =	sdelay $0x4  }
0x276: {  	(v2sf) =	vpush v0, $0x0;
	_ =	sdelay $0xd  }
0x277: {  	s31 =	sadd.s32 $0xFFFFFFFE, s6  }
0x278: {  	s6 =	simm.s32 $0x0;
	s0 =	sadd.s32 $0xFFFFFFFF, s31;
	s2 =	spop (v2sf)  }
0x279: {  	s3 =	simm.s32 $0xE538;
	p1 =	sne.s32 s0, $0x0;
	p2 =	sgt.u32 s2, $0x4E170  }
.Ltmp34:
0x27a: {  	s4 =	simm.s32 $0xE638;
	s5 =	sand.u32 @!p2 $0x7FFF8, s2;
	(pc) =	sbr.rel @!p1 .LBB2_43-.Ltmp34, $4  }
0x27b: {  	s7 =	sadd.s32 @!p2 $0x80, s2;
	s2 =	sand.u32 @!p2 $0x7, s2;
	s6 =	simm.s32 @!p2 $0x400  }
0x27c: {  	s5 =	sadd.s32 @!p2 s1, s5;
	s7 =	sand.u32 @!p2 $0xFFFF8, s7;
	s6 =	sadd.s32 $0x0, s6  }
0x27d: {  	[hbm4b:s5+s2] =	stream.linear.scatter @!p2 [tilespmem:s3], [sflag:$0x5], $0x80, $0x38;
	[tilespmem:$0x1E678] =	vst v63  }
0x27e: {  	s5 =	simm.s32 $0xE41A;
	s3 =	simm.s32 @!p2 $0xE5B8;
	s7 =	sadd.s32 @!p2 s1, s7  }
.LBB2_42:
0x27f: {  	[hbm4b:s7+s2] =	stream.linear.scatter @!p2 [tilespmem:s3], [sflag:$0x5], $0x80, $0x38;
	[tilespmem:$0x1E678] =	vst v63  }
0x280: {  	s0 =	sadd.s32 $0xFFFFFFFF, s0;
	s3 =	smov.u32 s4;
	v0 =	vld.msk [tilespmem:s5+$0x0], $0x1  }
0x281: {  	p1 =	sne.s32 s0, $0x0;
	_ =	sdelay $0x3  }
0x282: {  	(v2sf) =	vpush v0, $0x0;
	_ =	sdelay $0xe  }
0x283: {  	s4 =	sadd.s32 $0x100, s4;
	s8 =	simm.s32 $0x0;
	s2 =	spop (v2sf)  }
.Ltmp35:
0x284: {  	s5 =	sadd.s32 $0x1, s5;
	p2 =	sgt.u32 s2, $0x4E170;
	(pc) =	sbr.rel @p1 .LBB2_42-.Ltmp35, $4  }
0x285: {  	s8 =	simm.s32 @!p2 $0x400;
	s7 =	sand.u32 @!p2 $0x7FFF8, s2;
	s9 =	sadd.s32 @!p2 $0x80, s2  }
0x286: {  	s2 =	sand.u32 @!p2 $0x7, s2;
	s7 =	sadd.s32 @!p2 s1, s7;
	s9 =	sand.u32 @!p2 $0xFFFF8, s9  }
0x287: {  	[hbm4b:s7+s2] =	stream.linear.scatter @!p2 [tilespmem:s3], [sflag:$0x5], $0x80, $0x38;
	[tilespmem:$0x1E678] =	vst v63  }
0x288: {  	s6 =	sadd.s32 s6, s8;
	s3 =	sadd.s32 @!p2 $0x80, s3;
	s7 =	sadd.s32 @!p2 s1, s9  }
.LBB2_43:
0x289: {  	[hbm4b:s7+s2] =	stream.linear.scatter @!p2 [tilespmem:s3], [sflag:$0x5], $0x80, $0x38;
	[tilespmem:$0x1E678] =	vst v63  }
0x28a: {  	s0 =	sshrl.u32 s6, $0x2  }
.LBB2_44:
0x28b: {  	s2 =	simm.s32 $0x5  }
0x28c: {  	_ =	swait.ge [sflag:s2], s0  }
0x28d: {  	s31 =	ssub.s32 $0x0, s0;
	[sflag:s2] =	ssyncset.done $0x0  }
0x28e: {  	[sflag:s2] =	ssyncadd.s32 s31  }
0x28f: {  	[sflag:s2] =	ssyncpa.u1 $0x1  }
.LBB2_45:
0x290: {  	s0 =	sor.u32 s14, s15  }
0x291: {  	p1 =	sne.s32 s0, $0x0  }
.Ltmp36:
0x292: {  	_ = 	snop;
	(pc) =	sbr.rel @p1 .LBB2_60-.Ltmp36, $3  }
0x293: {  	_ =	sdelay $0x1  }
0x294: {  	[bflag:$0x0] =	sbarrier.arrive $0xFFFF  }
0x295: {  	_ =	sfence  }
0x296: {  	s0 =	simm.s32 $0x7  }
0x297: {  	s2 =	simm.s32 $0x2000;
	s3 =	simm.s32 $0xE418;
	[sflag:s0] =	ssyncpa.u1 $0x0  }
0x298: {  	[tilespmem:s3], [sflag:$0x7] =	stream.linear.gather [spmem:s2], $0x20, $0x38;
	[tilespmem:$0x1E678] =	vst v63  }
0x299: {  	s30 =	simm.s32 $0xE438;
	s2 =	simm.s32 $0x0  }
0x29a: {  	[tilespmem:s30], [sflag:$0x7] =	stream.linear.gather [spmem:s2], $0x2000, $0x38;
	[tilespmem:$0x1E678] =	vst v63  }
.Ltmp37:
0x29b: {  	_ = 	snop;
	(pc) =	sbr.rel .LBB2_47-.Ltmp37, $4  }
0x29c: {  	_ =	swait.ge [sflag:s0], $0x2020  }
0x29d: {  	[sflag:s0] =	ssyncset.done $0x0  }
0x29e: {  	s31 =	simm.s32 $0x8;
	[sflag:s0] =	ssyncadd.s32 $0xFFFFDFE0  }
0x29f: {  	s3 =	simm.s32 $0x0;
	[sflag:s31] =	ssyncpa.u1 $0x0  }
.LBB2_53:
0x2a0: {  	p1 =	slt.u32 s0, $0x4E171  }
0x2a1: {  	s4 =	sand.u32 @p1 $0x7FFF8, s0;
	s5 =	sand.u32 @p1 $0x7, s0;
	s0 =	sadd.s32 @p1 $0x80, s0  }
0x2a2: {  	s6 =	simm.s32 @p1 $0xE308;
	s4 =	sadd.s32 @p1 s1, s4;
	s0 =	sand.u32 @p1 $0xFFFF8, s0  }
0x2a3: {  	[tilespmem:s6], [sflag:$0x8] =	stream.linear.gather @p1 [hbm4b:s4+s5], $0x80, $0x38;
	[tilespmem:$0x1E678] =	vst v63  }
0x2a4: {  	s0 =	sadd.s32 @p1 s1, s0;
	s4 =	simm.s32 @p1 $0xE388  }
0x2a5: {  	[tilespmem:s4], [sflag:$0x8] =	stream.linear.gather @p1 [hbm4b:s0+s5], $0x80, $0x38;
	[tilespmem:$0x1E678] =	vst v63  }
0x2a6: {  	s0 =	simm.s32 @p1 $0x8  }
0x2a7: {  	_ =	swait.ge @p1 [sflag:s0], $0x100  }
0x2a8: {  	[sflag:s0] =	ssyncset.done @p1 $0x0  }
0x2a9: {  	[sflag:s0] =	ssyncadd.s32 @p1 $0xFFFFFF00  }
0x2aa: {  	v1 =	vld @p1 [tilespmem:$0xE308];
	_ =	sdelay $0x2  }
0x2ab: {  	s0 =	sshll.u32 @p1 s3, $0xA  }
0x2ac: {  	s4 =	sshrl.u32 @p1 s0, $0x2  }
0x2ad: {  	[tilespmem:s4+$0xE438] =	vst.add.f32.msk @p1 $0xffff, v1  }
0x2ae: {  	v1 =	vld @p1 [tilespmem:$0xE318];
	_ =	sdelay $0x4  }
0x2af: {  	[tilespmem:s4+$0xE448] =	vst.add.f32.msk @p1 $0xffff, v1  }
0x2b0: {  	v1 =	vld @p1 [tilespmem:$0xE328];
	_ =	sdelay $0x4  }
0x2b1: {  	[tilespmem:s4+$0xE458] =	vst.add.f32.msk @p1 $0xffff, v1  }
0x2b2: {  	v1 =	vld @p1 [tilespmem:$0xE338];
	_ =	sdelay $0x4  }
0x2b3: {  	[tilespmem:s4+$0xE468] =	vst.add.f32.msk @p1 $0xffff, v1  }
0x2b4: {  	v1 =	vld @p1 [tilespmem:$0xE348];
	_ =	sdelay $0x4  }
0x2b5: {  	[tilespmem:s4+$0xE478] =	vst.add.f32.msk @p1 $0xffff, v1  }
0x2b6: {  	v1 =	vld @p1 [tilespmem:$0xE358];
	_ =	sdelay $0x4  }
0x2b7: {  	[tilespmem:s4+$0xE488] =	vst.add.f32.msk @p1 $0xffff, v1  }
0x2b8: {  	v1 =	vld @p1 [tilespmem:$0xE368];
	_ =	sdelay $0x4  }
0x2b9: {  	[tilespmem:s4+$0xE498] =	vst.add.f32.msk @p1 $0xffff, v1  }
0x2ba: {  	v1 =	vld @p1 [tilespmem:$0xE378];
	_ =	sdelay $0x4  }
0x2bb: {  	[tilespmem:s4+$0xE4A8] =	vst.add.f32.msk @p1 $0xffff, v1  }
0x2bc: {  	v1 =	vld @p1 [tilespmem:$0xE388];
	_ =	sdelay $0x4  }
0x2bd: {  	[tilespmem:s4+$0xE4B8] =	vst.add.f32.msk @p1 $0xffff, v1  }
0x2be: {  	v1 =	vld @p1 [tilespmem:$0xE398];
	_ =	sdelay $0x4  }
0x2bf: {  	[tilespmem:s4+$0xE4C8] =	vst.add.f32.msk @p1 $0xffff, v1  }
0x2c0: {  	v1 =	vld @p1 [tilespmem:$0xE3A8];
	_ =	sdelay $0x4  }
0x2c1: {  	[tilespmem:s4+$0xE4D8] =	vst.add.f32.msk @p1 $0xffff, v1  }
0x2c2: {  	v1 =	vld @p1 [tilespmem:$0xE3B8];
	_ =	sdelay $0x4  }
0x2c3: {  	[tilespmem:s4+$0xE4E8] =	vst.add.f32.msk @p1 $0xffff, v1  }
0x2c4: {  	v1 =	vld @p1 [tilespmem:$0xE3C8];
	_ =	sdelay $0x4  }
0x2c5: {  	[tilespmem:s4+$0xE4F8] =	vst.add.f32.msk @p1 $0xffff, v1  }
0x2c6: {  	v1 =	vld @p1 [tilespmem:$0xE3D8];
	_ =	sdelay $0x4  }
0x2c7: {  	[tilespmem:s4+$0xE508] =	vst.add.f32.msk @p1 $0xffff, v1  }
0x2c8: {  	v1 =	vld @p1 [tilespmem:$0xE3E8];
	_ =	sdelay $0x4  }
0x2c9: {  	[tilespmem:s4+$0xE518] =	vst.add.f32.msk @p1 $0xffff, v1  }
0x2ca: {  	v1 =	vld @p1 [tilespmem:$0xE3F8];
	_ =	sdelay $0x3  }
0x2cb: {  	s5 =	sshll.u32 @!p1 s3, $0xA  }
0x2cc: {  	s5 =	smov.u32 @p1 s0;
	[tilespmem:s4+$0xE528] =	vst.add.f32.msk @p1 $0xffff, v1  }
0x2cd: {  	s0 =	sshrl.u32 s5, $0x2;
	[tilespmem:s2+$0xE418] =	vst.msk $0x1, v0  }
0x2ce: {  	v0 =	vld [tilespmem:s0+$0xE438];
	_ =	sdelay $0x2  }
0x2cf: {  	s31 =	sshll.u32 s2, $0xA  }
0x2d0: {  	s4 =	sshra.s32 s31, $0x2  }
0x2d1: {  	[tilespmem:s4+$0xE438] =	vst v0  }
0x2d2: {  	v0 =	vld [tilespmem:s0+$0xE448];
	_ =	sdelay $0x4  }
0x2d3: {  	[tilespmem:s4+$0xE448] =	vst v0  }
0x2d4: {  	v0 =	vld [tilespmem:s0+$0xE458];
	_ =	sdelay $0x4  }
0x2d5: {  	[tilespmem:s4+$0xE458] =	vst v0  }
0x2d6: {  	v0 =	vld [tilespmem:s0+$0xE468];
	_ =	sdelay $0x4  }
0x2d7: {  	[tilespmem:s4+$0xE468] =	vst v0  }
0x2d8: {  	v0 =	vld [tilespmem:s0+$0xE478];
	_ =	sdelay $0x4  }
0x2d9: {  	[tilespmem:s4+$0xE478] =	vst v0  }
0x2da: {  	v0 =	vld [tilespmem:s0+$0xE488];
	_ =	sdelay $0x4  }
0x2db: {  	[tilespmem:s4+$0xE488] =	vst v0  }
0x2dc: {  	v0 =	vld [tilespmem:s0+$0xE498];
	_ =	sdelay $0x4  }
0x2dd: {  	[tilespmem:s4+$0xE498] =	vst v0  }
0x2de: {  	v0 =	vld [tilespmem:s0+$0xE4A8];
	_ =	sdelay $0x4  }
0x2df: {  	[tilespmem:s4+$0xE4A8] =	vst v0  }
0x2e0: {  	v0 =	vld [tilespmem:s0+$0xE4B8];
	_ =	sdelay $0x4  }
0x2e1: {  	[tilespmem:s4+$0xE4B8] =	vst v0  }
0x2e2: {  	v0 =	vld [tilespmem:s0+$0xE4C8];
	_ =	sdelay $0x4  }
0x2e3: {  	[tilespmem:s4+$0xE4C8] =	vst v0  }
0x2e4: {  	v0 =	vld [tilespmem:s0+$0xE4D8];
	_ =	sdelay $0x4  }
0x2e5: {  	[tilespmem:s4+$0xE4D8] =	vst v0  }
0x2e6: {  	v0 =	vld [tilespmem:s0+$0xE4E8];
	_ =	sdelay $0x4  }
0x2e7: {  	[tilespmem:s4+$0xE4E8] =	vst v0  }
0x2e8: {  	v0 =	vld [tilespmem:s0+$0xE4F8];
	_ =	sdelay $0x4  }
0x2e9: {  	[tilespmem:s4+$0xE4F8] =	vst v0  }
0x2ea: {  	v0 =	vld [tilespmem:s0+$0xE508];
	_ =	sdelay $0x4  }
0x2eb: {  	[tilespmem:s4+$0xE508] =	vst v0  }
0x2ec: {  	v0 =	vld [tilespmem:s0+$0xE518];
	_ =	sdelay $0x4  }
0x2ed: {  	[tilespmem:s4+$0xE518] =	vst v0  }
0x2ee: {  	v0 =	vld [tilespmem:s0+$0xE528];
	_ =	sdelay $0x4  }
0x2ef: {  	s2 =	sadd.s32 $0x1, s2;
	[tilespmem:s4+$0xE528] =	vst v0  }
.LBB2_54:
0x2f0: {  	s3 =	sadd.s32 $0x1, s3  }
0x2f1: {  	p1 =	sne.s32 s3, $0x20  }
.Ltmp38:
0x2f2: {  	_ = 	snop;
	(pc) =	sbr.rel @!p1 .LBB2_55-.Ltmp38, $1  }
0x2f3: {  	_ =	sdelay $0x3  }
.LBB2_47:
0x2f4: {  	v0 =	vld.msk [tilespmem:s3+$0xE418], $0x1;
	_ =	sdelay $0x4  }
0x2f5: {  	(v2sf) =	vpush v0, $0x0;
	_ =	sdelay $0xe  }
0x2f6: {  	s0 =	spop (v2sf)  }
0x2f7: {  	p1 =	seq.s32 s0, $0xFFFFFFFF  }
.Ltmp39:
0x2f8: {  	_ = 	snop;
	(pc) =	sbr.rel @p1 .LBB2_54-.Ltmp39, $1  }
0x2f9: {  	_ =	sdelay $0x3  }
0x2fa: {  	p1 =	slt.s32 s2, $0x1  }
.Ltmp40:
0x2fb: {  	_ = 	snop;
	(pc) =	sbr.rel @p1 .LBB2_53-.Ltmp40, $1  }
0x2fc: {  	_ =	sdelay $0x3  }
0x2fd: {  	s4 =	simm.s32 $0xE418;
	p1 =	por $0x0, $0x0  }
0x2fe: {  	v1 =	vld.msk @!p1 [tilespmem:s4+$0x0], $0x1;
	_ =	sdelay $0x4  }
0x2ff: {  	(v2sf) =	vpush @!p1 v1, $0x0;
	_ =	sdelay $0xd  }
0x300: {  	p3 =	sne.s32 s2, $0x1  }
.Ltmp41:
0x301: {  	s5 =	spop @!p1 (v2sf);
	(pc) =	sbr.rel @!p3 .LBB2_51-.Ltmp41, $4  }
0x302: {  	p2 =	seq.s32 @!p1 s0, s5  }
0x303: {  	s5 =	simm.s32 $0x0;
	p2 =	por !p2, p1  }
0x304: {  	s7 =	simm.s32 $0xFFFFFFFF;
	s5 =	simm.s32 @p2 $0xFFFFFFFF  }
0x305: {  	s6 =	simm.s32 $0x1;
	s5 =	smov.u32 @p1 s7  }
.LBB2_50:
0x306: {  	s7 =	smov.u32 s5;
	p1 =	sne.s32 s5, $0xFFFFFFFF  }
0x307: {  	s4 =	sadd.s32 $0x1, s4;
	s5 =	smov.u32 s6;
	s6 =	sadd.s32 $0x1, s6  }
0x308: {  	p2 =	sne.s32 s2, s6;
	v1 =	vld.msk @!p1 [tilespmem:s4+$0x0], $0x1;
	_ =	sdelay $0x4  }
0x309: {  	(v2sf) =	vpush @!p1 v1, $0x0;
	_ =	sdelay $0xe  }
.Ltmp42:
0x30a: {  	s8 =	spop @!p1 (v2sf);
	(pc) =	sbr.rel @p2 .LBB2_50-.Ltmp42, $4  }
0x30b: {  	p3 =	seq.s32 @!p1 s0, s8  }
0x30c: {  	p3 =	por !p3, p1  }
0x30d: {  	s5 =	simm.s32 @p3 $0xFFFFFFFF  }
0x30e: {  	s5 =	smov.u32 @p1 s7  }
.LBB2_51:
0x30f: {  	p1 =	seq.s32 s5, $0xFFFFFFFF  }
.Ltmp43:
0x310: {  	_ = 	snop;
	(pc) =	sbr.rel @p1 .LBB2_53-.Ltmp43, $1  }
0x311: {  	_ =	sdelay $0x3  }
0x312: {  	s0 =	sshll.u32 s3, $0x8  }
0x313: {  	s0 =	sand.u32 $0x3FFFFF00, s0  }
0x314: {  	v0 =	vld [tilespmem:s0+$0xE438];
	_ =	sdelay $0x2  }
0x315: {  	s4 =	sshll.u32 s5, $0xA  }
0x316: {  	s4 =	sshra.s32 s4, $0x2  }
0x317: {  	[tilespmem:s4+$0xE438] =	vst.add.f32.msk $0xffff, v0  }
0x318: {  	v0 =	vld [tilespmem:s0+$0xE448];
	_ =	sdelay $0x4  }
0x319: {  	[tilespmem:s4+$0xE448] =	vst.add.f32.msk $0xffff, v0  }
0x31a: {  	v0 =	vld [tilespmem:s0+$0xE458];
	_ =	sdelay $0x4  }
0x31b: {  	[tilespmem:s4+$0xE458] =	vst.add.f32.msk $0xffff, v0  }
0x31c: {  	v0 =	vld [tilespmem:s0+$0xE468];
	_ =	sdelay $0x4  }
0x31d: {  	[tilespmem:s4+$0xE468] =	vst.add.f32.msk $0xffff, v0  }
0x31e: {  	v0 =	vld [tilespmem:s0+$0xE478];
	_ =	sdelay $0x4  }
0x31f: {  	[tilespmem:s4+$0xE478] =	vst.add.f32.msk $0xffff, v0  }
0x320: {  	v0 =	vld [tilespmem:s0+$0xE488];
	_ =	sdelay $0x4  }
0x321: {  	[tilespmem:s4+$0xE488] =	vst.add.f32.msk $0xffff, v0  }
0x322: {  	v0 =	vld [tilespmem:s0+$0xE498];
	_ =	sdelay $0x4  }
0x323: {  	[tilespmem:s4+$0xE498] =	vst.add.f32.msk $0xffff, v0  }
0x324: {  	v0 =	vld [tilespmem:s0+$0xE4A8];
	_ =	sdelay $0x4  }
0x325: {  	[tilespmem:s4+$0xE4A8] =	vst.add.f32.msk $0xffff, v0  }
0x326: {  	v0 =	vld [tilespmem:s0+$0xE4B8];
	_ =	sdelay $0x4  }
0x327: {  	[tilespmem:s4+$0xE4B8] =	vst.add.f32.msk $0xffff, v0  }
0x328: {  	v0 =	vld [tilespmem:s0+$0xE4C8];
	_ =	sdelay $0x4  }
0x329: {  	[tilespmem:s4+$0xE4C8] =	vst.add.f32.msk $0xffff, v0  }
0x32a: {  	v0 =	vld [tilespmem:s0+$0xE4D8];
	_ =	sdelay $0x4  }
0x32b: {  	[tilespmem:s4+$0xE4D8] =	vst.add.f32.msk $0xffff, v0  }
0x32c: {  	v0 =	vld [tilespmem:s0+$0xE4E8];
	_ =	sdelay $0x4  }
0x32d: {  	[tilespmem:s4+$0xE4E8] =	vst.add.f32.msk $0xffff, v0  }
0x32e: {  	v0 =	vld [tilespmem:s0+$0xE4F8];
	_ =	sdelay $0x4  }
0x32f: {  	[tilespmem:s4+$0xE4F8] =	vst.add.f32.msk $0xffff, v0  }
0x330: {  	v0 =	vld [tilespmem:s0+$0xE508];
	_ =	sdelay $0x4  }
0x331: {  	[tilespmem:s4+$0xE508] =	vst.add.f32.msk $0xffff, v0  }
0x332: {  	v0 =	vld [tilespmem:s0+$0xE518];
	_ =	sdelay $0x4  }
0x333: {  	[tilespmem:s4+$0xE518] =	vst.add.f32.msk $0xffff, v0  }
0x334: {  	v0 =	vld [tilespmem:s0+$0xE528]  }
.Ltmp44:
0x335: {  	_ = 	snop;
	(pc) =	sbr.rel .LBB2_54-.Ltmp44, $2  }
0x336: {  	_ =	sdelay $0x2  }
0x337: {  	[tilespmem:s4+$0xE528] =	vst.add.f32.msk $0xffff, v0  }
.LBB2_55:
0x338: {  	p1 =	slt.s32 s2, $0x1  }
.Ltmp45:
0x339: {  	_ = 	snop;
	(pc) =	sbr.rel @p1 .LBB2_59-.Ltmp45, $3  }
0x33a: {  	_ =	sdelay $0x1  }
0x33b: {  	s0 =	simm.s32 $0x8  }
0x33c: {  	s4 =	simm.s32 $0x0;
	[sflag:s0] =	ssyncpa.u1 $0x1  }
0x33d: {  	s0 =	simm.s32 $0xE418  }
0x33e: {  	v0 =	vld.msk [tilespmem:s0+$0x0], $0x1;
	_ =	sdelay $0x4  }
0x33f: {  	(v2sf) =	vpush v0, $0x0;
	_ =	sdelay $0xe  }
0x340: {  	s0 =	sadd.s32 $0xFFFFFFFF, s2;
	s3 =	spop (v2sf)  }
0x341: {  	s6 =	simm.s32 $0xE438;
	p1 =	sne.s32 s0, $0x0;
	p2 =	sgt.u32 s3, $0x4E170  }
.Ltmp46:
0x342: {  	s2 =	simm.s32 $0xE538;
	s5 =	sand.u32 @!p2 $0x7FFF8, s3;
	(pc) =	sbr.rel @!p1 .LBB2_58-.Ltmp46, $4  }
0x343: {  	s7 =	sadd.s32 @!p2 $0x80, s3;
	s4 =	simm.s32 @!p2 $0x400;
	s8 =	sadd.s32 @!p2 s1, s5  }
0x344: {  	s5 =	sand.u32 @!p2 $0x7, s3;
	s3 =	simm.s32 $0xE419;
	s7 =	sand.u32 @!p2 $0xFFFF8, s7  }
0x345: {  	[hbm4b:s8+s5] =	stream.linear.scatter @!p2 [tilespmem:s6], [sflag:$0x7], $0x80, $0x38;
	[tilespmem:$0x1E678] =	vst v63  }
0x346: {  	s4 =	sadd.s32 $0x0, s4;
	s6 =	simm.s32 @!p2 $0xE4B8;
	s7 =	sadd.s32 @!p2 s1, s7  }
.LBB2_57:
0x347: {  	[hbm4b:s7+s5] =	stream.linear.scatter @!p2 [tilespmem:s6], [sflag:$0x7], $0x80, $0x38;
	[tilespmem:$0x1E678] =	vst v63  }
0x348: {  	s0 =	sadd.s32 $0xFFFFFFFF, s0;
	s6 =	smov.u32 s2;
	v0 =	vld.msk [tilespmem:s3+$0x0], $0x1  }
0x349: {  	p1 =	sne.s32 s0, $0x0;
	_ =	sdelay $0x3  }
0x34a: {  	(v2sf) =	vpush v0, $0x0;
	_ =	sdelay $0xe  }
0x34b: {  	s2 =	sadd.s32 $0x100, s2;
	s8 =	simm.s32 $0x0;
	s5 =	spop (v2sf)  }
.Ltmp47:
0x34c: {  	s3 =	sadd.s32 $0x1, s3;
	p2 =	sgt.u32 s5, $0x4E170;
	(pc) =	sbr.rel @p1 .LBB2_57-.Ltmp47, $4  }
0x34d: {  	s8 =	simm.s32 @!p2 $0x400;
	s7 =	sand.u32 @!p2 $0x7FFF8, s5;
	s9 =	sadd.s32 @!p2 $0x80, s5  }
0x34e: {  	s5 =	sand.u32 @!p2 $0x7, s5;
	s7 =	sadd.s32 @!p2 s1, s7;
	s9 =	sand.u32 @!p2 $0xFFFF8, s9  }
0x34f: {  	[hbm4b:s7+s5] =	stream.linear.scatter @!p2 [tilespmem:s6], [sflag:$0x7], $0x80, $0x38;
	[tilespmem:$0x1E678] =	vst v63  }
0x350: {  	s4 =	sadd.s32 s4, s8;
	s6 =	sadd.s32 @!p2 $0x80, s6;
	s7 =	sadd.s32 @!p2 s1, s9  }
.LBB2_58:
0x351: {  	[hbm4b:s7+s5] =	stream.linear.scatter @!p2 [tilespmem:s6], [sflag:$0x7], $0x80, $0x38;
	[tilespmem:$0x1E678] =	vst v63  }
0x352: {  	s4 =	sshrl.u32 s4, $0x2  }
.LBB2_59:
0x353: {  	s0 =	simm.s32 $0x7  }
0x354: {  	_ =	swait.ge [sflag:s0], s4  }
0x355: {  	s1 =	ssub.s32 $0x0, s4;
	[sflag:s0] =	ssyncset.done $0x0  }
0x356: {  	[sflag:s0] =	ssyncadd.s32 s1  }
0x357: {  	[sflag:s0] =	ssyncpa.u1 $0x1  }
.LBB2_60:
0x358: {  	_ =	sfence;
	s0 =	simm.s32 $0x1  }
0x359: {  	[sflag:s0] =	ssyncpa.u1 $0x1  }
0x35a: {  	_ =	strace $0x90000053  }
0x35b: {  	[bflag:$0x2] =	sbarrier.arrive $0xFFFF  }
0x35c: {  	s0 =	rddreg [dreg:$0x4]  }
0x35d: {  	s0 =	sadd.s32 @!p0 $0x100000, s0  }
0x35e: {  	[sflag:s0] =	ssyncadd.tile.s32 @!p0 $0x1;
	_ =	shalt  }
.Lfunc_end2:
_tile_overlayer_lowered:
.L_overlay_start_2:
0x35f: {  	(tag) =	ssettag $0x2  }
0x360: {  	s0 =	rddreg [dreg:$0x0];
	s2 =	stileid.u32  }
0x361: {  	s1 =	rddreg [dreg:$0x1];
	p0 =	sne.s32 s2, $0x0  }
0x362: {  	s3 =	rddreg [dreg:$0x2];
	[bflag:$0x3] =	sbarrier.arrive $0xFFFF;
	s2 =	simm.s32 @!p0 $0x1C01  }
0x363: {  	[timem:s3], [sflag:s2] =	dma.local @!p0 [hbm:s0], s1  }
0x364: {  	s0 =	simm.s32 @!p0 $0x1  }
0x365: {  	_ =	swait.ge @!p0 [sflag:s0], s1  }
0x366: {  	s1 =	ssub.s32 @!p0 $0x0, s1;
	[sflag:s0] =	ssyncset.done @!p0 $0x0  }
0x367: {  	[sflag:s0] =	ssyncadd.s32 @!p0 s1  }
0x368: {  	[bflag:$0x3] =	sbarrier.arrive $0xFFFF  }
0x369: {  	_ =	shalt  }

</sc_bundles>
